<compile_context>
chip_gen: v7x
topology: tpu7x:2x2x1
jax: 0.10.2.dev20260603
libtpu: 0.0.44.dev20260713+nightly
codegen_flags: <defaults>
</compile_context>

<pallas_src>
import functools
import math

import jax
import jax.numpy as jnp
from jax import lax
from jax.experimental import pallas as pl
from jax.experimental.pallas import tpu as pltpu
from jax.experimental.pallas import tpu_sc as plsc

D_MODEL = 64
D_PAD = 128
SCALE = math.sqrt(D_MODEL)
NBUF = 4


@functools.partial(jax.jit, static_argnames=("rows", "cols"))
def _embed(tokens_flat, W_padded, *, rows, cols):
  info = plsc.get_sparse_core_info()
  nc, ns, nl = info.num_cores, info.num_subcores, info.num_lanes
  nw = nc * ns
  rows_per_w = rows // nw
  b_per_w = rows_per_w * cols
  ngroup = cols // NBUF
  d = D_MODEL

  mesh = plsc.VectorSubcoreMesh(core_axis_name="c", subcore_axis_name="s")

  @functools.partial(
      pl.kernel,
      out_type=jax.ShapeDtypeStruct((cols, d, rows), jnp.float32),
      mesh=mesh,
      compiler_params=pltpu.CompilerParams(needs_layout_passes=False),
      scratch_types=(
          [pltpu.VMEM((b_per_w,), jnp.int32)]
          + [pltpu.VMEM((rows_per_w,), jnp.int32) for _ in range(NBUF)]
          + [pltpu.VMEM((rows_per_w, D_PAD), jnp.float32) for _ in range(NBUF)]
          + [pltpu.VMEM((d, rows_per_w), jnp.float32) for _ in range(NBUF)]
          + [pltpu.SemaphoreType.DMA for _ in range(2 * NBUF)]
      ),
  )
  def k(tok_hbm, w_hbm, out_hbm, tv, *bufs_and_sems):
    cidx = bufs_and_sems[:NBUF]
    in_bufs = bufs_and_sems[NBUF:2 * NBUF]
    out_bufs = bufs_and_sems[2 * NBUF:3 * NBUF]
    g_sems = bufs_and_sems[3 * NBUF:4 * NBUF]
    s_sems = bufs_and_sems[4 * NBUF:]

    wid = lax.axis_index("s") * nc + lax.axis_index("c")
    i0 = wid * rows_per_w

    pltpu.sync_copy(tok_hbm.at[pl.ds(wid * b_per_w, b_per_w)], tv)

    lane_iota = lax.iota(jnp.int32, nl)

    half_rows = rows_per_w // 2

    def fire_gather_half(j, b, half):
      for blk in range(half * 4, half * 4 + 4):
        v = plsc.load_gather(tv, [(lane_iota + blk * nl) * cols + j])
        cidx[b][pl.ds(blk * nl, nl)] = v
      pltpu.async_copy(
          w_hbm.at[cidx[b].at[pl.ds(half * half_rows, half_rows)]],
          in_bufs[b].at[pl.ds(half * half_rows, half_rows)], g_sems[b])

    def fire_gather(j, b):
      fire_gather_half(j, b, 0)
      fire_gather_half(j, b, 1)

    def wait_gather(b):
      pltpu.make_async_copy(
          w_hbm.at[pl.ds(0, rows_per_w)], in_bufs[b], g_sems[b]).wait()

    half_d = d // 2

    def fire_scatter_half(j, b, half):
      pltpu.async_copy(
          out_bufs[b].at[pl.ds(half * half_d, half_d), :],
          out_hbm.at[j, pl.ds(half * half_d, half_d), pl.ds(i0, rows_per_w)],
          s_sems[b])

    def fire_scatter(j, b):
      fire_scatter_half(j, b, 0)
      fire_scatter_half(j, b, 1)

    def wait_scatter(b):
      pltpu.make_async_copy(
          out_bufs[b], out_hbm.at[0, :, pl.ds(i0, rows_per_w)], s_sems[b]).wait()

    def transpose_half(b, half):
      @plsc.parallel_loop(0, nl, unroll=8)
      def _t(s):
        rot = lax.bitwise_and(lane_iota + s, nl - 1)
        for ib in range(rows_per_w // nl):
          iv = rot + ib * nl
          for kb in range(half * 2, half * 2 + 2):
            kv = lane_iota + kb * nl
            v = plsc.load_gather(in_bufs[b], [iv, kv])
            plsc.store_scatter(out_bufs[b], [kv, iv], v)

    def transpose_scale(b):
      transpose_half(b, 0)
      transpose_half(b, 1)

    for b in range(NBUF):
      fire_gather(b, b)

    @pl.loop(0, ngroup)
    def _group(g):
      for b in range(NBUF):
        j = g * NBUF + b
        wait_gather(b)

        @pl.when(j >= NBUF)
        def _():
          wait_scatter(b)

        for half in (0, 1):
          transpose_half(b, half)
          fire_scatter_half(j, b, half)

        @pl.when(j + NBUF < cols)
        def _():
          fire_gather(j + NBUF, b)

    for r in range(cols - ngroup * NBUF):
      j = ngroup * NBUF + r
      wait_gather(r)
      wait_scatter(r)
      transpose_scale(r)
      fire_scatter(j, r)

    for b in range(NBUF):
      wait_scatter(b)

  return k(tokens_flat, W_padded)


def kernel(tokens, W):
  rows, cols = tokens.shape
  tokens_flat = tokens.astype(jnp.int32).reshape(-1)
  W_padded = jnp.pad(W * SCALE, ((0, 0), (0, D_PAD - D_MODEL)))
  out_t = _embed(tokens_flat, W_padded, rows=rows, cols=cols)
  return jnp.transpose(out_t, (2, 0, 1))

# --- scband reference (transcript-rebuilt; emitter-appended) ---
"""Pipeline reference for scband-token-embedding-56160992362541 (READ-ONLY COPY).

The authoritative reference and input builder live on the scoring server;
editing this copy changes nothing except your own understanding.
"""

import jax, jax.numpy as jnp
import numpy as np
import math

VOCAB_SIZE = 100000
D_MODEL = 64
PADDING_IDX = 0

def setup_inputs(seed: int = 0) -> dict:
    key = jax.random.key(seed)
    k_tok, k_w = jax.random.split(key)
    tokens = jax.random.randint(k_tok, (4096, 200), 0, VOCAB_SIZE, dtype=jnp.int64 if jax.config.jax_enable_x64 else jnp.int32)
    # embedding weight: normal(0, d_model**-0.5), padding row zeroed
    W = jax.random.normal(k_w, (VOCAB_SIZE, D_MODEL), dtype=jnp.float32) * (D_MODEL ** -0.5)
    W = W.at[PADDING_IDX].set(0.0)
    return {"tokens": tokens, "W": W}

def reference(tokens, W):
    # emb = embedding(tokens) * sqrt(d_model)
    emb = jnp.take(W, tokens, axis=0)
    return emb * math.sqrt(D_MODEL)

if __name__ == "__main__":
    import jax
    _d = setup_inputs()
    print(jax.jit(kernel)(*tuple(_d.values())))

</pallas_src>

<mosaic_0001>
#map = affine_map<(d0, d1) -> (0)>
#map1 = affine_map<(d0, d1) -> (0, 0)>
#map2 = affine_map<(d0, d1) -> (0, 0, 0)>
module attributes {stable_mosaic.version = 14 : i64} {
  func.func @k(%arg0: i32, %arg1: i32, %arg2: memref<819200xi32, #tpu.memory_space<hbm>>, %arg3: memref<100000x128xf32, #tpu.memory_space<hbm>>, %arg4: memref<200x64x4096xf32, #tpu.memory_space<hbm>>, %arg5: memref<25600xi32, #tpu.memory_space<vmem>>, %arg6: memref<128xi32, #tpu.memory_space<vmem>>, %arg7: memref<128xi32, #tpu.memory_space<vmem>>, %arg8: memref<128xi32, #tpu.memory_space<vmem>>, %arg9: memref<128xi32, #tpu.memory_space<vmem>>, %arg10: memref<128x128xf32, #tpu.memory_space<vmem>>, %arg11: memref<128x128xf32, #tpu.memory_space<vmem>>, %arg12: memref<128x128xf32, #tpu.memory_space<vmem>>, %arg13: memref<128x128xf32, #tpu.memory_space<vmem>>, %arg14: memref<64x128xf32, #tpu.memory_space<vmem>>, %arg15: memref<64x128xf32, #tpu.memory_space<vmem>>, %arg16: memref<64x128xf32, #tpu.memory_space<vmem>>, %arg17: memref<64x128xf32, #tpu.memory_space<vmem>>, %arg18: memref<!tpu.dma_semaphore, #tpu.memory_space<semaphore_mem>>, %arg19: memref<!tpu.dma_semaphore, #tpu.memory_space<semaphore_mem>>, %arg20: memref<!tpu.dma_semaphore, #tpu.memory_space<semaphore_mem>>, %arg21: memref<!tpu.dma_semaphore, #tpu.memory_space<semaphore_mem>>, %arg22: memref<!tpu.dma_semaphore, #tpu.memory_space<semaphore_mem>>, %arg23: memref<!tpu.dma_semaphore, #tpu.memory_space<semaphore_mem>>, %arg24: memref<!tpu.dma_semaphore, #tpu.memory_space<semaphore_mem>>, %arg25: memref<!tpu.dma_semaphore, #tpu.memory_space<semaphore_mem>>) attributes {dimension_semantics = [#tpu.dimension_semantics<core_parallel>, #tpu.dimension_semantics<subcore_parallel>], iteration_bounds = array<i64: 2, 16>, scalar_prefetch = 0 : i64, scratch_operands = 21 : i64, tpu.core_type = #tpu.core_type<sc_vector_subcore>, window_params = [{transform_indices = #map}, {transform_indices = #map1}, {transform_indices = #map2}]} {
    %mul3A = arith.constant 2 : i32
    %mul3A_0 = arith.muli %arg1, %mul3A : i32
    %add3A = arith.addi %mul3A_0, %arg0 : i32
    %mul3A_1 = arith.constant 128 : i32
    %mul3A_2 = arith.muli %add3A, %mul3A_1 : i32
    %mul3A_3 = arith.constant 25600 : i32
    %mul3A_4 = arith.muli %add3A, %mul3A_3 : i32
    "tpu.region"() ({
      %run_scoped3A = tpu.sem_alloc : memref<!tpu.dma_semaphore, #tpu.memory_space<semaphore_mem>>
      %dma_start3A_481 = tpu.memref_slice %arg2[%mul3A_4] : memref<819200xi32, #tpu.memory_space<hbm>> -> memref<25600xi32, #tpu.memory_space<hbm>>
      %dma_start3A_482 = tpu.memref_slice %arg2[%mul3A_4] : memref<819200xi32, #tpu.memory_space<hbm>> -> memref<25600xi32, #tpu.memory_space<hbm>>
      tpu.enqueue_dma source(%dma_start3A_482 : memref<25600xi32, #tpu.memory_space<hbm>>) target(%arg5 : memref<25600xi32, #tpu.memory_space<vmem>>) target_semaphore(%run_scoped3A : memref<!tpu.dma_semaphore, #tpu.memory_space<semaphore_mem>>)
      %dma_wait3A_483 = tpu.memref_slice %arg2[%mul3A_4] : memref<819200xi32, #tpu.memory_space<hbm>> -> memref<25600xi32, #tpu.memory_space<hbm>>
      %dma_wait3A_484 = tpu.memref_slice %arg2[%mul3A_4] : memref<819200xi32, #tpu.memory_space<hbm>> -> memref<25600xi32, #tpu.memory_space<hbm>>
      tpu.wait_dma2 semaphore(%run_scoped3A : memref<!tpu.dma_semaphore, #tpu.memory_space<semaphore_mem>>) src(%dma_wait3A_484 : memref<25600xi32, #tpu.memory_space<hbm>>) dst(%arg5 : memref<25600xi32, #tpu.memory_space<vmem>>)
      tpu.yield
    }) : () -> ()
    %iota3A = tpu.iota {dimensions = array<i32: 0>} : vector<16xi32>
    %add3A_5 = arith.constant 0 : i32
    %add3A_6 = vector.broadcast %add3A_5 : i32 to vector<16xi32>
    %add3A_7 = arith.addi %iota3A, %add3A_6 : vector<16xi32>
    %mul3A_8 = arith.constant 200 : i32
    %mul3A_9 = vector.broadcast %mul3A_8 : i32 to vector<16xi32>
    %mul3A_10 = arith.muli %add3A_7, %mul3A_9 : vector<16xi32>
    %add3A_11 = arith.constant 0 : i32
    %add3A_12 = vector.broadcast %add3A_11 : i32 to vector<16xi32>
    %add3A_13 = arith.addi %mul3A_10, %add3A_12 : vector<16xi32>
    %gather3A = tpu.vector_load_idx %arg5[%add3A_13] : memref<25600xi32, #tpu.memory_space<vmem>>[vector<16xi32>], vector<16xi32>,
    %swap3A = arith.constant 0 : index
    %swap3A_14 = tpu.vector_load %arg6[%swap3A] {strides = array<i32>} : memref<128xi32, #tpu.memory_space<vmem>>, vector<16xi32>,
    tpu.vector_store %arg6[%swap3A], %gather3A {strides = array<i32>} : memref<128xi32, #tpu.memory_space<vmem>>, vector<16xi32>,
    %add3A_15 = arith.constant 16 : i32
    %add3A_16 = vector.broadcast %add3A_15 : i32 to vector<16xi32>
    %add3A_17 = arith.addi %iota3A, %add3A_16 : vector<16xi32>
    %mul3A_18 = arith.constant 200 : i32
    %mul3A_19 = vector.broadcast %mul3A_18 : i32 to vector<16xi32>
    %mul3A_20 = arith.muli %add3A_17, %mul3A_19 : vector<16xi32>
    %add3A_21 = arith.constant 0 : i32
    %add3A_22 = vector.broadcast %add3A_21 : i32 to vector<16xi32>
    %add3A_23 = arith.addi %mul3A_20, %add3A_22 : vector<16xi32>
    %gather3A_24 = tpu.vector_load_idx %arg5[%add3A_23] : memref<25600xi32, #tpu.memory_space<vmem>>[vector<16xi32>], vector<16xi32>,
    %swap3A_25 = arith.constant 16 : index
    %swap3A_26 = tpu.vector_load %arg6[%swap3A_25] {strides = array<i32>} : memref<128xi32, #tpu.memory_space<vmem>>, vector<16xi32>,
    tpu.vector_store %arg6[%swap3A_25], %gather3A_24 {strides = array<i32>} : memref<128xi32, #tpu.memory_space<vmem>>, vector<16xi32>,
    %add3A_27 = arith.constant 32 : i32
    %add3A_28 = vector.broadcast %add3A_27 : i32 to vector<16xi32>
    %add3A_29 = arith.addi %iota3A, %add3A_28 : vector<16xi32>
    %mul3A_30 = arith.constant 200 : i32
    %mul3A_31 = vector.broadcast %mul3A_30 : i32 to vector<16xi32>
    %mul3A_32 = arith.muli %add3A_29, %mul3A_31 : vector<16xi32>
    %add3A_33 = arith.constant 0 : i32
    %add3A_34 = vector.broadcast %add3A_33 : i32 to vector<16xi32>
    %add3A_35 = arith.addi %mul3A_32, %add3A_34 : vector<16xi32>
    %gather3A_36 = tpu.vector_load_idx %arg5[%add3A_35] : memref<25600xi32, #tpu.memory_space<vmem>>[vector<16xi32>], vector<16xi32>,
    %swap3A_37 = arith.constant 32 : index
    %swap3A_38 = tpu.vector_load %arg6[%swap3A_37] {strides = array<i32>} : memref<128xi32, #tpu.memory_space<vmem>>, vector<16xi32>,
    tpu.vector_store %arg6[%swap3A_37], %gather3A_36 {strides = array<i32>} : memref<128xi32, #tpu.memory_space<vmem>>, vector<16xi32>,
    %add3A_39 = arith.constant 48 : i32
    %add3A_40 = vector.broadcast %add3A_39 : i32 to vector<16xi32>
    %add3A_41 = arith.addi %iota3A, %add3A_40 : vector<16xi32>
    %mul3A_42 = arith.constant 200 : i32
    %mul3A_43 = vector.broadcast %mul3A_42 : i32 to vector<16xi32>
    %mul3A_44 = arith.muli %add3A_41, %mul3A_43 : vector<16xi32>
    %add3A_45 = arith.constant 0 : i32
    %add3A_46 = vector.broadcast %add3A_45 : i32 to vector<16xi32>
    %add3A_47 = arith.addi %mul3A_44, %add3A_46 : vector<16xi32>
    %gather3A_48 = tpu.vector_load_idx %arg5[%add3A_47] : memref<25600xi32, #tpu.memory_space<vmem>>[vector<16xi32>], vector<16xi32>,
    %swap3A_49 = arith.constant 48 : index
    %swap3A_50 = tpu.vector_load %arg6[%swap3A_49] {strides = array<i32>} : memref<128xi32, #tpu.memory_space<vmem>>, vector<16xi32>,
    tpu.vector_store %arg6[%swap3A_49], %gather3A_48 {strides = array<i32>} : memref<128xi32, #tpu.memory_space<vmem>>, vector<16xi32>,
    %dma_start3A = arith.constant 0 : i32
    %dma_start3A_51 = arith.constant 0 : i32
    %dma_start3A_52 = tpu.memref_slice %arg10[%dma_start3A, %dma_start3A_51] : memref<128x128xf32, #tpu.memory_space<vmem>> -> memref<64x128xf32, #tpu.memory_space<vmem>>
    %dma_start3A_53 = arith.constant 0 : i32
    %dma_start3A_54 = tpu.memref_slice %arg6[%dma_start3A_53] : memref<128xi32, #tpu.memory_space<vmem>> -> memref<64xi32, #tpu.memory_space<vmem>>
    %dma_start3A_55 = arith.constant 0 : i32
    %dma_start3A_56 = arith.constant 0 : i32
    %dma_start3A_57 = tpu.memref_slice %arg3[%dma_start3A_55, %dma_start3A_56] : memref<100000x128xf32, #tpu.memory_space<hbm>> -> memref<100000x128xf32, #tpu.memory_space<hbm>>
    tpu.enqueue_indirect_dma source(%dma_start3A_57 : memref<100000x128xf32, #tpu.memory_space<hbm>>) target(%dma_start3A_52 : memref<64x128xf32, #tpu.memory_space<vmem>>) offsets(%dma_start3A_54 : memref<64xi32, #tpu.memory_space<vmem>>) semaphore(%arg18 : memref<!tpu.dma_semaphore, #tpu.memory_space<semaphore_mem>>)
    %add3A_58 = arith.constant 64 : i32
    %add3A_59 = vector.broadcast %add3A_58 : i32 to vector<16xi32>
    %add3A_60 = arith.addi %iota3A, %add3A_59 : vector<16xi32>
    %mul3A_61 = arith.constant 200 : i32
    %mul3A_62 = vector.broadcast %mul3A_61 : i32 to vector<16xi32>
    %mul3A_63 = arith.muli %add3A_60, %mul3A_62 : vector<16xi32>
    %add3A_64 = arith.constant 0 : i32
    %add3A_65 = vector.broadcast %add3A_64 : i32 to vector<16xi32>
    %add3A_66 = arith.addi %mul3A_63, %add3A_65 : vector<16xi32>
    %gather3A_67 = tpu.vector_load_idx %arg5[%add3A_66] : memref<25600xi32, #tpu.memory_space<vmem>>[vector<16xi32>], vector<16xi32>,
    %swap3A_68 = arith.constant 64 : index
    %swap3A_69 = tpu.vector_load %arg6[%swap3A_68] {strides = array<i32>} : memref<128xi32, #tpu.memory_space<vmem>>, vector<16xi32>,
    tpu.vector_store %arg6[%swap3A_68], %gather3A_67 {strides = array<i32>} : memref<128xi32, #tpu.memory_space<vmem>>, vector<16xi32>,
    %add3A_70 = arith.constant 80 : i32
    %add3A_71 = vector.broadcast %add3A_70 : i32 to vector<16xi32>
    %add3A_72 = arith.addi %iota3A, %add3A_71 : vector<16xi32>
    %mul3A_73 = arith.constant 200 : i32
    %mul3A_74 = vector.broadcast %mul3A_73 : i32 to vector<16xi32>
    %mul3A_75 = arith.muli %add3A_72, %mul3A_74 : vector<16xi32>
    %add3A_76 = arith.constant 0 : i32
    %add3A_77 = vector.broadcast %add3A_76 : i32 to vector<16xi32>
    %add3A_78 = arith.addi %mul3A_75, %add3A_77 : vector<16xi32>
    %gather3A_79 = tpu.vector_load_idx %arg5[%add3A_78] : memref<25600xi32, #tpu.memory_space<vmem>>[vector<16xi32>], vector<16xi32>,
    %swap3A_80 = arith.constant 80 : index
    %swap3A_81 = tpu.vector_load %arg6[%swap3A_80] {strides = array<i32>} : memref<128xi32, #tpu.memory_space<vmem>>, vector<16xi32>,
    tpu.vector_store %arg6[%swap3A_80], %gather3A_79 {strides = array<i32>} : memref<128xi32, #tpu.memory_space<vmem>>, vector<16xi32>,
    %add3A_82 = arith.constant 96 : i32
    %add3A_83 = vector.broadcast %add3A_82 : i32 to vector<16xi32>
    %add3A_84 = arith.addi %iota3A, %add3A_83 : vector<16xi32>
    %mul3A_85 = arith.constant 200 : i32
    %mul3A_86 = vector.broadcast %mul3A_85 : i32 to vector<16xi32>
    %mul3A_87 = arith.muli %add3A_84, %mul3A_86 : vector<16xi32>
    %add3A_88 = arith.constant 0 : i32
    %add3A_89 = vector.broadcast %add3A_88 : i32 to vector<16xi32>
    %add3A_90 = arith.addi %mul3A_87, %add3A_89 : vector<16xi32>
    %gather3A_91 = tpu.vector_load_idx %arg5[%add3A_90] : memref<25600xi32, #tpu.memory_space<vmem>>[vector<16xi32>], vector<16xi32>,
    %swap3A_92 = arith.constant 96 : index
    %swap3A_93 = tpu.vector_load %arg6[%swap3A_92] {strides = array<i32>} : memref<128xi32, #tpu.memory_space<vmem>>, vector<16xi32>,
    tpu.vector_store %arg6[%swap3A_92], %gather3A_91 {strides = array<i32>} : memref<128xi32, #tpu.memory_space<vmem>>, vector<16xi32>,
    %add3A_94 = arith.constant 112 : i32
    %add3A_95 = vector.broadcast %add3A_94 : i32 to vector<16xi32>
    %add3A_96 = arith.addi %iota3A, %add3A_95 : vector<16xi32>
    %mul3A_97 = arith.constant 200 : i32
    %mul3A_98 = vector.broadcast %mul3A_97 : i32 to vector<16xi32>
    %mul3A_99 = arith.muli %add3A_96, %mul3A_98 : vector<16xi32>
    %add3A_100 = arith.constant 0 : i32
    %add3A_101 = vector.broadcast %add3A_100 : i32 to vector<16xi32>
    %add3A_102 = arith.addi %mul3A_99, %add3A_101 : vector<16xi32>
    %gather3A_103 = tpu.vector_load_idx %arg5[%add3A_102] : memref<25600xi32, #tpu.memory_space<vmem>>[vector<16xi32>], vector<16xi32>,
    %swap3A_104 = arith.constant 112 : index
    %swap3A_105 = tpu.vector_load %arg6[%swap3A_104] {strides = array<i32>} : memref<128xi32, #tpu.memory_space<vmem>>, vector<16xi32>,
    tpu.vector_store %arg6[%swap3A_104], %gather3A_103 {strides = array<i32>} : memref<128xi32, #tpu.memory_space<vmem>>, vector<16xi32>,
    %dma_start3A_106 = arith.constant 64 : i32
    %dma_start3A_107 = arith.constant 0 : i32
    %dma_start3A_108 = tpu.memref_slice %arg10[%dma_start3A_106, %dma_start3A_107] : memref<128x128xf32, #tpu.memory_space<vmem>> -> memref<64x128xf32, #tpu.memory_space<vmem>>
    %dma_start3A_109 = arith.constant 64 : i32
    %dma_start3A_110 = tpu.memref_slice %arg6[%dma_start3A_109] : memref<128xi32, #tpu.memory_space<vmem>> -> memref<64xi32, #tpu.memory_space<vmem>>
    %dma_start3A_111 = arith.constant 0 : i32
    %dma_start3A_112 = arith.constant 0 : i32
    %dma_start3A_113 = tpu.memref_slice %arg3[%dma_start3A_111, %dma_start3A_112] : memref<100000x128xf32, #tpu.memory_space<hbm>> -> memref<100000x128xf32, #tpu.memory_space<hbm>>
    tpu.enqueue_indirect_dma source(%dma_start3A_113 : memref<100000x128xf32, #tpu.memory_space<hbm>>) target(%dma_start3A_108 : memref<64x128xf32, #tpu.memory_space<vmem>>) offsets(%dma_start3A_110 : memref<64xi32, #tpu.memory_space<vmem>>) semaphore(%arg18 : memref<!tpu.dma_semaphore, #tpu.memory_space<semaphore_mem>>)
    %add3A_114 = arith.constant 0 : i32
    %add3A_115 = vector.broadcast %add3A_114 : i32 to vector<16xi32>
    %add3A_116 = arith.addi %iota3A, %add3A_115 : vector<16xi32>
    %mul3A_117 = arith.constant 200 : i32
    %mul3A_118 = vector.broadcast %mul3A_117 : i32 to vector<16xi32>
    %mul3A_119 = arith.muli %add3A_116, %mul3A_118 : vector<16xi32>
    %add3A_120 = arith.constant 1 : i32
    %add3A_121 = vector.broadcast %add3A_120 : i32 to vector<16xi32>
    %add3A_122 = arith.addi %mul3A_119, %add3A_121 : vector<16xi32>
    %gather3A_123 = tpu.vector_load_idx %arg5[%add3A_122] : memref<25600xi32, #tpu.memory_space<vmem>>[vector<16xi32>], vector<16xi32>,
    %swap3A_124 = arith.constant 0 : index
    %swap3A_125 = tpu.vector_load %arg7[%swap3A_124] {strides = array<i32>} : memref<128xi32, #tpu.memory_space<vmem>>, vector<16xi32>,
    tpu.vector_store %arg7[%swap3A_124], %gather3A_123 {strides = array<i32>} : memref<128xi32, #tpu.memory_space<vmem>>, vector<16xi32>,
    %add3A_126 = arith.constant 16 : i32
    %add3A_127 = vector.broadcast %add3A_126 : i32 to vector<16xi32>
    %add3A_128 = arith.addi %iota3A, %add3A_127 : vector<16xi32>
    %mul3A_129 = arith.constant 200 : i32
    %mul3A_130 = vector.broadcast %mul3A_129 : i32 to vector<16xi32>
    %mul3A_131 = arith.muli %add3A_128, %mul3A_130 : vector<16xi32>
    %add3A_132 = arith.constant 1 : i32
    %add3A_133 = vector.broadcast %add3A_132 : i32 to vector<16xi32>
    %add3A_134 = arith.addi %mul3A_131, %add3A_133 : vector<16xi32>
    %gather3A_135 = tpu.vector_load_idx %arg5[%add3A_134] : memref<25600xi32, #tpu.memory_space<vmem>>[vector<16xi32>], vector<16xi32>,
    %swap3A_136 = arith.constant 16 : index
    %swap3A_137 = tpu.vector_load %arg7[%swap3A_136] {strides = array<i32>} : memref<128xi32, #tpu.memory_space<vmem>>, vector<16xi32>,
    tpu.vector_store %arg7[%swap3A_136], %gather3A_135 {strides = array<i32>} : memref<128xi32, #tpu.memory_space<vmem>>, vector<16xi32>,
    %add3A_138 = arith.constant 32 : i32
    %add3A_139 = vector.broadcast %add3A_138 : i32 to vector<16xi32>
    %add3A_140 = arith.addi %iota3A, %add3A_139 : vector<16xi32>
    %mul3A_141 = arith.constant 200 : i32
    %mul3A_142 = vector.broadcast %mul3A_141 : i32 to vector<16xi32>
    %mul3A_143 = arith.muli %add3A_140, %mul3A_142 : vector<16xi32>
    %add3A_144 = arith.constant 1 : i32
    %add3A_145 = vector.broadcast %add3A_144 : i32 to vector<16xi32>
    %add3A_146 = arith.addi %mul3A_143, %add3A_145 : vector<16xi32>
    %gather3A_147 = tpu.vector_load_idx %arg5[%add3A_146] : memref<25600xi32, #tpu.memory_space<vmem>>[vector<16xi32>], vector<16xi32>,
    %swap3A_148 = arith.constant 32 : index
    %swap3A_149 = tpu.vector_load %arg7[%swap3A_148] {strides = array<i32>} : memref<128xi32, #tpu.memory_space<vmem>>, vector<16xi32>,
    tpu.vector_store %arg7[%swap3A_148], %gather3A_147 {strides = array<i32>} : memref<128xi32, #tpu.memory_space<vmem>>, vector<16xi32>,
    %add3A_150 = arith.constant 48 : i32
    %add3A_151 = vector.broadcast %add3A_150 : i32 to vector<16xi32>
    %add3A_152 = arith.addi %iota3A, %add3A_151 : vector<16xi32>
    %mul3A_153 = arith.constant 200 : i32
    %mul3A_154 = vector.broadcast %mul3A_153 : i32 to vector<16xi32>
    %mul3A_155 = arith.muli %add3A_152, %mul3A_154 : vector<16xi32>
    %add3A_156 = arith.constant 1 : i32
    %add3A_157 = vector.broadcast %add3A_156 : i32 to vector<16xi32>
    %add3A_158 = arith.addi %mul3A_155, %add3A_157 : vector<16xi32>
    %gather3A_159 = tpu.vector_load_idx %arg5[%add3A_158] : memref<25600xi32, #tpu.memory_space<vmem>>[vector<16xi32>], vector<16xi32>,
    %swap3A_160 = arith.constant 48 : index
    %swap3A_161 = tpu.vector_load %arg7[%swap3A_160] {strides = array<i32>} : memref<128xi32, #tpu.memory_space<vmem>>, vector<16xi32>,
    tpu.vector_store %arg7[%swap3A_160], %gather3A_159 {strides = array<i32>} : memref<128xi32, #tpu.memory_space<vmem>>, vector<16xi32>,
    %dma_start3A_162 = arith.constant 0 : i32
    %dma_start3A_163 = arith.constant 0 : i32
    %dma_start3A_164 = tpu.memref_slice %arg11[%dma_start3A_162, %dma_start3A_163] : memref<128x128xf32, #tpu.memory_space<vmem>> -> memref<64x128xf32, #tpu.memory_space<vmem>>
    %dma_start3A_165 = arith.constant 0 : i32
    %dma_start3A_166 = tpu.memref_slice %arg7[%dma_start3A_165] : memref<128xi32, #tpu.memory_space<vmem>> -> memref<64xi32, #tpu.memory_space<vmem>>
    %dma_start3A_167 = arith.constant 0 : i32
    %dma_start3A_168 = arith.constant 0 : i32
    %dma_start3A_169 = tpu.memref_slice %arg3[%dma_start3A_167, %dma_start3A_168] : memref<100000x128xf32, #tpu.memory_space<hbm>> -> memref<100000x128xf32, #tpu.memory_space<hbm>>
    tpu.enqueue_indirect_dma source(%dma_start3A_169 : memref<100000x128xf32, #tpu.memory_space<hbm>>) target(%dma_start3A_164 : memref<64x128xf32, #tpu.memory_space<vmem>>) offsets(%dma_start3A_166 : memref<64xi32, #tpu.memory_space<vmem>>) semaphore(%arg19 : memref<!tpu.dma_semaphore, #tpu.memory_space<semaphore_mem>>)
    %add3A_170 = arith.constant 64 : i32
    %add3A_171 = vector.broadcast %add3A_170 : i32 to vector<16xi32>
    %add3A_172 = arith.addi %iota3A, %add3A_171 : vector<16xi32>
    %mul3A_173 = arith.constant 200 : i32
    %mul3A_174 = vector.broadcast %mul3A_173 : i32 to vector<16xi32>
    %mul3A_175 = arith.muli %add3A_172, %mul3A_174 : vector<16xi32>
    %add3A_176 = arith.constant 1 : i32
    %add3A_177 = vector.broadcast %add3A_176 : i32 to vector<16xi32>
    %add3A_178 = arith.addi %mul3A_175, %add3A_177 : vector<16xi32>
    %gather3A_179 = tpu.vector_load_idx %arg5[%add3A_178] : memref<25600xi32, #tpu.memory_space<vmem>>[vector<16xi32>], vector<16xi32>,
    %swap3A_180 = arith.constant 64 : index
    %swap3A_181 = tpu.vector_load %arg7[%swap3A_180] {strides = array<i32>} : memref<128xi32, #tpu.memory_space<vmem>>, vector<16xi32>,
    tpu.vector_store %arg7[%swap3A_180], %gather3A_179 {strides = array<i32>} : memref<128xi32, #tpu.memory_space<vmem>>, vector<16xi32>,
    %add3A_182 = arith.constant 80 : i32
    %add3A_183 = vector.broadcast %add3A_182 : i32 to vector<16xi32>
    %add3A_184 = arith.addi %iota3A, %add3A_183 : vector<16xi32>
    %mul3A_185 = arith.constant 200 : i32
    %mul3A_186 = vector.broadcast %mul3A_185 : i32 to vector<16xi32>
    %mul3A_187 = arith.muli %add3A_184, %mul3A_186 : vector<16xi32>
    %add3A_188 = arith.constant 1 : i32
    %add3A_189 = vector.broadcast %add3A_188 : i32 to vector<16xi32>
    %add3A_190 = arith.addi %mul3A_187, %add3A_189 : vector<16xi32>
    %gather3A_191 = tpu.vector_load_idx %arg5[%add3A_190] : memref<25600xi32, #tpu.memory_space<vmem>>[vector<16xi32>], vector<16xi32>,
    %swap3A_192 = arith.constant 80 : index
    %swap3A_193 = tpu.vector_load %arg7[%swap3A_192] {strides = array<i32>} : memref<128xi32, #tpu.memory_space<vmem>>, vector<16xi32>,
    tpu.vector_store %arg7[%swap3A_192], %gather3A_191 {strides = array<i32>} : memref<128xi32, #tpu.memory_space<vmem>>, vector<16xi32>,
    %add3A_194 = arith.constant 96 : i32
    %add3A_195 = vector.broadcast %add3A_194 : i32 to vector<16xi32>
    %add3A_196 = arith.addi %iota3A, %add3A_195 : vector<16xi32>
    %mul3A_197 = arith.constant 200 : i32
    %mul3A_198 = vector.broadcast %mul3A_197 : i32 to vector<16xi32>
    %mul3A_199 = arith.muli %add3A_196, %mul3A_198 : vector<16xi32>
    %add3A_200 = arith.constant 1 : i32
    %add3A_201 = vector.broadcast %add3A_200 : i32 to vector<16xi32>
    %add3A_202 = arith.addi %mul3A_199, %add3A_201 : vector<16xi32>
    %gather3A_203 = tpu.vector_load_idx %arg5[%add3A_202] : memref<25600xi32, #tpu.memory_space<vmem>>[vector<16xi32>], vector<16xi32>,
    %swap3A_204 = arith.constant 96 : index
    %swap3A_205 = tpu.vector_load %arg7[%swap3A_204] {strides = array<i32>} : memref<128xi32, #tpu.memory_space<vmem>>, vector<16xi32>,
    tpu.vector_store %arg7[%swap3A_204], %gather3A_203 {strides = array<i32>} : memref<128xi32, #tpu.memory_space<vmem>>, vector<16xi32>,
    %add3A_206 = arith.constant 112 : i32
    %add3A_207 = vector.broadcast %add3A_206 : i32 to vector<16xi32>
    %add3A_208 = arith.addi %iota3A, %add3A_207 : vector<16xi32>
    %mul3A_209 = arith.constant 200 : i32
    %mul3A_210 = vector.broadcast %mul3A_209 : i32 to vector<16xi32>
    %mul3A_211 = arith.muli %add3A_208, %mul3A_210 : vector<16xi32>
    %add3A_212 = arith.constant 1 : i32
    %add3A_213 = vector.broadcast %add3A_212 : i32 to vector<16xi32>
    %add3A_214 = arith.addi %mul3A_211, %add3A_213 : vector<16xi32>
    %gather3A_215 = tpu.vector_load_idx %arg5[%add3A_214] : memref<25600xi32, #tpu.memory_space<vmem>>[vector<16xi32>], vector<16xi32>,
    %swap3A_216 = arith.constant 112 : index
    %swap3A_217 = tpu.vector_load %arg7[%swap3A_216] {strides = array<i32>} : memref<128xi32, #tpu.memory_space<vmem>>, vector<16xi32>,
    tpu.vector_store %arg7[%swap3A_216], %gather3A_215 {strides = array<i32>} : memref<128xi32, #tpu.memory_space<vmem>>, vector<16xi32>,
    %dma_start3A_218 = arith.constant 64 : i32
    %dma_start3A_219 = arith.constant 0 : i32
    %dma_start3A_220 = tpu.memref_slice %arg11[%dma_start3A_218, %dma_start3A_219] : memref<128x128xf32, #tpu.memory_space<vmem>> -> memref<64x128xf32, #tpu.memory_space<vmem>>
    %dma_start3A_221 = arith.constant 64 : i32
    %dma_start3A_222 = tpu.memref_slice %arg7[%dma_start3A_221] : memref<128xi32, #tpu.memory_space<vmem>> -> memref<64xi32, #tpu.memory_space<vmem>>
    %dma_start3A_223 = arith.constant 0 : i32
    %dma_start3A_224 = arith.constant 0 : i32
    %dma_start3A_225 = tpu.memref_slice %arg3[%dma_start3A_223, %dma_start3A_224] : memref<100000x128xf32, #tpu.memory_space<hbm>> -> memref<100000x128xf32, #tpu.memory_space<hbm>>
    tpu.enqueue_indirect_dma source(%dma_start3A_225 : memref<100000x128xf32, #tpu.memory_space<hbm>>) target(%dma_start3A_220 : memref<64x128xf32, #tpu.memory_space<vmem>>) offsets(%dma_start3A_222 : memref<64xi32, #tpu.memory_space<vmem>>) semaphore(%arg19 : memref<!tpu.dma_semaphore, #tpu.memory_space<semaphore_mem>>)
    %add3A_226 = arith.constant 0 : i32
    %add3A_227 = vector.broadcast %add3A_226 : i32 to vector<16xi32>
    %add3A_228 = arith.addi %iota3A, %add3A_227 : vector<16xi32>
    %mul3A_229 = arith.constant 200 : i32
    %mul3A_230 = vector.broadcast %mul3A_229 : i32 to vector<16xi32>
    %mul3A_231 = arith.muli %add3A_228, %mul3A_230 : vector<16xi32>
    %add3A_232 = arith.constant 2 : i32
    %add3A_233 = vector.broadcast %add3A_232 : i32 to vector<16xi32>
    %add3A_234 = arith.addi %mul3A_231, %add3A_233 : vector<16xi32>
    %gather3A_235 = tpu.vector_load_idx %arg5[%add3A_234] : memref<25600xi32, #tpu.memory_space<vmem>>[vector<16xi32>], vector<16xi32>,
    %swap3A_236 = arith.constant 0 : index
    %swap3A_237 = tpu.vector_load %arg8[%swap3A_236] {strides = array<i32>} : memref<128xi32, #tpu.memory_space<vmem>>, vector<16xi32>,
    tpu.vector_store %arg8[%swap3A_236], %gather3A_235 {strides = array<i32>} : memref<128xi32, #tpu.memory_space<vmem>>, vector<16xi32>,
    %add3A_238 = arith.constant 16 : i32
    %add3A_239 = vector.broadcast %add3A_238 : i32 to vector<16xi32>
    %add3A_240 = arith.addi %iota3A, %add3A_239 : vector<16xi32>
    %mul3A_241 = arith.constant 200 : i32
    %mul3A_242 = vector.broadcast %mul3A_241 : i32 to vector<16xi32>
    %mul3A_243 = arith.muli %add3A_240, %mul3A_242 : vector<16xi32>
    %add3A_244 = arith.constant 2 : i32
    %add3A_245 = vector.broadcast %add3A_244 : i32 to vector<16xi32>
    %add3A_246 = arith.addi %mul3A_243, %add3A_245 : vector<16xi32>
    %gather3A_247 = tpu.vector_load_idx %arg5[%add3A_246] : memref<25600xi32, #tpu.memory_space<vmem>>[vector<16xi32>], vector<16xi32>,
    %swap3A_248 = arith.constant 16 : index
    %swap3A_249 = tpu.vector_load %arg8[%swap3A_248] {strides = array<i32>} : memref<128xi32, #tpu.memory_space<vmem>>, vector<16xi32>,
    tpu.vector_store %arg8[%swap3A_248], %gather3A_247 {strides = array<i32>} : memref<128xi32, #tpu.memory_space<vmem>>, vector<16xi32>,
    %add3A_250 = arith.constant 32 : i32
    %add3A_251 = vector.broadcast %add3A_250 : i32 to vector<16xi32>
    %add3A_252 = arith.addi %iota3A, %add3A_251 : vector<16xi32>
    %mul3A_253 = arith.constant 200 : i32
    %mul3A_254 = vector.broadcast %mul3A_253 : i32 to vector<16xi32>
    %mul3A_255 = arith.muli %add3A_252, %mul3A_254 : vector<16xi32>
    %add3A_256 = arith.constant 2 : i32
    %add3A_257 = vector.broadcast %add3A_256 : i32 to vector<16xi32>
    %add3A_258 = arith.addi %mul3A_255, %add3A_257 : vector<16xi32>
    %gather3A_259 = tpu.vector_load_idx %arg5[%add3A_258] : memref<25600xi32, #tpu.memory_space<vmem>>[vector<16xi32>], vector<16xi32>,
    %swap3A_260 = arith.constant 32 : index
    %swap3A_261 = tpu.vector_load %arg8[%swap3A_260] {strides = array<i32>} : memref<128xi32, #tpu.memory_space<vmem>>, vector<16xi32>,
    tpu.vector_store %arg8[%swap3A_260], %gather3A_259 {strides = array<i32>} : memref<128xi32, #tpu.memory_space<vmem>>, vector<16xi32>,
    %add3A_262 = arith.constant 48 : i32
    %add3A_263 = vector.broadcast %add3A_262 : i32 to vector<16xi32>
    %add3A_264 = arith.addi %iota3A, %add3A_263 : vector<16xi32>
    %mul3A_265 = arith.constant 200 : i32
    %mul3A_266 = vector.broadcast %mul3A_265 : i32 to vector<16xi32>
    %mul3A_267 = arith.muli %add3A_264, %mul3A_266 : vector<16xi32>
    %add3A_268 = arith.constant 2 : i32
    %add3A_269 = vector.broadcast %add3A_268 : i32 to vector<16xi32>
    %add3A_270 = arith.addi %mul3A_267, %add3A_269 : vector<16xi32>
    %gather3A_271 = tpu.vector_load_idx %arg5[%add3A_270] : memref<25600xi32, #tpu.memory_space<vmem>>[vector<16xi32>], vector<16xi32>,
    %swap3A_272 = arith.constant 48 : index
    %swap3A_273 = tpu.vector_load %arg8[%swap3A_272] {strides = array<i32>} : memref<128xi32, #tpu.memory_space<vmem>>, vector<16xi32>,
    tpu.vector_store %arg8[%swap3A_272], %gather3A_271 {strides = array<i32>} : memref<128xi32, #tpu.memory_space<vmem>>, vector<16xi32>,
    %dma_start3A_274 = arith.constant 0 : i32
    %dma_start3A_275 = arith.constant 0 : i32
    %dma_start3A_276 = tpu.memref_slice %arg12[%dma_start3A_274, %dma_start3A_275] : memref<128x128xf32, #tpu.memory_space<vmem>> -> memref<64x128xf32, #tpu.memory_space<vmem>>
    %dma_start3A_277 = arith.constant 0 : i32
    %dma_start3A_278 = tpu.memref_slice %arg8[%dma_start3A_277] : memref<128xi32, #tpu.memory_space<vmem>> -> memref<64xi32, #tpu.memory_space<vmem>>
    %dma_start3A_279 = arith.constant 0 : i32
    %dma_start3A_280 = arith.constant 0 : i32
    %dma_start3A_281 = tpu.memref_slice %arg3[%dma_start3A_279, %dma_start3A_280] : memref<100000x128xf32, #tpu.memory_space<hbm>> -> memref<100000x128xf32, #tpu.memory_space<hbm>>
    tpu.enqueue_indirect_dma source(%dma_start3A_281 : memref<100000x128xf32, #tpu.memory_space<hbm>>) target(%dma_start3A_276 : memref<64x128xf32, #tpu.memory_space<vmem>>) offsets(%dma_start3A_278 : memref<64xi32, #tpu.memory_space<vmem>>) semaphore(%arg20 : memref<!tpu.dma_semaphore, #tpu.memory_space<semaphore_mem>>)
    %add3A_282 = arith.constant 64 : i32
    %add3A_283 = vector.broadcast %add3A_282 : i32 to vector<16xi32>
    %add3A_284 = arith.addi %iota3A, %add3A_283 : vector<16xi32>
    %mul3A_285 = arith.constant 200 : i32
    %mul3A_286 = vector.broadcast %mul3A_285 : i32 to vector<16xi32>
    %mul3A_287 = arith.muli %add3A_284, %mul3A_286 : vector<16xi32>
    %add3A_288 = arith.constant 2 : i32
    %add3A_289 = vector.broadcast %add3A_288 : i32 to vector<16xi32>
    %add3A_290 = arith.addi %mul3A_287, %add3A_289 : vector<16xi32>
    %gather3A_291 = tpu.vector_load_idx %arg5[%add3A_290] : memref<25600xi32, #tpu.memory_space<vmem>>[vector<16xi32>], vector<16xi32>,
    %swap3A_292 = arith.constant 64 : index
    %swap3A_293 = tpu.vector_load %arg8[%swap3A_292] {strides = array<i32>} : memref<128xi32, #tpu.memory_space<vmem>>, vector<16xi32>,
    tpu.vector_store %arg8[%swap3A_292], %gather3A_291 {strides = array<i32>} : memref<128xi32, #tpu.memory_space<vmem>>, vector<16xi32>,
    %add3A_294 = arith.constant 80 : i32
    %add3A_295 = vector.broadcast %add3A_294 : i32 to vector<16xi32>
    %add3A_296 = arith.addi %iota3A, %add3A_295 : vector<16xi32>
    %mul3A_297 = arith.constant 200 : i32
    %mul3A_298 = vector.broadcast %mul3A_297 : i32 to vector<16xi32>
    %mul3A_299 = arith.muli %add3A_296, %mul3A_298 : vector<16xi32>
    %add3A_300 = arith.constant 2 : i32
    %add3A_301 = vector.broadcast %add3A_300 : i32 to vector<16xi32>
    %add3A_302 = arith.addi %mul3A_299, %add3A_301 : vector<16xi32>
    %gather3A_303 = tpu.vector_load_idx %arg5[%add3A_302] : memref<25600xi32, #tpu.memory_space<vmem>>[vector<16xi32>], vector<16xi32>,
    %swap3A_304 = arith.constant 80 : index
    %swap3A_305 = tpu.vector_load %arg8[%swap3A_304] {strides = array<i32>} : memref<128xi32, #tpu.memory_space<vmem>>, vector<16xi32>,
    tpu.vector_store %arg8[%swap3A_304], %gather3A_303 {strides = array<i32>} : memref<128xi32, #tpu.memory_space<vmem>>, vector<16xi32>,
    %add3A_306 = arith.constant 96 : i32
    %add3A_307 = vector.broadcast %add3A_306 : i32 to vector<16xi32>
    %add3A_308 = arith.addi %iota3A, %add3A_307 : vector<16xi32>
    %mul3A_309 = arith.constant 200 : i32
    %mul3A_310 = vector.broadcast %mul3A_309 : i32 to vector<16xi32>
    %mul3A_311 = arith.muli %add3A_308, %mul3A_310 : vector<16xi32>
    %add3A_312 = arith.constant 2 : i32
    %add3A_313 = vector.broadcast %add3A_312 : i32 to vector<16xi32>
    %add3A_314 = arith.addi %mul3A_311, %add3A_313 : vector<16xi32>
    %gather3A_315 = tpu.vector_load_idx %arg5[%add3A_314] : memref<25600xi32, #tpu.memory_space<vmem>>[vector<16xi32>], vector<16xi32>,
    %swap3A_316 = arith.constant 96 : index
    %swap3A_317 = tpu.vector_load %arg8[%swap3A_316] {strides = array<i32>} : memref<128xi32, #tpu.memory_space<vmem>>, vector<16xi32>,
    tpu.vector_store %arg8[%swap3A_316], %gather3A_315 {strides = array<i32>} : memref<128xi32, #tpu.memory_space<vmem>>, vector<16xi32>,
    %add3A_318 = arith.constant 112 : i32
    %add3A_319 = vector.broadcast %add3A_318 : i32 to vector<16xi32>
    %add3A_320 = arith.addi %iota3A, %add3A_319 : vector<16xi32>
    %mul3A_321 = arith.constant 200 : i32
    %mul3A_322 = vector.broadcast %mul3A_321 : i32 to vector<16xi32>
    %mul3A_323 = arith.muli %add3A_320, %mul3A_322 : vector<16xi32>
    %add3A_324 = arith.constant 2 : i32
    %add3A_325 = vector.broadcast %add3A_324 : i32 to vector<16xi32>
    %add3A_326 = arith.addi %mul3A_323, %add3A_325 : vector<16xi32>
    %gather3A_327 = tpu.vector_load_idx %arg5[%add3A_326] : memref<25600xi32, #tpu.memory_space<vmem>>[vector<16xi32>], vector<16xi32>,
    %swap3A_328 = arith.constant 112 : index
    %swap3A_329 = tpu.vector_load %arg8[%swap3A_328] {strides = array<i32>} : memref<128xi32, #tpu.memory_space<vmem>>, vector<16xi32>,
    tpu.vector_store %arg8[%swap3A_328], %gather3A_327 {strides = array<i32>} : memref<128xi32, #tpu.memory_space<vmem>>, vector<16xi32>,
    %dma_start3A_330 = arith.constant 64 : i32
    %dma_start3A_331 = arith.constant 0 : i32
    %dma_start3A_332 = tpu.memref_slice %arg12[%dma_start3A_330, %dma_start3A_331] : memref<128x128xf32, #tpu.memory_space<vmem>> -> memref<64x128xf32, #tpu.memory_space<vmem>>
    %dma_start3A_333 = arith.constant 64 : i32
    %dma_start3A_334 = tpu.memref_slice %arg8[%dma_start3A_333] : memref<128xi32, #tpu.memory_space<vmem>> -> memref<64xi32, #tpu.memory_space<vmem>>
    %dma_start3A_335 = arith.constant 0 : i32
    %dma_start3A_336 = arith.constant 0 : i32
    %dma_start3A_337 = tpu.memref_slice %arg3[%dma_start3A_335, %dma_start3A_336] : memref<100000x128xf32, #tpu.memory_space<hbm>> -> memref<100000x128xf32, #tpu.memory_space<hbm>>
    tpu.enqueue_indirect_dma source(%dma_start3A_337 : memref<100000x128xf32, #tpu.memory_space<hbm>>) target(%dma_start3A_332 : memref<64x128xf32, #tpu.memory_space<vmem>>) offsets(%dma_start3A_334 : memref<64xi32, #tpu.memory_space<vmem>>) semaphore(%arg20 : memref<!tpu.dma_semaphore, #tpu.memory_space<semaphore_mem>>)
    %add3A_338 = arith.constant 0 : i32
    %add3A_339 = vector.broadcast %add3A_338 : i32 to vector<16xi32>
    %add3A_340 = arith.addi %iota3A, %add3A_339 : vector<16xi32>
    %mul3A_341 = arith.constant 200 : i32
    %mul3A_342 = vector.broadcast %mul3A_341 : i32 to vector<16xi32>
    %mul3A_343 = arith.muli %add3A_340, %mul3A_342 : vector<16xi32>
    %add3A_344 = arith.constant 3 : i32
    %add3A_345 = vector.broadcast %add3A_344 : i32 to vector<16xi32>
    %add3A_346 = arith.addi %mul3A_343, %add3A_345 : vector<16xi32>
    %gather3A_347 = tpu.vector_load_idx %arg5[%add3A_346] : memref<25600xi32, #tpu.memory_space<vmem>>[vector<16xi32>], vector<16xi32>,
    %swap3A_348 = arith.constant 0 : index
    %swap3A_349 = tpu.vector_load %arg9[%swap3A_348] {strides = array<i32>} : memref<128xi32, #tpu.memory_space<vmem>>, vector<16xi32>,
    tpu.vector_store %arg9[%swap3A_348], %gather3A_347 {strides = array<i32>} : memref<128xi32, #tpu.memory_space<vmem>>, vector<16xi32>,
    %add3A_350 = arith.constant 16 : i32
    %add3A_351 = vector.broadcast %add3A_350 : i32 to vector<16xi32>
    %add3A_352 = arith.addi %iota3A, %add3A_351 : vector<16xi32>
    %mul3A_353 = arith.constant 200 : i32
    %mul3A_354 = vector.broadcast %mul3A_353 : i32 to vector<16xi32>
    %mul3A_355 = arith.muli %add3A_352, %mul3A_354 : vector<16xi32>
    %add3A_356 = arith.constant 3 : i32
    %add3A_357 = vector.broadcast %add3A_356 : i32 to vector<16xi32>
    %add3A_358 = arith.addi %mul3A_355, %add3A_357 : vector<16xi32>
    %gather3A_359 = tpu.vector_load_idx %arg5[%add3A_358] : memref<25600xi32, #tpu.memory_space<vmem>>[vector<16xi32>], vector<16xi32>,
    %swap3A_360 = arith.constant 16 : index
    %swap3A_361 = tpu.vector_load %arg9[%swap3A_360] {strides = array<i32>} : memref<128xi32, #tpu.memory_space<vmem>>, vector<16xi32>,
    tpu.vector_store %arg9[%swap3A_360], %gather3A_359 {strides = array<i32>} : memref<128xi32, #tpu.memory_space<vmem>>, vector<16xi32>,
    %add3A_362 = arith.constant 32 : i32
    %add3A_363 = vector.broadcast %add3A_362 : i32 to vector<16xi32>
    %add3A_364 = arith.addi %iota3A, %add3A_363 : vector<16xi32>
    %mul3A_365 = arith.constant 200 : i32
    %mul3A_366 = vector.broadcast %mul3A_365 : i32 to vector<16xi32>
    %mul3A_367 = arith.muli %add3A_364, %mul3A_366 : vector<16xi32>
    %add3A_368 = arith.constant 3 : i32
    %add3A_369 = vector.broadcast %add3A_368 : i32 to vector<16xi32>
    %add3A_370 = arith.addi %mul3A_367, %add3A_369 : vector<16xi32>
    %gather3A_371 = tpu.vector_load_idx %arg5[%add3A_370] : memref<25600xi32, #tpu.memory_space<vmem>>[vector<16xi32>], vector<16xi32>,
    %swap3A_372 = arith.constant 32 : index
    %swap3A_373 = tpu.vector_load %arg9[%swap3A_372] {strides = array<i32>} : memref<128xi32, #tpu.memory_space<vmem>>, vector<16xi32>,
    tpu.vector_store %arg9[%swap3A_372], %gather3A_371 {strides = array<i32>} : memref<128xi32, #tpu.memory_space<vmem>>, vector<16xi32>,
    %add3A_374 = arith.constant 48 : i32
    %add3A_375 = vector.broadcast %add3A_374 : i32 to vector<16xi32>
    %add3A_376 = arith.addi %iota3A, %add3A_375 : vector<16xi32>
    %mul3A_377 = arith.constant 200 : i32
    %mul3A_378 = vector.broadcast %mul3A_377 : i32 to vector<16xi32>
    %mul3A_379 = arith.muli %add3A_376, %mul3A_378 : vector<16xi32>
    %add3A_380 = arith.constant 3 : i32
    %add3A_381 = vector.broadcast %add3A_380 : i32 to vector<16xi32>
    %add3A_382 = arith.addi %mul3A_379, %add3A_381 : vector<16xi32>
    %gather3A_383 = tpu.vector_load_idx %arg5[%add3A_382] : memref<25600xi32, #tpu.memory_space<vmem>>[vector<16xi32>], vector<16xi32>,
    %swap3A_384 = arith.constant 48 : index
    %swap3A_385 = tpu.vector_load %arg9[%swap3A_384] {strides = array<i32>} : memref<128xi32, #tpu.memory_space<vmem>>, vector<16xi32>,
    tpu.vector_store %arg9[%swap3A_384], %gather3A_383 {strides = array<i32>} : memref<128xi32, #tpu.memory_space<vmem>>, vector<16xi32>,
    %dma_start3A_386 = arith.constant 0 : i32
    %dma_start3A_387 = arith.constant 0 : i32
    %dma_start3A_388 = tpu.memref_slice %arg13[%dma_start3A_386, %dma_start3A_387] : memref<128x128xf32, #tpu.memory_space<vmem>> -> memref<64x128xf32, #tpu.memory_space<vmem>>
    %dma_start3A_389 = arith.constant 0 : i32
    %dma_start3A_390 = tpu.memref_slice %arg9[%dma_start3A_389] : memref<128xi32, #tpu.memory_space<vmem>> -> memref<64xi32, #tpu.memory_space<vmem>>
    %dma_start3A_391 = arith.constant 0 : i32
    %dma_start3A_392 = arith.constant 0 : i32
    %dma_start3A_393 = tpu.memref_slice %arg3[%dma_start3A_391, %dma_start3A_392] : memref<100000x128xf32, #tpu.memory_space<hbm>> -> memref<100000x128xf32, #tpu.memory_space<hbm>>
    tpu.enqueue_indirect_dma source(%dma_start3A_393 : memref<100000x128xf32, #tpu.memory_space<hbm>>) target(%dma_start3A_388 : memref<64x128xf32, #tpu.memory_space<vmem>>) offsets(%dma_start3A_390 : memref<64xi32, #tpu.memory_space<vmem>>) semaphore(%arg21 : memref<!tpu.dma_semaphore, #tpu.memory_space<semaphore_mem>>)
    %add3A_394 = arith.constant 64 : i32
    %add3A_395 = vector.broadcast %add3A_394 : i32 to vector<16xi32>
    %add3A_396 = arith.addi %iota3A, %add3A_395 : vector<16xi32>
    %mul3A_397 = arith.constant 200 : i32
    %mul3A_398 = vector.broadcast %mul3A_397 : i32 to vector<16xi32>
    %mul3A_399 = arith.muli %add3A_396, %mul3A_398 : vector<16xi32>
    %add3A_400 = arith.constant 3 : i32
    %add3A_401 = vector.broadcast %add3A_400 : i32 to vector<16xi32>
    %add3A_402 = arith.addi %mul3A_399, %add3A_401 : vector<16xi32>
    %gather3A_403 = tpu.vector_load_idx %arg5[%add3A_402] : memref<25600xi32, #tpu.memory_space<vmem>>[vector<16xi32>], vector<16xi32>,
    %swap3A_404 = arith.constant 64 : index
    %swap3A_405 = tpu.vector_load %arg9[%swap3A_404] {strides = array<i32>} : memref<128xi32, #tpu.memory_space<vmem>>, vector<16xi32>,
    tpu.vector_store %arg9[%swap3A_404], %gather3A_403 {strides = array<i32>} : memref<128xi32, #tpu.memory_space<vmem>>, vector<16xi32>,
    %add3A_406 = arith.constant 80 : i32
    %add3A_407 = vector.broadcast %add3A_406 : i32 to vector<16xi32>
    %add3A_408 = arith.addi %iota3A, %add3A_407 : vector<16xi32>
    %mul3A_409 = arith.constant 200 : i32
    %mul3A_410 = vector.broadcast %mul3A_409 : i32 to vector<16xi32>
    %mul3A_411 = arith.muli %add3A_408, %mul3A_410 : vector<16xi32>
    %add3A_412 = arith.constant 3 : i32
    %add3A_413 = vector.broadcast %add3A_412 : i32 to vector<16xi32>
    %add3A_414 = arith.addi %mul3A_411, %add3A_413 : vector<16xi32>
    %gather3A_415 = tpu.vector_load_idx %arg5[%add3A_414] : memref<25600xi32, #tpu.memory_space<vmem>>[vector<16xi32>], vector<16xi32>,
    %swap3A_416 = arith.constant 80 : index
    %swap3A_417 = tpu.vector_load %arg9[%swap3A_416] {strides = array<i32>} : memref<128xi32, #tpu.memory_space<vmem>>, vector<16xi32>,
    tpu.vector_store %arg9[%swap3A_416], %gather3A_415 {strides = array<i32>} : memref<128xi32, #tpu.memory_space<vmem>>, vector<16xi32>,
    %add3A_418 = arith.constant 96 : i32
    %add3A_419 = vector.broadcast %add3A_418 : i32 to vector<16xi32>
    %add3A_420 = arith.addi %iota3A, %add3A_419 : vector<16xi32>
    %mul3A_421 = arith.constant 200 : i32
    %mul3A_422 = vector.broadcast %mul3A_421 : i32 to vector<16xi32>
    %mul3A_423 = arith.muli %add3A_420, %mul3A_422 : vector<16xi32>
    %add3A_424 = arith.constant 3 : i32
    %add3A_425 = vector.broadcast %add3A_424 : i32 to vector<16xi32>
    %add3A_426 = arith.addi %mul3A_423, %add3A_425 : vector<16xi32>
    %gather3A_427 = tpu.vector_load_idx %arg5[%add3A_426] : memref<25600xi32, #tpu.memory_space<vmem>>[vector<16xi32>], vector<16xi32>,
    %swap3A_428 = arith.constant 96 : index
    %swap3A_429 = tpu.vector_load %arg9[%swap3A_428] {strides = array<i32>} : memref<128xi32, #tpu.memory_space<vmem>>, vector<16xi32>,
    tpu.vector_store %arg9[%swap3A_428], %gather3A_427 {strides = array<i32>} : memref<128xi32, #tpu.memory_space<vmem>>, vector<16xi32>,
    %add3A_430 = arith.constant 112 : i32
    %add3A_431 = vector.broadcast %add3A_430 : i32 to vector<16xi32>
    %add3A_432 = arith.addi %iota3A, %add3A_431 : vector<16xi32>
    %mul3A_433 = arith.constant 200 : i32
    %mul3A_434 = vector.broadcast %mul3A_433 : i32 to vector<16xi32>
    %mul3A_435 = arith.muli %add3A_432, %mul3A_434 : vector<16xi32>
    %add3A_436 = arith.constant 3 : i32
    %add3A_437 = vector.broadcast %add3A_436 : i32 to vector<16xi32>
    %add3A_438 = arith.addi %mul3A_435, %add3A_437 : vector<16xi32>
    %gather3A_439 = tpu.vector_load_idx %arg5[%add3A_438] : memref<25600xi32, #tpu.memory_space<vmem>>[vector<16xi32>], vector<16xi32>,
    %swap3A_440 = arith.constant 112 : index
    %swap3A_441 = tpu.vector_load %arg9[%swap3A_440] {strides = array<i32>} : memref<128xi32, #tpu.memory_space<vmem>>, vector<16xi32>,
    tpu.vector_store %arg9[%swap3A_440], %gather3A_439 {strides = array<i32>} : memref<128xi32, #tpu.memory_space<vmem>>, vector<16xi32>,
    %dma_start3A_442 = arith.constant 64 : i32
    %dma_start3A_443 = arith.constant 0 : i32
    %dma_start3A_444 = tpu.memref_slice %arg13[%dma_start3A_442, %dma_start3A_443] : memref<128x128xf32, #tpu.memory_space<vmem>> -> memref<64x128xf32, #tpu.memory_space<vmem>>
    %dma_start3A_445 = arith.constant 64 : i32
    %dma_start3A_446 = tpu.memref_slice %arg9[%dma_start3A_445] : memref<128xi32, #tpu.memory_space<vmem>> -> memref<64xi32, #tpu.memory_space<vmem>>
    %dma_start3A_447 = arith.constant 0 : i32
    %dma_start3A_448 = arith.constant 0 : i32
    %dma_start3A_449 = tpu.memref_slice %arg3[%dma_start3A_447, %dma_start3A_448] : memref<100000x128xf32, #tpu.memory_space<hbm>> -> memref<100000x128xf32, #tpu.memory_space<hbm>>
    tpu.enqueue_indirect_dma source(%dma_start3A_449 : memref<100000x128xf32, #tpu.memory_space<hbm>>) target(%dma_start3A_444 : memref<64x128xf32, #tpu.memory_space<vmem>>) offsets(%dma_start3A_446 : memref<64xi32, #tpu.memory_space<vmem>>) semaphore(%arg21 : memref<!tpu.dma_semaphore, #tpu.memory_space<semaphore_mem>>)
    %scan3A = arith.constant 0 : i32
    %scan3A_450 = arith.constant 50 : i32
    %scan3A_451 = arith.addi %scan3A, %scan3A_450 : i32
    %scan3A_452 = arith.constant 1 : i32
    scf.for %scan3A_481 = %scan3A to %scan3A_451 step %scan3A_452  : i32 {
      %mul3A_482 = arith.constant 1 : i32
      %mul3A_483 = arith.muli %scan3A_481, %mul3A_482 : i32
      %add3A_484 = arith.constant 0 : i32
      %add3A_485 = arith.addi %add3A_484, %mul3A_483 : i32
      %mul3A_486 = arith.constant 4 : i32
      %mul3A_487 = arith.muli %add3A_485, %mul3A_486 : i32
      %add3A_488 = arith.constant 0 : i32
      %add3A_489 = arith.addi %mul3A_487, %add3A_488 : i32
      %dma_wait3A_490 = arith.constant 0 : i32
      %dma_wait3A_491 = arith.constant 0 : i32
      %dma_wait3A_492 = tpu.memref_slice %arg3[%dma_wait3A_490, %dma_wait3A_491] : memref<100000x128xf32, #tpu.memory_space<hbm>> -> memref<128x128xf32, #tpu.memory_space<hbm>>
      %dma_wait3A_493 = arith.constant 0 : i32
      %dma_wait3A_494 = arith.constant 0 : i32
      %dma_wait3A_495 = tpu.memref_slice %arg3[%dma_wait3A_493, %dma_wait3A_494] : memref<100000x128xf32, #tpu.memory_space<hbm>> -> memref<128x128xf32, #tpu.memory_space<hbm>>
      tpu.wait_dma2 semaphore(%arg18 : memref<!tpu.dma_semaphore, #tpu.memory_space<semaphore_mem>>) src(%dma_wait3A_495 : memref<128x128xf32, #tpu.memory_space<hbm>>) dst(%arg10 : memref<128x128xf32, #tpu.memory_space<vmem>>)
      %ge3A = arith.constant 4 : i32
      %ge3A_496 = arith.cmpi sge, %add3A_489, %ge3A : i32
      %convert_element_type3A = arith.extui %ge3A_496 : i1 to i32
      %cond3A = arith.constant 0 : i32
      %cond3A_497 = arith.cmpi ne, %convert_element_type3A, %cond3A : i32
      scf.if %cond3A_497 {
        %dma_wait3A_689 = arith.constant 0 : i32
        %dma_wait3A_690 = arith.constant 0 : i32
        %dma_wait3A_691 = tpu.memref_slice %arg4[%dma_wait3A_689, %dma_wait3A_690, %mul3A_2] : memref<200x64x4096xf32, #tpu.memory_space<hbm>> -> memref<1x64x128xf32, #tpu.memory_space<hbm>>
        %dma_wait3A_692 = tpu.memref_squeeze %dma_wait3A_691 : memref<1x64x128xf32, #tpu.memory_space<hbm>> -> memref<64x128xf32, #tpu.memory_space<hbm>>
        %dma_wait3A_693 = arith.constant 0 : i32
        %dma_wait3A_694 = tpu.memref_slice %arg4[%dma_wait3A_689, %dma_wait3A_693, %mul3A_2] : memref<200x64x4096xf32, #tpu.memory_space<hbm>> -> memref<1x64x128xf32, #tpu.memory_space<hbm>>
        %dma_wait3A_695 = tpu.memref_squeeze %dma_wait3A_694 : memref<1x64x128xf32, #tpu.memory_space<hbm>> -> memref<64x128xf32, #tpu.memory_space<hbm>>
        tpu.wait_dma2 semaphore(%arg22 : memref<!tpu.dma_semaphore, #tpu.memory_space<semaphore_mem>>) src(%arg14 : memref<64x128xf32, #tpu.memory_space<vmem>>) dst(%dma_wait3A_695 : memref<64x128xf32, #tpu.memory_space<hbm>>)
      } else {
      }
      %parallel_loop3A = arith.constant 0 : i32
      %parallel_loop3A_498 = arith.constant 16 : i32
      %parallel_loop3A_499 = arith.constant 1 : i32
      scf.for %parallel_loop3A_689 = %parallel_loop3A to %parallel_loop3A_498 step %parallel_loop3A_499  : i32 {
        %parallel_loop3A_690 = vector.broadcast %parallel_loop3A_689 : i32 to vector<16xi32>
        %parallel_loop3A_691 = arith.addi %iota3A, %parallel_loop3A_690 : vector<16xi32>
        %parallel_loop3A_692 = arith.constant 15 : i32
        %parallel_loop3A_693 = vector.broadcast %parallel_loop3A_692 : i32 to vector<16xi32>
        %parallel_loop3A_694 = arith.andi %parallel_loop3A_691, %parallel_loop3A_693 : vector<16xi32>
        %parallel_loop3A_695 = arith.constant 0 : i32
        %parallel_loop3A_696 = vector.broadcast %parallel_loop3A_695 : i32 to vector<16xi32>
        %parallel_loop3A_697 = arith.addi %parallel_loop3A_694, %parallel_loop3A_696 : vector<16xi32>
        %parallel_loop3A_698 = arith.constant 0 : i32
        %parallel_loop3A_699 = vector.broadcast %parallel_loop3A_698 : i32 to vector<16xi32>
        %parallel_loop3A_700 = arith.addi %iota3A, %parallel_loop3A_699 : vector<16xi32>
        %parallel_loop3A_701 = tpu.vector_load_idx %arg10[%parallel_loop3A_697, %parallel_loop3A_700] : memref<128x128xf32, #tpu.memory_space<vmem>>[vector<16xi32>, vector<16xi32>], vector<16xf32>,
        tpu.vector_store_idx %arg14[%parallel_loop3A_700, %parallel_loop3A_697], %parallel_loop3A_701 : memref<64x128xf32, #tpu.memory_space<vmem>>[vector<16xi32>, vector<16xi32>], vector<16xf32>,
        %parallel_loop3A_702 = arith.constant 16 : i32
        %parallel_loop3A_703 = vector.broadcast %parallel_loop3A_702 : i32 to vector<16xi32>
        %parallel_loop3A_704 = arith.addi %iota3A, %parallel_loop3A_703 : vector<16xi32>
        %parallel_loop3A_705 = tpu.vector_load_idx %arg10[%parallel_loop3A_697, %parallel_loop3A_704] : memref<128x128xf32, #tpu.memory_space<vmem>>[vector<16xi32>, vector<16xi32>], vector<16xf32>,
        tpu.vector_store_idx %arg14[%parallel_loop3A_704, %parallel_loop3A_697], %parallel_loop3A_705 : memref<64x128xf32, #tpu.memory_space<vmem>>[vector<16xi32>, vector<16xi32>], vector<16xf32>,
        %parallel_loop3A_706 = arith.constant 16 : i32
        %parallel_loop3A_707 = vector.broadcast %parallel_loop3A_706 : i32 to vector<16xi32>
        %parallel_loop3A_708 = arith.addi %parallel_loop3A_694, %parallel_loop3A_707 : vector<16xi32>
        %parallel_loop3A_709 = arith.constant 0 : i32
        %parallel_loop3A_710 = vector.broadcast %parallel_loop3A_709 : i32 to vector<16xi32>
        %parallel_loop3A_711 = arith.addi %iota3A, %parallel_loop3A_710 : vector<16xi32>
        %parallel_loop3A_712 = tpu.vector_load_idx %arg10[%parallel_loop3A_708, %parallel_loop3A_711] : memref<128x128xf32, #tpu.memory_space<vmem>>[vector<16xi32>, vector<16xi32>], vector<16xf32>,
        tpu.vector_store_idx %arg14[%parallel_loop3A_711, %parallel_loop3A_708], %parallel_loop3A_712 : memref<64x128xf32, #tpu.memory_space<vmem>>[vector<16xi32>, vector<16xi32>], vector<16xf32>,
        %parallel_loop3A_713 = arith.constant 16 : i32
        %parallel_loop3A_714 = vector.broadcast %parallel_loop3A_713 : i32 to vector<16xi32>
        %parallel_loop3A_715 = arith.addi %iota3A, %parallel_loop3A_714 : vector<16xi32>
        %parallel_loop3A_716 = tpu.vector_load_idx %arg10[%parallel_loop3A_708, %parallel_loop3A_715] : memref<128x128xf32, #tpu.memory_space<vmem>>[vector<16xi32>, vector<16xi32>], vector<16xf32>,
        tpu.vector_store_idx %arg14[%parallel_loop3A_715, %parallel_loop3A_708], %parallel_loop3A_716 : memref<64x128xf32, #tpu.memory_space<vmem>>[vector<16xi32>, vector<16xi32>], vector<16xf32>,
        %parallel_loop3A_717 = arith.constant 32 : i32
        %parallel_loop3A_718 = vector.broadcast %parallel_loop3A_717 : i32 to vector<16xi32>
        %parallel_loop3A_719 = arith.addi %parallel_loop3A_694, %parallel_loop3A_718 : vector<16xi32>
        %parallel_loop3A_720 = arith.constant 0 : i32
        %parallel_loop3A_721 = vector.broadcast %parallel_loop3A_720 : i32 to vector<16xi32>
        %parallel_loop3A_722 = arith.addi %iota3A, %parallel_loop3A_721 : vector<16xi32>
        %parallel_loop3A_723 = tpu.vector_load_idx %arg10[%parallel_loop3A_719, %parallel_loop3A_722] : memref<128x128xf32, #tpu.memory_space<vmem>>[vector<16xi32>, vector<16xi32>], vector<16xf32>,
        tpu.vector_store_idx %arg14[%parallel_loop3A_722, %parallel_loop3A_719], %parallel_loop3A_723 : memref<64x128xf32, #tpu.memory_space<vmem>>[vector<16xi32>, vector<16xi32>], vector<16xf32>,
        %parallel_loop3A_724 = arith.constant 16 : i32
        %parallel_loop3A_725 = vector.broadcast %parallel_loop3A_724 : i32 to vector<16xi32>
        %parallel_loop3A_726 = arith.addi %iota3A, %parallel_loop3A_725 : vector<16xi32>
        %parallel_loop3A_727 = tpu.vector_load_idx %arg10[%parallel_loop3A_719, %parallel_loop3A_726] : memref<128x128xf32, #tpu.memory_space<vmem>>[vector<16xi32>, vector<16xi32>], vector<16xf32>,
        tpu.vector_store_idx %arg14[%parallel_loop3A_726, %parallel_loop3A_719], %parallel_loop3A_727 : memref<64x128xf32, #tpu.memory_space<vmem>>[vector<16xi32>, vector<16xi32>], vector<16xf32>,
        %parallel_loop3A_728 = arith.constant 48 : i32
        %parallel_loop3A_729 = vector.broadcast %parallel_loop3A_728 : i32 to vector<16xi32>
        %parallel_loop3A_730 = arith.addi %parallel_loop3A_694, %parallel_loop3A_729 : vector<16xi32>
        %parallel_loop3A_731 = arith.constant 0 : i32
        %parallel_loop3A_732 = vector.broadcast %parallel_loop3A_731 : i32 to vector<16xi32>
        %parallel_loop3A_733 = arith.addi %iota3A, %parallel_loop3A_732 : vector<16xi32>
        %parallel_loop3A_734 = tpu.vector_load_idx %arg10[%parallel_loop3A_730, %parallel_loop3A_733] : memref<128x128xf32, #tpu.memory_space<vmem>>[vector<16xi32>, vector<16xi32>], vector<16xf32>,
        tpu.vector_store_idx %arg14[%parallel_loop3A_733, %parallel_loop3A_730], %parallel_loop3A_734 : memref<64x128xf32, #tpu.memory_space<vmem>>[vector<16xi32>, vector<16xi32>], vector<16xf32>,
        %parallel_loop3A_735 = arith.constant 16 : i32
        %parallel_loop3A_736 = vector.broadcast %parallel_loop3A_735 : i32 to vector<16xi32>
        %parallel_loop3A_737 = arith.addi %iota3A, %parallel_loop3A_736 : vector<16xi32>
        %parallel_loop3A_738 = tpu.vector_load_idx %arg10[%parallel_loop3A_730, %parallel_loop3A_737] : memref<128x128xf32, #tpu.memory_space<vmem>>[vector<16xi32>, vector<16xi32>], vector<16xf32>,
        tpu.vector_store_idx %arg14[%parallel_loop3A_737, %parallel_loop3A_730], %parallel_loop3A_738 : memref<64x128xf32, #tpu.memory_space<vmem>>[vector<16xi32>, vector<16xi32>], vector<16xf32>,
        %parallel_loop3A_739 = arith.constant 64 : i32
        %parallel_loop3A_740 = vector.broadcast %parallel_loop3A_739 : i32 to vector<16xi32>
        %parallel_loop3A_741 = arith.addi %parallel_loop3A_694, %parallel_loop3A_740 : vector<16xi32>
        %parallel_loop3A_742 = arith.constant 0 : i32
        %parallel_loop3A_743 = vector.broadcast %parallel_loop3A_742 : i32 to vector<16xi32>
        %parallel_loop3A_744 = arith.addi %iota3A, %parallel_loop3A_743 : vector<16xi32>
        %parallel_loop3A_745 = tpu.vector_load_idx %arg10[%parallel_loop3A_741, %parallel_loop3A_744] : memref<128x128xf32, #tpu.memory_space<vmem>>[vector<16xi32>, vector<16xi32>], vector<16xf32>,
        tpu.vector_store_idx %arg14[%parallel_loop3A_744, %parallel_loop3A_741], %parallel_loop3A_745 : memref<64x128xf32, #tpu.memory_space<vmem>>[vector<16xi32>, vector<16xi32>], vector<16xf32>,
        %parallel_loop3A_746 = arith.constant 16 : i32
        %parallel_loop3A_747 = vector.broadcast %parallel_loop3A_746 : i32 to vector<16xi32>
        %parallel_loop3A_748 = arith.addi %iota3A, %parallel_loop3A_747 : vector<16xi32>
        %parallel_loop3A_749 = tpu.vector_load_idx %arg10[%parallel_loop3A_741, %parallel_loop3A_748] : memref<128x128xf32, #tpu.memory_space<vmem>>[vector<16xi32>, vector<16xi32>], vector<16xf32>,
        tpu.vector_store_idx %arg14[%parallel_loop3A_748, %parallel_loop3A_741], %parallel_loop3A_749 : memref<64x128xf32, #tpu.memory_space<vmem>>[vector<16xi32>, vector<16xi32>], vector<16xf32>,
        %parallel_loop3A_750 = arith.constant 80 : i32
        %parallel_loop3A_751 = vector.broadcast %parallel_loop3A_750 : i32 to vector<16xi32>
        %parallel_loop3A_752 = arith.addi %parallel_loop3A_694, %parallel_loop3A_751 : vector<16xi32>
        %parallel_loop3A_753 = arith.constant 0 : i32
        %parallel_loop3A_754 = vector.broadcast %parallel_loop3A_753 : i32 to vector<16xi32>
        %parallel_loop3A_755 = arith.addi %iota3A, %parallel_loop3A_754 : vector<16xi32>
        %parallel_loop3A_756 = tpu.vector_load_idx %arg10[%parallel_loop3A_752, %parallel_loop3A_755] : memref<128x128xf32, #tpu.memory_space<vmem>>[vector<16xi32>, vector<16xi32>], vector<16xf32>,
        tpu.vector_store_idx %arg14[%parallel_loop3A_755, %parallel_loop3A_752], %parallel_loop3A_756 : memref<64x128xf32, #tpu.memory_space<vmem>>[vector<16xi32>, vector<16xi32>], vector<16xf32>,
        %parallel_loop3A_757 = arith.constant 16 : i32
        %parallel_loop3A_758 = vector.broadcast %parallel_loop3A_757 : i32 to vector<16xi32>
        %parallel_loop3A_759 = arith.addi %iota3A, %parallel_loop3A_758 : vector<16xi32>
        %parallel_loop3A_760 = tpu.vector_load_idx %arg10[%parallel_loop3A_752, %parallel_loop3A_759] : memref<128x128xf32, #tpu.memory_space<vmem>>[vector<16xi32>, vector<16xi32>], vector<16xf32>,
        tpu.vector_store_idx %arg14[%parallel_loop3A_759, %parallel_loop3A_752], %parallel_loop3A_760 : memref<64x128xf32, #tpu.memory_space<vmem>>[vector<16xi32>, vector<16xi32>], vector<16xf32>,
        %parallel_loop3A_761 = arith.constant 96 : i32
        %parallel_loop3A_762 = vector.broadcast %parallel_loop3A_761 : i32 to vector<16xi32>
        %parallel_loop3A_763 = arith.addi %parallel_loop3A_694, %parallel_loop3A_762 : vector<16xi32>
        %parallel_loop3A_764 = arith.constant 0 : i32
        %parallel_loop3A_765 = vector.broadcast %parallel_loop3A_764 : i32 to vector<16xi32>
        %parallel_loop3A_766 = arith.addi %iota3A, %parallel_loop3A_765 : vector<16xi32>
        %parallel_loop3A_767 = tpu.vector_load_idx %arg10[%parallel_loop3A_763, %parallel_loop3A_766] : memref<128x128xf32, #tpu.memory_space<vmem>>[vector<16xi32>, vector<16xi32>], vector<16xf32>,
        tpu.vector_store_idx %arg14[%parallel_loop3A_766, %parallel_loop3A_763], %parallel_loop3A_767 : memref<64x128xf32, #tpu.memory_space<vmem>>[vector<16xi32>, vector<16xi32>], vector<16xf32>,
        %parallel_loop3A_768 = arith.constant 16 : i32
        %parallel_loop3A_769 = vector.broadcast %parallel_loop3A_768 : i32 to vector<16xi32>
        %parallel_loop3A_770 = arith.addi %iota3A, %parallel_loop3A_769 : vector<16xi32>
        %parallel_loop3A_771 = tpu.vector_load_idx %arg10[%parallel_loop3A_763, %parallel_loop3A_770] : memref<128x128xf32, #tpu.memory_space<vmem>>[vector<16xi32>, vector<16xi32>], vector<16xf32>,
        tpu.vector_store_idx %arg14[%parallel_loop3A_770, %parallel_loop3A_763], %parallel_loop3A_771 : memref<64x128xf32, #tpu.memory_space<vmem>>[vector<16xi32>, vector<16xi32>], vector<16xf32>,
        %parallel_loop3A_772 = arith.constant 112 : i32
        %parallel_loop3A_773 = vector.broadcast %parallel_loop3A_772 : i32 to vector<16xi32>
        %parallel_loop3A_774 = arith.addi %parallel_loop3A_694, %parallel_loop3A_773 : vector<16xi32>
        %parallel_loop3A_775 = arith.constant 0 : i32
        %parallel_loop3A_776 = vector.broadcast %parallel_loop3A_775 : i32 to vector<16xi32>
        %parallel_loop3A_777 = arith.addi %iota3A, %parallel_loop3A_776 : vector<16xi32>
        %parallel_loop3A_778 = tpu.vector_load_idx %arg10[%parallel_loop3A_774, %parallel_loop3A_777] : memref<128x128xf32, #tpu.memory_space<vmem>>[vector<16xi32>, vector<16xi32>], vector<16xf32>,
        tpu.vector_store_idx %arg14[%parallel_loop3A_777, %parallel_loop3A_774], %parallel_loop3A_778 : memref<64x128xf32, #tpu.memory_space<vmem>>[vector<16xi32>, vector<16xi32>], vector<16xf32>,
        %parallel_loop3A_779 = arith.constant 16 : i32
        %parallel_loop3A_780 = vector.broadcast %parallel_loop3A_779 : i32 to vector<16xi32>
        %parallel_loop3A_781 = arith.addi %iota3A, %parallel_loop3A_780 : vector<16xi32>
        %parallel_loop3A_782 = tpu.vector_load_idx %arg10[%parallel_loop3A_774, %parallel_loop3A_781] : memref<128x128xf32, #tpu.memory_space<vmem>>[vector<16xi32>, vector<16xi32>], vector<16xf32>,
        tpu.vector_store_idx %arg14[%parallel_loop3A_781, %parallel_loop3A_774], %parallel_loop3A_782 : memref<64x128xf32, #tpu.memory_space<vmem>>[vector<16xi32>, vector<16xi32>], vector<16xf32>,
      } {sc.loop_unroll_factor = 8 : i64, sc.parallel_access}
      %dma_start3A_500 = arith.constant 0 : i32
      %dma_start3A_501 = arith.constant 0 : i32
      %dma_start3A_502 = tpu.memref_slice %arg14[%dma_start3A_500, %dma_start3A_501] : memref<64x128xf32, #tpu.memory_space<vmem>> -> memref<32x128xf32, #tpu.memory_space<vmem>>
      %dma_start3A_503 = arith.constant 0 : i32
      %dma_start3A_504 = tpu.memref_slice %arg4[%add3A_489, %dma_start3A_503, %mul3A_2] : memref<200x64x4096xf32, #tpu.memory_space<hbm>> -> memref<1x32x128xf32, #tpu.memory_space<hbm>>
      %dma_start3A_505 = tpu.memref_squeeze %dma_start3A_504 : memref<1x32x128xf32, #tpu.memory_space<hbm>> -> memref<32x128xf32, #tpu.memory_space<hbm>>
      %dma_start3A_506 = arith.constant 0 : i32
      %dma_start3A_507 = tpu.memref_slice %arg4[%add3A_489, %dma_start3A_506, %mul3A_2] : memref<200x64x4096xf32, #tpu.memory_space<hbm>> -> memref<1x32x128xf32, #tpu.memory_space<hbm>>
      %dma_start3A_508 = tpu.memref_squeeze %dma_start3A_507 : memref<1x32x128xf32, #tpu.memory_space<hbm>> -> memref<32x128xf32, #tpu.memory_space<hbm>>
      %dma_start3A_509 = arith.constant 0 : i32
      %dma_start3A_510 = arith.constant 0 : i32
      %dma_start3A_511 = tpu.memref_slice %arg14[%dma_start3A_509, %dma_start3A_510] : memref<64x128xf32, #tpu.memory_space<vmem>> -> memref<32x128xf32, #tpu.memory_space<vmem>>
      tpu.enqueue_dma source(%dma_start3A_511 : memref<32x128xf32, #tpu.memory_space<vmem>>) target(%dma_start3A_508 : memref<32x128xf32, #tpu.memory_space<hbm>>) target_semaphore(%arg22 : memref<!tpu.dma_semaphore, #tpu.memory_space<semaphore_mem>>)
      %parallel_loop3A_512 = arith.constant 0 : i32
      %parallel_loop3A_513 = arith.constant 16 : i32
      %parallel_loop3A_514 = arith.constant 1 : i32
      scf.for %parallel_loop3A_689 = %parallel_loop3A_512 to %parallel_loop3A_513 step %parallel_loop3A_514  : i32 {
        %parallel_loop3A_690 = vector.broadcast %parallel_loop3A_689 : i32 to vector<16xi32>
        %parallel_loop3A_691 = arith.addi %iota3A, %parallel_loop3A_690 : vector<16xi32>
        %parallel_loop3A_692 = arith.constant 15 : i32
        %parallel_loop3A_693 = vector.broadcast %parallel_loop3A_692 : i32 to vector<16xi32>
        %parallel_loop3A_694 = arith.andi %parallel_loop3A_691, %parallel_loop3A_693 : vector<16xi32>
        %parallel_loop3A_695 = arith.constant 0 : i32
        %parallel_loop3A_696 = vector.broadcast %parallel_loop3A_695 : i32 to vector<16xi32>
        %parallel_loop3A_697 = arith.addi %parallel_loop3A_694, %parallel_loop3A_696 : vector<16xi32>
        %parallel_loop3A_698 = arith.constant 32 : i32
        %parallel_loop3A_699 = vector.broadcast %parallel_loop3A_698 : i32 to vector<16xi32>
        %parallel_loop3A_700 = arith.addi %iota3A, %parallel_loop3A_699 : vector<16xi32>
        %parallel_loop3A_701 = tpu.vector_load_idx %arg10[%parallel_loop3A_697, %parallel_loop3A_700] : memref<128x128xf32, #tpu.memory_space<vmem>>[vector<16xi32>, vector<16xi32>], vector<16xf32>,
        tpu.vector_store_idx %arg14[%parallel_loop3A_700, %parallel_loop3A_697], %parallel_loop3A_701 : memref<64x128xf32, #tpu.memory_space<vmem>>[vector<16xi32>, vector<16xi32>], vector<16xf32>,
        %parallel_loop3A_702 = arith.constant 48 : i32
        %parallel_loop3A_703 = vector.broadcast %parallel_loop3A_702 : i32 to vector<16xi32>
        %parallel_loop3A_704 = arith.addi %iota3A, %parallel_loop3A_703 : vector<16xi32>
        %parallel_loop3A_705 = tpu.vector_load_idx %arg10[%parallel_loop3A_697, %parallel_loop3A_704] : memref<128x128xf32, #tpu.memory_space<vmem>>[vector<16xi32>, vector<16xi32>], vector<16xf32>,
        tpu.vector_store_idx %arg14[%parallel_loop3A_704, %parallel_loop3A_697], %parallel_loop3A_705 : memref<64x128xf32, #tpu.memory_space<vmem>>[vector<16xi32>, vector<16xi32>], vector<16xf32>,
        %parallel_loop3A_706 = arith.constant 16 : i32
        %parallel_loop3A_707 = vector.broadcast %parallel_loop3A_706 : i32 to vector<16xi32>
        %parallel_loop3A_708 = arith.addi %parallel_loop3A_694, %parallel_loop3A_707 : vector<16xi32>
        %parallel_loop3A_709 = arith.constant 32 : i32
        %parallel_loop3A_710 = vector.broadcast %parallel_loop3A_709 : i32 to vector<16xi32>
        %parallel_loop3A_711 = arith.addi %iota3A, %parallel_loop3A_710 : vector<16xi32>
        %parallel_loop3A_712 = tpu.vector_load_idx %arg10[%parallel_loop3A_708, %parallel_loop3A_711] : memref<128x128xf32, #tpu.memory_space<vmem>>[vector<16xi32>, vector<16xi32>], vector<16xf32>,
        tpu.vector_store_idx %arg14[%parallel_loop3A_711, %parallel_loop3A_708], %parallel_loop3A_712 : memref<64x128xf32, #tpu.memory_space<vmem>>[vector<16xi32>, vector<16xi32>], vector<16xf32>,
        %parallel_loop3A_713 = arith.constant 48 : i32
        %parallel_loop3A_714 = vector.broadcast %parallel_loop3A_713 : i32 to vector<16xi32>
        %parallel_loop3A_715 = arith.addi %iota3A, %parallel_loop3A_714 : vector<16xi32>
        %parallel_loop3A_716 = tpu.vector_load_idx %arg10[%parallel_loop3A_708, %parallel_loop3A_715] : memref<128x128xf32, #tpu.memory_space<vmem>>[vector<16xi32>, vector<16xi32>], vector<16xf32>,
        tpu.vector_store_idx %arg14[%parallel_loop3A_715, %parallel_loop3A_708], %parallel_loop3A_716 : memref<64x128xf32, #tpu.memory_space<vmem>>[vector<16xi32>, vector<16xi32>], vector<16xf32>,
        %parallel_loop3A_717 = arith.constant 32 : i32
        %parallel_loop3A_718 = vector.broadcast %parallel_loop3A_717 : i32 to vector<16xi32>
        %parallel_loop3A_719 = arith.addi %parallel_loop3A_694, %parallel_loop3A_718 : vector<16xi32>
        %parallel_loop3A_720 = arith.constant 32 : i32
        %parallel_loop3A_721 = vector.broadcast %parallel_loop3A_720 : i32 to vector<16xi32>
        %parallel_loop3A_722 = arith.addi %iota3A, %parallel_loop3A_721 : vector<16xi32>
        %parallel_loop3A_723 = tpu.vector_load_idx %arg10[%parallel_loop3A_719, %parallel_loop3A_722] : memref<128x128xf32, #tpu.memory_space<vmem>>[vector<16xi32>, vector<16xi32>], vector<16xf32>,
        tpu.vector_store_idx %arg14[%parallel_loop3A_722, %parallel_loop3A_719], %parallel_loop3A_723 : memref<64x128xf32, #tpu.memory_space<vmem>>[vector<16xi32>, vector<16xi32>], vector<16xf32>,
        %parallel_loop3A_724 = arith.constant 48 : i32
        %parallel_loop3A_725 = vector.broadcast %parallel_loop3A_724 : i32 to vector<16xi32>
        %parallel_loop3A_726 = arith.addi %iota3A, %parallel_loop3A_725 : vector<16xi32>
        %parallel_loop3A_727 = tpu.vector_load_idx %arg10[%parallel_loop3A_719, %parallel_loop3A_726] : memref<128x128xf32, #tpu.memory_space<vmem>>[vector<16xi32>, vector<16xi32>], vector<16xf32>,
        tpu.vector_store_idx %arg14[%parallel_loop3A_726, %parallel_loop3A_719], %parallel_loop3A_727 : memref<64x128xf32, #tpu.memory_space<vmem>>[vector<16xi32>, vector<16xi32>], vector<16xf32>,
        %parallel_loop3A_728 = arith.constant 48 : i32
        %parallel_loop3A_729 = vector.broadcast %parallel_loop3A_728 : i32 to vector<16xi32>
        %parallel_loop3A_730 = arith.addi %parallel_loop3A_694, %parallel_loop3A_729 : vector<16xi32>
        %parallel_loop3A_731 = arith.constant 32 : i32
        %parallel_loop3A_732 = vector.broadcast %parallel_loop3A_731 : i32 to vector<16xi32>
        %parallel_loop3A_733 = arith.addi %iota3A, %parallel_loop3A_732 : vector<16xi32>
        %parallel_loop3A_734 = tpu.vector_load_idx %arg10[%parallel_loop3A_730, %parallel_loop3A_733] : memref<128x128xf32, #tpu.memory_space<vmem>>[vector<16xi32>, vector<16xi32>], vector<16xf32>,
        tpu.vector_store_idx %arg14[%parallel_loop3A_733, %parallel_loop3A_730], %parallel_loop3A_734 : memref<64x128xf32, #tpu.memory_space<vmem>>[vector<16xi32>, vector<16xi32>], vector<16xf32>,
        %parallel_loop3A_735 = arith.constant 48 : i32
        %parallel_loop3A_736 = vector.broadcast %parallel_loop3A_735 : i32 to vector<16xi32>
        %parallel_loop3A_737 = arith.addi %iota3A, %parallel_loop3A_736 : vector<16xi32>
        %parallel_loop3A_738 = tpu.vector_load_idx %arg10[%parallel_loop3A_730, %parallel_loop3A_737] : memref<128x128xf32, #tpu.memory_space<vmem>>[vector<16xi32>, vector<16xi32>], vector<16xf32>,
        tpu.vector_store_idx %arg14[%parallel_loop3A_737, %parallel_loop3A_730], %parallel_loop3A_738 : memref<64x128xf32, #tpu.memory_space<vmem>>[vector<16xi32>, vector<16xi32>], vector<16xf32>,
        %parallel_loop3A_739 = arith.constant 64 : i32
        %parallel_loop3A_740 = vector.broadcast %parallel_loop3A_739 : i32 to vector<16xi32>
        %parallel_loop3A_741 = arith.addi %parallel_loop3A_694, %parallel_loop3A_740 : vector<16xi32>
        %parallel_loop3A_742 = arith.constant 32 : i32
        %parallel_loop3A_743 = vector.broadcast %parallel_loop3A_742 : i32 to vector<16xi32>
        %parallel_loop3A_744 = arith.addi %iota3A, %parallel_loop3A_743 : vector<16xi32>
        %parallel_loop3A_745 = tpu.vector_load_idx %arg10[%parallel_loop3A_741, %parallel_loop3A_744] : memref<128x128xf32, #tpu.memory_space<vmem>>[vector<16xi32>, vector<16xi32>], vector<16xf32>,
        tpu.vector_store_idx %arg14[%parallel_loop3A_744, %parallel_loop3A_741], %parallel_loop3A_745 : memref<64x128xf32, #tpu.memory_space<vmem>>[vector<16xi32>, vector<16xi32>], vector<16xf32>,
        %parallel_loop3A_746 = arith.constant 48 : i32
        %parallel_loop3A_747 = vector.broadcast %parallel_loop3A_746 : i32 to vector<16xi32>
        %parallel_loop3A_748 = arith.addi %iota3A, %parallel_loop3A_747 : vector<16xi32>
        %parallel_loop3A_749 = tpu.vector_load_idx %arg10[%parallel_loop3A_741, %parallel_loop3A_748] : memref<128x128xf32, #tpu.memory_space<vmem>>[vector<16xi32>, vector<16xi32>], vector<16xf32>,
        tpu.vector_store_idx %arg14[%parallel_loop3A_748, %parallel_loop3A_741], %parallel_loop3A_749 : memref<64x128xf32, #tpu.memory_space<vmem>>[vector<16xi32>, vector<16xi32>], vector<16xf32>,
        %parallel_loop3A_750 = arith.constant 80 : i32
        %parallel_loop3A_751 = vector.broadcast %parallel_loop3A_750 : i32 to vector<16xi32>
        %parallel_loop3A_752 = arith.addi %parallel_loop3A_694, %parallel_loop3A_751 : vector<16xi32>
        %parallel_loop3A_753 = arith.constant 32 : i32
        %parallel_loop3A_754 = vector.broadcast %parallel_loop3A_753 : i32 to vector<16xi32>
        %parallel_loop3A_755 = arith.addi %iota3A, %parallel_loop3A_754 : vector<16xi32>
        %parallel_loop3A_756 = tpu.vector_load_idx %arg10[%parallel_loop3A_752, %parallel_loop3A_755] : memref<128x128xf32, #tpu.memory_space<vmem>>[vector<16xi32>, vector<16xi32>], vector<16xf32>,
        tpu.vector_store_idx %arg14[%parallel_loop3A_755, %parallel_loop3A_752], %parallel_loop3A_756 : memref<64x128xf32, #tpu.memory_space<vmem>>[vector<16xi32>, vector<16xi32>], vector<16xf32>,
        %parallel_loop3A_757 = arith.constant 48 : i32
        %parallel_loop3A_758 = vector.broadcast %parallel_loop3A_757 : i32 to vector<16xi32>
        %parallel_loop3A_759 = arith.addi %iota3A, %parallel_loop3A_758 : vector<16xi32>
        %parallel_loop3A_760 = tpu.vector_load_idx %arg10[%parallel_loop3A_752, %parallel_loop3A_759] : memref<128x128xf32, #tpu.memory_space<vmem>>[vector<16xi32>, vector<16xi32>], vector<16xf32>,
        tpu.vector_store_idx %arg14[%parallel_loop3A_759, %parallel_loop3A_752], %parallel_loop3A_760 : memref<64x128xf32, #tpu.memory_space<vmem>>[vector<16xi32>, vector<16xi32>], vector<16xf32>,
        %parallel_loop3A_761 = arith.constant 96 : i32
        %parallel_loop3A_762 = vector.broadcast %parallel_loop3A_761 : i32 to vector<16xi32>
        %parallel_loop3A_763 = arith.addi %parallel_loop3A_694, %parallel_loop3A_762 : vector<16xi32>
        %parallel_loop3A_764 = arith.constant 32 : i32
        %parallel_loop3A_765 = vector.broadcast %parallel_loop3A_764 : i32 to vector<16xi32>
        %parallel_loop3A_766 = arith.addi %iota3A, %parallel_loop3A_765 : vector<16xi32>
        %parallel_loop3A_767 = tpu.vector_load_idx %arg10[%parallel_loop3A_763, %parallel_loop3A_766] : memref<128x128xf32, #tpu.memory_space<vmem>>[vector<16xi32>, vector<16xi32>], vector<16xf32>,
        tpu.vector_store_idx %arg14[%parallel_loop3A_766, %parallel_loop3A_763], %parallel_loop3A_767 : memref<64x128xf32, #tpu.memory_space<vmem>>[vector<16xi32>, vector<16xi32>], vector<16xf32>,
        %parallel_loop3A_768 = arith.constant 48 : i32
        %parallel_loop3A_769 = vector.broadcast %parallel_loop3A_768 : i32 to vector<16xi32>
        %parallel_loop3A_770 = arith.addi %iota3A, %parallel_loop3A_769 : vector<16xi32>
        %parallel_loop3A_771 = tpu.vector_load_idx %arg10[%parallel_loop3A_763, %parallel_loop3A_770] : memref<128x128xf32, #tpu.memory_space<vmem>>[vector<16xi32>, vector<16xi32>], vector<16xf32>,
        tpu.vector_store_idx %arg14[%parallel_loop3A_770, %parallel_loop3A_763], %parallel_loop3A_771 : memref<64x128xf32, #tpu.memory_space<vmem>>[vector<16xi32>, vector<16xi32>], vector<16xf32>,
        %parallel_loop3A_772 = arith.constant 112 : i32
        %parallel_loop3A_773 = vector.broadcast %parallel_loop3A_772 : i32 to vector<16xi32>
        %parallel_loop3A_774 = arith.addi %parallel_loop3A_694, %parallel_loop3A_773 : vector<16xi32>
        %parallel_loop3A_775 = arith.constant 32 : i32
        %parallel_loop3A_776 = vector.broadcast %parallel_loop3A_775 : i32 to vector<16xi32>
        %parallel_loop3A_777 = arith.addi %iota3A, %parallel_loop3A_776 : vector<16xi32>
        %parallel_loop3A_778 = tpu.vector_load_idx %arg10[%parallel_loop3A_774, %parallel_loop3A_777] : memref<128x128xf32, #tpu.memory_space<vmem>>[vector<16xi32>, vector<16xi32>], vector<16xf32>,
        tpu.vector_store_idx %arg14[%parallel_loop3A_777, %parallel_loop3A_774], %parallel_loop3A_778 : memref<64x128xf32, #tpu.memory_space<vmem>>[vector<16xi32>, vector<16xi32>], vector<16xf32>,
        %parallel_loop3A_779 = arith.constant 48 : i32
        %parallel_loop3A_780 = vector.broadcast %parallel_loop3A_779 : i32 to vector<16xi32>
        %parallel_loop3A_781 = arith.addi %iota3A, %parallel_loop3A_780 : vector<16xi32>
        %parallel_loop3A_782 = tpu.vector_load_idx %arg10[%parallel_loop3A_774, %parallel_loop3A_781] : memref<128x128xf32, #tpu.memory_space<vmem>>[vector<16xi32>, vector<16xi32>], vector<16xf32>,
        tpu.vector_store_idx %arg14[%parallel_loop3A_781, %parallel_loop3A_774], %parallel_loop3A_782 : memref<64x128xf32, #tpu.memory_space<vmem>>[vector<16xi32>, vector<16xi32>], vector<16xf32>,
      } {sc.loop_unroll_factor = 8 : i64, sc.parallel_access}
      %dma_start3A_515 = arith.constant 32 : i32
      %dma_start3A_516 = arith.constant 0 : i32
      %dma_start3A_517 = tpu.memref_slice %arg14[%dma_start3A_515, %dma_start3A_516] : memref<64x128xf32, #tpu.memory_space<vmem>> -> memref<32x128xf32, #tpu.memory_space<vmem>>
      %dma_start3A_518 = arith.constant 32 : i32
      %dma_start3A_519 = tpu.memref_slice %arg4[%add3A_489, %dma_start3A_518, %mul3A_2] : memref<200x64x4096xf32, #tpu.memory_space<hbm>> -> memref<1x32x128xf32, #tpu.memory_space<hbm>>
      %dma_start3A_520 = tpu.memref_squeeze %dma_start3A_519 : memref<1x32x128xf32, #tpu.memory_space<hbm>> -> memref<32x128xf32, #tpu.memory_space<hbm>>
      %dma_start3A_521 = arith.constant 32 : i32
      %dma_start3A_522 = tpu.memref_slice %arg4[%add3A_489, %dma_start3A_521, %mul3A_2] : memref<200x64x4096xf32, #tpu.memory_space<hbm>> -> memref<1x32x128xf32, #tpu.memory_space<hbm>>
      %dma_start3A_523 = tpu.memref_squeeze %dma_start3A_522 : memref<1x32x128xf32, #tpu.memory_space<hbm>> -> memref<32x128xf32, #tpu.memory_space<hbm>>
      %dma_start3A_524 = arith.constant 32 : i32
      %dma_start3A_525 = arith.constant 0 : i32
      %dma_start3A_526 = tpu.memref_slice %arg14[%dma_start3A_524, %dma_start3A_525] : memref<64x128xf32, #tpu.memory_space<vmem>> -> memref<32x128xf32, #tpu.memory_space<vmem>>
      tpu.enqueue_dma source(%dma_start3A_526 : memref<32x128xf32, #tpu.memory_space<vmem>>) target(%dma_start3A_523 : memref<32x128xf32, #tpu.memory_space<hbm>>) target_semaphore(%arg22 : memref<!tpu.dma_semaphore, #tpu.memory_space<semaphore_mem>>)
      %add3A_527 = arith.constant 4 : i32
      %add3A_528 = arith.addi %add3A_489, %add3A_527 : i32
      %lt3A = arith.constant 200 : i32
      %lt3A_529 = arith.cmpi slt, %add3A_528, %lt3A : i32
      %convert_element_type3A_530 = arith.extui %lt3A_529 : i1 to i32
      %cond3A_531 = arith.constant 0 : i32
      %cond3A_532 = arith.cmpi ne, %convert_element_type3A_530, %cond3A_531 : i32
      scf.if %cond3A_532 {
        %add3A_689 = arith.constant 4 : i32
        %add3A_690 = arith.addi %add3A_489, %add3A_689 : i32
        %add3A_691 = arith.constant 0 : i32
        %add3A_692 = vector.broadcast %add3A_691 : i32 to vector<16xi32>
        %add3A_693 = arith.addi %iota3A, %add3A_692 : vector<16xi32>
        %mul3A_694 = arith.constant 200 : i32
        %mul3A_695 = vector.broadcast %mul3A_694 : i32 to vector<16xi32>
        %mul3A_696 = arith.muli %add3A_693, %mul3A_695 : vector<16xi32>
        %add3A_697 = vector.broadcast %add3A_690 : i32 to vector<16xi32>
        %add3A_698 = arith.addi %mul3A_696, %add3A_697 : vector<16xi32>
        %gather3A_699 = tpu.vector_load_idx %arg5[%add3A_698] : memref<25600xi32, #tpu.memory_space<vmem>>[vector<16xi32>], vector<16xi32>,
        %swap3A_700 = arith.constant 0 : index
        %swap3A_701 = tpu.vector_load %arg6[%swap3A_700] {strides = array<i32>} : memref<128xi32, #tpu.memory_space<vmem>>, vector<16xi32>,
        tpu.vector_store %arg6[%swap3A_700], %gather3A_699 {strides = array<i32>} : memref<128xi32, #tpu.memory_space<vmem>>, vector<16xi32>,
        %add3A_702 = arith.constant 16 : i32
        %add3A_703 = vector.broadcast %add3A_702 : i32 to vector<16xi32>
        %add3A_704 = arith.addi %iota3A, %add3A_703 : vector<16xi32>
        %mul3A_705 = arith.constant 200 : i32
        %mul3A_706 = vector.broadcast %mul3A_705 : i32 to vector<16xi32>
        %mul3A_707 = arith.muli %add3A_704, %mul3A_706 : vector<16xi32>
        %add3A_708 = vector.broadcast %add3A_690 : i32 to vector<16xi32>
        %add3A_709 = arith.addi %mul3A_707, %add3A_708 : vector<16xi32>
        %gather3A_710 = tpu.vector_load_idx %arg5[%add3A_709] : memref<25600xi32, #tpu.memory_space<vmem>>[vector<16xi32>], vector<16xi32>,
        %swap3A_711 = arith.constant 16 : index
        %swap3A_712 = tpu.vector_load %arg6[%swap3A_711] {strides = array<i32>} : memref<128xi32, #tpu.memory_space<vmem>>, vector<16xi32>,
        tpu.vector_store %arg6[%swap3A_711], %gather3A_710 {strides = array<i32>} : memref<128xi32, #tpu.memory_space<vmem>>, vector<16xi32>,
        %add3A_713 = arith.constant 32 : i32
        %add3A_714 = vector.broadcast %add3A_713 : i32 to vector<16xi32>
        %add3A_715 = arith.addi %iota3A, %add3A_714 : vector<16xi32>
        %mul3A_716 = arith.constant 200 : i32
        %mul3A_717 = vector.broadcast %mul3A_716 : i32 to vector<16xi32>
        %mul3A_718 = arith.muli %add3A_715, %mul3A_717 : vector<16xi32>
        %add3A_719 = vector.broadcast %add3A_690 : i32 to vector<16xi32>
        %add3A_720 = arith.addi %mul3A_718, %add3A_719 : vector<16xi32>
        %gather3A_721 = tpu.vector_load_idx %arg5[%add3A_720] : memref<25600xi32, #tpu.memory_space<vmem>>[vector<16xi32>], vector<16xi32>,
        %swap3A_722 = arith.constant 32 : index
        %swap3A_723 = tpu.vector_load %arg6[%swap3A_722] {strides = array<i32>} : memref<128xi32, #tpu.memory_space<vmem>>, vector<16xi32>,
        tpu.vector_store %arg6[%swap3A_722], %gather3A_721 {strides = array<i32>} : memref<128xi32, #tpu.memory_space<vmem>>, vector<16xi32>,
        %add3A_724 = arith.constant 48 : i32
        %add3A_725 = vector.broadcast %add3A_724 : i32 to vector<16xi32>
        %add3A_726 = arith.addi %iota3A, %add3A_725 : vector<16xi32>
        %mul3A_727 = arith.constant 200 : i32
        %mul3A_728 = vector.broadcast %mul3A_727 : i32 to vector<16xi32>
        %mul3A_729 = arith.muli %add3A_726, %mul3A_728 : vector<16xi32>
        %add3A_730 = vector.broadcast %add3A_690 : i32 to vector<16xi32>
        %add3A_731 = arith.addi %mul3A_729, %add3A_730 : vector<16xi32>
        %gather3A_732 = tpu.vector_load_idx %arg5[%add3A_731] : memref<25600xi32, #tpu.memory_space<vmem>>[vector<16xi32>], vector<16xi32>,
        %swap3A_733 = arith.constant 48 : index
        %swap3A_734 = tpu.vector_load %arg6[%swap3A_733] {strides = array<i32>} : memref<128xi32, #tpu.memory_space<vmem>>, vector<16xi32>,
        tpu.vector_store %arg6[%swap3A_733], %gather3A_732 {strides = array<i32>} : memref<128xi32, #tpu.memory_space<vmem>>, vector<16xi32>,
        %dma_start3A_735 = arith.constant 0 : i32
        %dma_start3A_736 = arith.constant 0 : i32
        %dma_start3A_737 = tpu.memref_slice %arg10[%dma_start3A_735, %dma_start3A_736] : memref<128x128xf32, #tpu.memory_space<vmem>> -> memref<64x128xf32, #tpu.memory_space<vmem>>
        %dma_start3A_738 = arith.constant 0 : i32
        %dma_start3A_739 = tpu.memref_slice %arg6[%dma_start3A_738] : memref<128xi32, #tpu.memory_space<vmem>> -> memref<64xi32, #tpu.memory_space<vmem>>
        %dma_start3A_740 = arith.constant 0 : i32
        %dma_start3A_741 = arith.constant 0 : i32
        %dma_start3A_742 = tpu.memref_slice %arg3[%dma_start3A_740, %dma_start3A_741] : memref<100000x128xf32, #tpu.memory_space<hbm>> -> memref<100000x128xf32, #tpu.memory_space<hbm>>
        tpu.enqueue_indirect_dma source(%dma_start3A_742 : memref<100000x128xf32, #tpu.memory_space<hbm>>) target(%dma_start3A_737 : memref<64x128xf32, #tpu.memory_space<vmem>>) offsets(%dma_start3A_739 : memref<64xi32, #tpu.memory_space<vmem>>) semaphore(%arg18 : memref<!tpu.dma_semaphore, #tpu.memory_space<semaphore_mem>>)
        %add3A_743 = arith.constant 64 : i32
        %add3A_744 = vector.broadcast %add3A_743 : i32 to vector<16xi32>
        %add3A_745 = arith.addi %iota3A, %add3A_744 : vector<16xi32>
        %mul3A_746 = arith.constant 200 : i32
        %mul3A_747 = vector.broadcast %mul3A_746 : i32 to vector<16xi32>
        %mul3A_748 = arith.muli %add3A_745, %mul3A_747 : vector<16xi32>
        %add3A_749 = vector.broadcast %add3A_690 : i32 to vector<16xi32>
        %add3A_750 = arith.addi %mul3A_748, %add3A_749 : vector<16xi32>
        %gather3A_751 = tpu.vector_load_idx %arg5[%add3A_750] : memref<25600xi32, #tpu.memory_space<vmem>>[vector<16xi32>], vector<16xi32>,
        %swap3A_752 = arith.constant 64 : index
        %swap3A_753 = tpu.vector_load %arg6[%swap3A_752] {strides = array<i32>} : memref<128xi32, #tpu.memory_space<vmem>>, vector<16xi32>,
        tpu.vector_store %arg6[%swap3A_752], %gather3A_751 {strides = array<i32>} : memref<128xi32, #tpu.memory_space<vmem>>, vector<16xi32>,
        %add3A_754 = arith.constant 80 : i32
        %add3A_755 = vector.broadcast %add3A_754 : i32 to vector<16xi32>
        %add3A_756 = arith.addi %iota3A, %add3A_755 : vector<16xi32>
        %mul3A_757 = arith.constant 200 : i32
        %mul3A_758 = vector.broadcast %mul3A_757 : i32 to vector<16xi32>
        %mul3A_759 = arith.muli %add3A_756, %mul3A_758 : vector<16xi32>
        %add3A_760 = vector.broadcast %add3A_690 : i32 to vector<16xi32>
        %add3A_761 = arith.addi %mul3A_759, %add3A_760 : vector<16xi32>
        %gather3A_762 = tpu.vector_load_idx %arg5[%add3A_761] : memref<25600xi32, #tpu.memory_space<vmem>>[vector<16xi32>], vector<16xi32>,
        %swap3A_763 = arith.constant 80 : index
        %swap3A_764 = tpu.vector_load %arg6[%swap3A_763] {strides = array<i32>} : memref<128xi32, #tpu.memory_space<vmem>>, vector<16xi32>,
        tpu.vector_store %arg6[%swap3A_763], %gather3A_762 {strides = array<i32>} : memref<128xi32, #tpu.memory_space<vmem>>, vector<16xi32>,
        %add3A_765 = arith.constant 96 : i32
        %add3A_766 = vector.broadcast %add3A_765 : i32 to vector<16xi32>
        %add3A_767 = arith.addi %iota3A, %add3A_766 : vector<16xi32>
        %mul3A_768 = arith.constant 200 : i32
        %mul3A_769 = vector.broadcast %mul3A_768 : i32 to vector<16xi32>
        %mul3A_770 = arith.muli %add3A_767, %mul3A_769 : vector<16xi32>
        %add3A_771 = vector.broadcast %add3A_690 : i32 to vector<16xi32>
        %add3A_772 = arith.addi %mul3A_770, %add3A_771 : vector<16xi32>
        %gather3A_773 = tpu.vector_load_idx %arg5[%add3A_772] : memref<25600xi32, #tpu.memory_space<vmem>>[vector<16xi32>], vector<16xi32>,
        %swap3A_774 = arith.constant 96 : index
        %swap3A_775 = tpu.vector_load %arg6[%swap3A_774] {strides = array<i32>} : memref<128xi32, #tpu.memory_space<vmem>>, vector<16xi32>,
        tpu.vector_store %arg6[%swap3A_774], %gather3A_773 {strides = array<i32>} : memref<128xi32, #tpu.memory_space<vmem>>, vector<16xi32>,
        %add3A_776 = arith.constant 112 : i32
        %add3A_777 = vector.broadcast %add3A_776 : i32 to vector<16xi32>
        %add3A_778 = arith.addi %iota3A, %add3A_777 : vector<16xi32>
        %mul3A_779 = arith.constant 200 : i32
        %mul3A_780 = vector.broadcast %mul3A_779 : i32 to vector<16xi32>
        %mul3A_781 = arith.muli %add3A_778, %mul3A_780 : vector<16xi32>
        %add3A_782 = vector.broadcast %add3A_690 : i32 to vector<16xi32>
        %add3A_783 = arith.addi %mul3A_781, %add3A_782 : vector<16xi32>
        %gather3A_784 = tpu.vector_load_idx %arg5[%add3A_783] : memref<25600xi32, #tpu.memory_space<vmem>>[vector<16xi32>], vector<16xi32>,
        %swap3A_785 = arith.constant 112 : index
        %swap3A_786 = tpu.vector_load %arg6[%swap3A_785] {strides = array<i32>} : memref<128xi32, #tpu.memory_space<vmem>>, vector<16xi32>,
        tpu.vector_store %arg6[%swap3A_785], %gather3A_784 {strides = array<i32>} : memref<128xi32, #tpu.memory_space<vmem>>, vector<16xi32>,
        %dma_start3A_787 = arith.constant 64 : i32
        %dma_start3A_788 = arith.constant 0 : i32
        %dma_start3A_789 = tpu.memref_slice %arg10[%dma_start3A_787, %dma_start3A_788] : memref<128x128xf32, #tpu.memory_space<vmem>> -> memref<64x128xf32, #tpu.memory_space<vmem>>
        %dma_start3A_790 = arith.constant 64 : i32
        %dma_start3A_791 = tpu.memref_slice %arg6[%dma_start3A_790] : memref<128xi32, #tpu.memory_space<vmem>> -> memref<64xi32, #tpu.memory_space<vmem>>
        %dma_start3A_792 = arith.constant 0 : i32
        %dma_start3A_793 = arith.constant 0 : i32
        %dma_start3A_794 = tpu.memref_slice %arg3[%dma_start3A_792, %dma_start3A_793] : memref<100000x128xf32, #tpu.memory_space<hbm>> -> memref<100000x128xf32, #tpu.memory_space<hbm>>
        tpu.enqueue_indirect_dma source(%dma_start3A_794 : memref<100000x128xf32, #tpu.memory_space<hbm>>) target(%dma_start3A_789 : memref<64x128xf32, #tpu.memory_space<vmem>>) offsets(%dma_start3A_791 : memref<64xi32, #tpu.memory_space<vmem>>) semaphore(%arg18 : memref<!tpu.dma_semaphore, #tpu.memory_space<semaphore_mem>>)
      } else {
      }
      %mul3A_533 = arith.constant 4 : i32
      %mul3A_534 = arith.muli %add3A_485, %mul3A_533 : i32
      %add3A_535 = arith.constant 1 : i32
      %add3A_536 = arith.addi %mul3A_534, %add3A_535 : i32
      %dma_wait3A_537 = arith.constant 0 : i32
      %dma_wait3A_538 = arith.constant 0 : i32
      %dma_wait3A_539 = tpu.memref_slice %arg3[%dma_wait3A_537, %dma_wait3A_538] : memref<100000x128xf32, #tpu.memory_space<hbm>> -> memref<128x128xf32, #tpu.memory_space<hbm>>
      %dma_wait3A_540 = arith.constant 0 : i32
      %dma_wait3A_541 = arith.constant 0 : i32
      %dma_wait3A_542 = tpu.memref_slice %arg3[%dma_wait3A_540, %dma_wait3A_541] : memref<100000x128xf32, #tpu.memory_space<hbm>> -> memref<128x128xf32, #tpu.memory_space<hbm>>
      tpu.wait_dma2 semaphore(%arg19 : memref<!tpu.dma_semaphore, #tpu.memory_space<semaphore_mem>>) src(%dma_wait3A_542 : memref<128x128xf32, #tpu.memory_space<hbm>>) dst(%arg11 : memref<128x128xf32, #tpu.memory_space<vmem>>)
      %ge3A_543 = arith.constant 4 : i32
      %ge3A_544 = arith.cmpi sge, %add3A_536, %ge3A_543 : i32
      %convert_element_type3A_545 = arith.extui %ge3A_544 : i1 to i32
      %cond3A_546 = arith.constant 0 : i32
      %cond3A_547 = arith.cmpi ne, %convert_element_type3A_545, %cond3A_546 : i32
      scf.if %cond3A_547 {
        %dma_wait3A_689 = arith.constant 0 : i32
        %dma_wait3A_690 = arith.constant 0 : i32
        %dma_wait3A_691 = tpu.memref_slice %arg4[%dma_wait3A_689, %dma_wait3A_690, %mul3A_2] : memref<200x64x4096xf32, #tpu.memory_space<hbm>> -> memref<1x64x128xf32, #tpu.memory_space<hbm>>
        %dma_wait3A_692 = tpu.memref_squeeze %dma_wait3A_691 : memref<1x64x128xf32, #tpu.memory_space<hbm>> -> memref<64x128xf32, #tpu.memory_space<hbm>>
        %dma_wait3A_693 = arith.constant 0 : i32
        %dma_wait3A_694 = tpu.memref_slice %arg4[%dma_wait3A_689, %dma_wait3A_693, %mul3A_2] : memref<200x64x4096xf32, #tpu.memory_space<hbm>> -> memref<1x64x128xf32, #tpu.memory_space<hbm>>
        %dma_wait3A_695 = tpu.memref_squeeze %dma_wait3A_694 : memref<1x64x128xf32, #tpu.memory_space<hbm>> -> memref<64x128xf32, #tpu.memory_space<hbm>>
        tpu.wait_dma2 semaphore(%arg23 : memref<!tpu.dma_semaphore, #tpu.memory_space<semaphore_mem>>) src(%arg15 : memref<64x128xf32, #tpu.memory_space<vmem>>) dst(%dma_wait3A_695 : memref<64x128xf32, #tpu.memory_space<hbm>>)
      } else {
      }
      %parallel_loop3A_548 = arith.constant 0 : i32
      %parallel_loop3A_549 = arith.constant 16 : i32
      %parallel_loop3A_550 = arith.constant 1 : i32
      scf.for %parallel_loop3A_689 = %parallel_loop3A_548 to %parallel_loop3A_549 step %parallel_loop3A_550  : i32 {
        %parallel_loop3A_690 = vector.broadcast %parallel_loop3A_689 : i32 to vector<16xi32>
        %parallel_loop3A_691 = arith.addi %iota3A, %parallel_loop3A_690 : vector<16xi32>
        %parallel_loop3A_692 = arith.constant 15 : i32
        %parallel_loop3A_693 = vector.broadcast %parallel_loop3A_692 : i32 to vector<16xi32>
        %parallel_loop3A_694 = arith.andi %parallel_loop3A_691, %parallel_loop3A_693 : vector<16xi32>
        %parallel_loop3A_695 = arith.constant 0 : i32
        %parallel_loop3A_696 = vector.broadcast %parallel_loop3A_695 : i32 to vector<16xi32>
        %parallel_loop3A_697 = arith.addi %parallel_loop3A_694, %parallel_loop3A_696 : vector<16xi32>
        %parallel_loop3A_698 = arith.constant 0 : i32
        %parallel_loop3A_699 = vector.broadcast %parallel_loop3A_698 : i32 to vector<16xi32>
        %parallel_loop3A_700 = arith.addi %iota3A, %parallel_loop3A_699 : vector<16xi32>
        %parallel_loop3A_701 = tpu.vector_load_idx %arg11[%parallel_loop3A_697, %parallel_loop3A_700] : memref<128x128xf32, #tpu.memory_space<vmem>>[vector<16xi32>, vector<16xi32>], vector<16xf32>,
        tpu.vector_store_idx %arg15[%parallel_loop3A_700, %parallel_loop3A_697], %parallel_loop3A_701 : memref<64x128xf32, #tpu.memory_space<vmem>>[vector<16xi32>, vector<16xi32>], vector<16xf32>,
        %parallel_loop3A_702 = arith.constant 16 : i32
        %parallel_loop3A_703 = vector.broadcast %parallel_loop3A_702 : i32 to vector<16xi32>
        %parallel_loop3A_704 = arith.addi %iota3A, %parallel_loop3A_703 : vector<16xi32>
        %parallel_loop3A_705 = tpu.vector_load_idx %arg11[%parallel_loop3A_697, %parallel_loop3A_704] : memref<128x128xf32, #tpu.memory_space<vmem>>[vector<16xi32>, vector<16xi32>], vector<16xf32>,
        tpu.vector_store_idx %arg15[%parallel_loop3A_704, %parallel_loop3A_697], %parallel_loop3A_705 : memref<64x128xf32, #tpu.memory_space<vmem>>[vector<16xi32>, vector<16xi32>], vector<16xf32>,
        %parallel_loop3A_706 = arith.constant 16 : i32
        %parallel_loop3A_707 = vector.broadcast %parallel_loop3A_706 : i32 to vector<16xi32>
        %parallel_loop3A_708 = arith.addi %parallel_loop3A_694, %parallel_loop3A_707 : vector<16xi32>
        %parallel_loop3A_709 = arith.constant 0 : i32
        %parallel_loop3A_710 = vector.broadcast %parallel_loop3A_709 : i32 to vector<16xi32>
        %parallel_loop3A_711 = arith.addi %iota3A, %parallel_loop3A_710 : vector<16xi32>
        %parallel_loop3A_712 = tpu.vector_load_idx %arg11[%parallel_loop3A_708, %parallel_loop3A_711] : memref<128x128xf32, #tpu.memory_space<vmem>>[vector<16xi32>, vector<16xi32>], vector<16xf32>,
        tpu.vector_store_idx %arg15[%parallel_loop3A_711, %parallel_loop3A_708], %parallel_loop3A_712 : memref<64x128xf32, #tpu.memory_space<vmem>>[vector<16xi32>, vector<16xi32>], vector<16xf32>,
        %parallel_loop3A_713 = arith.constant 16 : i32
        %parallel_loop3A_714 = vector.broadcast %parallel_loop3A_713 : i32 to vector<16xi32>
        %parallel_loop3A_715 = arith.addi %iota3A, %parallel_loop3A_714 : vector<16xi32>
        %parallel_loop3A_716 = tpu.vector_load_idx %arg11[%parallel_loop3A_708, %parallel_loop3A_715] : memref<128x128xf32, #tpu.memory_space<vmem>>[vector<16xi32>, vector<16xi32>], vector<16xf32>,
        tpu.vector_store_idx %arg15[%parallel_loop3A_715, %parallel_loop3A_708], %parallel_loop3A_716 : memref<64x128xf32, #tpu.memory_space<vmem>>[vector<16xi32>, vector<16xi32>], vector<16xf32>,
        %parallel_loop3A_717 = arith.constant 32 : i32
        %parallel_loop3A_718 = vector.broadcast %parallel_loop3A_717 : i32 to vector<16xi32>
        %parallel_loop3A_719 = arith.addi %parallel_loop3A_694, %parallel_loop3A_718 : vector<16xi32>
        %parallel_loop3A_720 = arith.constant 0 : i32
        %parallel_loop3A_721 = vector.broadcast %parallel_loop3A_720 : i32 to vector<16xi32>
        %parallel_loop3A_722 = arith.addi %iota3A, %parallel_loop3A_721 : vector<16xi32>
        %parallel_loop3A_723 = tpu.vector_load_idx %arg11[%parallel_loop3A_719, %parallel_loop3A_722] : memref<128x128xf32, #tpu.memory_space<vmem>>[vector<16xi32>, vector<16xi32>], vector<16xf32>,
        tpu.vector_store_idx %arg15[%parallel_loop3A_722, %parallel_loop3A_719], %parallel_loop3A_723 : memref<64x128xf32, #tpu.memory_space<vmem>>[vector<16xi32>, vector<16xi32>], vector<16xf32>,
        %parallel_loop3A_724 = arith.constant 16 : i32
        %parallel_loop3A_725 = vector.broadcast %parallel_loop3A_724 : i32 to vector<16xi32>
        %parallel_loop3A_726 = arith.addi %iota3A, %parallel_loop3A_725 : vector<16xi32>
        %parallel_loop3A_727 = tpu.vector_load_idx %arg11[%parallel_loop3A_719, %parallel_loop3A_726] : memref<128x128xf32, #tpu.memory_space<vmem>>[vector<16xi32>, vector<16xi32>], vector<16xf32>,
        tpu.vector_store_idx %arg15[%parallel_loop3A_726, %parallel_loop3A_719], %parallel_loop3A_727 : memref<64x128xf32, #tpu.memory_space<vmem>>[vector<16xi32>, vector<16xi32>], vector<16xf32>,
        %parallel_loop3A_728 = arith.constant 48 : i32
        %parallel_loop3A_729 = vector.broadcast %parallel_loop3A_728 : i32 to vector<16xi32>
        %parallel_loop3A_730 = arith.addi %parallel_loop3A_694, %parallel_loop3A_729 : vector<16xi32>
        %parallel_loop3A_731 = arith.constant 0 : i32
        %parallel_loop3A_732 = vector.broadcast %parallel_loop3A_731 : i32 to vector<16xi32>
        %parallel_loop3A_733 = arith.addi %iota3A, %parallel_loop3A_732 : vector<16xi32>
        %parallel_loop3A_734 = tpu.vector_load_idx %arg11[%parallel_loop3A_730, %parallel_loop3A_733] : memref<128x128xf32, #tpu.memory_space<vmem>>[vector<16xi32>, vector<16xi32>], vector<16xf32>,
        tpu.vector_store_idx %arg15[%parallel_loop3A_733, %parallel_loop3A_730], %parallel_loop3A_734 : memref<64x128xf32, #tpu.memory_space<vmem>>[vector<16xi32>, vector<16xi32>], vector<16xf32>,
        %parallel_loop3A_735 = arith.constant 16 : i32
        %parallel_loop3A_736 = vector.broadcast %parallel_loop3A_735 : i32 to vector<16xi32>
        %parallel_loop3A_737 = arith.addi %iota3A, %parallel_loop3A_736 : vector<16xi32>
        %parallel_loop3A_738 = tpu.vector_load_idx %arg11[%parallel_loop3A_730, %parallel_loop3A_737] : memref<128x128xf32, #tpu.memory_space<vmem>>[vector<16xi32>, vector<16xi32>], vector<16xf32>,
        tpu.vector_store_idx %arg15[%parallel_loop3A_737, %parallel_loop3A_730], %parallel_loop3A_738 : memref<64x128xf32, #tpu.memory_space<vmem>>[vector<16xi32>, vector<16xi32>], vector<16xf32>,
        %parallel_loop3A_739 = arith.constant 64 : i32
        %parallel_loop3A_740 = vector.broadcast %parallel_loop3A_739 : i32 to vector<16xi32>
        %parallel_loop3A_741 = arith.addi %parallel_loop3A_694, %parallel_loop3A_740 : vector<16xi32>
        %parallel_loop3A_742 = arith.constant 0 : i32
        %parallel_loop3A_743 = vector.broadcast %parallel_loop3A_742 : i32 to vector<16xi32>
        %parallel_loop3A_744 = arith.addi %iota3A, %parallel_loop3A_743 : vector<16xi32>
        %parallel_loop3A_745 = tpu.vector_load_idx %arg11[%parallel_loop3A_741, %parallel_loop3A_744] : memref<128x128xf32, #tpu.memory_space<vmem>>[vector<16xi32>, vector<16xi32>], vector<16xf32>,
        tpu.vector_store_idx %arg15[%parallel_loop3A_744, %parallel_loop3A_741], %parallel_loop3A_745 : memref<64x128xf32, #tpu.memory_space<vmem>>[vector<16xi32>, vector<16xi32>], vector<16xf32>,
        %parallel_loop3A_746 = arith.constant 16 : i32
        %parallel_loop3A_747 = vector.broadcast %parallel_loop3A_746 : i32 to vector<16xi32>
        %parallel_loop3A_748 = arith.addi %iota3A, %parallel_loop3A_747 : vector<16xi32>
        %parallel_loop3A_749 = tpu.vector_load_idx %arg11[%parallel_loop3A_741, %parallel_loop3A_748] : memref<128x128xf32, #tpu.memory_space<vmem>>[vector<16xi32>, vector<16xi32>], vector<16xf32>,
        tpu.vector_store_idx %arg15[%parallel_loop3A_748, %parallel_loop3A_741], %parallel_loop3A_749 : memref<64x128xf32, #tpu.memory_space<vmem>>[vector<16xi32>, vector<16xi32>], vector<16xf32>,
        %parallel_loop3A_750 = arith.constant 80 : i32
        %parallel_loop3A_751 = vector.broadcast %parallel_loop3A_750 : i32 to vector<16xi32>
        %parallel_loop3A_752 = arith.addi %parallel_loop3A_694, %parallel_loop3A_751 : vector<16xi32>
        %parallel_loop3A_753 = arith.constant 0 : i32
        %parallel_loop3A_754 = vector.broadcast %parallel_loop3A_753 : i32 to vector<16xi32>
        %parallel_loop3A_755 = arith.addi %iota3A, %parallel_loop3A_754 : vector<16xi32>
        %parallel_loop3A_756 = tpu.vector_load_idx %arg11[%parallel_loop3A_752, %parallel_loop3A_755] : memref<128x128xf32, #tpu.memory_space<vmem>>[vector<16xi32>, vector<16xi32>], vector<16xf32>,
        tpu.vector_store_idx %arg15[%parallel_loop3A_755, %parallel_loop3A_752], %parallel_loop3A_756 : memref<64x128xf32, #tpu.memory_space<vmem>>[vector<16xi32>, vector<16xi32>], vector<16xf32>,
        %parallel_loop3A_757 = arith.constant 16 : i32
        %parallel_loop3A_758 = vector.broadcast %parallel_loop3A_757 : i32 to vector<16xi32>
        %parallel_loop3A_759 = arith.addi %iota3A, %parallel_loop3A_758 : vector<16xi32>
        %parallel_loop3A_760 = tpu.vector_load_idx %arg11[%parallel_loop3A_752, %parallel_loop3A_759] : memref<128x128xf32, #tpu.memory_space<vmem>>[vector<16xi32>, vector<16xi32>], vector<16xf32>,
        tpu.vector_store_idx %arg15[%parallel_loop3A_759, %parallel_loop3A_752], %parallel_loop3A_760 : memref<64x128xf32, #tpu.memory_space<vmem>>[vector<16xi32>, vector<16xi32>], vector<16xf32>,
        %parallel_loop3A_761 = arith.constant 96 : i32
        %parallel_loop3A_762 = vector.broadcast %parallel_loop3A_761 : i32 to vector<16xi32>
        %parallel_loop3A_763 = arith.addi %parallel_loop3A_694, %parallel_loop3A_762 : vector<16xi32>
        %parallel_loop3A_764 = arith.constant 0 : i32
        %parallel_loop3A_765 = vector.broadcast %parallel_loop3A_764 : i32 to vector<16xi32>
        %parallel_loop3A_766 = arith.addi %iota3A, %parallel_loop3A_765 : vector<16xi32>
        %parallel_loop3A_767 = tpu.vector_load_idx %arg11[%parallel_loop3A_763, %parallel_loop3A_766] : memref<128x128xf32, #tpu.memory_space<vmem>>[vector<16xi32>, vector<16xi32>], vector<16xf32>,
        tpu.vector_store_idx %arg15[%parallel_loop3A_766, %parallel_loop3A_763], %parallel_loop3A_767 : memref<64x128xf32, #tpu.memory_space<vmem>>[vector<16xi32>, vector<16xi32>], vector<16xf32>,
        %parallel_loop3A_768 = arith.constant 16 : i32
        %parallel_loop3A_769 = vector.broadcast %parallel_loop3A_768 : i32 to vector<16xi32>
        %parallel_loop3A_770 = arith.addi %iota3A, %parallel_loop3A_769 : vector<16xi32>
        %parallel_loop3A_771 = tpu.vector_load_idx %arg11[%parallel_loop3A_763, %parallel_loop3A_770] : memref<128x128xf32, #tpu.memory_space<vmem>>[vector<16xi32>, vector<16xi32>], vector<16xf32>,
        tpu.vector_store_idx %arg15[%parallel_loop3A_770, %parallel_loop3A_763], %parallel_loop3A_771 : memref<64x128xf32, #tpu.memory_space<vmem>>[vector<16xi32>, vector<16xi32>], vector<16xf32>,
        %parallel_loop3A_772 = arith.constant 112 : i32
        %parallel_loop3A_773 = vector.broadcast %parallel_loop3A_772 : i32 to vector<16xi32>
        %parallel_loop3A_774 = arith.addi %parallel_loop3A_694, %parallel_loop3A_773 : vector<16xi32>
        %parallel_loop3A_775 = arith.constant 0 : i32
        %parallel_loop3A_776 = vector.broadcast %parallel_loop3A_775 : i32 to vector<16xi32>
        %parallel_loop3A_777 = arith.addi %iota3A, %parallel_loop3A_776 : vector<16xi32>
        %parallel_loop3A_778 = tpu.vector_load_idx %arg11[%parallel_loop3A_774, %parallel_loop3A_777] : memref<128x128xf32, #tpu.memory_space<vmem>>[vector<16xi32>, vector<16xi32>], vector<16xf32>,
        tpu.vector_store_idx %arg15[%parallel_loop3A_777, %parallel_loop3A_774], %parallel_loop3A_778 : memref<64x128xf32, #tpu.memory_space<vmem>>[vector<16xi32>, vector<16xi32>], vector<16xf32>,
        %parallel_loop3A_779 = arith.constant 16 : i32
        %parallel_loop3A_780 = vector.broadcast %parallel_loop3A_779 : i32 to vector<16xi32>
        %parallel_loop3A_781 = arith.addi %iota3A, %parallel_loop3A_780 : vector<16xi32>
        %parallel_loop3A_782 = tpu.vector_load_idx %arg11[%parallel_loop3A_774, %parallel_loop3A_781] : memref<128x128xf32, #tpu.memory_space<vmem>>[vector<16xi32>, vector<16xi32>], vector<16xf32>,
        tpu.vector_store_idx %arg15[%parallel_loop3A_781, %parallel_loop3A_774], %parallel_loop3A_782 : memref<64x128xf32, #tpu.memory_space<vmem>>[vector<16xi32>, vector<16xi32>], vector<16xf32>,
      } {sc.loop_unroll_factor = 8 : i64, sc.parallel_access}
      %dma_start3A_551 = arith.constant 0 : i32
      %dma_start3A_552 = arith.constant 0 : i32
      %dma_start3A_553 = tpu.memref_slice %arg15[%dma_start3A_551, %dma_start3A_552] : memref<64x128xf32, #tpu.memory_space<vmem>> -> memref<32x128xf32, #tpu.memory_space<vmem>>
      %dma_start3A_554 = arith.constant 0 : i32
      %dma_start3A_555 = tpu.memref_slice %arg4[%add3A_536, %dma_start3A_554, %mul3A_2] : memref<200x64x4096xf32, #tpu.memory_space<hbm>> -> memref<1x32x128xf32, #tpu.memory_space<hbm>>
      %dma_start3A_556 = tpu.memref_squeeze %dma_start3A_555 : memref<1x32x128xf32, #tpu.memory_space<hbm>> -> memref<32x128xf32, #tpu.memory_space<hbm>>
      %dma_start3A_557 = arith.constant 0 : i32
      %dma_start3A_558 = tpu.memref_slice %arg4[%add3A_536, %dma_start3A_557, %mul3A_2] : memref<200x64x4096xf32, #tpu.memory_space<hbm>> -> memref<1x32x128xf32, #tpu.memory_space<hbm>>
      %dma_start3A_559 = tpu.memref_squeeze %dma_start3A_558 : memref<1x32x128xf32, #tpu.memory_space<hbm>> -> memref<32x128xf32, #tpu.memory_space<hbm>>
      %dma_start3A_560 = arith.constant 0 : i32
      %dma_start3A_561 = arith.constant 0 : i32
      %dma_start3A_562 = tpu.memref_slice %arg15[%dma_start3A_560, %dma_start3A_561] : memref<64x128xf32, #tpu.memory_space<vmem>> -> memref<32x128xf32, #tpu.memory_space<vmem>>
      tpu.enqueue_dma source(%dma_start3A_562 : memref<32x128xf32, #tpu.memory_space<vmem>>) target(%dma_start3A_559 : memref<32x128xf32, #tpu.memory_space<hbm>>) target_semaphore(%arg23 : memref<!tpu.dma_semaphore, #tpu.memory_space<semaphore_mem>>)
      %parallel_loop3A_563 = arith.constant 0 : i32
      %parallel_loop3A_564 = arith.constant 16 : i32
      %parallel_loop3A_565 = arith.constant 1 : i32
      scf.for %parallel_loop3A_689 = %parallel_loop3A_563 to %parallel_loop3A_564 step %parallel_loop3A_565  : i32 {
        %parallel_loop3A_690 = vector.broadcast %parallel_loop3A_689 : i32 to vector<16xi32>
        %parallel_loop3A_691 = arith.addi %iota3A, %parallel_loop3A_690 : vector<16xi32>
        %parallel_loop3A_692 = arith.constant 15 : i32
        %parallel_loop3A_693 = vector.broadcast %parallel_loop3A_692 : i32 to vector<16xi32>
        %parallel_loop3A_694 = arith.andi %parallel_loop3A_691, %parallel_loop3A_693 : vector<16xi32>
        %parallel_loop3A_695 = arith.constant 0 : i32
        %parallel_loop3A_696 = vector.broadcast %parallel_loop3A_695 : i32 to vector<16xi32>
        %parallel_loop3A_697 = arith.addi %parallel_loop3A_694, %parallel_loop3A_696 : vector<16xi32>
        %parallel_loop3A_698 = arith.constant 32 : i32
        %parallel_loop3A_699 = vector.broadcast %parallel_loop3A_698 : i32 to vector<16xi32>
        %parallel_loop3A_700 = arith.addi %iota3A, %parallel_loop3A_699 : vector<16xi32>
        %parallel_loop3A_701 = tpu.vector_load_idx %arg11[%parallel_loop3A_697, %parallel_loop3A_700] : memref<128x128xf32, #tpu.memory_space<vmem>>[vector<16xi32>, vector<16xi32>], vector<16xf32>,
        tpu.vector_store_idx %arg15[%parallel_loop3A_700, %parallel_loop3A_697], %parallel_loop3A_701 : memref<64x128xf32, #tpu.memory_space<vmem>>[vector<16xi32>, vector<16xi32>], vector<16xf32>,
        %parallel_loop3A_702 = arith.constant 48 : i32
        %parallel_loop3A_703 = vector.broadcast %parallel_loop3A_702 : i32 to vector<16xi32>
        %parallel_loop3A_704 = arith.addi %iota3A, %parallel_loop3A_703 : vector<16xi32>
        %parallel_loop3A_705 = tpu.vector_load_idx %arg11[%parallel_loop3A_697, %parallel_loop3A_704] : memref<128x128xf32, #tpu.memory_space<vmem>>[vector<16xi32>, vector<16xi32>], vector<16xf32>,
        tpu.vector_store_idx %arg15[%parallel_loop3A_704, %parallel_loop3A_697], %parallel_loop3A_705 : memref<64x128xf32, #tpu.memory_space<vmem>>[vector<16xi32>, vector<16xi32>], vector<16xf32>,
        %parallel_loop3A_706 = arith.constant 16 : i32
        %parallel_loop3A_707 = vector.broadcast %parallel_loop3A_706 : i32 to vector<16xi32>
        %parallel_loop3A_708 = arith.addi %parallel_loop3A_694, %parallel_loop3A_707 : vector<16xi32>
        %parallel_loop3A_709 = arith.constant 32 : i32
        %parallel_loop3A_710 = vector.broadcast %parallel_loop3A_709 : i32 to vector<16xi32>
        %parallel_loop3A_711 = arith.addi %iota3A, %parallel_loop3A_710 : vector<16xi32>
        %parallel_loop3A_712 = tpu.vector_load_idx %arg11[%parallel_loop3A_708, %parallel_loop3A_711] : memref<128x128xf32, #tpu.memory_space<vmem>>[vector<16xi32>, vector<16xi32>], vector<16xf32>,
        tpu.vector_store_idx %arg15[%parallel_loop3A_711, %parallel_loop3A_708], %parallel_loop3A_712 : memref<64x128xf32, #tpu.memory_space<vmem>>[vector<16xi32>, vector<16xi32>], vector<16xf32>,
        %parallel_loop3A_713 = arith.constant 48 : i32
        %parallel_loop3A_714 = vector.broadcast %parallel_loop3A_713 : i32 to vector<16xi32>
        %parallel_loop3A_715 = arith.addi %iota3A, %parallel_loop3A_714 : vector<16xi32>
        %parallel_loop3A_716 = tpu.vector_load_idx %arg11[%parallel_loop3A_708, %parallel_loop3A_715] : memref<128x128xf32, #tpu.memory_space<vmem>>[vector<16xi32>, vector<16xi32>], vector<16xf32>,
        tpu.vector_store_idx %arg15[%parallel_loop3A_715, %parallel_loop3A_708], %parallel_loop3A_716 : memref<64x128xf32, #tpu.memory_space<vmem>>[vector<16xi32>, vector<16xi32>], vector<16xf32>,
        %parallel_loop3A_717 = arith.constant 32 : i32
        %parallel_loop3A_718 = vector.broadcast %parallel_loop3A_717 : i32 to vector<16xi32>
        %parallel_loop3A_719 = arith.addi %parallel_loop3A_694, %parallel_loop3A_718 : vector<16xi32>
        %parallel_loop3A_720 = arith.constant 32 : i32
        %parallel_loop3A_721 = vector.broadcast %parallel_loop3A_720 : i32 to vector<16xi32>
        %parallel_loop3A_722 = arith.addi %iota3A, %parallel_loop3A_721 : vector<16xi32>
        %parallel_loop3A_723 = tpu.vector_load_idx %arg11[%parallel_loop3A_719, %parallel_loop3A_722] : memref<128x128xf32, #tpu.memory_space<vmem>>[vector<16xi32>, vector<16xi32>], vector<16xf32>,
        tpu.vector_store_idx %arg15[%parallel_loop3A_722, %parallel_loop3A_719], %parallel_loop3A_723 : memref<64x128xf32, #tpu.memory_space<vmem>>[vector<16xi32>, vector<16xi32>], vector<16xf32>,
        %parallel_loop3A_724 = arith.constant 48 : i32
        %parallel_loop3A_725 = vector.broadcast %parallel_loop3A_724 : i32 to vector<16xi32>
        %parallel_loop3A_726 = arith.addi %iota3A, %parallel_loop3A_725 : vector<16xi32>
        %parallel_loop3A_727 = tpu.vector_load_idx %arg11[%parallel_loop3A_719, %parallel_loop3A_726] : memref<128x128xf32, #tpu.memory_space<vmem>>[vector<16xi32>, vector<16xi32>], vector<16xf32>,
        tpu.vector_store_idx %arg15[%parallel_loop3A_726, %parallel_loop3A_719], %parallel_loop3A_727 : memref<64x128xf32, #tpu.memory_space<vmem>>[vector<16xi32>, vector<16xi32>], vector<16xf32>,
        %parallel_loop3A_728 = arith.constant 48 : i32
        %parallel_loop3A_729 = vector.broadcast %parallel_loop3A_728 : i32 to vector<16xi32>
        %parallel_loop3A_730 = arith.addi %parallel_loop3A_694, %parallel_loop3A_729 : vector<16xi32>
        %parallel_loop3A_731 = arith.constant 32 : i32
        %parallel_loop3A_732 = vector.broadcast %parallel_loop3A_731 : i32 to vector<16xi32>
        %parallel_loop3A_733 = arith.addi %iota3A, %parallel_loop3A_732 : vector<16xi32>
        %parallel_loop3A_734 = tpu.vector_load_idx %arg11[%parallel_loop3A_730, %parallel_loop3A_733] : memref<128x128xf32, #tpu.memory_space<vmem>>[vector<16xi32>, vector<16xi32>], vector<16xf32>,
        tpu.vector_store_idx %arg15[%parallel_loop3A_733, %parallel_loop3A_730], %parallel_loop3A_734 : memref<64x128xf32, #tpu.memory_space<vmem>>[vector<16xi32>, vector<16xi32>], vector<16xf32>,
        %parallel_loop3A_735 = arith.constant 48 : i32
        %parallel_loop3A_736 = vector.broadcast %parallel_loop3A_735 : i32 to vector<16xi32>
        %parallel_loop3A_737 = arith.addi %iota3A, %parallel_loop3A_736 : vector<16xi32>
        %parallel_loop3A_738 = tpu.vector_load_idx %arg11[%parallel_loop3A_730, %parallel_loop3A_737] : memref<128x128xf32, #tpu.memory_space<vmem>>[vector<16xi32>, vector<16xi32>], vector<16xf32>,
        tpu.vector_store_idx %arg15[%parallel_loop3A_737, %parallel_loop3A_730], %parallel_loop3A_738 : memref<64x128xf32, #tpu.memory_space<vmem>>[vector<16xi32>, vector<16xi32>], vector<16xf32>,
        %parallel_loop3A_739 = arith.constant 64 : i32
        %parallel_loop3A_740 = vector.broadcast %parallel_loop3A_739 : i32 to vector<16xi32>
        %parallel_loop3A_741 = arith.addi %parallel_loop3A_694, %parallel_loop3A_740 : vector<16xi32>
        %parallel_loop3A_742 = arith.constant 32 : i32
        %parallel_loop3A_743 = vector.broadcast %parallel_loop3A_742 : i32 to vector<16xi32>
        %parallel_loop3A_744 = arith.addi %iota3A, %parallel_loop3A_743 : vector<16xi32>
        %parallel_loop3A_745 = tpu.vector_load_idx %arg11[%parallel_loop3A_741, %parallel_loop3A_744] : memref<128x128xf32, #tpu.memory_space<vmem>>[vector<16xi32>, vector<16xi32>], vector<16xf32>,
        tpu.vector_store_idx %arg15[%parallel_loop3A_744, %parallel_loop3A_741], %parallel_loop3A_745 : memref<64x128xf32, #tpu.memory_space<vmem>>[vector<16xi32>, vector<16xi32>], vector<16xf32>,
        %parallel_loop3A_746 = arith.constant 48 : i32
        %parallel_loop3A_747 = vector.broadcast %parallel_loop3A_746 : i32 to vector<16xi32>
        %parallel_loop3A_748 = arith.addi %iota3A, %parallel_loop3A_747 : vector<16xi32>
        %parallel_loop3A_749 = tpu.vector_load_idx %arg11[%parallel_loop3A_741, %parallel_loop3A_748] : memref<128x128xf32, #tpu.memory_space<vmem>>[vector<16xi32>, vector<16xi32>], vector<16xf32>,
        tpu.vector_store_idx %arg15[%parallel_loop3A_748, %parallel_loop3A_741], %parallel_loop3A_749 : memref<64x128xf32, #tpu.memory_space<vmem>>[vector<16xi32>, vector<16xi32>], vector<16xf32>,
        %parallel_loop3A_750 = arith.constant 80 : i32
        %parallel_loop3A_751 = vector.broadcast %parallel_loop3A_750 : i32 to vector<16xi32>
        %parallel_loop3A_752 = arith.addi %parallel_loop3A_694, %parallel_loop3A_751 : vector<16xi32>
        %parallel_loop3A_753 = arith.constant 32 : i32
        %parallel_loop3A_754 = vector.broadcast %parallel_loop3A_753 : i32 to vector<16xi32>
        %parallel_loop3A_755 = arith.addi %iota3A, %parallel_loop3A_754 : vector<16xi32>
        %parallel_loop3A_756 = tpu.vector_load_idx %arg11[%parallel_loop3A_752, %parallel_loop3A_755] : memref<128x128xf32, #tpu.memory_space<vmem>>[vector<16xi32>, vector<16xi32>], vector<16xf32>,
        tpu.vector_store_idx %arg15[%parallel_loop3A_755, %parallel_loop3A_752], %parallel_loop3A_756 : memref<64x128xf32, #tpu.memory_space<vmem>>[vector<16xi32>, vector<16xi32>], vector<16xf32>,
        %parallel_loop3A_757 = arith.constant 48 : i32
        %parallel_loop3A_758 = vector.broadcast %parallel_loop3A_757 : i32 to vector<16xi32>
        %parallel_loop3A_759 = arith.addi %iota3A, %parallel_loop3A_758 : vector<16xi32>
        %parallel_loop3A_760 = tpu.vector_load_idx %arg11[%parallel_loop3A_752, %parallel_loop3A_759] : memref<128x128xf32, #tpu.memory_space<vmem>>[vector<16xi32>, vector<16xi32>], vector<16xf32>,
        tpu.vector_store_idx %arg15[%parallel_loop3A_759, %parallel_loop3A_752], %parallel_loop3A_760 : memref<64x128xf32, #tpu.memory_space<vmem>>[vector<16xi32>, vector<16xi32>], vector<16xf32>,
        %parallel_loop3A_761 = arith.constant 96 : i32
        %parallel_loop3A_762 = vector.broadcast %parallel_loop3A_761 : i32 to vector<16xi32>
        %parallel_loop3A_763 = arith.addi %parallel_loop3A_694, %parallel_loop3A_762 : vector<16xi32>
        %parallel_loop3A_764 = arith.constant 32 : i32
        %parallel_loop3A_765 = vector.broadcast %parallel_loop3A_764 : i32 to vector<16xi32>
        %parallel_loop3A_766 = arith.addi %iota3A, %parallel_loop3A_765 : vector<16xi32>
        %parallel_loop3A_767 = tpu.vector_load_idx %arg11[%parallel_loop3A_763, %parallel_loop3A_766] : memref<128x128xf32, #tpu.memory_space<vmem>>[vector<16xi32>, vector<16xi32>], vector<16xf32>,
        tpu.vector_store_idx %arg15[%parallel_loop3A_766, %parallel_loop3A_763], %parallel_loop3A_767 : memref<64x128xf32, #tpu.memory_space<vmem>>[vector<16xi32>, vector<16xi32>], vector<16xf32>,
        %parallel_loop3A_768 = arith.constant 48 : i32
        %parallel_loop3A_769 = vector.broadcast %parallel_loop3A_768 : i32 to vector<16xi32>
        %parallel_loop3A_770 = arith.addi %iota3A, %parallel_loop3A_769 : vector<16xi32>
        %parallel_loop3A_771 = tpu.vector_load_idx %arg11[%parallel_loop3A_763, %parallel_loop3A_770] : memref<128x128xf32, #tpu.memory_space<vmem>>[vector<16xi32>, vector<16xi32>], vector<16xf32>,
        tpu.vector_store_idx %arg15[%parallel_loop3A_770, %parallel_loop3A_763], %parallel_loop3A_771 : memref<64x128xf32, #tpu.memory_space<vmem>>[vector<16xi32>, vector<16xi32>], vector<16xf32>,
        %parallel_loop3A_772 = arith.constant 112 : i32
        %parallel_loop3A_773 = vector.broadcast %parallel_loop3A_772 : i32 to vector<16xi32>
        %parallel_loop3A_774 = arith.addi %parallel_loop3A_694, %parallel_loop3A_773 : vector<16xi32>
        %parallel_loop3A_775 = arith.constant 32 : i32
        %parallel_loop3A_776 = vector.broadcast %parallel_loop3A_775 : i32 to vector<16xi32>
        %parallel_loop3A_777 = arith.addi %iota3A, %parallel_loop3A_776 : vector<16xi32>
        %parallel_loop3A_778 = tpu.vector_load_idx %arg11[%parallel_loop3A_774, %parallel_loop3A_777] : memref<128x128xf32, #tpu.memory_space<vmem>>[vector<16xi32>, vector<16xi32>], vector<16xf32>,
        tpu.vector_store_idx %arg15[%parallel_loop3A_777, %parallel_loop3A_774], %parallel_loop3A_778 : memref<64x128xf32, #tpu.memory_space<vmem>>[vector<16xi32>, vector<16xi32>], vector<16xf32>,
        %parallel_loop3A_779 = arith.constant 48 : i32
        %parallel_loop3A_780 = vector.broadcast %parallel_loop3A_779 : i32 to vector<16xi32>
        %parallel_loop3A_781 = arith.addi %iota3A, %parallel_loop3A_780 : vector<16xi32>
        %parallel_loop3A_782 = tpu.vector_load_idx %arg11[%parallel_loop3A_774, %parallel_loop3A_781] : memref<128x128xf32, #tpu.memory_space<vmem>>[vector<16xi32>, vector<16xi32>], vector<16xf32>,
        tpu.vector_store_idx %arg15[%parallel_loop3A_781, %parallel_loop3A_774], %parallel_loop3A_782 : memref<64x128xf32, #tpu.memory_space<vmem>>[vector<16xi32>, vector<16xi32>], vector<16xf32>,
      } {sc.loop_unroll_factor = 8 : i64, sc.parallel_access}
      %dma_start3A_566 = arith.constant 32 : i32
      %dma_start3A_567 = arith.constant 0 : i32
      %dma_start3A_568 = tpu.memref_slice %arg15[%dma_start3A_566, %dma_start3A_567] : memref<64x128xf32, #tpu.memory_space<vmem>> -> memref<32x128xf32, #tpu.memory_space<vmem>>
      %dma_start3A_569 = arith.constant 32 : i32
      %dma_start3A_570 = tpu.memref_slice %arg4[%add3A_536, %dma_start3A_569, %mul3A_2] : memref<200x64x4096xf32, #tpu.memory_space<hbm>> -> memref<1x32x128xf32, #tpu.memory_space<hbm>>
      %dma_start3A_571 = tpu.memref_squeeze %dma_start3A_570 : memref<1x32x128xf32, #tpu.memory_space<hbm>> -> memref<32x128xf32, #tpu.memory_space<hbm>>
      %dma_start3A_572 = arith.constant 32 : i32
      %dma_start3A_573 = tpu.memref_slice %arg4[%add3A_536, %dma_start3A_572, %mul3A_2] : memref<200x64x4096xf32, #tpu.memory_space<hbm>> -> memref<1x32x128xf32, #tpu.memory_space<hbm>>
      %dma_start3A_574 = tpu.memref_squeeze %dma_start3A_573 : memref<1x32x128xf32, #tpu.memory_space<hbm>> -> memref<32x128xf32, #tpu.memory_space<hbm>>
      %dma_start3A_575 = arith.constant 32 : i32
      %dma_start3A_576 = arith.constant 0 : i32
      %dma_start3A_577 = tpu.memref_slice %arg15[%dma_start3A_575, %dma_start3A_576] : memref<64x128xf32, #tpu.memory_space<vmem>> -> memref<32x128xf32, #tpu.memory_space<vmem>>
      tpu.enqueue_dma source(%dma_start3A_577 : memref<32x128xf32, #tpu.memory_space<vmem>>) target(%dma_start3A_574 : memref<32x128xf32, #tpu.memory_space<hbm>>) target_semaphore(%arg23 : memref<!tpu.dma_semaphore, #tpu.memory_space<semaphore_mem>>)
      %add3A_578 = arith.constant 4 : i32
      %add3A_579 = arith.addi %add3A_536, %add3A_578 : i32
      %lt3A_580 = arith.constant 200 : i32
      %lt3A_581 = arith.cmpi slt, %add3A_579, %lt3A_580 : i32
      %convert_element_type3A_582 = arith.extui %lt3A_581 : i1 to i32
      %cond3A_583 = arith.constant 0 : i32
      %cond3A_584 = arith.cmpi ne, %convert_element_type3A_582, %cond3A_583 : i32
      scf.if %cond3A_584 {
        %add3A_689 = arith.constant 4 : i32
        %add3A_690 = arith.addi %add3A_536, %add3A_689 : i32
        %add3A_691 = arith.constant 0 : i32
        %add3A_692 = vector.broadcast %add3A_691 : i32 to vector<16xi32>
        %add3A_693 = arith.addi %iota3A, %add3A_692 : vector<16xi32>
        %mul3A_694 = arith.constant 200 : i32
        %mul3A_695 = vector.broadcast %mul3A_694 : i32 to vector<16xi32>
        %mul3A_696 = arith.muli %add3A_693, %mul3A_695 : vector<16xi32>
        %add3A_697 = vector.broadcast %add3A_690 : i32 to vector<16xi32>
        %add3A_698 = arith.addi %mul3A_696, %add3A_697 : vector<16xi32>
        %gather3A_699 = tpu.vector_load_idx %arg5[%add3A_698] : memref<25600xi32, #tpu.memory_space<vmem>>[vector<16xi32>], vector<16xi32>,
        %swap3A_700 = arith.constant 0 : index
        %swap3A_701 = tpu.vector_load %arg7[%swap3A_700] {strides = array<i32>} : memref<128xi32, #tpu.memory_space<vmem>>, vector<16xi32>,
        tpu.vector_store %arg7[%swap3A_700], %gather3A_699 {strides = array<i32>} : memref<128xi32, #tpu.memory_space<vmem>>, vector<16xi32>,
        %add3A_702 = arith.constant 16 : i32
        %add3A_703 = vector.broadcast %add3A_702 : i32 to vector<16xi32>
        %add3A_704 = arith.addi %iota3A, %add3A_703 : vector<16xi32>
        %mul3A_705 = arith.constant 200 : i32
        %mul3A_706 = vector.broadcast %mul3A_705 : i32 to vector<16xi32>
        %mul3A_707 = arith.muli %add3A_704, %mul3A_706 : vector<16xi32>
        %add3A_708 = vector.broadcast %add3A_690 : i32 to vector<16xi32>
        %add3A_709 = arith.addi %mul3A_707, %add3A_708 : vector<16xi32>
        %gather3A_710 = tpu.vector_load_idx %arg5[%add3A_709] : memref<25600xi32, #tpu.memory_space<vmem>>[vector<16xi32>], vector<16xi32>,
        %swap3A_711 = arith.constant 16 : index
        %swap3A_712 = tpu.vector_load %arg7[%swap3A_711] {strides = array<i32>} : memref<128xi32, #tpu.memory_space<vmem>>, vector<16xi32>,
        tpu.vector_store %arg7[%swap3A_711], %gather3A_710 {strides = array<i32>} : memref<128xi32, #tpu.memory_space<vmem>>, vector<16xi32>,
        %add3A_713 = arith.constant 32 : i32
        %add3A_714 = vector.broadcast %add3A_713 : i32 to vector<16xi32>
        %add3A_715 = arith.addi %iota3A, %add3A_714 : vector<16xi32>
        %mul3A_716 = arith.constant 200 : i32
        %mul3A_717 = vector.broadcast %mul3A_716 : i32 to vector<16xi32>
        %mul3A_718 = arith.muli %add3A_715, %mul3A_717 : vector<16xi32>
        %add3A_719 = vector.broadcast %add3A_690 : i32 to vector<16xi32>
        %add3A_720 = arith.addi %mul3A_718, %add3A_719 : vector<16xi32>
        %gather3A_721 = tpu.vector_load_idx %arg5[%add3A_720] : memref<25600xi32, #tpu.memory_space<vmem>>[vector<16xi32>], vector<16xi32>,
        %swap3A_722 = arith.constant 32 : index
        %swap3A_723 = tpu.vector_load %arg7[%swap3A_722] {strides = array<i32>} : memref<128xi32, #tpu.memory_space<vmem>>, vector<16xi32>,
        tpu.vector_store %arg7[%swap3A_722], %gather3A_721 {strides = array<i32>} : memref<128xi32, #tpu.memory_space<vmem>>, vector<16xi32>,
        %add3A_724 = arith.constant 48 : i32
        %add3A_725 = vector.broadcast %add3A_724 : i32 to vector<16xi32>
        %add3A_726 = arith.addi %iota3A, %add3A_725 : vector<16xi32>
        %mul3A_727 = arith.constant 200 : i32
        %mul3A_728 = vector.broadcast %mul3A_727 : i32 to vector<16xi32>
        %mul3A_729 = arith.muli %add3A_726, %mul3A_728 : vector<16xi32>
        %add3A_730 = vector.broadcast %add3A_690 : i32 to vector<16xi32>
        %add3A_731 = arith.addi %mul3A_729, %add3A_730 : vector<16xi32>
        %gather3A_732 = tpu.vector_load_idx %arg5[%add3A_731] : memref<25600xi32, #tpu.memory_space<vmem>>[vector<16xi32>], vector<16xi32>,
        %swap3A_733 = arith.constant 48 : index
        %swap3A_734 = tpu.vector_load %arg7[%swap3A_733] {strides = array<i32>} : memref<128xi32, #tpu.memory_space<vmem>>, vector<16xi32>,
        tpu.vector_store %arg7[%swap3A_733], %gather3A_732 {strides = array<i32>} : memref<128xi32, #tpu.memory_space<vmem>>, vector<16xi32>,
        %dma_start3A_735 = arith.constant 0 : i32
        %dma_start3A_736 = arith.constant 0 : i32
        %dma_start3A_737 = tpu.memref_slice %arg11[%dma_start3A_735, %dma_start3A_736] : memref<128x128xf32, #tpu.memory_space<vmem>> -> memref<64x128xf32, #tpu.memory_space<vmem>>
        %dma_start3A_738 = arith.constant 0 : i32
        %dma_start3A_739 = tpu.memref_slice %arg7[%dma_start3A_738] : memref<128xi32, #tpu.memory_space<vmem>> -> memref<64xi32, #tpu.memory_space<vmem>>
        %dma_start3A_740 = arith.constant 0 : i32
        %dma_start3A_741 = arith.constant 0 : i32
        %dma_start3A_742 = tpu.memref_slice %arg3[%dma_start3A_740, %dma_start3A_741] : memref<100000x128xf32, #tpu.memory_space<hbm>> -> memref<100000x128xf32, #tpu.memory_space<hbm>>
        tpu.enqueue_indirect_dma source(%dma_start3A_742 : memref<100000x128xf32, #tpu.memory_space<hbm>>) target(%dma_start3A_737 : memref<64x128xf32, #tpu.memory_space<vmem>>) offsets(%dma_start3A_739 : memref<64xi32, #tpu.memory_space<vmem>>) semaphore(%arg19 : memref<!tpu.dma_semaphore, #tpu.memory_space<semaphore_mem>>)
        %add3A_743 = arith.constant 64 : i32
        %add3A_744 = vector.broadcast %add3A_743 : i32 to vector<16xi32>
        %add3A_745 = arith.addi %iota3A, %add3A_744 : vector<16xi32>
        %mul3A_746 = arith.constant 200 : i32
        %mul3A_747 = vector.broadcast %mul3A_746 : i32 to vector<16xi32>
        %mul3A_748 = arith.muli %add3A_745, %mul3A_747 : vector<16xi32>
        %add3A_749 = vector.broadcast %add3A_690 : i32 to vector<16xi32>
        %add3A_750 = arith.addi %mul3A_748, %add3A_749 : vector<16xi32>
        %gather3A_751 = tpu.vector_load_idx %arg5[%add3A_750] : memref<25600xi32, #tpu.memory_space<vmem>>[vector<16xi32>], vector<16xi32>,
        %swap3A_752 = arith.constant 64 : index
        %swap3A_753 = tpu.vector_load %arg7[%swap3A_752] {strides = array<i32>} : memref<128xi32, #tpu.memory_space<vmem>>, vector<16xi32>,
        tpu.vector_store %arg7[%swap3A_752], %gather3A_751 {strides = array<i32>} : memref<128xi32, #tpu.memory_space<vmem>>, vector<16xi32>,
        %add3A_754 = arith.constant 80 : i32
        %add3A_755 = vector.broadcast %add3A_754 : i32 to vector<16xi32>
        %add3A_756 = arith.addi %iota3A, %add3A_755 : vector<16xi32>
        %mul3A_757 = arith.constant 200 : i32
        %mul3A_758 = vector.broadcast %mul3A_757 : i32 to vector<16xi32>
        %mul3A_759 = arith.muli %add3A_756, %mul3A_758 : vector<16xi32>
        %add3A_760 = vector.broadcast %add3A_690 : i32 to vector<16xi32>
        %add3A_761 = arith.addi %mul3A_759, %add3A_760 : vector<16xi32>
        %gather3A_762 = tpu.vector_load_idx %arg5[%add3A_761] : memref<25600xi32, #tpu.memory_space<vmem>>[vector<16xi32>], vector<16xi32>,
        %swap3A_763 = arith.constant 80 : index
        %swap3A_764 = tpu.vector_load %arg7[%swap3A_763] {strides = array<i32>} : memref<128xi32, #tpu.memory_space<vmem>>, vector<16xi32>,
        tpu.vector_store %arg7[%swap3A_763], %gather3A_762 {strides = array<i32>} : memref<128xi32, #tpu.memory_space<vmem>>, vector<16xi32>,
        %add3A_765 = arith.constant 96 : i32
        %add3A_766 = vector.broadcast %add3A_765 : i32 to vector<16xi32>
        %add3A_767 = arith.addi %iota3A, %add3A_766 : vector<16xi32>
        %mul3A_768 = arith.constant 200 : i32
        %mul3A_769 = vector.broadcast %mul3A_768 : i32 to vector<16xi32>
        %mul3A_770 = arith.muli %add3A_767, %mul3A_769 : vector<16xi32>
        %add3A_771 = vector.broadcast %add3A_690 : i32 to vector<16xi32>
        %add3A_772 = arith.addi %mul3A_770, %add3A_771 : vector<16xi32>
        %gather3A_773 = tpu.vector_load_idx %arg5[%add3A_772] : memref<25600xi32, #tpu.memory_space<vmem>>[vector<16xi32>], vector<16xi32>,
        %swap3A_774 = arith.constant 96 : index
        %swap3A_775 = tpu.vector_load %arg7[%swap3A_774] {strides = array<i32>} : memref<128xi32, #tpu.memory_space<vmem>>, vector<16xi32>,
        tpu.vector_store %arg7[%swap3A_774], %gather3A_773 {strides = array<i32>} : memref<128xi32, #tpu.memory_space<vmem>>, vector<16xi32>,
        %add3A_776 = arith.constant 112 : i32
        %add3A_777 = vector.broadcast %add3A_776 : i32 to vector<16xi32>
        %add3A_778 = arith.addi %iota3A, %add3A_777 : vector<16xi32>
        %mul3A_779 = arith.constant 200 : i32
        %mul3A_780 = vector.broadcast %mul3A_779 : i32 to vector<16xi32>
        %mul3A_781 = arith.muli %add3A_778, %mul3A_780 : vector<16xi32>
        %add3A_782 = vector.broadcast %add3A_690 : i32 to vector<16xi32>
        %add3A_783 = arith.addi %mul3A_781, %add3A_782 : vector<16xi32>
        %gather3A_784 = tpu.vector_load_idx %arg5[%add3A_783] : memref<25600xi32, #tpu.memory_space<vmem>>[vector<16xi32>], vector<16xi32>,
        %swap3A_785 = arith.constant 112 : index
        %swap3A_786 = tpu.vector_load %arg7[%swap3A_785] {strides = array<i32>} : memref<128xi32, #tpu.memory_space<vmem>>, vector<16xi32>,
        tpu.vector_store %arg7[%swap3A_785], %gather3A_784 {strides = array<i32>} : memref<128xi32, #tpu.memory_space<vmem>>, vector<16xi32>,
        %dma_start3A_787 = arith.constant 64 : i32
        %dma_start3A_788 = arith.constant 0 : i32
        %dma_start3A_789 = tpu.memref_slice %arg11[%dma_start3A_787, %dma_start3A_788] : memref<128x128xf32, #tpu.memory_space<vmem>> -> memref<64x128xf32, #tpu.memory_space<vmem>>
        %dma_start3A_790 = arith.constant 64 : i32
        %dma_start3A_791 = tpu.memref_slice %arg7[%dma_start3A_790] : memref<128xi32, #tpu.memory_space<vmem>> -> memref<64xi32, #tpu.memory_space<vmem>>
        %dma_start3A_792 = arith.constant 0 : i32
        %dma_start3A_793 = arith.constant 0 : i32
        %dma_start3A_794 = tpu.memref_slice %arg3[%dma_start3A_792, %dma_start3A_793] : memref<100000x128xf32, #tpu.memory_space<hbm>> -> memref<100000x128xf32, #tpu.memory_space<hbm>>
        tpu.enqueue_indirect_dma source(%dma_start3A_794 : memref<100000x128xf32, #tpu.memory_space<hbm>>) target(%dma_start3A_789 : memref<64x128xf32, #tpu.memory_space<vmem>>) offsets(%dma_start3A_791 : memref<64xi32, #tpu.memory_space<vmem>>) semaphore(%arg19 : memref<!tpu.dma_semaphore, #tpu.memory_space<semaphore_mem>>)
      } else {
      }
      %mul3A_585 = arith.constant 4 : i32
      %mul3A_586 = arith.muli %add3A_485, %mul3A_585 : i32
      %add3A_587 = arith.constant 2 : i32
      %add3A_588 = arith.addi %mul3A_586, %add3A_587 : i32
      %dma_wait3A_589 = arith.constant 0 : i32
      %dma_wait3A_590 = arith.constant 0 : i32
      %dma_wait3A_591 = tpu.memref_slice %arg3[%dma_wait3A_589, %dma_wait3A_590] : memref<100000x128xf32, #tpu.memory_space<hbm>> -> memref<128x128xf32, #tpu.memory_space<hbm>>
      %dma_wait3A_592 = arith.constant 0 : i32
      %dma_wait3A_593 = arith.constant 0 : i32
      %dma_wait3A_594 = tpu.memref_slice %arg3[%dma_wait3A_592, %dma_wait3A_593] : memref<100000x128xf32, #tpu.memory_space<hbm>> -> memref<128x128xf32, #tpu.memory_space<hbm>>
      tpu.wait_dma2 semaphore(%arg20 : memref<!tpu.dma_semaphore, #tpu.memory_space<semaphore_mem>>) src(%dma_wait3A_594 : memref<128x128xf32, #tpu.memory_space<hbm>>) dst(%arg12 : memref<128x128xf32, #tpu.memory_space<vmem>>)
      %ge3A_595 = arith.constant 4 : i32
      %ge3A_596 = arith.cmpi sge, %add3A_588, %ge3A_595 : i32
      %convert_element_type3A_597 = arith.extui %ge3A_596 : i1 to i32
      %cond3A_598 = arith.constant 0 : i32
      %cond3A_599 = arith.cmpi ne, %convert_element_type3A_597, %cond3A_598 : i32
      scf.if %cond3A_599 {
        %dma_wait3A_689 = arith.constant 0 : i32
        %dma_wait3A_690 = arith.constant 0 : i32
        %dma_wait3A_691 = tpu.memref_slice %arg4[%dma_wait3A_689, %dma_wait3A_690, %mul3A_2] : memref<200x64x4096xf32, #tpu.memory_space<hbm>> -> memref<1x64x128xf32, #tpu.memory_space<hbm>>
        %dma_wait3A_692 = tpu.memref_squeeze %dma_wait3A_691 : memref<1x64x128xf32, #tpu.memory_space<hbm>> -> memref<64x128xf32, #tpu.memory_space<hbm>>
        %dma_wait3A_693 = arith.constant 0 : i32
        %dma_wait3A_694 = tpu.memref_slice %arg4[%dma_wait3A_689, %dma_wait3A_693, %mul3A_2] : memref<200x64x4096xf32, #tpu.memory_space<hbm>> -> memref<1x64x128xf32, #tpu.memory_space<hbm>>
        %dma_wait3A_695 = tpu.memref_squeeze %dma_wait3A_694 : memref<1x64x128xf32, #tpu.memory_space<hbm>> -> memref<64x128xf32, #tpu.memory_space<hbm>>
        tpu.wait_dma2 semaphore(%arg24 : memref<!tpu.dma_semaphore, #tpu.memory_space<semaphore_mem>>) src(%arg16 : memref<64x128xf32, #tpu.memory_space<vmem>>) dst(%dma_wait3A_695 : memref<64x128xf32, #tpu.memory_space<hbm>>)
      } else {
      }
      %parallel_loop3A_600 = arith.constant 0 : i32
      %parallel_loop3A_601 = arith.constant 16 : i32
      %parallel_loop3A_602 = arith.constant 1 : i32
      scf.for %parallel_loop3A_689 = %parallel_loop3A_600 to %parallel_loop3A_601 step %parallel_loop3A_602  : i32 {
        %parallel_loop3A_690 = vector.broadcast %parallel_loop3A_689 : i32 to vector<16xi32>
        %parallel_loop3A_691 = arith.addi %iota3A, %parallel_loop3A_690 : vector<16xi32>
        %parallel_loop3A_692 = arith.constant 15 : i32
        %parallel_loop3A_693 = vector.broadcast %parallel_loop3A_692 : i32 to vector<16xi32>
        %parallel_loop3A_694 = arith.andi %parallel_loop3A_691, %parallel_loop3A_693 : vector<16xi32>
        %parallel_loop3A_695 = arith.constant 0 : i32
        %parallel_loop3A_696 = vector.broadcast %parallel_loop3A_695 : i32 to vector<16xi32>
        %parallel_loop3A_697 = arith.addi %parallel_loop3A_694, %parallel_loop3A_696 : vector<16xi32>
        %parallel_loop3A_698 = arith.constant 0 : i32
        %parallel_loop3A_699 = vector.broadcast %parallel_loop3A_698 : i32 to vector<16xi32>
        %parallel_loop3A_700 = arith.addi %iota3A, %parallel_loop3A_699 : vector<16xi32>
        %parallel_loop3A_701 = tpu.vector_load_idx %arg12[%parallel_loop3A_697, %parallel_loop3A_700] : memref<128x128xf32, #tpu.memory_space<vmem>>[vector<16xi32>, vector<16xi32>], vector<16xf32>,
        tpu.vector_store_idx %arg16[%parallel_loop3A_700, %parallel_loop3A_697], %parallel_loop3A_701 : memref<64x128xf32, #tpu.memory_space<vmem>>[vector<16xi32>, vector<16xi32>], vector<16xf32>,
        %parallel_loop3A_702 = arith.constant 16 : i32
        %parallel_loop3A_703 = vector.broadcast %parallel_loop3A_702 : i32 to vector<16xi32>
        %parallel_loop3A_704 = arith.addi %iota3A, %parallel_loop3A_703 : vector<16xi32>
        %parallel_loop3A_705 = tpu.vector_load_idx %arg12[%parallel_loop3A_697, %parallel_loop3A_704] : memref<128x128xf32, #tpu.memory_space<vmem>>[vector<16xi32>, vector<16xi32>], vector<16xf32>,
        tpu.vector_store_idx %arg16[%parallel_loop3A_704, %parallel_loop3A_697], %parallel_loop3A_705 : memref<64x128xf32, #tpu.memory_space<vmem>>[vector<16xi32>, vector<16xi32>], vector<16xf32>,
        %parallel_loop3A_706 = arith.constant 16 : i32
        %parallel_loop3A_707 = vector.broadcast %parallel_loop3A_706 : i32 to vector<16xi32>
        %parallel_loop3A_708 = arith.addi %parallel_loop3A_694, %parallel_loop3A_707 : vector<16xi32>
        %parallel_loop3A_709 = arith.constant 0 : i32
        %parallel_loop3A_710 = vector.broadcast %parallel_loop3A_709 : i32 to vector<16xi32>
        %parallel_loop3A_711 = arith.addi %iota3A, %parallel_loop3A_710 : vector<16xi32>
        %parallel_loop3A_712 = tpu.vector_load_idx %arg12[%parallel_loop3A_708, %parallel_loop3A_711] : memref<128x128xf32, #tpu.memory_space<vmem>>[vector<16xi32>, vector<16xi32>], vector<16xf32>,
        tpu.vector_store_idx %arg16[%parallel_loop3A_711, %parallel_loop3A_708], %parallel_loop3A_712 : memref<64x128xf32, #tpu.memory_space<vmem>>[vector<16xi32>, vector<16xi32>], vector<16xf32>,
        %parallel_loop3A_713 = arith.constant 16 : i32
        %parallel_loop3A_714 = vector.broadcast %parallel_loop3A_713 : i32 to vector<16xi32>
        %parallel_loop3A_715 = arith.addi %iota3A, %parallel_loop3A_714 : vector<16xi32>
        %parallel_loop3A_716 = tpu.vector_load_idx %arg12[%parallel_loop3A_708, %parallel_loop3A_715] : memref<128x128xf32, #tpu.memory_space<vmem>>[vector<16xi32>, vector<16xi32>], vector<16xf32>,
        tpu.vector_store_idx %arg16[%parallel_loop3A_715, %parallel_loop3A_708], %parallel_loop3A_716 : memref<64x128xf32, #tpu.memory_space<vmem>>[vector<16xi32>, vector<16xi32>], vector<16xf32>,
        %parallel_loop3A_717 = arith.constant 32 : i32
        %parallel_loop3A_718 = vector.broadcast %parallel_loop3A_717 : i32 to vector<16xi32>
        %parallel_loop3A_719 = arith.addi %parallel_loop3A_694, %parallel_loop3A_718 : vector<16xi32>
        %parallel_loop3A_720 = arith.constant 0 : i32
        %parallel_loop3A_721 = vector.broadcast %parallel_loop3A_720 : i32 to vector<16xi32>
        %parallel_loop3A_722 = arith.addi %iota3A, %parallel_loop3A_721 : vector<16xi32>
        %parallel_loop3A_723 = tpu.vector_load_idx %arg12[%parallel_loop3A_719, %parallel_loop3A_722] : memref<128x128xf32, #tpu.memory_space<vmem>>[vector<16xi32>, vector<16xi32>], vector<16xf32>,
        tpu.vector_store_idx %arg16[%parallel_loop3A_722, %parallel_loop3A_719], %parallel_loop3A_723 : memref<64x128xf32, #tpu.memory_space<vmem>>[vector<16xi32>, vector<16xi32>], vector<16xf32>,
        %parallel_loop3A_724 = arith.constant 16 : i32
        %parallel_loop3A_725 = vector.broadcast %parallel_loop3A_724 : i32 to vector<16xi32>
        %parallel_loop3A_726 = arith.addi %iota3A, %parallel_loop3A_725 : vector<16xi32>
        %parallel_loop3A_727 = tpu.vector_load_idx %arg12[%parallel_loop3A_719, %parallel_loop3A_726] : memref<128x128xf32, #tpu.memory_space<vmem>>[vector<16xi32>, vector<16xi32>], vector<16xf32>,
        tpu.vector_store_idx %arg16[%parallel_loop3A_726, %parallel_loop3A_719], %parallel_loop3A_727 : memref<64x128xf32, #tpu.memory_space<vmem>>[vector<16xi32>, vector<16xi32>], vector<16xf32>,
        %parallel_loop3A_728 = arith.constant 48 : i32
        %parallel_loop3A_729 = vector.broadcast %parallel_loop3A_728 : i32 to vector<16xi32>
        %parallel_loop3A_730 = arith.addi %parallel_loop3A_694, %parallel_loop3A_729 : vector<16xi32>
        %parallel_loop3A_731 = arith.constant 0 : i32
        %parallel_loop3A_732 = vector.broadcast %parallel_loop3A_731 : i32 to vector<16xi32>
        %parallel_loop3A_733 = arith.addi %iota3A, %parallel_loop3A_732 : vector<16xi32>
        %parallel_loop3A_734 = tpu.vector_load_idx %arg12[%parallel_loop3A_730, %parallel_loop3A_733] : memref<128x128xf32, #tpu.memory_space<vmem>>[vector<16xi32>, vector<16xi32>], vector<16xf32>,
        tpu.vector_store_idx %arg16[%parallel_loop3A_733, %parallel_loop3A_730], %parallel_loop3A_734 : memref<64x128xf32, #tpu.memory_space<vmem>>[vector<16xi32>, vector<16xi32>], vector<16xf32>,
        %parallel_loop3A_735 = arith.constant 16 : i32
        %parallel_loop3A_736 = vector.broadcast %parallel_loop3A_735 : i32 to vector<16xi32>
        %parallel_loop3A_737 = arith.addi %iota3A, %parallel_loop3A_736 : vector<16xi32>
        %parallel_loop3A_738 = tpu.vector_load_idx %arg12[%parallel_loop3A_730, %parallel_loop3A_737] : memref<128x128xf32, #tpu.memory_space<vmem>>[vector<16xi32>, vector<16xi32>], vector<16xf32>,
        tpu.vector_store_idx %arg16[%parallel_loop3A_737, %parallel_loop3A_730], %parallel_loop3A_738 : memref<64x128xf32, #tpu.memory_space<vmem>>[vector<16xi32>, vector<16xi32>], vector<16xf32>,
        %parallel_loop3A_739 = arith.constant 64 : i32
        %parallel_loop3A_740 = vector.broadcast %parallel_loop3A_739 : i32 to vector<16xi32>
        %parallel_loop3A_741 = arith.addi %parallel_loop3A_694, %parallel_loop3A_740 : vector<16xi32>
        %parallel_loop3A_742 = arith.constant 0 : i32
        %parallel_loop3A_743 = vector.broadcast %parallel_loop3A_742 : i32 to vector<16xi32>
        %parallel_loop3A_744 = arith.addi %iota3A, %parallel_loop3A_743 : vector<16xi32>
        %parallel_loop3A_745 = tpu.vector_load_idx %arg12[%parallel_loop3A_741, %parallel_loop3A_744] : memref<128x128xf32, #tpu.memory_space<vmem>>[vector<16xi32>, vector<16xi32>], vector<16xf32>,
        tpu.vector_store_idx %arg16[%parallel_loop3A_744, %parallel_loop3A_741], %parallel_loop3A_745 : memref<64x128xf32, #tpu.memory_space<vmem>>[vector<16xi32>, vector<16xi32>], vector<16xf32>,
        %parallel_loop3A_746 = arith.constant 16 : i32
        %parallel_loop3A_747 = vector.broadcast %parallel_loop3A_746 : i32 to vector<16xi32>
        %parallel_loop3A_748 = arith.addi %iota3A, %parallel_loop3A_747 : vector<16xi32>
        %parallel_loop3A_749 = tpu.vector_load_idx %arg12[%parallel_loop3A_741, %parallel_loop3A_748] : memref<128x128xf32, #tpu.memory_space<vmem>>[vector<16xi32>, vector<16xi32>], vector<16xf32>,
        tpu.vector_store_idx %arg16[%parallel_loop3A_748, %parallel_loop3A_741], %parallel_loop3A_749 : memref<64x128xf32, #tpu.memory_space<vmem>>[vector<16xi32>, vector<16xi32>], vector<16xf32>,
        %parallel_loop3A_750 = arith.constant 80 : i32
        %parallel_loop3A_751 = vector.broadcast %parallel_loop3A_750 : i32 to vector<16xi32>
        %parallel_loop3A_752 = arith.addi %parallel_loop3A_694, %parallel_loop3A_751 : vector<16xi32>
        %parallel_loop3A_753 = arith.constant 0 : i32
        %parallel_loop3A_754 = vector.broadcast %parallel_loop3A_753 : i32 to vector<16xi32>
        %parallel_loop3A_755 = arith.addi %iota3A, %parallel_loop3A_754 : vector<16xi32>
        %parallel_loop3A_756 = tpu.vector_load_idx %arg12[%parallel_loop3A_752, %parallel_loop3A_755] : memref<128x128xf32, #tpu.memory_space<vmem>>[vector<16xi32>, vector<16xi32>], vector<16xf32>,
        tpu.vector_store_idx %arg16[%parallel_loop3A_755, %parallel_loop3A_752], %parallel_loop3A_756 : memref<64x128xf32, #tpu.memory_space<vmem>>[vector<16xi32>, vector<16xi32>], vector<16xf32>,
        %parallel_loop3A_757 = arith.constant 16 : i32
        %parallel_loop3A_758 = vector.broadcast %parallel_loop3A_757 : i32 to vector<16xi32>
        %parallel_loop3A_759 = arith.addi %iota3A, %parallel_loop3A_758 : vector<16xi32>
        %parallel_loop3A_760 = tpu.vector_load_idx %arg12[%parallel_loop3A_752, %parallel_loop3A_759] : memref<128x128xf32, #tpu.memory_space<vmem>>[vector<16xi32>, vector<16xi32>], vector<16xf32>,
        tpu.vector_store_idx %arg16[%parallel_loop3A_759, %parallel_loop3A_752], %parallel_loop3A_760 : memref<64x128xf32, #tpu.memory_space<vmem>>[vector<16xi32>, vector<16xi32>], vector<16xf32>,
        %parallel_loop3A_761 = arith.constant 96 : i32
        %parallel_loop3A_762 = vector.broadcast %parallel_loop3A_761 : i32 to vector<16xi32>
        %parallel_loop3A_763 = arith.addi %parallel_loop3A_694, %parallel_loop3A_762 : vector<16xi32>
        %parallel_loop3A_764 = arith.constant 0 : i32
        %parallel_loop3A_765 = vector.broadcast %parallel_loop3A_764 : i32 to vector<16xi32>
        %parallel_loop3A_766 = arith.addi %iota3A, %parallel_loop3A_765 : vector<16xi32>
        %parallel_loop3A_767 = tpu.vector_load_idx %arg12[%parallel_loop3A_763, %parallel_loop3A_766] : memref<128x128xf32, #tpu.memory_space<vmem>>[vector<16xi32>, vector<16xi32>], vector<16xf32>,
        tpu.vector_store_idx %arg16[%parallel_loop3A_766, %parallel_loop3A_763], %parallel_loop3A_767 : memref<64x128xf32, #tpu.memory_space<vmem>>[vector<16xi32>, vector<16xi32>], vector<16xf32>,
        %parallel_loop3A_768 = arith.constant 16 : i32
        %parallel_loop3A_769 = vector.broadcast %parallel_loop3A_768 : i32 to vector<16xi32>
        %parallel_loop3A_770 = arith.addi %iota3A, %parallel_loop3A_769 : vector<16xi32>
        %parallel_loop3A_771 = tpu.vector_load_idx %arg12[%parallel_loop3A_763, %parallel_loop3A_770] : memref<128x128xf32, #tpu.memory_space<vmem>>[vector<16xi32>, vector<16xi32>], vector<16xf32>,
        tpu.vector_store_idx %arg16[%parallel_loop3A_770, %parallel_loop3A_763], %parallel_loop3A_771 : memref<64x128xf32, #tpu.memory_space<vmem>>[vector<16xi32>, vector<16xi32>], vector<16xf32>,
        %parallel_loop3A_772 = arith.constant 112 : i32
        %parallel_loop3A_773 = vector.broadcast %parallel_loop3A_772 : i32 to vector<16xi32>
        %parallel_loop3A_774 = arith.addi %parallel_loop3A_694, %parallel_loop3A_773 : vector<16xi32>
        %parallel_loop3A_775 = arith.constant 0 : i32
        %parallel_loop3A_776 = vector.broadcast %parallel_loop3A_775 : i32 to vector<16xi32>
        %parallel_loop3A_777 = arith.addi %iota3A, %parallel_loop3A_776 : vector<16xi32>
        %parallel_loop3A_778 = tpu.vector_load_idx %arg12[%parallel_loop3A_774, %parallel_loop3A_777] : memref<128x128xf32, #tpu.memory_space<vmem>>[vector<16xi32>, vector<16xi32>], vector<16xf32>,
        tpu.vector_store_idx %arg16[%parallel_loop3A_777, %parallel_loop3A_774], %parallel_loop3A_778 : memref<64x128xf32, #tpu.memory_space<vmem>>[vector<16xi32>, vector<16xi32>], vector<16xf32>,
        %parallel_loop3A_779 = arith.constant 16 : i32
        %parallel_loop3A_780 = vector.broadcast %parallel_loop3A_779 : i32 to vector<16xi32>
        %parallel_loop3A_781 = arith.addi %iota3A, %parallel_loop3A_780 : vector<16xi32>
        %parallel_loop3A_782 = tpu.vector_load_idx %arg12[%parallel_loop3A_774, %parallel_loop3A_781] : memref<128x128xf32, #tpu.memory_space<vmem>>[vector<16xi32>, vector<16xi32>], vector<16xf32>,
        tpu.vector_store_idx %arg16[%parallel_loop3A_781, %parallel_loop3A_774], %parallel_loop3A_782 : memref<64x128xf32, #tpu.memory_space<vmem>>[vector<16xi32>, vector<16xi32>], vector<16xf32>,
      } {sc.loop_unroll_factor = 8 : i64, sc.parallel_access}
      %dma_start3A_603 = arith.constant 0 : i32
      %dma_start3A_604 = arith.constant 0 : i32
      %dma_start3A_605 = tpu.memref_slice %arg16[%dma_start3A_603, %dma_start3A_604] : memref<64x128xf32, #tpu.memory_space<vmem>> -> memref<32x128xf32, #tpu.memory_space<vmem>>
      %dma_start3A_606 = arith.constant 0 : i32
      %dma_start3A_607 = tpu.memref_slice %arg4[%add3A_588, %dma_start3A_606, %mul3A_2] : memref<200x64x4096xf32, #tpu.memory_space<hbm>> -> memref<1x32x128xf32, #tpu.memory_space<hbm>>
      %dma_start3A_608 = tpu.memref_squeeze %dma_start3A_607 : memref<1x32x128xf32, #tpu.memory_space<hbm>> -> memref<32x128xf32, #tpu.memory_space<hbm>>
      %dma_start3A_609 = arith.constant 0 : i32
      %dma_start3A_610 = tpu.memref_slice %arg4[%add3A_588, %dma_start3A_609, %mul3A_2] : memref<200x64x4096xf32, #tpu.memory_space<hbm>> -> memref<1x32x128xf32, #tpu.memory_space<hbm>>
      %dma_start3A_611 = tpu.memref_squeeze %dma_start3A_610 : memref<1x32x128xf32, #tpu.memory_space<hbm>> -> memref<32x128xf32, #tpu.memory_space<hbm>>
      %dma_start3A_612 = arith.constant 0 : i32
      %dma_start3A_613 = arith.constant 0 : i32
      %dma_start3A_614 = tpu.memref_slice %arg16[%dma_start3A_612, %dma_start3A_613] : memref<64x128xf32, #tpu.memory_space<vmem>> -> memref<32x128xf32, #tpu.memory_space<vmem>>
      tpu.enqueue_dma source(%dma_start3A_614 : memref<32x128xf32, #tpu.memory_space<vmem>>) target(%dma_start3A_611 : memref<32x128xf32, #tpu.memory_space<hbm>>) target_semaphore(%arg24 : memref<!tpu.dma_semaphore, #tpu.memory_space<semaphore_mem>>)
      %parallel_loop3A_615 = arith.constant 0 : i32
      %parallel_loop3A_616 = arith.constant 16 : i32
      %parallel_loop3A_617 = arith.constant 1 : i32
      scf.for %parallel_loop3A_689 = %parallel_loop3A_615 to %parallel_loop3A_616 step %parallel_loop3A_617  : i32 {
        %parallel_loop3A_690 = vector.broadcast %parallel_loop3A_689 : i32 to vector<16xi32>
        %parallel_loop3A_691 = arith.addi %iota3A, %parallel_loop3A_690 : vector<16xi32>
        %parallel_loop3A_692 = arith.constant 15 : i32
        %parallel_loop3A_693 = vector.broadcast %parallel_loop3A_692 : i32 to vector<16xi32>
        %parallel_loop3A_694 = arith.andi %parallel_loop3A_691, %parallel_loop3A_693 : vector<16xi32>
        %parallel_loop3A_695 = arith.constant 0 : i32
        %parallel_loop3A_696 = vector.broadcast %parallel_loop3A_695 : i32 to vector<16xi32>
        %parallel_loop3A_697 = arith.addi %parallel_loop3A_694, %parallel_loop3A_696 : vector<16xi32>
        %parallel_loop3A_698 = arith.constant 32 : i32
        %parallel_loop3A_699 = vector.broadcast %parallel_loop3A_698 : i32 to vector<16xi32>
        %parallel_loop3A_700 = arith.addi %iota3A, %parallel_loop3A_699 : vector<16xi32>
        %parallel_loop3A_701 = tpu.vector_load_idx %arg12[%parallel_loop3A_697, %parallel_loop3A_700] : memref<128x128xf32, #tpu.memory_space<vmem>>[vector<16xi32>, vector<16xi32>], vector<16xf32>,
        tpu.vector_store_idx %arg16[%parallel_loop3A_700, %parallel_loop3A_697], %parallel_loop3A_701 : memref<64x128xf32, #tpu.memory_space<vmem>>[vector<16xi32>, vector<16xi32>], vector<16xf32>,
        %parallel_loop3A_702 = arith.constant 48 : i32
        %parallel_loop3A_703 = vector.broadcast %parallel_loop3A_702 : i32 to vector<16xi32>
        %parallel_loop3A_704 = arith.addi %iota3A, %parallel_loop3A_703 : vector<16xi32>
        %parallel_loop3A_705 = tpu.vector_load_idx %arg12[%parallel_loop3A_697, %parallel_loop3A_704] : memref<128x128xf32, #tpu.memory_space<vmem>>[vector<16xi32>, vector<16xi32>], vector<16xf32>,
        tpu.vector_store_idx %arg16[%parallel_loop3A_704, %parallel_loop3A_697], %parallel_loop3A_705 : memref<64x128xf32, #tpu.memory_space<vmem>>[vector<16xi32>, vector<16xi32>], vector<16xf32>,
        %parallel_loop3A_706 = arith.constant 16 : i32
        %parallel_loop3A_707 = vector.broadcast %parallel_loop3A_706 : i32 to vector<16xi32>
        %parallel_loop3A_708 = arith.addi %parallel_loop3A_694, %parallel_loop3A_707 : vector<16xi32>
        %parallel_loop3A_709 = arith.constant 32 : i32
        %parallel_loop3A_710 = vector.broadcast %parallel_loop3A_709 : i32 to vector<16xi32>
        %parallel_loop3A_711 = arith.addi %iota3A, %parallel_loop3A_710 : vector<16xi32>
        %parallel_loop3A_712 = tpu.vector_load_idx %arg12[%parallel_loop3A_708, %parallel_loop3A_711] : memref<128x128xf32, #tpu.memory_space<vmem>>[vector<16xi32>, vector<16xi32>], vector<16xf32>,
        tpu.vector_store_idx %arg16[%parallel_loop3A_711, %parallel_loop3A_708], %parallel_loop3A_712 : memref<64x128xf32, #tpu.memory_space<vmem>>[vector<16xi32>, vector<16xi32>], vector<16xf32>,
        %parallel_loop3A_713 = arith.constant 48 : i32
        %parallel_loop3A_714 = vector.broadcast %parallel_loop3A_713 : i32 to vector<16xi32>
        %parallel_loop3A_715 = arith.addi %iota3A, %parallel_loop3A_714 : vector<16xi32>
        %parallel_loop3A_716 = tpu.vector_load_idx %arg12[%parallel_loop3A_708, %parallel_loop3A_715] : memref<128x128xf32, #tpu.memory_space<vmem>>[vector<16xi32>, vector<16xi32>], vector<16xf32>,
        tpu.vector_store_idx %arg16[%parallel_loop3A_715, %parallel_loop3A_708], %parallel_loop3A_716 : memref<64x128xf32, #tpu.memory_space<vmem>>[vector<16xi32>, vector<16xi32>], vector<16xf32>,
        %parallel_loop3A_717 = arith.constant 32 : i32
        %parallel_loop3A_718 = vector.broadcast %parallel_loop3A_717 : i32 to vector<16xi32>
        %parallel_loop3A_719 = arith.addi %parallel_loop3A_694, %parallel_loop3A_718 : vector<16xi32>
        %parallel_loop3A_720 = arith.constant 32 : i32
        %parallel_loop3A_721 = vector.broadcast %parallel_loop3A_720 : i32 to vector<16xi32>
        %parallel_loop3A_722 = arith.addi %iota3A, %parallel_loop3A_721 : vector<16xi32>
        %parallel_loop3A_723 = tpu.vector_load_idx %arg12[%parallel_loop3A_719, %parallel_loop3A_722] : memref<128x128xf32, #tpu.memory_space<vmem>>[vector<16xi32>, vector<16xi32>], vector<16xf32>,
        tpu.vector_store_idx %arg16[%parallel_loop3A_722, %parallel_loop3A_719], %parallel_loop3A_723 : memref<64x128xf32, #tpu.memory_space<vmem>>[vector<16xi32>, vector<16xi32>], vector<16xf32>,
        %parallel_loop3A_724 = arith.constant 48 : i32
        %parallel_loop3A_725 = vector.broadcast %parallel_loop3A_724 : i32 to vector<16xi32>
        %parallel_loop3A_726 = arith.addi %iota3A, %parallel_loop3A_725 : vector<16xi32>
        %parallel_loop3A_727 = tpu.vector_load_idx %arg12[%parallel_loop3A_719, %parallel_loop3A_726] : memref<128x128xf32, #tpu.memory_space<vmem>>[vector<16xi32>, vector<16xi32>], vector<16xf32>,
        tpu.vector_store_idx %arg16[%parallel_loop3A_726, %parallel_loop3A_719], %parallel_loop3A_727 : memref<64x128xf32, #tpu.memory_space<vmem>>[vector<16xi32>, vector<16xi32>], vector<16xf32>,
        %parallel_loop3A_728 = arith.constant 48 : i32
        %parallel_loop3A_729 = vector.broadcast %parallel_loop3A_728 : i32 to vector<16xi32>
        %parallel_loop3A_730 = arith.addi %parallel_loop3A_694, %parallel_loop3A_729 : vector<16xi32>
        %parallel_loop3A_731 = arith.constant 32 : i32
        %parallel_loop3A_732 = vector.broadcast %parallel_loop3A_731 : i32 to vector<16xi32>
        %parallel_loop3A_733 = arith.addi %iota3A, %parallel_loop3A_732 : vector<16xi32>
        %parallel_loop3A_734 = tpu.vector_load_idx %arg12[%parallel_loop3A_730, %parallel_loop3A_733] : memref<128x128xf32, #tpu.memory_space<vmem>>[vector<16xi32>, vector<16xi32>], vector<16xf32>,
        tpu.vector_store_idx %arg16[%parallel_loop3A_733, %parallel_loop3A_730], %parallel_loop3A_734 : memref<64x128xf32, #tpu.memory_space<vmem>>[vector<16xi32>, vector<16xi32>], vector<16xf32>,
        %parallel_loop3A_735 = arith.constant 48 : i32
        %parallel_loop3A_736 = vector.broadcast %parallel_loop3A_735 : i32 to vector<16xi32>
        %parallel_loop3A_737 = arith.addi %iota3A, %parallel_loop3A_736 : vector<16xi32>
        %parallel_loop3A_738 = tpu.vector_load_idx %arg12[%parallel_loop3A_730, %parallel_loop3A_737] : memref<128x128xf32, #tpu.memory_space<vmem>>[vector<16xi32>, vector<16xi32>], vector<16xf32>,
        tpu.vector_store_idx %arg16[%parallel_loop3A_737, %parallel_loop3A_730], %parallel_loop3A_738 : memref<64x128xf32, #tpu.memory_space<vmem>>[vector<16xi32>, vector<16xi32>], vector<16xf32>,
        %parallel_loop3A_739 = arith.constant 64 : i32
        %parallel_loop3A_740 = vector.broadcast %parallel_loop3A_739 : i32 to vector<16xi32>
        %parallel_loop3A_741 = arith.addi %parallel_loop3A_694, %parallel_loop3A_740 : vector<16xi32>
        %parallel_loop3A_742 = arith.constant 32 : i32
        %parallel_loop3A_743 = vector.broadcast %parallel_loop3A_742 : i32 to vector<16xi32>
        %parallel_loop3A_744 = arith.addi %iota3A, %parallel_loop3A_743 : vector<16xi32>
        %parallel_loop3A_745 = tpu.vector_load_idx %arg12[%parallel_loop3A_741, %parallel_loop3A_744] : memref<128x128xf32, #tpu.memory_space<vmem>>[vector<16xi32>, vector<16xi32>], vector<16xf32>,
        tpu.vector_store_idx %arg16[%parallel_loop3A_744, %parallel_loop3A_741], %parallel_loop3A_745 : memref<64x128xf32, #tpu.memory_space<vmem>>[vector<16xi32>, vector<16xi32>], vector<16xf32>,
        %parallel_loop3A_746 = arith.constant 48 : i32
        %parallel_loop3A_747 = vector.broadcast %parallel_loop3A_746 : i32 to vector<16xi32>
        %parallel_loop3A_748 = arith.addi %iota3A, %parallel_loop3A_747 : vector<16xi32>
        %parallel_loop3A_749 = tpu.vector_load_idx %arg12[%parallel_loop3A_741, %parallel_loop3A_748] : memref<128x128xf32, #tpu.memory_space<vmem>>[vector<16xi32>, vector<16xi32>], vector<16xf32>,
        tpu.vector_store_idx %arg16[%parallel_loop3A_748, %parallel_loop3A_741], %parallel_loop3A_749 : memref<64x128xf32, #tpu.memory_space<vmem>>[vector<16xi32>, vector<16xi32>], vector<16xf32>,
        %parallel_loop3A_750 = arith.constant 80 : i32
        %parallel_loop3A_751 = vector.broadcast %parallel_loop3A_750 : i32 to vector<16xi32>
        %parallel_loop3A_752 = arith.addi %parallel_loop3A_694, %parallel_loop3A_751 : vector<16xi32>
        %parallel_loop3A_753 = arith.constant 32 : i32
        %parallel_loop3A_754 = vector.broadcast %parallel_loop3A_753 : i32 to vector<16xi32>
        %parallel_loop3A_755 = arith.addi %iota3A, %parallel_loop3A_754 : vector<16xi32>
        %parallel_loop3A_756 = tpu.vector_load_idx %arg12[%parallel_loop3A_752, %parallel_loop3A_755] : memref<128x128xf32, #tpu.memory_space<vmem>>[vector<16xi32>, vector<16xi32>], vector<16xf32>,
        tpu.vector_store_idx %arg16[%parallel_loop3A_755, %parallel_loop3A_752], %parallel_loop3A_756 : memref<64x128xf32, #tpu.memory_space<vmem>>[vector<16xi32>, vector<16xi32>], vector<16xf32>,
        %parallel_loop3A_757 = arith.constant 48 : i32
        %parallel_loop3A_758 = vector.broadcast %parallel_loop3A_757 : i32 to vector<16xi32>
        %parallel_loop3A_759 = arith.addi %iota3A, %parallel_loop3A_758 : vector<16xi32>
        %parallel_loop3A_760 = tpu.vector_load_idx %arg12[%parallel_loop3A_752, %parallel_loop3A_759] : memref<128x128xf32, #tpu.memory_space<vmem>>[vector<16xi32>, vector<16xi32>], vector<16xf32>,
        tpu.vector_store_idx %arg16[%parallel_loop3A_759, %parallel_loop3A_752], %parallel_loop3A_760 : memref<64x128xf32, #tpu.memory_space<vmem>>[vector<16xi32>, vector<16xi32>], vector<16xf32>,
        %parallel_loop3A_761 = arith.constant 96 : i32
        %parallel_loop3A_762 = vector.broadcast %parallel_loop3A_761 : i32 to vector<16xi32>
        %parallel_loop3A_763 = arith.addi %parallel_loop3A_694, %parallel_loop3A_762 : vector<16xi32>
        %parallel_loop3A_764 = arith.constant 32 : i32
        %parallel_loop3A_765 = vector.broadcast %parallel_loop3A_764 : i32 to vector<16xi32>
        %parallel_loop3A_766 = arith.addi %iota3A, %parallel_loop3A_765 : vector<16xi32>
        %parallel_loop3A_767 = tpu.vector_load_idx %arg12[%parallel_loop3A_763, %parallel_loop3A_766] : memref<128x128xf32, #tpu.memory_space<vmem>>[vector<16xi32>, vector<16xi32>], vector<16xf32>,
        tpu.vector_store_idx %arg16[%parallel_loop3A_766, %parallel_loop3A_763], %parallel_loop3A_767 : memref<64x128xf32, #tpu.memory_space<vmem>>[vector<16xi32>, vector<16xi32>], vector<16xf32>,
        %parallel_loop3A_768 = arith.constant 48 : i32
        %parallel_loop3A_769 = vector.broadcast %parallel_loop3A_768 : i32 to vector<16xi32>
        %parallel_loop3A_770 = arith.addi %iota3A, %parallel_loop3A_769 : vector<16xi32>
        %parallel_loop3A_771 = tpu.vector_load_idx %arg12[%parallel_loop3A_763, %parallel_loop3A_770] : memref<128x128xf32, #tpu.memory_space<vmem>>[vector<16xi32>, vector<16xi32>], vector<16xf32>,
        tpu.vector_store_idx %arg16[%parallel_loop3A_770, %parallel_loop3A_763], %parallel_loop3A_771 : memref<64x128xf32, #tpu.memory_space<vmem>>[vector<16xi32>, vector<16xi32>], vector<16xf32>,
        %parallel_loop3A_772 = arith.constant 112 : i32
        %parallel_loop3A_773 = vector.broadcast %parallel_loop3A_772 : i32 to vector<16xi32>
        %parallel_loop3A_774 = arith.addi %parallel_loop3A_694, %parallel_loop3A_773 : vector<16xi32>
        %parallel_loop3A_775 = arith.constant 32 : i32
        %parallel_loop3A_776 = vector.broadcast %parallel_loop3A_775 : i32 to vector<16xi32>
        %parallel_loop3A_777 = arith.addi %iota3A, %parallel_loop3A_776 : vector<16xi32>
        %parallel_loop3A_778 = tpu.vector_load_idx %arg12[%parallel_loop3A_774, %parallel_loop3A_777] : memref<128x128xf32, #tpu.memory_space<vmem>>[vector<16xi32>, vector<16xi32>], vector<16xf32>,
        tpu.vector_store_idx %arg16[%parallel_loop3A_777, %parallel_loop3A_774], %parallel_loop3A_778 : memref<64x128xf32, #tpu.memory_space<vmem>>[vector<16xi32>, vector<16xi32>], vector<16xf32>,
        %parallel_loop3A_779 = arith.constant 48 : i32
        %parallel_loop3A_780 = vector.broadcast %parallel_loop3A_779 : i32 to vector<16xi32>
        %parallel_loop3A_781 = arith.addi %iota3A, %parallel_loop3A_780 : vector<16xi32>
        %parallel_loop3A_782 = tpu.vector_load_idx %arg12[%parallel_loop3A_774, %parallel_loop3A_781] : memref<128x128xf32, #tpu.memory_space<vmem>>[vector<16xi32>, vector<16xi32>], vector<16xf32>,
        tpu.vector_store_idx %arg16[%parallel_loop3A_781, %parallel_loop3A_774], %parallel_loop3A_782 : memref<64x128xf32, #tpu.memory_space<vmem>>[vector<16xi32>, vector<16xi32>], vector<16xf32>,
      } {sc.loop_unroll_factor = 8 : i64, sc.parallel_access}
      %dma_start3A_618 = arith.constant 32 : i32
      %dma_start3A_619 = arith.constant 0 : i32
      %dma_start3A_620 = tpu.memref_slice %arg16[%dma_start3A_618, %dma_start3A_619] : memref<64x128xf32, #tpu.memory_space<vmem>> -> memref<32x128xf32, #tpu.memory_space<vmem>>
      %dma_start3A_621 = arith.constant 32 : i32
      %dma_start3A_622 = tpu.memref_slice %arg4[%add3A_588, %dma_start3A_621, %mul3A_2] : memref<200x64x4096xf32, #tpu.memory_space<hbm>> -> memref<1x32x128xf32, #tpu.memory_space<hbm>>
      %dma_start3A_623 = tpu.memref_squeeze %dma_start3A_622 : memref<1x32x128xf32, #tpu.memory_space<hbm>> -> memref<32x128xf32, #tpu.memory_space<hbm>>
      %dma_start3A_624 = arith.constant 32 : i32
      %dma_start3A_625 = tpu.memref_slice %arg4[%add3A_588, %dma_start3A_624, %mul3A_2] : memref<200x64x4096xf32, #tpu.memory_space<hbm>> -> memref<1x32x128xf32, #tpu.memory_space<hbm>>
      %dma_start3A_626 = tpu.memref_squeeze %dma_start3A_625 : memref<1x32x128xf32, #tpu.memory_space<hbm>> -> memref<32x128xf32, #tpu.memory_space<hbm>>
      %dma_start3A_627 = arith.constant 32 : i32
      %dma_start3A_628 = arith.constant 0 : i32
      %dma_start3A_629 = tpu.memref_slice %arg16[%dma_start3A_627, %dma_start3A_628] : memref<64x128xf32, #tpu.memory_space<vmem>> -> memref<32x128xf32, #tpu.memory_space<vmem>>
      tpu.enqueue_dma source(%dma_start3A_629 : memref<32x128xf32, #tpu.memory_space<vmem>>) target(%dma_start3A_626 : memref<32x128xf32, #tpu.memory_space<hbm>>) target_semaphore(%arg24 : memref<!tpu.dma_semaphore, #tpu.memory_space<semaphore_mem>>)
      %add3A_630 = arith.constant 4 : i32
      %add3A_631 = arith.addi %add3A_588, %add3A_630 : i32
      %lt3A_632 = arith.constant 200 : i32
      %lt3A_633 = arith.cmpi slt, %add3A_631, %lt3A_632 : i32
      %convert_element_type3A_634 = arith.extui %lt3A_633 : i1 to i32
      %cond3A_635 = arith.constant 0 : i32
      %cond3A_636 = arith.cmpi ne, %convert_element_type3A_634, %cond3A_635 : i32
      scf.if %cond3A_636 {
        %add3A_689 = arith.constant 4 : i32
        %add3A_690 = arith.addi %add3A_588, %add3A_689 : i32
        %add3A_691 = arith.constant 0 : i32
        %add3A_692 = vector.broadcast %add3A_691 : i32 to vector<16xi32>
        %add3A_693 = arith.addi %iota3A, %add3A_692 : vector<16xi32>
        %mul3A_694 = arith.constant 200 : i32
        %mul3A_695 = vector.broadcast %mul3A_694 : i32 to vector<16xi32>
        %mul3A_696 = arith.muli %add3A_693, %mul3A_695 : vector<16xi32>
        %add3A_697 = vector.broadcast %add3A_690 : i32 to vector<16xi32>
        %add3A_698 = arith.addi %mul3A_696, %add3A_697 : vector<16xi32>
        %gather3A_699 = tpu.vector_load_idx %arg5[%add3A_698] : memref<25600xi32, #tpu.memory_space<vmem>>[vector<16xi32>], vector<16xi32>,
        %swap3A_700 = arith.constant 0 : index
        %swap3A_701 = tpu.vector_load %arg8[%swap3A_700] {strides = array<i32>} : memref<128xi32, #tpu.memory_space<vmem>>, vector<16xi32>,
        tpu.vector_store %arg8[%swap3A_700], %gather3A_699 {strides = array<i32>} : memref<128xi32, #tpu.memory_space<vmem>>, vector<16xi32>,
        %add3A_702 = arith.constant 16 : i32
        %add3A_703 = vector.broadcast %add3A_702 : i32 to vector<16xi32>
        %add3A_704 = arith.addi %iota3A, %add3A_703 : vector<16xi32>
        %mul3A_705 = arith.constant 200 : i32
        %mul3A_706 = vector.broadcast %mul3A_705 : i32 to vector<16xi32>
        %mul3A_707 = arith.muli %add3A_704, %mul3A_706 : vector<16xi32>
        %add3A_708 = vector.broadcast %add3A_690 : i32 to vector<16xi32>
        %add3A_709 = arith.addi %mul3A_707, %add3A_708 : vector<16xi32>
        %gather3A_710 = tpu.vector_load_idx %arg5[%add3A_709] : memref<25600xi32, #tpu.memory_space<vmem>>[vector<16xi32>], vector<16xi32>,
        %swap3A_711 = arith.constant 16 : index
        %swap3A_712 = tpu.vector_load %arg8[%swap3A_711] {strides = array<i32>} : memref<128xi32, #tpu.memory_space<vmem>>, vector<16xi32>,
        tpu.vector_store %arg8[%swap3A_711], %gather3A_710 {strides = array<i32>} : memref<128xi32, #tpu.memory_space<vmem>>, vector<16xi32>,
        %add3A_713 = arith.constant 32 : i32
        %add3A_714 = vector.broadcast %add3A_713 : i32 to vector<16xi32>
        %add3A_715 = arith.addi %iota3A, %add3A_714 : vector<16xi32>
        %mul3A_716 = arith.constant 200 : i32
        %mul3A_717 = vector.broadcast %mul3A_716 : i32 to vector<16xi32>
        %mul3A_718 = arith.muli %add3A_715, %mul3A_717 : vector<16xi32>
        %add3A_719 = vector.broadcast %add3A_690 : i32 to vector<16xi32>
        %add3A_720 = arith.addi %mul3A_718, %add3A_719 : vector<16xi32>
        %gather3A_721 = tpu.vector_load_idx %arg5[%add3A_720] : memref<25600xi32, #tpu.memory_space<vmem>>[vector<16xi32>], vector<16xi32>,
        %swap3A_722 = arith.constant 32 : index
        %swap3A_723 = tpu.vector_load %arg8[%swap3A_722] {strides = array<i32>} : memref<128xi32, #tpu.memory_space<vmem>>, vector<16xi32>,
        tpu.vector_store %arg8[%swap3A_722], %gather3A_721 {strides = array<i32>} : memref<128xi32, #tpu.memory_space<vmem>>, vector<16xi32>,
        %add3A_724 = arith.constant 48 : i32
        %add3A_725 = vector.broadcast %add3A_724 : i32 to vector<16xi32>
        %add3A_726 = arith.addi %iota3A, %add3A_725 : vector<16xi32>
        %mul3A_727 = arith.constant 200 : i32
        %mul3A_728 = vector.broadcast %mul3A_727 : i32 to vector<16xi32>
        %mul3A_729 = arith.muli %add3A_726, %mul3A_728 : vector<16xi32>
        %add3A_730 = vector.broadcast %add3A_690 : i32 to vector<16xi32>
        %add3A_731 = arith.addi %mul3A_729, %add3A_730 : vector<16xi32>
        %gather3A_732 = tpu.vector_load_idx %arg5[%add3A_731] : memref<25600xi32, #tpu.memory_space<vmem>>[vector<16xi32>], vector<16xi32>,
        %swap3A_733 = arith.constant 48 : index
        %swap3A_734 = tpu.vector_load %arg8[%swap3A_733] {strides = array<i32>} : memref<128xi32, #tpu.memory_space<vmem>>, vector<16xi32>,
        tpu.vector_store %arg8[%swap3A_733], %gather3A_732 {strides = array<i32>} : memref<128xi32, #tpu.memory_space<vmem>>, vector<16xi32>,
        %dma_start3A_735 = arith.constant 0 : i32
        %dma_start3A_736 = arith.constant 0 : i32
        %dma_start3A_737 = tpu.memref_slice %arg12[%dma_start3A_735, %dma_start3A_736] : memref<128x128xf32, #tpu.memory_space<vmem>> -> memref<64x128xf32, #tpu.memory_space<vmem>>
        %dma_start3A_738 = arith.constant 0 : i32
        %dma_start3A_739 = tpu.memref_slice %arg8[%dma_start3A_738] : memref<128xi32, #tpu.memory_space<vmem>> -> memref<64xi32, #tpu.memory_space<vmem>>
        %dma_start3A_740 = arith.constant 0 : i32
        %dma_start3A_741 = arith.constant 0 : i32
        %dma_start3A_742 = tpu.memref_slice %arg3[%dma_start3A_740, %dma_start3A_741] : memref<100000x128xf32, #tpu.memory_space<hbm>> -> memref<100000x128xf32, #tpu.memory_space<hbm>>
        tpu.enqueue_indirect_dma source(%dma_start3A_742 : memref<100000x128xf32, #tpu.memory_space<hbm>>) target(%dma_start3A_737 : memref<64x128xf32, #tpu.memory_space<vmem>>) offsets(%dma_start3A_739 : memref<64xi32, #tpu.memory_space<vmem>>) semaphore(%arg20 : memref<!tpu.dma_semaphore, #tpu.memory_space<semaphore_mem>>)
        %add3A_743 = arith.constant 64 : i32
        %add3A_744 = vector.broadcast %add3A_743 : i32 to vector<16xi32>
        %add3A_745 = arith.addi %iota3A, %add3A_744 : vector<16xi32>
        %mul3A_746 = arith.constant 200 : i32
        %mul3A_747 = vector.broadcast %mul3A_746 : i32 to vector<16xi32>
        %mul3A_748 = arith.muli %add3A_745, %mul3A_747 : vector<16xi32>
        %add3A_749 = vector.broadcast %add3A_690 : i32 to vector<16xi32>
        %add3A_750 = arith.addi %mul3A_748, %add3A_749 : vector<16xi32>
        %gather3A_751 = tpu.vector_load_idx %arg5[%add3A_750] : memref<25600xi32, #tpu.memory_space<vmem>>[vector<16xi32>], vector<16xi32>,
        %swap3A_752 = arith.constant 64 : index
        %swap3A_753 = tpu.vector_load %arg8[%swap3A_752] {strides = array<i32>} : memref<128xi32, #tpu.memory_space<vmem>>, vector<16xi32>,
        tpu.vector_store %arg8[%swap3A_752], %gather3A_751 {strides = array<i32>} : memref<128xi32, #tpu.memory_space<vmem>>, vector<16xi32>,
        %add3A_754 = arith.constant 80 : i32
        %add3A_755 = vector.broadcast %add3A_754 : i32 to vector<16xi32>
        %add3A_756 = arith.addi %iota3A, %add3A_755 : vector<16xi32>
        %mul3A_757 = arith.constant 200 : i32
        %mul3A_758 = vector.broadcast %mul3A_757 : i32 to vector<16xi32>
        %mul3A_759 = arith.muli %add3A_756, %mul3A_758 : vector<16xi32>
        %add3A_760 = vector.broadcast %add3A_690 : i32 to vector<16xi32>
        %add3A_761 = arith.addi %mul3A_759, %add3A_760 : vector<16xi32>
        %gather3A_762 = tpu.vector_load_idx %arg5[%add3A_761] : memref<25600xi32, #tpu.memory_space<vmem>>[vector<16xi32>], vector<16xi32>,
        %swap3A_763 = arith.constant 80 : index
        %swap3A_764 = tpu.vector_load %arg8[%swap3A_763] {strides = array<i32>} : memref<128xi32, #tpu.memory_space<vmem>>, vector<16xi32>,
        tpu.vector_store %arg8[%swap3A_763], %gather3A_762 {strides = array<i32>} : memref<128xi32, #tpu.memory_space<vmem>>, vector<16xi32>,
        %add3A_765 = arith.constant 96 : i32
        %add3A_766 = vector.broadcast %add3A_765 : i32 to vector<16xi32>
        %add3A_767 = arith.addi %iota3A, %add3A_766 : vector<16xi32>
        %mul3A_768 = arith.constant 200 : i32
        %mul3A_769 = vector.broadcast %mul3A_768 : i32 to vector<16xi32>
        %mul3A_770 = arith.muli %add3A_767, %mul3A_769 : vector<16xi32>
        %add3A_771 = vector.broadcast %add3A_690 : i32 to vector<16xi32>
        %add3A_772 = arith.addi %mul3A_770, %add3A_771 : vector<16xi32>
        %gather3A_773 = tpu.vector_load_idx %arg5[%add3A_772] : memref<25600xi32, #tpu.memory_space<vmem>>[vector<16xi32>], vector<16xi32>,
        %swap3A_774 = arith.constant 96 : index
        %swap3A_775 = tpu.vector_load %arg8[%swap3A_774] {strides = array<i32>} : memref<128xi32, #tpu.memory_space<vmem>>, vector<16xi32>,
        tpu.vector_store %arg8[%swap3A_774], %gather3A_773 {strides = array<i32>} : memref<128xi32, #tpu.memory_space<vmem>>, vector<16xi32>,
        %add3A_776 = arith.constant 112 : i32
        %add3A_777 = vector.broadcast %add3A_776 : i32 to vector<16xi32>
        %add3A_778 = arith.addi %iota3A, %add3A_777 : vector<16xi32>
        %mul3A_779 = arith.constant 200 : i32
        %mul3A_780 = vector.broadcast %mul3A_779 : i32 to vector<16xi32>
        %mul3A_781 = arith.muli %add3A_778, %mul3A_780 : vector<16xi32>
        %add3A_782 = vector.broadcast %add3A_690 : i32 to vector<16xi32>
        %add3A_783 = arith.addi %mul3A_781, %add3A_782 : vector<16xi32>
        %gather3A_784 = tpu.vector_load_idx %arg5[%add3A_783] : memref<25600xi32, #tpu.memory_space<vmem>>[vector<16xi32>], vector<16xi32>,
        %swap3A_785 = arith.constant 112 : index
        %swap3A_786 = tpu.vector_load %arg8[%swap3A_785] {strides = array<i32>} : memref<128xi32, #tpu.memory_space<vmem>>, vector<16xi32>,
        tpu.vector_store %arg8[%swap3A_785], %gather3A_784 {strides = array<i32>} : memref<128xi32, #tpu.memory_space<vmem>>, vector<16xi32>,
        %dma_start3A_787 = arith.constant 64 : i32
        %dma_start3A_788 = arith.constant 0 : i32
        %dma_start3A_789 = tpu.memref_slice %arg12[%dma_start3A_787, %dma_start3A_788] : memref<128x128xf32, #tpu.memory_space<vmem>> -> memref<64x128xf32, #tpu.memory_space<vmem>>
        %dma_start3A_790 = arith.constant 64 : i32
        %dma_start3A_791 = tpu.memref_slice %arg8[%dma_start3A_790] : memref<128xi32, #tpu.memory_space<vmem>> -> memref<64xi32, #tpu.memory_space<vmem>>
        %dma_start3A_792 = arith.constant 0 : i32
        %dma_start3A_793 = arith.constant 0 : i32
        %dma_start3A_794 = tpu.memref_slice %arg3[%dma_start3A_792, %dma_start3A_793] : memref<100000x128xf32, #tpu.memory_space<hbm>> -> memref<100000x128xf32, #tpu.memory_space<hbm>>
        tpu.enqueue_indirect_dma source(%dma_start3A_794 : memref<100000x128xf32, #tpu.memory_space<hbm>>) target(%dma_start3A_789 : memref<64x128xf32, #tpu.memory_space<vmem>>) offsets(%dma_start3A_791 : memref<64xi32, #tpu.memory_space<vmem>>) semaphore(%arg20 : memref<!tpu.dma_semaphore, #tpu.memory_space<semaphore_mem>>)
      } else {
      }
      %mul3A_637 = arith.constant 4 : i32
      %mul3A_638 = arith.muli %add3A_485, %mul3A_637 : i32
      %add3A_639 = arith.constant 3 : i32
      %add3A_640 = arith.addi %mul3A_638, %add3A_639 : i32
      %dma_wait3A_641 = arith.constant 0 : i32
      %dma_wait3A_642 = arith.constant 0 : i32
      %dma_wait3A_643 = tpu.memref_slice %arg3[%dma_wait3A_641, %dma_wait3A_642] : memref<100000x128xf32, #tpu.memory_space<hbm>> -> memref<128x128xf32, #tpu.memory_space<hbm>>
      %dma_wait3A_644 = arith.constant 0 : i32
      %dma_wait3A_645 = arith.constant 0 : i32
      %dma_wait3A_646 = tpu.memref_slice %arg3[%dma_wait3A_644, %dma_wait3A_645] : memref<100000x128xf32, #tpu.memory_space<hbm>> -> memref<128x128xf32, #tpu.memory_space<hbm>>
      tpu.wait_dma2 semaphore(%arg21 : memref<!tpu.dma_semaphore, #tpu.memory_space<semaphore_mem>>) src(%dma_wait3A_646 : memref<128x128xf32, #tpu.memory_space<hbm>>) dst(%arg13 : memref<128x128xf32, #tpu.memory_space<vmem>>)
      %ge3A_647 = arith.constant 4 : i32
      %ge3A_648 = arith.cmpi sge, %add3A_640, %ge3A_647 : i32
      %convert_element_type3A_649 = arith.extui %ge3A_648 : i1 to i32
      %cond3A_650 = arith.constant 0 : i32
      %cond3A_651 = arith.cmpi ne, %convert_element_type3A_649, %cond3A_650 : i32
      scf.if %cond3A_651 {
        %dma_wait3A_689 = arith.constant 0 : i32
        %dma_wait3A_690 = arith.constant 0 : i32
        %dma_wait3A_691 = tpu.memref_slice %arg4[%dma_wait3A_689, %dma_wait3A_690, %mul3A_2] : memref<200x64x4096xf32, #tpu.memory_space<hbm>> -> memref<1x64x128xf32, #tpu.memory_space<hbm>>
        %dma_wait3A_692 = tpu.memref_squeeze %dma_wait3A_691 : memref<1x64x128xf32, #tpu.memory_space<hbm>> -> memref<64x128xf32, #tpu.memory_space<hbm>>
        %dma_wait3A_693 = arith.constant 0 : i32
        %dma_wait3A_694 = tpu.memref_slice %arg4[%dma_wait3A_689, %dma_wait3A_693, %mul3A_2] : memref<200x64x4096xf32, #tpu.memory_space<hbm>> -> memref<1x64x128xf32, #tpu.memory_space<hbm>>
        %dma_wait3A_695 = tpu.memref_squeeze %dma_wait3A_694 : memref<1x64x128xf32, #tpu.memory_space<hbm>> -> memref<64x128xf32, #tpu.memory_space<hbm>>
        tpu.wait_dma2 semaphore(%arg25 : memref<!tpu.dma_semaphore, #tpu.memory_space<semaphore_mem>>) src(%arg17 : memref<64x128xf32, #tpu.memory_space<vmem>>) dst(%dma_wait3A_695 : memref<64x128xf32, #tpu.memory_space<hbm>>)
      } else {
      }
      %parallel_loop3A_652 = arith.constant 0 : i32
      %parallel_loop3A_653 = arith.constant 16 : i32
      %parallel_loop3A_654 = arith.constant 1 : i32
      scf.for %parallel_loop3A_689 = %parallel_loop3A_652 to %parallel_loop3A_653 step %parallel_loop3A_654  : i32 {
        %parallel_loop3A_690 = vector.broadcast %parallel_loop3A_689 : i32 to vector<16xi32>
        %parallel_loop3A_691 = arith.addi %iota3A, %parallel_loop3A_690 : vector<16xi32>
        %parallel_loop3A_692 = arith.constant 15 : i32
        %parallel_loop3A_693 = vector.broadcast %parallel_loop3A_692 : i32 to vector<16xi32>
        %parallel_loop3A_694 = arith.andi %parallel_loop3A_691, %parallel_loop3A_693 : vector<16xi32>
        %parallel_loop3A_695 = arith.constant 0 : i32
        %parallel_loop3A_696 = vector.broadcast %parallel_loop3A_695 : i32 to vector<16xi32>
        %parallel_loop3A_697 = arith.addi %parallel_loop3A_694, %parallel_loop3A_696 : vector<16xi32>
        %parallel_loop3A_698 = arith.constant 0 : i32
        %parallel_loop3A_699 = vector.broadcast %parallel_loop3A_698 : i32 to vector<16xi32>
        %parallel_loop3A_700 = arith.addi %iota3A, %parallel_loop3A_699 : vector<16xi32>
        %parallel_loop3A_701 = tpu.vector_load_idx %arg13[%parallel_loop3A_697, %parallel_loop3A_700] : memref<128x128xf32, #tpu.memory_space<vmem>>[vector<16xi32>, vector<16xi32>], vector<16xf32>,
        tpu.vector_store_idx %arg17[%parallel_loop3A_700, %parallel_loop3A_697], %parallel_loop3A_701 : memref<64x128xf32, #tpu.memory_space<vmem>>[vector<16xi32>, vector<16xi32>], vector<16xf32>,
        %parallel_loop3A_702 = arith.constant 16 : i32
        %parallel_loop3A_703 = vector.broadcast %parallel_loop3A_702 : i32 to vector<16xi32>
        %parallel_loop3A_704 = arith.addi %iota3A, %parallel_loop3A_703 : vector<16xi32>
        %parallel_loop3A_705 = tpu.vector_load_idx %arg13[%parallel_loop3A_697, %parallel_loop3A_704] : memref<128x128xf32, #tpu.memory_space<vmem>>[vector<16xi32>, vector<16xi32>], vector<16xf32>,
        tpu.vector_store_idx %arg17[%parallel_loop3A_704, %parallel_loop3A_697], %parallel_loop3A_705 : memref<64x128xf32, #tpu.memory_space<vmem>>[vector<16xi32>, vector<16xi32>], vector<16xf32>,
        %parallel_loop3A_706 = arith.constant 16 : i32
        %parallel_loop3A_707 = vector.broadcast %parallel_loop3A_706 : i32 to vector<16xi32>
        %parallel_loop3A_708 = arith.addi %parallel_loop3A_694, %parallel_loop3A_707 : vector<16xi32>
        %parallel_loop3A_709 = arith.constant 0 : i32
        %parallel_loop3A_710 = vector.broadcast %parallel_loop3A_709 : i32 to vector<16xi32>
        %parallel_loop3A_711 = arith.addi %iota3A, %parallel_loop3A_710 : vector<16xi32>
        %parallel_loop3A_712 = tpu.vector_load_idx %arg13[%parallel_loop3A_708, %parallel_loop3A_711] : memref<128x128xf32, #tpu.memory_space<vmem>>[vector<16xi32>, vector<16xi32>], vector<16xf32>,
        tpu.vector_store_idx %arg17[%parallel_loop3A_711, %parallel_loop3A_708], %parallel_loop3A_712 : memref<64x128xf32, #tpu.memory_space<vmem>>[vector<16xi32>, vector<16xi32>], vector<16xf32>,
        %parallel_loop3A_713 = arith.constant 16 : i32
        %parallel_loop3A_714 = vector.broadcast %parallel_loop3A_713 : i32 to vector<16xi32>
        %parallel_loop3A_715 = arith.addi %iota3A, %parallel_loop3A_714 : vector<16xi32>
        %parallel_loop3A_716 = tpu.vector_load_idx %arg13[%parallel_loop3A_708, %parallel_loop3A_715] : memref<128x128xf32, #tpu.memory_space<vmem>>[vector<16xi32>, vector<16xi32>], vector<16xf32>,
        tpu.vector_store_idx %arg17[%parallel_loop3A_715, %parallel_loop3A_708], %parallel_loop3A_716 : memref<64x128xf32, #tpu.memory_space<vmem>>[vector<16xi32>, vector<16xi32>], vector<16xf32>,
        %parallel_loop3A_717 = arith.constant 32 : i32
        %parallel_loop3A_718 = vector.broadcast %parallel_loop3A_717 : i32 to vector<16xi32>
        %parallel_loop3A_719 = arith.addi %parallel_loop3A_694, %parallel_loop3A_718 : vector<16xi32>
        %parallel_loop3A_720 = arith.constant 0 : i32
        %parallel_loop3A_721 = vector.broadcast %parallel_loop3A_720 : i32 to vector<16xi32>
        %parallel_loop3A_722 = arith.addi %iota3A, %parallel_loop3A_721 : vector<16xi32>
        %parallel_loop3A_723 = tpu.vector_load_idx %arg13[%parallel_loop3A_719, %parallel_loop3A_722] : memref<128x128xf32, #tpu.memory_space<vmem>>[vector<16xi32>, vector<16xi32>], vector<16xf32>,
        tpu.vector_store_idx %arg17[%parallel_loop3A_722, %parallel_loop3A_719], %parallel_loop3A_723 : memref<64x128xf32, #tpu.memory_space<vmem>>[vector<16xi32>, vector<16xi32>], vector<16xf32>,
        %parallel_loop3A_724 = arith.constant 16 : i32
        %parallel_loop3A_725 = vector.broadcast %parallel_loop3A_724 : i32 to vector<16xi32>
        %parallel_loop3A_726 = arith.addi %iota3A, %parallel_loop3A_725 : vector<16xi32>
        %parallel_loop3A_727 = tpu.vector_load_idx %arg13[%parallel_loop3A_719, %parallel_loop3A_726] : memref<128x128xf32, #tpu.memory_space<vmem>>[vector<16xi32>, vector<16xi32>], vector<16xf32>,
        tpu.vector_store_idx %arg17[%parallel_loop3A_726, %parallel_loop3A_719], %parallel_loop3A_727 : memref<64x128xf32, #tpu.memory_space<vmem>>[vector<16xi32>, vector<16xi32>], vector<16xf32>,
        %parallel_loop3A_728 = arith.constant 48 : i32
        %parallel_loop3A_729 = vector.broadcast %parallel_loop3A_728 : i32 to vector<16xi32>
        %parallel_loop3A_730 = arith.addi %parallel_loop3A_694, %parallel_loop3A_729 : vector<16xi32>
        %parallel_loop3A_731 = arith.constant 0 : i32
        %parallel_loop3A_732 = vector.broadcast %parallel_loop3A_731 : i32 to vector<16xi32>
        %parallel_loop3A_733 = arith.addi %iota3A, %parallel_loop3A_732 : vector<16xi32>
        %parallel_loop3A_734 = tpu.vector_load_idx %arg13[%parallel_loop3A_730, %parallel_loop3A_733] : memref<128x128xf32, #tpu.memory_space<vmem>>[vector<16xi32>, vector<16xi32>], vector<16xf32>,
        tpu.vector_store_idx %arg17[%parallel_loop3A_733, %parallel_loop3A_730], %parallel_loop3A_734 : memref<64x128xf32, #tpu.memory_space<vmem>>[vector<16xi32>, vector<16xi32>], vector<16xf32>,
        %parallel_loop3A_735 = arith.constant 16 : i32
        %parallel_loop3A_736 = vector.broadcast %parallel_loop3A_735 : i32 to vector<16xi32>
        %parallel_loop3A_737 = arith.addi %iota3A, %parallel_loop3A_736 : vector<16xi32>
        %parallel_loop3A_738 = tpu.vector_load_idx %arg13[%parallel_loop3A_730, %parallel_loop3A_737] : memref<128x128xf32, #tpu.memory_space<vmem>>[vector<16xi32>, vector<16xi32>], vector<16xf32>,
        tpu.vector_store_idx %arg17[%parallel_loop3A_737, %parallel_loop3A_730], %parallel_loop3A_738 : memref<64x128xf32, #tpu.memory_space<vmem>>[vector<16xi32>, vector<16xi32>], vector<16xf32>,
        %parallel_loop3A_739 = arith.constant 64 : i32
        %parallel_loop3A_740 = vector.broadcast %parallel_loop3A_739 : i32 to vector<16xi32>
        %parallel_loop3A_741 = arith.addi %parallel_loop3A_694, %parallel_loop3A_740 : vector<16xi32>
        %parallel_loop3A_742 = arith.constant 0 : i32
        %parallel_loop3A_743 = vector.broadcast %parallel_loop3A_742 : i32 to vector<16xi32>
        %parallel_loop3A_744 = arith.addi %iota3A, %parallel_loop3A_743 : vector<16xi32>
        %parallel_loop3A_745 = tpu.vector_load_idx %arg13[%parallel_loop3A_741, %parallel_loop3A_744] : memref<128x128xf32, #tpu.memory_space<vmem>>[vector<16xi32>, vector<16xi32>], vector<16xf32>,
        tpu.vector_store_idx %arg17[%parallel_loop3A_744, %parallel_loop3A_741], %parallel_loop3A_745 : memref<64x128xf32, #tpu.memory_space<vmem>>[vector<16xi32>, vector<16xi32>], vector<16xf32>,
        %parallel_loop3A_746 = arith.constant 16 : i32
        %parallel_loop3A_747 = vector.broadcast %parallel_loop3A_746 : i32 to vector<16xi32>
        %parallel_loop3A_748 = arith.addi %iota3A, %parallel_loop3A_747 : vector<16xi32>
        %parallel_loop3A_749 = tpu.vector_load_idx %arg13[%parallel_loop3A_741, %parallel_loop3A_748] : memref<128x128xf32, #tpu.memory_space<vmem>>[vector<16xi32>, vector<16xi32>], vector<16xf32>,
        tpu.vector_store_idx %arg17[%parallel_loop3A_748, %parallel_loop3A_741], %parallel_loop3A_749 : memref<64x128xf32, #tpu.memory_space<vmem>>[vector<16xi32>, vector<16xi32>], vector<16xf32>,
        %parallel_loop3A_750 = arith.constant 80 : i32
        %parallel_loop3A_751 = vector.broadcast %parallel_loop3A_750 : i32 to vector<16xi32>
        %parallel_loop3A_752 = arith.addi %parallel_loop3A_694, %parallel_loop3A_751 : vector<16xi32>
        %parallel_loop3A_753 = arith.constant 0 : i32
        %parallel_loop3A_754 = vector.broadcast %parallel_loop3A_753 : i32 to vector<16xi32>
        %parallel_loop3A_755 = arith.addi %iota3A, %parallel_loop3A_754 : vector<16xi32>
        %parallel_loop3A_756 = tpu.vector_load_idx %arg13[%parallel_loop3A_752, %parallel_loop3A_755] : memref<128x128xf32, #tpu.memory_space<vmem>>[vector<16xi32>, vector<16xi32>], vector<16xf32>,
        tpu.vector_store_idx %arg17[%parallel_loop3A_755, %parallel_loop3A_752], %parallel_loop3A_756 : memref<64x128xf32, #tpu.memory_space<vmem>>[vector<16xi32>, vector<16xi32>], vector<16xf32>,
        %parallel_loop3A_757 = arith.constant 16 : i32
        %parallel_loop3A_758 = vector.broadcast %parallel_loop3A_757 : i32 to vector<16xi32>
        %parallel_loop3A_759 = arith.addi %iota3A, %parallel_loop3A_758 : vector<16xi32>
        %parallel_loop3A_760 = tpu.vector_load_idx %arg13[%parallel_loop3A_752, %parallel_loop3A_759] : memref<128x128xf32, #tpu.memory_space<vmem>>[vector<16xi32>, vector<16xi32>], vector<16xf32>,
        tpu.vector_store_idx %arg17[%parallel_loop3A_759, %parallel_loop3A_752], %parallel_loop3A_760 : memref<64x128xf32, #tpu.memory_space<vmem>>[vector<16xi32>, vector<16xi32>], vector<16xf32>,
        %parallel_loop3A_761 = arith.constant 96 : i32
        %parallel_loop3A_762 = vector.broadcast %parallel_loop3A_761 : i32 to vector<16xi32>
        %parallel_loop3A_763 = arith.addi %parallel_loop3A_694, %parallel_loop3A_762 : vector<16xi32>
        %parallel_loop3A_764 = arith.constant 0 : i32
        %parallel_loop3A_765 = vector.broadcast %parallel_loop3A_764 : i32 to vector<16xi32>
        %parallel_loop3A_766 = arith.addi %iota3A, %parallel_loop3A_765 : vector<16xi32>
        %parallel_loop3A_767 = tpu.vector_load_idx %arg13[%parallel_loop3A_763, %parallel_loop3A_766] : memref<128x128xf32, #tpu.memory_space<vmem>>[vector<16xi32>, vector<16xi32>], vector<16xf32>,
        tpu.vector_store_idx %arg17[%parallel_loop3A_766, %parallel_loop3A_763], %parallel_loop3A_767 : memref<64x128xf32, #tpu.memory_space<vmem>>[vector<16xi32>, vector<16xi32>], vector<16xf32>,
        %parallel_loop3A_768 = arith.constant 16 : i32
        %parallel_loop3A_769 = vector.broadcast %parallel_loop3A_768 : i32 to vector<16xi32>
        %parallel_loop3A_770 = arith.addi %iota3A, %parallel_loop3A_769 : vector<16xi32>
        %parallel_loop3A_771 = tpu.vector_load_idx %arg13[%parallel_loop3A_763, %parallel_loop3A_770] : memref<128x128xf32, #tpu.memory_space<vmem>>[vector<16xi32>, vector<16xi32>], vector<16xf32>,
        tpu.vector_store_idx %arg17[%parallel_loop3A_770, %parallel_loop3A_763], %parallel_loop3A_771 : memref<64x128xf32, #tpu.memory_space<vmem>>[vector<16xi32>, vector<16xi32>], vector<16xf32>,
        %parallel_loop3A_772 = arith.constant 112 : i32
        %parallel_loop3A_773 = vector.broadcast %parallel_loop3A_772 : i32 to vector<16xi32>
        %parallel_loop3A_774 = arith.addi %parallel_loop3A_694, %parallel_loop3A_773 : vector<16xi32>
        %parallel_loop3A_775 = arith.constant 0 : i32
        %parallel_loop3A_776 = vector.broadcast %parallel_loop3A_775 : i32 to vector<16xi32>
        %parallel_loop3A_777 = arith.addi %iota3A, %parallel_loop3A_776 : vector<16xi32>
        %parallel_loop3A_778 = tpu.vector_load_idx %arg13[%parallel_loop3A_774, %parallel_loop3A_777] : memref<128x128xf32, #tpu.memory_space<vmem>>[vector<16xi32>, vector<16xi32>], vector<16xf32>,
        tpu.vector_store_idx %arg17[%parallel_loop3A_777, %parallel_loop3A_774], %parallel_loop3A_778 : memref<64x128xf32, #tpu.memory_space<vmem>>[vector<16xi32>, vector<16xi32>], vector<16xf32>,
        %parallel_loop3A_779 = arith.constant 16 : i32
        %parallel_loop3A_780 = vector.broadcast %parallel_loop3A_779 : i32 to vector<16xi32>
        %parallel_loop3A_781 = arith.addi %iota3A, %parallel_loop3A_780 : vector<16xi32>
        %parallel_loop3A_782 = tpu.vector_load_idx %arg13[%parallel_loop3A_774, %parallel_loop3A_781] : memref<128x128xf32, #tpu.memory_space<vmem>>[vector<16xi32>, vector<16xi32>], vector<16xf32>,
        tpu.vector_store_idx %arg17[%parallel_loop3A_781, %parallel_loop3A_774], %parallel_loop3A_782 : memref<64x128xf32, #tpu.memory_space<vmem>>[vector<16xi32>, vector<16xi32>], vector<16xf32>,
      } {sc.loop_unroll_factor = 8 : i64, sc.parallel_access}
      %dma_start3A_655 = arith.constant 0 : i32
      %dma_start3A_656 = arith.constant 0 : i32
      %dma_start3A_657 = tpu.memref_slice %arg17[%dma_start3A_655, %dma_start3A_656] : memref<64x128xf32, #tpu.memory_space<vmem>> -> memref<32x128xf32, #tpu.memory_space<vmem>>
      %dma_start3A_658 = arith.constant 0 : i32
      %dma_start3A_659 = tpu.memref_slice %arg4[%add3A_640, %dma_start3A_658, %mul3A_2] : memref<200x64x4096xf32, #tpu.memory_space<hbm>> -> memref<1x32x128xf32, #tpu.memory_space<hbm>>
      %dma_start3A_660 = tpu.memref_squeeze %dma_start3A_659 : memref<1x32x128xf32, #tpu.memory_space<hbm>> -> memref<32x128xf32, #tpu.memory_space<hbm>>
      %dma_start3A_661 = arith.constant 0 : i32
      %dma_start3A_662 = tpu.memref_slice %arg4[%add3A_640, %dma_start3A_661, %mul3A_2] : memref<200x64x4096xf32, #tpu.memory_space<hbm>> -> memref<1x32x128xf32, #tpu.memory_space<hbm>>
      %dma_start3A_663 = tpu.memref_squeeze %dma_start3A_662 : memref<1x32x128xf32, #tpu.memory_space<hbm>> -> memref<32x128xf32, #tpu.memory_space<hbm>>
      %dma_start3A_664 = arith.constant 0 : i32
      %dma_start3A_665 = arith.constant 0 : i32
      %dma_start3A_666 = tpu.memref_slice %arg17[%dma_start3A_664, %dma_start3A_665] : memref<64x128xf32, #tpu.memory_space<vmem>> -> memref<32x128xf32, #tpu.memory_space<vmem>>
      tpu.enqueue_dma source(%dma_start3A_666 : memref<32x128xf32, #tpu.memory_space<vmem>>) target(%dma_start3A_663 : memref<32x128xf32, #tpu.memory_space<hbm>>) target_semaphore(%arg25 : memref<!tpu.dma_semaphore, #tpu.memory_space<semaphore_mem>>)
      %parallel_loop3A_667 = arith.constant 0 : i32
      %parallel_loop3A_668 = arith.constant 16 : i32
      %parallel_loop3A_669 = arith.constant 1 : i32
      scf.for %parallel_loop3A_689 = %parallel_loop3A_667 to %parallel_loop3A_668 step %parallel_loop3A_669  : i32 {
        %parallel_loop3A_690 = vector.broadcast %parallel_loop3A_689 : i32 to vector<16xi32>
        %parallel_loop3A_691 = arith.addi %iota3A, %parallel_loop3A_690 : vector<16xi32>
        %parallel_loop3A_692 = arith.constant 15 : i32
        %parallel_loop3A_693 = vector.broadcast %parallel_loop3A_692 : i32 to vector<16xi32>
        %parallel_loop3A_694 = arith.andi %parallel_loop3A_691, %parallel_loop3A_693 : vector<16xi32>
        %parallel_loop3A_695 = arith.constant 0 : i32
        %parallel_loop3A_696 = vector.broadcast %parallel_loop3A_695 : i32 to vector<16xi32>
        %parallel_loop3A_697 = arith.addi %parallel_loop3A_694, %parallel_loop3A_696 : vector<16xi32>
        %parallel_loop3A_698 = arith.constant 32 : i32
        %parallel_loop3A_699 = vector.broadcast %parallel_loop3A_698 : i32 to vector<16xi32>
        %parallel_loop3A_700 = arith.addi %iota3A, %parallel_loop3A_699 : vector<16xi32>
        %parallel_loop3A_701 = tpu.vector_load_idx %arg13[%parallel_loop3A_697, %parallel_loop3A_700] : memref<128x128xf32, #tpu.memory_space<vmem>>[vector<16xi32>, vector<16xi32>], vector<16xf32>,
        tpu.vector_store_idx %arg17[%parallel_loop3A_700, %parallel_loop3A_697], %parallel_loop3A_701 : memref<64x128xf32, #tpu.memory_space<vmem>>[vector<16xi32>, vector<16xi32>], vector<16xf32>,
        %parallel_loop3A_702 = arith.constant 48 : i32
        %parallel_loop3A_703 = vector.broadcast %parallel_loop3A_702 : i32 to vector<16xi32>
        %parallel_loop3A_704 = arith.addi %iota3A, %parallel_loop3A_703 : vector<16xi32>
        %parallel_loop3A_705 = tpu.vector_load_idx %arg13[%parallel_loop3A_697, %parallel_loop3A_704] : memref<128x128xf32, #tpu.memory_space<vmem>>[vector<16xi32>, vector<16xi32>], vector<16xf32>,
        tpu.vector_store_idx %arg17[%parallel_loop3A_704, %parallel_loop3A_697], %parallel_loop3A_705 : memref<64x128xf32, #tpu.memory_space<vmem>>[vector<16xi32>, vector<16xi32>], vector<16xf32>,
        %parallel_loop3A_706 = arith.constant 16 : i32
        %parallel_loop3A_707 = vector.broadcast %parallel_loop3A_706 : i32 to vector<16xi32>
        %parallel_loop3A_708 = arith.addi %parallel_loop3A_694, %parallel_loop3A_707 : vector<16xi32>
        %parallel_loop3A_709 = arith.constant 32 : i32
        %parallel_loop3A_710 = vector.broadcast %parallel_loop3A_709 : i32 to vector<16xi32>
        %parallel_loop3A_711 = arith.addi %iota3A, %parallel_loop3A_710 : vector<16xi32>
        %parallel_loop3A_712 = tpu.vector_load_idx %arg13[%parallel_loop3A_708, %parallel_loop3A_711] : memref<128x128xf32, #tpu.memory_space<vmem>>[vector<16xi32>, vector<16xi32>], vector<16xf32>,
        tpu.vector_store_idx %arg17[%parallel_loop3A_711, %parallel_loop3A_708], %parallel_loop3A_712 : memref<64x128xf32, #tpu.memory_space<vmem>>[vector<16xi32>, vector<16xi32>], vector<16xf32>,
        %parallel_loop3A_713 = arith.constant 48 : i32
        %parallel_loop3A_714 = vector.broadcast %parallel_loop3A_713 : i32 to vector<16xi32>
        %parallel_loop3A_715 = arith.addi %iota3A, %parallel_loop3A_714 : vector<16xi32>
        %parallel_loop3A_716 = tpu.vector_load_idx %arg13[%parallel_loop3A_708, %parallel_loop3A_715] : memref<128x128xf32, #tpu.memory_space<vmem>>[vector<16xi32>, vector<16xi32>], vector<16xf32>,
        tpu.vector_store_idx %arg17[%parallel_loop3A_715, %parallel_loop3A_708], %parallel_loop3A_716 : memref<64x128xf32, #tpu.memory_space<vmem>>[vector<16xi32>, vector<16xi32>], vector<16xf32>,
        %parallel_loop3A_717 = arith.constant 32 : i32
        %parallel_loop3A_718 = vector.broadcast %parallel_loop3A_717 : i32 to vector<16xi32>
        %parallel_loop3A_719 = arith.addi %parallel_loop3A_694, %parallel_loop3A_718 : vector<16xi32>
        %parallel_loop3A_720 = arith.constant 32 : i32
        %parallel_loop3A_721 = vector.broadcast %parallel_loop3A_720 : i32 to vector<16xi32>
        %parallel_loop3A_722 = arith.addi %iota3A, %parallel_loop3A_721 : vector<16xi32>
        %parallel_loop3A_723 = tpu.vector_load_idx %arg13[%parallel_loop3A_719, %parallel_loop3A_722] : memref<128x128xf32, #tpu.memory_space<vmem>>[vector<16xi32>, vector<16xi32>], vector<16xf32>,
        tpu.vector_store_idx %arg17[%parallel_loop3A_722, %parallel_loop3A_719], %parallel_loop3A_723 : memref<64x128xf32, #tpu.memory_space<vmem>>[vector<16xi32>, vector<16xi32>], vector<16xf32>,
        %parallel_loop3A_724 = arith.constant 48 : i32
        %parallel_loop3A_725 = vector.broadcast %parallel_loop3A_724 : i32 to vector<16xi32>
        %parallel_loop3A_726 = arith.addi %iota3A, %parallel_loop3A_725 : vector<16xi32>
        %parallel_loop3A_727 = tpu.vector_load_idx %arg13[%parallel_loop3A_719, %parallel_loop3A_726] : memref<128x128xf32, #tpu.memory_space<vmem>>[vector<16xi32>, vector<16xi32>], vector<16xf32>,
        tpu.vector_store_idx %arg17[%parallel_loop3A_726, %parallel_loop3A_719], %parallel_loop3A_727 : memref<64x128xf32, #tpu.memory_space<vmem>>[vector<16xi32>, vector<16xi32>], vector<16xf32>,
        %parallel_loop3A_728 = arith.constant 48 : i32
        %parallel_loop3A_729 = vector.broadcast %parallel_loop3A_728 : i32 to vector<16xi32>
        %parallel_loop3A_730 = arith.addi %parallel_loop3A_694, %parallel_loop3A_729 : vector<16xi32>
        %parallel_loop3A_731 = arith.constant 32 : i32
        %parallel_loop3A_732 = vector.broadcast %parallel_loop3A_731 : i32 to vector<16xi32>
        %parallel_loop3A_733 = arith.addi %iota3A, %parallel_loop3A_732 : vector<16xi32>
        %parallel_loop3A_734 = tpu.vector_load_idx %arg13[%parallel_loop3A_730, %parallel_loop3A_733] : memref<128x128xf32, #tpu.memory_space<vmem>>[vector<16xi32>, vector<16xi32>], vector<16xf32>,
        tpu.vector_store_idx %arg17[%parallel_loop3A_733, %parallel_loop3A_730], %parallel_loop3A_734 : memref<64x128xf32, #tpu.memory_space<vmem>>[vector<16xi32>, vector<16xi32>], vector<16xf32>,
        %parallel_loop3A_735 = arith.constant 48 : i32
        %parallel_loop3A_736 = vector.broadcast %parallel_loop3A_735 : i32 to vector<16xi32>
        %parallel_loop3A_737 = arith.addi %iota3A, %parallel_loop3A_736 : vector<16xi32>
        %parallel_loop3A_738 = tpu.vector_load_idx %arg13[%parallel_loop3A_730, %parallel_loop3A_737] : memref<128x128xf32, #tpu.memory_space<vmem>>[vector<16xi32>, vector<16xi32>], vector<16xf32>,
        tpu.vector_store_idx %arg17[%parallel_loop3A_737, %parallel_loop3A_730], %parallel_loop3A_738 : memref<64x128xf32, #tpu.memory_space<vmem>>[vector<16xi32>, vector<16xi32>], vector<16xf32>,
        %parallel_loop3A_739 = arith.constant 64 : i32
        %parallel_loop3A_740 = vector.broadcast %parallel_loop3A_739 : i32 to vector<16xi32>
        %parallel_loop3A_741 = arith.addi %parallel_loop3A_694, %parallel_loop3A_740 : vector<16xi32>
        %parallel_loop3A_742 = arith.constant 32 : i32
        %parallel_loop3A_743 = vector.broadcast %parallel_loop3A_742 : i32 to vector<16xi32>
        %parallel_loop3A_744 = arith.addi %iota3A, %parallel_loop3A_743 : vector<16xi32>
        %parallel_loop3A_745 = tpu.vector_load_idx %arg13[%parallel_loop3A_741, %parallel_loop3A_744] : memref<128x128xf32, #tpu.memory_space<vmem>>[vector<16xi32>, vector<16xi32>], vector<16xf32>,
        tpu.vector_store_idx %arg17[%parallel_loop3A_744, %parallel_loop3A_741], %parallel_loop3A_745 : memref<64x128xf32, #tpu.memory_space<vmem>>[vector<16xi32>, vector<16xi32>], vector<16xf32>,
        %parallel_loop3A_746 = arith.constant 48 : i32
        %parallel_loop3A_747 = vector.broadcast %parallel_loop3A_746 : i32 to vector<16xi32>
        %parallel_loop3A_748 = arith.addi %iota3A, %parallel_loop3A_747 : vector<16xi32>
        %parallel_loop3A_749 = tpu.vector_load_idx %arg13[%parallel_loop3A_741, %parallel_loop3A_748] : memref<128x128xf32, #tpu.memory_space<vmem>>[vector<16xi32>, vector<16xi32>], vector<16xf32>,
        tpu.vector_store_idx %arg17[%parallel_loop3A_748, %parallel_loop3A_741], %parallel_loop3A_749 : memref<64x128xf32, #tpu.memory_space<vmem>>[vector<16xi32>, vector<16xi32>], vector<16xf32>,
        %parallel_loop3A_750 = arith.constant 80 : i32
        %parallel_loop3A_751 = vector.broadcast %parallel_loop3A_750 : i32 to vector<16xi32>
        %parallel_loop3A_752 = arith.addi %parallel_loop3A_694, %parallel_loop3A_751 : vector<16xi32>
        %parallel_loop3A_753 = arith.constant 32 : i32
        %parallel_loop3A_754 = vector.broadcast %parallel_loop3A_753 : i32 to vector<16xi32>
        %parallel_loop3A_755 = arith.addi %iota3A, %parallel_loop3A_754 : vector<16xi32>
        %parallel_loop3A_756 = tpu.vector_load_idx %arg13[%parallel_loop3A_752, %parallel_loop3A_755] : memref<128x128xf32, #tpu.memory_space<vmem>>[vector<16xi32>, vector<16xi32>], vector<16xf32>,
        tpu.vector_store_idx %arg17[%parallel_loop3A_755, %parallel_loop3A_752], %parallel_loop3A_756 : memref<64x128xf32, #tpu.memory_space<vmem>>[vector<16xi32>, vector<16xi32>], vector<16xf32>,
        %parallel_loop3A_757 = arith.constant 48 : i32
        %parallel_loop3A_758 = vector.broadcast %parallel_loop3A_757 : i32 to vector<16xi32>
        %parallel_loop3A_759 = arith.addi %iota3A, %parallel_loop3A_758 : vector<16xi32>
        %parallel_loop3A_760 = tpu.vector_load_idx %arg13[%parallel_loop3A_752, %parallel_loop3A_759] : memref<128x128xf32, #tpu.memory_space<vmem>>[vector<16xi32>, vector<16xi32>], vector<16xf32>,
        tpu.vector_store_idx %arg17[%parallel_loop3A_759, %parallel_loop3A_752], %parallel_loop3A_760 : memref<64x128xf32, #tpu.memory_space<vmem>>[vector<16xi32>, vector<16xi32>], vector<16xf32>,
        %parallel_loop3A_761 = arith.constant 96 : i32
        %parallel_loop3A_762 = vector.broadcast %parallel_loop3A_761 : i32 to vector<16xi32>
        %parallel_loop3A_763 = arith.addi %parallel_loop3A_694, %parallel_loop3A_762 : vector<16xi32>
        %parallel_loop3A_764 = arith.constant 32 : i32
        %parallel_loop3A_765 = vector.broadcast %parallel_loop3A_764 : i32 to vector<16xi32>
        %parallel_loop3A_766 = arith.addi %iota3A, %parallel_loop3A_765 : vector<16xi32>
        %parallel_loop3A_767 = tpu.vector_load_idx %arg13[%parallel_loop3A_763, %parallel_loop3A_766] : memref<128x128xf32, #tpu.memory_space<vmem>>[vector<16xi32>, vector<16xi32>], vector<16xf32>,
        tpu.vector_store_idx %arg17[%parallel_loop3A_766, %parallel_loop3A_763], %parallel_loop3A_767 : memref<64x128xf32, #tpu.memory_space<vmem>>[vector<16xi32>, vector<16xi32>], vector<16xf32>,
        %parallel_loop3A_768 = arith.constant 48 : i32
        %parallel_loop3A_769 = vector.broadcast %parallel_loop3A_768 : i32 to vector<16xi32>
        %parallel_loop3A_770 = arith.addi %iota3A, %parallel_loop3A_769 : vector<16xi32>
        %parallel_loop3A_771 = tpu.vector_load_idx %arg13[%parallel_loop3A_763, %parallel_loop3A_770] : memref<128x128xf32, #tpu.memory_space<vmem>>[vector<16xi32>, vector<16xi32>], vector<16xf32>,
        tpu.vector_store_idx %arg17[%parallel_loop3A_770, %parallel_loop3A_763], %parallel_loop3A_771 : memref<64x128xf32, #tpu.memory_space<vmem>>[vector<16xi32>, vector<16xi32>], vector<16xf32>,
        %parallel_loop3A_772 = arith.constant 112 : i32
        %parallel_loop3A_773 = vector.broadcast %parallel_loop3A_772 : i32 to vector<16xi32>
        %parallel_loop3A_774 = arith.addi %parallel_loop3A_694, %parallel_loop3A_773 : vector<16xi32>
        %parallel_loop3A_775 = arith.constant 32 : i32
        %parallel_loop3A_776 = vector.broadcast %parallel_loop3A_775 : i32 to vector<16xi32>
        %parallel_loop3A_777 = arith.addi %iota3A, %parallel_loop3A_776 : vector<16xi32>
        %parallel_loop3A_778 = tpu.vector_load_idx %arg13[%parallel_loop3A_774, %parallel_loop3A_777] : memref<128x128xf32, #tpu.memory_space<vmem>>[vector<16xi32>, vector<16xi32>], vector<16xf32>,
        tpu.vector_store_idx %arg17[%parallel_loop3A_777, %parallel_loop3A_774], %parallel_loop3A_778 : memref<64x128xf32, #tpu.memory_space<vmem>>[vector<16xi32>, vector<16xi32>], vector<16xf32>,
        %parallel_loop3A_779 = arith.constant 48 : i32
        %parallel_loop3A_780 = vector.broadcast %parallel_loop3A_779 : i32 to vector<16xi32>
        %parallel_loop3A_781 = arith.addi %iota3A, %parallel_loop3A_780 : vector<16xi32>
        %parallel_loop3A_782 = tpu.vector_load_idx %arg13[%parallel_loop3A_774, %parallel_loop3A_781] : memref<128x128xf32, #tpu.memory_space<vmem>>[vector<16xi32>, vector<16xi32>], vector<16xf32>,
        tpu.vector_store_idx %arg17[%parallel_loop3A_781, %parallel_loop3A_774], %parallel_loop3A_782 : memref<64x128xf32, #tpu.memory_space<vmem>>[vector<16xi32>, vector<16xi32>], vector<16xf32>,
      } {sc.loop_unroll_factor = 8 : i64, sc.parallel_access}
      %dma_start3A_670 = arith.constant 32 : i32
      %dma_start3A_671 = arith.constant 0 : i32
      %dma_start3A_672 = tpu.memref_slice %arg17[%dma_start3A_670, %dma_start3A_671] : memref<64x128xf32, #tpu.memory_space<vmem>> -> memref<32x128xf32, #tpu.memory_space<vmem>>
      %dma_start3A_673 = arith.constant 32 : i32
      %dma_start3A_674 = tpu.memref_slice %arg4[%add3A_640, %dma_start3A_673, %mul3A_2] : memref<200x64x4096xf32, #tpu.memory_space<hbm>> -> memref<1x32x128xf32, #tpu.memory_space<hbm>>
      %dma_start3A_675 = tpu.memref_squeeze %dma_start3A_674 : memref<1x32x128xf32, #tpu.memory_space<hbm>> -> memref<32x128xf32, #tpu.memory_space<hbm>>
      %dma_start3A_676 = arith.constant 32 : i32
      %dma_start3A_677 = tpu.memref_slice %arg4[%add3A_640, %dma_start3A_676, %mul3A_2] : memref<200x64x4096xf32, #tpu.memory_space<hbm>> -> memref<1x32x128xf32, #tpu.memory_space<hbm>>
      %dma_start3A_678 = tpu.memref_squeeze %dma_start3A_677 : memref<1x32x128xf32, #tpu.memory_space<hbm>> -> memref<32x128xf32, #tpu.memory_space<hbm>>
      %dma_start3A_679 = arith.constant 32 : i32
      %dma_start3A_680 = arith.constant 0 : i32
      %dma_start3A_681 = tpu.memref_slice %arg17[%dma_start3A_679, %dma_start3A_680] : memref<64x128xf32, #tpu.memory_space<vmem>> -> memref<32x128xf32, #tpu.memory_space<vmem>>
      tpu.enqueue_dma source(%dma_start3A_681 : memref<32x128xf32, #tpu.memory_space<vmem>>) target(%dma_start3A_678 : memref<32x128xf32, #tpu.memory_space<hbm>>) target_semaphore(%arg25 : memref<!tpu.dma_semaphore, #tpu.memory_space<semaphore_mem>>)
      %add3A_682 = arith.constant 4 : i32
      %add3A_683 = arith.addi %add3A_640, %add3A_682 : i32
      %lt3A_684 = arith.constant 200 : i32
      %lt3A_685 = arith.cmpi slt, %add3A_683, %lt3A_684 : i32
      %convert_element_type3A_686 = arith.extui %lt3A_685 : i1 to i32
      %cond3A_687 = arith.constant 0 : i32
      %cond3A_688 = arith.cmpi ne, %convert_element_type3A_686, %cond3A_687 : i32
      scf.if %cond3A_688 {
        %add3A_689 = arith.constant 4 : i32
        %add3A_690 = arith.addi %add3A_640, %add3A_689 : i32
        %add3A_691 = arith.constant 0 : i32
        %add3A_692 = vector.broadcast %add3A_691 : i32 to vector<16xi32>
        %add3A_693 = arith.addi %iota3A, %add3A_692 : vector<16xi32>
        %mul3A_694 = arith.constant 200 : i32
        %mul3A_695 = vector.broadcast %mul3A_694 : i32 to vector<16xi32>
        %mul3A_696 = arith.muli %add3A_693, %mul3A_695 : vector<16xi32>
        %add3A_697 = vector.broadcast %add3A_690 : i32 to vector<16xi32>
        %add3A_698 = arith.addi %mul3A_696, %add3A_697 : vector<16xi32>
        %gather3A_699 = tpu.vector_load_idx %arg5[%add3A_698] : memref<25600xi32, #tpu.memory_space<vmem>>[vector<16xi32>], vector<16xi32>,
        %swap3A_700 = arith.constant 0 : index
        %swap3A_701 = tpu.vector_load %arg9[%swap3A_700] {strides = array<i32>} : memref<128xi32, #tpu.memory_space<vmem>>, vector<16xi32>,
        tpu.vector_store %arg9[%swap3A_700], %gather3A_699 {strides = array<i32>} : memref<128xi32, #tpu.memory_space<vmem>>, vector<16xi32>,
        %add3A_702 = arith.constant 16 : i32
        %add3A_703 = vector.broadcast %add3A_702 : i32 to vector<16xi32>
        %add3A_704 = arith.addi %iota3A, %add3A_703 : vector<16xi32>
        %mul3A_705 = arith.constant 200 : i32
        %mul3A_706 = vector.broadcast %mul3A_705 : i32 to vector<16xi32>
        %mul3A_707 = arith.muli %add3A_704, %mul3A_706 : vector<16xi32>
        %add3A_708 = vector.broadcast %add3A_690 : i32 to vector<16xi32>
        %add3A_709 = arith.addi %mul3A_707, %add3A_708 : vector<16xi32>
        %gather3A_710 = tpu.vector_load_idx %arg5[%add3A_709] : memref<25600xi32, #tpu.memory_space<vmem>>[vector<16xi32>], vector<16xi32>,
        %swap3A_711 = arith.constant 16 : index
        %swap3A_712 = tpu.vector_load %arg9[%swap3A_711] {strides = array<i32>} : memref<128xi32, #tpu.memory_space<vmem>>, vector<16xi32>,
        tpu.vector_store %arg9[%swap3A_711], %gather3A_710 {strides = array<i32>} : memref<128xi32, #tpu.memory_space<vmem>>, vector<16xi32>,
        %add3A_713 = arith.constant 32 : i32
        %add3A_714 = vector.broadcast %add3A_713 : i32 to vector<16xi32>
        %add3A_715 = arith.addi %iota3A, %add3A_714 : vector<16xi32>
        %mul3A_716 = arith.constant 200 : i32
        %mul3A_717 = vector.broadcast %mul3A_716 : i32 to vector<16xi32>
        %mul3A_718 = arith.muli %add3A_715, %mul3A_717 : vector<16xi32>
        %add3A_719 = vector.broadcast %add3A_690 : i32 to vector<16xi32>
        %add3A_720 = arith.addi %mul3A_718, %add3A_719 : vector<16xi32>
        %gather3A_721 = tpu.vector_load_idx %arg5[%add3A_720] : memref<25600xi32, #tpu.memory_space<vmem>>[vector<16xi32>], vector<16xi32>,
        %swap3A_722 = arith.constant 32 : index
        %swap3A_723 = tpu.vector_load %arg9[%swap3A_722] {strides = array<i32>} : memref<128xi32, #tpu.memory_space<vmem>>, vector<16xi32>,
        tpu.vector_store %arg9[%swap3A_722], %gather3A_721 {strides = array<i32>} : memref<128xi32, #tpu.memory_space<vmem>>, vector<16xi32>,
        %add3A_724 = arith.constant 48 : i32
        %add3A_725 = vector.broadcast %add3A_724 : i32 to vector<16xi32>
        %add3A_726 = arith.addi %iota3A, %add3A_725 : vector<16xi32>
        %mul3A_727 = arith.constant 200 : i32
        %mul3A_728 = vector.broadcast %mul3A_727 : i32 to vector<16xi32>
        %mul3A_729 = arith.muli %add3A_726, %mul3A_728 : vector<16xi32>
        %add3A_730 = vector.broadcast %add3A_690 : i32 to vector<16xi32>
        %add3A_731 = arith.addi %mul3A_729, %add3A_730 : vector<16xi32>
        %gather3A_732 = tpu.vector_load_idx %arg5[%add3A_731] : memref<25600xi32, #tpu.memory_space<vmem>>[vector<16xi32>], vector<16xi32>,
        %swap3A_733 = arith.constant 48 : index
        %swap3A_734 = tpu.vector_load %arg9[%swap3A_733] {strides = array<i32>} : memref<128xi32, #tpu.memory_space<vmem>>, vector<16xi32>,
        tpu.vector_store %arg9[%swap3A_733], %gather3A_732 {strides = array<i32>} : memref<128xi32, #tpu.memory_space<vmem>>, vector<16xi32>,
        %dma_start3A_735 = arith.constant 0 : i32
        %dma_start3A_736 = arith.constant 0 : i32
        %dma_start3A_737 = tpu.memref_slice %arg13[%dma_start3A_735, %dma_start3A_736] : memref<128x128xf32, #tpu.memory_space<vmem>> -> memref<64x128xf32, #tpu.memory_space<vmem>>
        %dma_start3A_738 = arith.constant 0 : i32
        %dma_start3A_739 = tpu.memref_slice %arg9[%dma_start3A_738] : memref<128xi32, #tpu.memory_space<vmem>> -> memref<64xi32, #tpu.memory_space<vmem>>
        %dma_start3A_740 = arith.constant 0 : i32
        %dma_start3A_741 = arith.constant 0 : i32
        %dma_start3A_742 = tpu.memref_slice %arg3[%dma_start3A_740, %dma_start3A_741] : memref<100000x128xf32, #tpu.memory_space<hbm>> -> memref<100000x128xf32, #tpu.memory_space<hbm>>
        tpu.enqueue_indirect_dma source(%dma_start3A_742 : memref<100000x128xf32, #tpu.memory_space<hbm>>) target(%dma_start3A_737 : memref<64x128xf32, #tpu.memory_space<vmem>>) offsets(%dma_start3A_739 : memref<64xi32, #tpu.memory_space<vmem>>) semaphore(%arg21 : memref<!tpu.dma_semaphore, #tpu.memory_space<semaphore_mem>>)
        %add3A_743 = arith.constant 64 : i32
        %add3A_744 = vector.broadcast %add3A_743 : i32 to vector<16xi32>
        %add3A_745 = arith.addi %iota3A, %add3A_744 : vector<16xi32>
        %mul3A_746 = arith.constant 200 : i32
        %mul3A_747 = vector.broadcast %mul3A_746 : i32 to vector<16xi32>
        %mul3A_748 = arith.muli %add3A_745, %mul3A_747 : vector<16xi32>
        %add3A_749 = vector.broadcast %add3A_690 : i32 to vector<16xi32>
        %add3A_750 = arith.addi %mul3A_748, %add3A_749 : vector<16xi32>
        %gather3A_751 = tpu.vector_load_idx %arg5[%add3A_750] : memref<25600xi32, #tpu.memory_space<vmem>>[vector<16xi32>], vector<16xi32>,
        %swap3A_752 = arith.constant 64 : index
        %swap3A_753 = tpu.vector_load %arg9[%swap3A_752] {strides = array<i32>} : memref<128xi32, #tpu.memory_space<vmem>>, vector<16xi32>,
        tpu.vector_store %arg9[%swap3A_752], %gather3A_751 {strides = array<i32>} : memref<128xi32, #tpu.memory_space<vmem>>, vector<16xi32>,
        %add3A_754 = arith.constant 80 : i32
        %add3A_755 = vector.broadcast %add3A_754 : i32 to vector<16xi32>
        %add3A_756 = arith.addi %iota3A, %add3A_755 : vector<16xi32>
        %mul3A_757 = arith.constant 200 : i32
        %mul3A_758 = vector.broadcast %mul3A_757 : i32 to vector<16xi32>
        %mul3A_759 = arith.muli %add3A_756, %mul3A_758 : vector<16xi32>
        %add3A_760 = vector.broadcast %add3A_690 : i32 to vector<16xi32>
        %add3A_761 = arith.addi %mul3A_759, %add3A_760 : vector<16xi32>
        %gather3A_762 = tpu.vector_load_idx %arg5[%add3A_761] : memref<25600xi32, #tpu.memory_space<vmem>>[vector<16xi32>], vector<16xi32>,
        %swap3A_763 = arith.constant 80 : index
        %swap3A_764 = tpu.vector_load %arg9[%swap3A_763] {strides = array<i32>} : memref<128xi32, #tpu.memory_space<vmem>>, vector<16xi32>,
        tpu.vector_store %arg9[%swap3A_763], %gather3A_762 {strides = array<i32>} : memref<128xi32, #tpu.memory_space<vmem>>, vector<16xi32>,
        %add3A_765 = arith.constant 96 : i32
        %add3A_766 = vector.broadcast %add3A_765 : i32 to vector<16xi32>
        %add3A_767 = arith.addi %iota3A, %add3A_766 : vector<16xi32>
        %mul3A_768 = arith.constant 200 : i32
        %mul3A_769 = vector.broadcast %mul3A_768 : i32 to vector<16xi32>
        %mul3A_770 = arith.muli %add3A_767, %mul3A_769 : vector<16xi32>
        %add3A_771 = vector.broadcast %add3A_690 : i32 to vector<16xi32>
        %add3A_772 = arith.addi %mul3A_770, %add3A_771 : vector<16xi32>
        %gather3A_773 = tpu.vector_load_idx %arg5[%add3A_772] : memref<25600xi32, #tpu.memory_space<vmem>>[vector<16xi32>], vector<16xi32>,
        %swap3A_774 = arith.constant 96 : index
        %swap3A_775 = tpu.vector_load %arg9[%swap3A_774] {strides = array<i32>} : memref<128xi32, #tpu.memory_space<vmem>>, vector<16xi32>,
        tpu.vector_store %arg9[%swap3A_774], %gather3A_773 {strides = array<i32>} : memref<128xi32, #tpu.memory_space<vmem>>, vector<16xi32>,
        %add3A_776 = arith.constant 112 : i32
        %add3A_777 = vector.broadcast %add3A_776 : i32 to vector<16xi32>
        %add3A_778 = arith.addi %iota3A, %add3A_777 : vector<16xi32>
        %mul3A_779 = arith.constant 200 : i32
        %mul3A_780 = vector.broadcast %mul3A_779 : i32 to vector<16xi32>
        %mul3A_781 = arith.muli %add3A_778, %mul3A_780 : vector<16xi32>
        %add3A_782 = vector.broadcast %add3A_690 : i32 to vector<16xi32>
        %add3A_783 = arith.addi %mul3A_781, %add3A_782 : vector<16xi32>
        %gather3A_784 = tpu.vector_load_idx %arg5[%add3A_783] : memref<25600xi32, #tpu.memory_space<vmem>>[vector<16xi32>], vector<16xi32>,
        %swap3A_785 = arith.constant 112 : index
        %swap3A_786 = tpu.vector_load %arg9[%swap3A_785] {strides = array<i32>} : memref<128xi32, #tpu.memory_space<vmem>>, vector<16xi32>,
        tpu.vector_store %arg9[%swap3A_785], %gather3A_784 {strides = array<i32>} : memref<128xi32, #tpu.memory_space<vmem>>, vector<16xi32>,
        %dma_start3A_787 = arith.constant 64 : i32
        %dma_start3A_788 = arith.constant 0 : i32
        %dma_start3A_789 = tpu.memref_slice %arg13[%dma_start3A_787, %dma_start3A_788] : memref<128x128xf32, #tpu.memory_space<vmem>> -> memref<64x128xf32, #tpu.memory_space<vmem>>
        %dma_start3A_790 = arith.constant 64 : i32
        %dma_start3A_791 = tpu.memref_slice %arg9[%dma_start3A_790] : memref<128xi32, #tpu.memory_space<vmem>> -> memref<64xi32, #tpu.memory_space<vmem>>
        %dma_start3A_792 = arith.constant 0 : i32
        %dma_start3A_793 = arith.constant 0 : i32
        %dma_start3A_794 = tpu.memref_slice %arg3[%dma_start3A_792, %dma_start3A_793] : memref<100000x128xf32, #tpu.memory_space<hbm>> -> memref<100000x128xf32, #tpu.memory_space<hbm>>
        tpu.enqueue_indirect_dma source(%dma_start3A_794 : memref<100000x128xf32, #tpu.memory_space<hbm>>) target(%dma_start3A_789 : memref<64x128xf32, #tpu.memory_space<vmem>>) offsets(%dma_start3A_791 : memref<64xi32, #tpu.memory_space<vmem>>) semaphore(%arg21 : memref<!tpu.dma_semaphore, #tpu.memory_space<semaphore_mem>>)
      } else {
      }
    }
    %scan3A_453 = arith.constant 50 : i32
    %dma_wait3A = arith.constant 0 : i32
    %dma_wait3A_454 = arith.constant 0 : i32
    %dma_wait3A_455 = tpu.memref_slice %arg4[%dma_wait3A, %dma_wait3A_454, %mul3A_2] : memref<200x64x4096xf32, #tpu.memory_space<hbm>> -> memref<1x64x128xf32, #tpu.memory_space<hbm>>
    %dma_wait3A_456 = tpu.memref_squeeze %dma_wait3A_455 : memref<1x64x128xf32, #tpu.memory_space<hbm>> -> memref<64x128xf32, #tpu.memory_space<hbm>>
    %dma_wait3A_457 = arith.constant 0 : i32
    %dma_wait3A_458 = tpu.memref_slice %arg4[%dma_wait3A, %dma_wait3A_457, %mul3A_2] : memref<200x64x4096xf32, #tpu.memory_space<hbm>> -> memref<1x64x128xf32, #tpu.memory_space<hbm>>
    %dma_wait3A_459 = tpu.memref_squeeze %dma_wait3A_458 : memref<1x64x128xf32, #tpu.memory_space<hbm>> -> memref<64x128xf32, #tpu.memory_space<hbm>>
    tpu.wait_dma2 semaphore(%arg22 : memref<!tpu.dma_semaphore, #tpu.memory_space<semaphore_mem>>) src(%arg14 : memref<64x128xf32, #tpu.memory_space<vmem>>) dst(%dma_wait3A_459 : memref<64x128xf32, #tpu.memory_space<hbm>>)
    %dma_wait3A_460 = arith.constant 0 : i32
    %dma_wait3A_461 = arith.constant 0 : i32
    %dma_wait3A_462 = tpu.memref_slice %arg4[%dma_wait3A_460, %dma_wait3A_461, %mul3A_2] : memref<200x64x4096xf32, #tpu.memory_space<hbm>> -> memref<1x64x128xf32, #tpu.memory_space<hbm>>
    %dma_wait3A_463 = tpu.memref_squeeze %dma_wait3A_462 : memref<1x64x128xf32, #tpu.memory_space<hbm>> -> memref<64x128xf32, #tpu.memory_space<hbm>>
    %dma_wait3A_464 = arith.constant 0 : i32
    %dma_wait3A_465 = tpu.memref_slice %arg4[%dma_wait3A_460, %dma_wait3A_464, %mul3A_2] : memref<200x64x4096xf32, #tpu.memory_space<hbm>> -> memref<1x64x128xf32, #tpu.memory_space<hbm>>
    %dma_wait3A_466 = tpu.memref_squeeze %dma_wait3A_465 : memref<1x64x128xf32, #tpu.memory_space<hbm>> -> memref<64x128xf32, #tpu.memory_space<hbm>>
    tpu.wait_dma2 semaphore(%arg23 : memref<!tpu.dma_semaphore, #tpu.memory_space<semaphore_mem>>) src(%arg15 : memref<64x128xf32, #tpu.memory_space<vmem>>) dst(%dma_wait3A_466 : memref<64x128xf32, #tpu.memory_space<hbm>>)
    %dma_wait3A_467 = arith.constant 0 : i32
    %dma_wait3A_468 = arith.constant 0 : i32
    %dma_wait3A_469 = tpu.memref_slice %arg4[%dma_wait3A_467, %dma_wait3A_468, %mul3A_2] : memref<200x64x4096xf32, #tpu.memory_space<hbm>> -> memref<1x64x128xf32, #tpu.memory_space<hbm>>
    %dma_wait3A_470 = tpu.memref_squeeze %dma_wait3A_469 : memref<1x64x128xf32, #tpu.memory_space<hbm>> -> memref<64x128xf32, #tpu.memory_space<hbm>>
    %dma_wait3A_471 = arith.constant 0 : i32
    %dma_wait3A_472 = tpu.memref_slice %arg4[%dma_wait3A_467, %dma_wait3A_471, %mul3A_2] : memref<200x64x4096xf32, #tpu.memory_space<hbm>> -> memref<1x64x128xf32, #tpu.memory_space<hbm>>
    %dma_wait3A_473 = tpu.memref_squeeze %dma_wait3A_472 : memref<1x64x128xf32, #tpu.memory_space<hbm>> -> memref<64x128xf32, #tpu.memory_space<hbm>>
    tpu.wait_dma2 semaphore(%arg24 : memref<!tpu.dma_semaphore, #tpu.memory_space<semaphore_mem>>) src(%arg16 : memref<64x128xf32, #tpu.memory_space<vmem>>) dst(%dma_wait3A_473 : memref<64x128xf32, #tpu.memory_space<hbm>>)
    %dma_wait3A_474 = arith.constant 0 : i32
    %dma_wait3A_475 = arith.constant 0 : i32
    %dma_wait3A_476 = tpu.memref_slice %arg4[%dma_wait3A_474, %dma_wait3A_475, %mul3A_2] : memref<200x64x4096xf32, #tpu.memory_space<hbm>> -> memref<1x64x128xf32, #tpu.memory_space<hbm>>
    %dma_wait3A_477 = tpu.memref_squeeze %dma_wait3A_476 : memref<1x64x128xf32, #tpu.memory_space<hbm>> -> memref<64x128xf32, #tpu.memory_space<hbm>>
    %dma_wait3A_478 = arith.constant 0 : i32
    %dma_wait3A_479 = tpu.memref_slice %arg4[%dma_wait3A_474, %dma_wait3A_478, %mul3A_2] : memref<200x64x4096xf32, #tpu.memory_space<hbm>> -> memref<1x64x128xf32, #tpu.memory_space<hbm>>
    %dma_wait3A_480 = tpu.memref_squeeze %dma_wait3A_479 : memref<1x64x128xf32, #tpu.memory_space<hbm>> -> memref<64x128xf32, #tpu.memory_space<hbm>>
    tpu.wait_dma2 semaphore(%arg25 : memref<!tpu.dma_semaphore, #tpu.memory_space<semaphore_mem>>) src(%arg17 : memref<64x128xf32, #tpu.memory_space<vmem>>) dst(%dma_wait3A_480 : memref<64x128xf32, #tpu.memory_space<hbm>>)
    return
  }
}

</mosaic_0001>

<sc_bundles>
// kernel: _embed.3.cloned.1.call-start
scs
__scs_entry_jumppad:
0x0: {  	(pc) =	sbr.rel $0x88, $3  }
0x1: {  	(tag) =	ssettag $0x0;
	lr =	simm.s32 $0x1  }
0x2: {  	[smem:$0x3F9F] =	sst lr;
	_ =	strace $0xD0000000  }
0x3: {  	_ = 	snop  }
0x4: {  	_ = 	snop  }
0x5: {  	_ = 	snop  }
0x6: {  	_ = 	snop  }
0x7: {  	_ = 	snop  }
__scs_overlays_trampoline_lowered:
0x8: {  	[smem:$0x3FAE] =	sst s0  }
0x9: {  	[smem:$0x3FAF] =	sst s1  }
0xa: {  	[smem:$0x3FB0] =	sst s2  }
0xb: {  	[smem:$0x3FB1] =	sst s3  }
0xc: {  	[smem:$0x3FB2] =	sst s4  }
0xd: {  	[smem:$0x3FB3] =	sst s5  }
0xe: {  	[smem:$0x3FB4] =	sst s6  }
0xf: {  	[smem:$0x3FB5] =	sst s7  }
0x10: {  	[smem:$0x3FB6] =	sst s8  }
0x11: {  	[smem:$0x3FB7] =	sst s9;
	s0 =	simm.s32 @!p0 $0x0  }
0x12: {  	s1 =	sld [smem:$0x3F9D];
	s0 =	simm.s32 @p0 $0x1  }
0x13: {  	[smem:$0x3FB8] =	sst s0;
	s0 =	simm.s32 @!p1 $0x0  }
0x14: {  	s2 =	sld [smem:$0x3F9C];
	s0 =	simm.s32 @p1 $0x1  }
0x15: {  	[smem:$0x3FB9] =	sst s0;
	s0 =	simm.s32 @!p2 $0x0  }
0x16: {  	s3 =	sld [smem:$0x3FDB];
	s0 =	simm.s32 @p2 $0x1  }
0x17: {  	s4 =	simm.s32 $0x1BF5;
	[smem:$0x3FBB] =	sst s0  }
0x18: {  	s0 =	sld [smem:$0x3F9E];
	_ =	swait.ge [sflag:s4], $0x0  }
0x19: {  	s7 =	sld [smem:$0x3F9F]  }
0x1a: {  	s8 =	sadd.s32 $0xFFFFE003, lr  }
0x1b: {  	s9 =	sadd.s32 $0xFFFFFEF7, lr;
	s5 =	simm.s32 $0xFFFFFFFF;
	p2 =	slt.u32 s8, $0xFFFFF086  }
0x1c: {  	p1 =	slt.u32 s9, $0xF7A;
	s5 =	simm.s32 @!p2 $0x0  }
0x1d: {  	s5 =	simm.s32 @p1 $0x1;
	p0 =	seq.s32 s7, s2  }
0x1e: {  	s7 =	smul.u32 @!p0 $0xF7A, s2;
	p2 =	seq.s32 @!p0 s5, $0x0  }
0x1f: {  	s9 =	smul.u32 $0xF7A, s1;
	s8 =	simm.s32 @!p0 $0x1BF5;
	p2 =	por !p2, p0  }
0x20: {  	[sflag:s8] =	ssyncset.s32 @!p0 $0xFFFFF086;
	s6 =	sadd.s32 @!p0 s3, s7;
	s7 =	simm.s32 @!p0 $0x108  }
0x21: {  	s3 =	sadd.s32 s3, s9;
	s6 =	sadd.s32 @!p0 $0x88, s6;
	s7 =	simm.s32 @p2 $0x1082  }
0x22: {  	[simem:s7], [sflag:s8] =	dma.local @!p0 [hbm:s6], $0xF7A  }
0x23: {  	s9 =	sor.u32 $0xD0000000, s2;
	s6 =	simm.s32 $0x108;
	_ =	swait.ge @!p0 [sflag:s8], $0x0  }
0x24: {  	s3 =	sadd.s32 $0x88, s3;
	s6 =	simm.s32 @!p1 $0x1082;
	[sflag:s4] =	ssyncset.s32 $0xFFFFF086  }
0x25: {  	[simem:s6], [sflag:s4] =	dma.local [hbm:s3], $0xF7A  }
0x26: {  	[smem:$0x3F9F] =	sst s1;
	(tag) =	ssettag s2;
	_ =	strace s9  }
0x27: {  	s1 =	sld [smem:$0x3FAF]  }
0x28: {  	s2 =	sld [smem:$0x3FB0]  }
0x29: {  	s4 =	sld [smem:$0x3FB2]  }
0x2a: {  	p0 =	seq.s32 s5, $0x0;
	s5 =	sld [smem:$0x3FB3]  }
0x2b: {  	s6 =	sld [smem:$0x3FB4]  }
0x2c: {  	s7 =	sld [smem:$0x3FB5]  }
0x2d: {  	s3 =	simm.s32 $0x108;
	s8 =	sld [smem:$0x3FB6]  }
0x2e: {  	s3 =	simm.s32 @!p0 $0x1082;
	s9 =	sld [smem:$0x3FB7]  }
0x2f: {  	lr =	sadd.s32 s0, s3;
	s0 =	sld [smem:$0x3FAE]  }
0x30: {  	s3 =	sld [smem:$0x3FB1]  }
0x31: {  	[smem:$0x3FBA] =	sst s10  }
0x32: {  	s10 =	sld [smem:$0x3FB8];
	_ =	sdelay $0x3  }
0x33: {  	p0 =	seq.s32 s10, $0x1;
	s10 =	sld [smem:$0x3FBA];
	_ =	sdelay $0x3  }
0x34: {  	[smem:$0x3FBA] =	sst s10  }
0x35: {  	s10 =	sld [smem:$0x3FB9];
	_ =	sdelay $0x3  }
0x36: {  	p1 =	seq.s32 s10, $0x1;
	s10 =	sld [smem:$0x3FBA];
	_ =	sdelay $0x3  }
0x37: {  	[smem:$0x3FBA] =	sst s10  }
0x38: {  	s10 =	sld [smem:$0x3FBB]  }
0x39: {  	_ = 	snop;
	(pc) =	sbr.ind lr, $3  }
0x3a: {  	_ = 	snop  }
0x3b: {  	_ = 	snop  }
0x3c: {  	p2 =	seq.s32 s10, $0x1;
	s10 =	sld [smem:$0x3FBA]  }
0x3d: {  	_ =	shalt  }
0x3e: {  	_ =	shalt  }
0x3f: {  	_ =	shalt  }
0x40: {  	_ =	shalt  }
0x41: {  	_ =	shalt  }
0x42: {  	_ =	shalt  }
0x43: {  	_ =	shalt  }
0x44: {  	_ =	shalt  }
0x45: {  	_ =	shalt  }
0x46: {  	_ =	shalt  }
0x47: {  	_ =	shalt  }
0x48: {  	_ =	shalt  }
0x49: {  	_ =	shalt  }
0x4a: {  	_ =	shalt  }
0x4b: {  	_ =	shalt  }
0x4c: {  	_ =	shalt  }
0x4d: {  	_ =	shalt  }
0x4e: {  	_ =	shalt  }
0x4f: {  	_ =	shalt  }
0x50: {  	_ =	shalt  }
0x51: {  	_ =	shalt  }
0x52: {  	_ =	shalt  }
0x53: {  	_ =	shalt  }
0x54: {  	_ =	shalt  }
0x55: {  	_ =	shalt  }
0x56: {  	_ =	shalt  }
0x57: {  	_ =	shalt  }
0x58: {  	_ =	shalt  }
0x59: {  	_ =	shalt  }
0x5a: {  	_ =	shalt  }
0x5b: {  	_ =	shalt  }
0x5c: {  	_ =	shalt  }
0x5d: {  	_ =	shalt  }
0x5e: {  	_ =	shalt  }
0x5f: {  	_ =	shalt  }
0x60: {  	_ =	shalt  }
0x61: {  	_ =	shalt  }
0x62: {  	_ =	shalt  }
0x63: {  	_ =	shalt  }
0x64: {  	_ =	shalt  }
0x65: {  	_ =	shalt  }
0x66: {  	_ =	shalt  }
0x67: {  	_ =	shalt  }
0x68: {  	_ =	shalt  }
0x69: {  	_ =	shalt  }
0x6a: {  	_ =	shalt  }
0x6b: {  	_ =	shalt  }
0x6c: {  	_ =	shalt  }
0x6d: {  	_ =	shalt  }
0x6e: {  	_ =	shalt  }
0x6f: {  	_ =	shalt  }
0x70: {  	_ =	shalt  }
0x71: {  	_ =	shalt  }
0x72: {  	_ =	shalt  }
0x73: {  	_ =	shalt  }
0x74: {  	_ =	shalt  }
0x75: {  	_ =	shalt  }
0x76: {  	_ =	shalt  }
0x77: {  	_ =	shalt  }
0x78: {  	_ =	shalt  }
0x79: {  	_ =	shalt  }
0x7a: {  	_ =	shalt  }
0x7b: {  	_ =	shalt  }
0x7c: {  	_ =	shalt  }
0x7d: {  	_ =	shalt  }
0x7e: {  	_ =	shalt  }
0x7f: {  	_ =	shalt  }
0x80: {  	_ =	shalt  }
0x81: {  	_ =	shalt  }
0x82: {  	_ =	shalt  }
0x83: {  	_ =	shalt  }
0x84: {  	_ =	shalt  }
0x85: {  	_ =	shalt  }
0x86: {  	_ =	shalt  }
0x87: {  	_ =	shalt  }
.Lfunc_end0:
.L_simem_size_0:
called_computation_lowered:
.L_overlay_start_0:
0x88: {  	s2 =	sld [smem:$0x3FD9]  }
0x89: {  	s3 =	sld [smem:$0x3FFE];
	_ =	sdelay $0x1  }
0x8a: {  	s1 =	srdreg.scid  }
0x8b: {  	s0 =	sand.u32 $0x1, s1  }
0x8c: {  	s18 =	sshll.u32 s0, $0xA;
	s2 =	sadd.s32 s3, s2  }
0x8d: {  	s2 =	sadd.s32 s2, s18  }
0x8e: {  	[smem:$0x3FC6] =	sst s2  }
0x8f: {  	_ = 	snop  }
0x90: {  	s2 =	sld [smem:$0x3FC9]  }
0x91: {  	s19 =	sld [smem:$0x3FC8]  }
0x92: {  	s4 =	sld [smem:$0x3FD0];
	(tm) =	ssettm $0x1  }
0x93: {  	s5 =	sld [smem:$0x3FFB];
	_ =	sdelay $0x3  }
0x94: {  	_ =	strace s5  }
0x95: {  	s5 =	sld [smem:$0x3FFC];
	_ =	sdelay $0x3  }
0x96: {  	_ =	strace s5  }
0x97: {  	s5 =	sld [smem:$0x3FFD];
	_ =	sdelay $0x3  }
0x98: {  	_ =	strace s5  }
0x99: {  	_ =	strace $0x8FFFFFFF  }
0x9a: {  	s20 =	sld [smem:$0x3FDB];
	_ =	sdelay $0x1  }
0x9b: {  	s6 =	simm.s32 $_scs_section_size  }
0x9c: {  	s7 =	simm.s32 $_size__tile_overlayer_lowered;
	s8 =	simm.s32 $_tile_overlayer_lowered  }
0x9d: {  	s23 =	simm.s32 $0x1BFF;
	s22 =	sshll.u32 s8, $0x1;
	s5 =	sadd.s32 s6, s20  }
0x9e: {  	s9 =	simm.s32 $0x0;
	s21 =	sshll.u32 s7, $0x1;
	s7 =	sadd.s32 s22, s5  }
0x9f: {  	[timem:s9], [sflag:s23] =	dma.local [hbm:s7], s21  }
0xa0: {  	_ =	swait.ge [sflag:s23], s21  }
0xa1: {  	s6 =	ssub.s32 $0x0, s21;
	[sflag:s23] =	ssyncset.done $0x0  }
0xa2: {  	[sflag:s23] =	ssyncadd.s32 s6;
	_ =	sdelay $0x1  }
0xa3: {  	s24 =	simm.s32 $0x1B8B  }
0xa4: {  	_ =	swait.ge [sflag:s24], $0x1  }
0xa5: {  	[sflag:s24] =	ssyncset.done $0x0  }
0xa6: {  	s25 =	simm.s32 $0x1B8E;
	[sflag:s24] =	ssyncadd.s32 $0xFFFFFFFF  }
0xa7: {  	s26 =	simm.s32 $execute0_lowered;
	[smem:$0x3FD2] =	sst s25  }
0xa8: {  	s6 =	sshll.u32 s26, $0x1;
	_ =	strace $0x80000046;
	[dreg:$0x1] =	wrdreg $0xFFFFFFFF  }
0xa9: {  	s28 =	simm.s32 $_size_execute0_lowered;
	s5 =	sadd.s32 s5, s6;
	[dreg:$0x0] =	wrdreg $0x0  }
0xaa: {  	s6 =	sshll.u32 s28, $0x1;
	[dreg:$0x2] =	wrdreg s5  }
0xab: {  	[dreg:$0x3] =	wrdreg s6  }
0xac: {  	[dreg:$0x4] =	wrdreg $0xC0  }
0xad: {  	_ =	task [dreg:s9], $0x5FFFF  }
0xae: {  	[dreg:$0x1] =	wrdreg $0xFFFFFFFF  }
0xaf: {  	[dreg:$0x0] =	wrdreg $0x60  }
0xb0: {  	[dreg:$0x2] =	wrdreg s2  }
0xb1: {  	[dreg:$0x3] =	wrdreg s19  }
0xb2: {  	[dreg:$0x4] =	wrdreg s4  }
0xb3: {  	[dreg:$0x5] =	wrdreg $0x9  }
0xb4: {  	_ =	task.clear_ibuf [dreg:s9], $0x6FFFF;
	_ =	strace $0x90000046  }
0xb5: {  	s29 =	simm.s32 $0x9;
	_ =	strace $0x80000048  }
0xb6: {  	_ =	swait.ge [sflag:s29], $0x1  }
0xb7: {  	[sflag:s29] =	ssyncadd.s32 $0xFFFFFFFF  }
0xb8: {  	_ =	strace $0x90000048  }
0xb9: {  	_ =	sfence  }
0xba: {  	s30 =	sld [smem:$0x0];
	_ =	sdelay $0x2  }
0xbb: {  	s31 =	sshll.u32 s1, $0xD;
	s1 =	sshrl.u32 s1, $0x2  }
0xbc: {  	s3 =	sand.u32 $0x4000, s31;
	s1 =	sadd.s32 s1, s30  }
0xbd: {  	s0 =	sor.u32 s3, s0;
	s1 =	sshll.u32 s1, $0x11  }
0xbe: {  	s0 =	sor.u32 s1, s0  }
0xbf: {  	s0 =	sadd.s32 $0x8F2B, s0  }
0xc0: {  	[sflag:s0] =	ssyncadd.remote.s32 $0x1  }
0xc1: {  	_ =	sfence.sel $0xFFFF  }
0xc2: {  	[dreg:$0x0] =	wrdreg $0xFFFFFFFF;
	(pc) =	sbr.abs _section_cstart, $3  }
0xc3: {  	[dreg:$0x1] =	wrdreg $0xFFFFFFFF  }
0xc4: {  	_ =	task.clear_ibuf [dreg:s9], $0x2FFFF;
	_ =	strace $0x9FFFFFFF  }
0xc5: {  	(tm) =	ssettm $0x7FFFFFFF  }
tec
execute0_lowered:
.L_overlay_start_1:
0x0: {  	(tag) =	ssettag $0x1  }
0x1: {  	v0 =	vlaneseq.u32  }
0x2: {  	v1 =	vmul.u32 $0xC8, v0;
	_ =	sdelay $0x1  }
0x3: {  	v2 =	vadd.s32 $0xC80, v1  }
0x4: {  	[tilespmem:$0x1FC00] =	vst v2;
	v2 =	vadd.s32 $0x1900, v1  }
0x5: {  	[tilespmem:$0x1FC10] =	vst v2;
	v2 =	vadd.s32 $0x2580, v1  }
0x6: {  	[tilespmem:$0x1FC20] =	vst v2;
	v2 =	vadd.s32 $0x3200, v1  }
0x7: {  	[tilespmem:$0x1FC30] =	vst v2;
	v2 =	vadd.s32 $0x3E80, v1  }
0x8: {  	[tilespmem:$0x1FC40] =	vst v2;
	v2 =	vadd.s32 $0x4B00, v1  }
0x9: {  	[tilespmem:$0x1FC50] =	vst v2;
	v2 =	vadd.s32 $0x5780, v1  }
0xa: {  	[tilespmem:$0x1FC60] =	vst v2;
	v2 =	vor.u32 $0x1, v1  }
0xb: {  	[tilespmem:$0x1FC70] =	vst v2;
	v2 =	vadd.s32 $0xC81, v1  }
0xc: {  	[tilespmem:$0x1FC80] =	vst v2;
	v2 =	vadd.s32 $0x1901, v1  }
0xd: {  	s0 =	rddreg [dreg:$0x0];
	[tilespmem:$0x1FC90] =	vst v2;
	v2 =	vadd.s32 $0x2581, v1  }
0xe: {  	s1 =	rddreg [dreg:$0x1];
	s4 =	simm.s32 $0x0;
	[tilespmem:$0x1FCA0] =	vst v2;
	v2 =	vadd.s32 $0x3201, v1  }
0xf: {  	[smem:$0x7FF] =	sst s4;
	[tilespmem:$0x1FCB0] =	vst v2;
	v2 =	vadd.s32 $0x3E81, v1  }
0x10: {  	s7 =	rddreg [dreg:$0x2];
	_ =	strace $0x80000047;
	[tilespmem:$0x1FCC0] =	vst v2  }
0x11: {  	v31 =	vmul.u32 $0x80, v0;
	v15 =	vor.u32 $0x20, v0;
	[tilespmem:$0x1FDE0] =	vst v1  }
0x12: {  	v9 =	vor.u32 $0x10, v0;
	[tilespmem:$0x1FE00] =	vst v15  }
0x13: {  	v36 =	vor.u32 $0x800, v31;
	[tilespmem:$0x1FE10] =	vst v9  }
0x14: {  	v37 =	vor.u32 $0x800, v0;
	[tilespmem:$0x1FE20] =	vst v36  }
0x15: {  	v38 =	vor.u32 $0x10, v31;
	[tilespmem:$0x1FE30] =	vst v37  }
0x16: {  	v39 =	vor.u32 $0x810, v0;
	[tilespmem:$0x1FE40] =	vst v38  }
0x17: {  	v40 =	vor.u32 $0x810, v31;
	[tilespmem:$0x1FE50] =	vst v39  }
0x18: {  	v41 =	vor.u32 $0x1000, v0;
	[tilespmem:$0x1FE60] =	vst v40  }
0x19: {  	v42 =	vor.u32 $0x20, v31;
	[tilespmem:$0x1FE70] =	vst v41  }
0x1a: {  	v43 =	vor.u32 $0x1010, v0;
	[tilespmem:$0x1FE80] =	vst v42  }
0x1b: {  	v44 =	vor.u32 $0x820, v31;
	[tilespmem:$0x1FE90] =	vst v43  }
0x1c: {  	v3 =	vor.u32 $0x1810, v0;
	[tilespmem:$0x1FEA0] =	vst v44  }
0x1d: {  	v4 =	vor.u32 $0x830, v31;
	[tilespmem:$0x1FED0] =	vst v3  }
0x1e: {  	v5 =	vor.u32 $0x2000, v0;
	[tilespmem:$0x1FEE0] =	vst v4  }
0x1f: {  	v6 =	vor.u32 $0x40, v31;
	[tilespmem:$0x1FEF0] =	vst v5  }
0x20: {  	v7 =	vor.u32 $0x2010, v0;
	[tilespmem:$0x1FF00] =	vst v6  }
0x21: {  	v8 =	vor.u32 $0x840, v31;
	[tilespmem:$0x1FF10] =	vst v7  }
0x22: {  	v10 =	vor.u32 $0x2800, v0;
	[tilespmem:$0x1FF20] =	vst v8  }
0x23: {  	v11 =	vor.u32 $0x50, v31;
	[tilespmem:$0x1FF30] =	vst v10  }
0x24: {  	v12 =	vor.u32 $0x2810, v0;
	[tilespmem:$0x1FF40] =	vst v11  }
0x25: {  	v13 =	vor.u32 $0x850, v31;
	[tilespmem:$0x1FF50] =	vst v12  }
0x26: {  	v57 =	vor.u32 $0x3000, v0;
	[tilespmem:$0x1FF60] =	vst v13  }
0x27: {  	v58 =	vor.u32 $0x60, v31;
	[tilespmem:$0x1FF70] =	vst v57  }
0x28: {  	v59 =	vor.u32 $0x3010, v0;
	[tilespmem:$0x1FF80] =	vst v58  }
0x29: {  	v60 =	vor.u32 $0x860, v31;
	[tilespmem:$0x1FF90] =	vst v59  }
0x2a: {  	v61 =	vor.u32 $0x3800, v0;
	[tilespmem:$0x1FFA0] =	vst v60  }
0x2b: {  	v62 =	vor.u32 $0x70, v31;
	[tilespmem:$0x1FFB0] =	vst v61  }
0x2c: {  	v63 =	vor.u32 $0x3810, v0;
	[tilespmem:$0x1FFC0] =	vst v62  }
0x2d: {  	v14 =	vor.u32 $0x870, v31;
	[tilespmem:$0x1FFD0] =	vst v63  }
0x2e: {  	[tilespmem:$0x1FFE0] =	vst v14  }
0x2f: {  	v2 =	vadd.s32 $0x4B01, v1;
	[tilespmem:$0x1FFF0] =	vst v31  }
0x30: {  	[tilespmem:$0x1FCD0] =	vst v2;
	v2 =	vadd.s32 $0x5781, v1  }
0x31: {  	[tilespmem:$0x1FCE0] =	vst v2;
	v2 =	vor.u32 $0x2, v1  }
0x32: {  	[tilespmem:$0x1FCF0] =	vst v2;
	v2 =	vadd.s32 $0xC82, v1  }
0x33: {  	[tilespmem:$0x1FD00] =	vst v2;
	v2 =	vadd.s32 $0x1902, v1  }
0x34: {  	[tilespmem:$0x1FD10] =	vst v2;
	v2 =	vadd.s32 $0x2582, v1  }
0x35: {  	s2 =	srdreg.scid;
	[tilespmem:$0x1FD20] =	vst v2;
	v2 =	vadd.s32 $0x3202, v1  }
0x36: {  	s3 =	stileid.u32;
	s16 =	simm.s32 $0x40;
	s18 =	simm.s32 $0x6600;
	[tilespmem:$0x1FD30] =	vst v2;
	v2 =	vadd.s32 $0x3E82, v1  }
0x37: {  	s22 =	simm.s32 $0xA600;
	s31 =	simm.s32 $0x12600;
	s14 =	simm.s32 $0x16600;
	[tilespmem:$0x1FD40] =	vst v2;
	v2 =	vadd.s32 $0x4B02, v1  }
0x38: {  	s15 =	simm.s32 $0x400;
	s17 =	simm.s32 $0x8000;
	s20 =	simm.s32 $0x2;
	[tilespmem:$0x1FD50] =	vst v2;
	v2 =	vadd.s32 $0x5782, v1  }
0x39: {  	s21 =	simm.s32 $0x6;
	s23 =	simm.s32 $0x18600;
	s28 =	simm.s32 $0x7;
	[tilespmem:$0x1FD60] =	vst v2;
	v2 =	vor.u32 $0x3, v1  }
0x3a: {  	s29 =	simm.s32 $0x1A600;
	s2 =	sand.u32 $0x1, s2;
	s3 =	sshll.u32 s3, $0x1;
	[tilespmem:$0x1FD70] =	vst v2;
	v2 =	vadd.s32 $0xC83, v1  }
0x3b: {  	s30 =	simm.s32 $0x4;
	s25 =	sadd.s32 $0x4000, s7;
	s3 =	sor.u32 s2, s3;
	[tilespmem:$0x1FD80] =	vst v2;
	v2 =	vadd.s32 $0x1903, v1  }
0x3c: {  	s8 =	sadd.s32 $0x8000, s7;
	s9 =	sadd.s32 $0xC000, s7;
	s5 =	smul.u32 $0xC80, s3;
	[tilespmem:$0x1FD90] =	vst v2;
	v2 =	vadd.s32 $0x2583, v1  }
0x3d: {  	s10 =	sadd.s32 $0x10000, s7;
	s11 =	sadd.s32 $0x14000, s7;
	s2 =	ssub.s32 $0x2, s2;
	[tilespmem:$0x1FDA0] =	vst v2;
	v2 =	vadd.s32 $0x3203, v1  }
0x3e: {  	s12 =	sadd.s32 $0x18000, s7;
	s6 =	sshrl.u32 s2, $0x1;
	s0 =	sadd.s32 s0, s5;
	[tilespmem:$0x1FDB0] =	vst v2;
	v2 =	vadd.s32 $0x3E83, v1  }
.Ltmp0:
0x3f: {  	s24 =	sshll.u32 s3, $0x7;
	[dreg:$0x4] =	wrdreg s0;
	[tilespmem:$0x1FDC0] =	vst v2;
	v2 =	vadd.s32 $0x4B03, v1;
	(pc) =	sbr.rel .LBB2_1-.Ltmp0, $4  }
0x40: {  	s13 =	sadd.s32 $0x1C000, s7;
	s2 =	ssub.s32 s2, s6;
	[dreg:$0x5] =	wrdreg s24;
	v1 =	vadd.s32 $0x5783, v1;
	[tilespmem:$0x1FDD0] =	vst v2  }
0x41: {  	s6 =	simm.s32 $0x0;
	s26 =	smax.u32 s2, $0x1;
	[dreg:$0x6] =	wrdreg s25;
	[tilespmem:$0x1FDF0] =	vst v1;
	v1 =	vor.u32 $0x1800, v0  }
0x42: {  	s5 =	simm.s32 $0x1;
	s2 =	simm.s32 $0x8;
	[dreg:$0x7] =	wrdreg s26;
	v2 =	vor.u32 $0x30, v31;
	[tilespmem:$0x1FEB0] =	vst v1  }
0x43: {  	s26 =	simm.s32 $0xE600;
	s25 =	simm.s32 $0x3;
	s0 =	simm.s32 $0x1C600;
	[tilespmem:$0x1FEC0] =	vst v2  }
.LBB2_32:
0x44: {  	s3 =	simm.s32 $0x5  }
0x45: {  	_ =	swait.ge [sflag:s3], $0x2000  }
0x46: {  	[sflag:s3] =	ssyncset.done $0x0  }
0x47: {  	[sflag:s3] =	ssyncadd.s32 $0xFFFFE000  }
0x48: {  	_ =	swait.ge [sflag:s21], $0x2000  }
0x49: {  	[sflag:s21] =	ssyncset.done $0x0  }
0x4a: {  	[sflag:s21] =	ssyncadd.s32 $0xFFFFE000  }
0x4b: {  	_ =	swait.ge [sflag:s28], $0x2000  }
0x4c: {  	[sflag:s28] =	ssyncset.done $0x0  }
0x4d: {  	[sflag:s28] =	ssyncadd.s32 $0xFFFFE000  }
0x4e: {  	_ =	swait.ge [sflag:s2], $0x2000  }
0x4f: {  	v9 =	vld [tilespmem:$0x1FE10]  }
0x50: {  	v36 =	vld [tilespmem:$0x1FE20]  }
0x51: {  	v37 =	vld [tilespmem:$0x1FE30]  }
0x52: {  	v38 =	vld [tilespmem:$0x1FE40]  }
0x53: {  	v39 =	vld [tilespmem:$0x1FE50]  }
0x54: {  	v40 =	vld [tilespmem:$0x1FE60]  }
0x55: {  	v41 =	vld [tilespmem:$0x1FE70]  }
0x56: {  	s6 =	rddreg [dreg:$0x8];
	v42 =	vld [tilespmem:$0x1FE80]  }
0x57: {  	s24 =	rddreg [dreg:$0x7];
	v43 =	vld [tilespmem:$0x1FE90];
	s6 =	sadd.s32 $0x1, s6  }
0x58: {  	v44 =	vld [tilespmem:$0x1FEA0];
	p0 =	sne.s32 s6, s24  }
.Ltmp1:
0x59: {  	v60 =	vld [tilespmem:$0x1FFA0];
	(pc) =	sbr.rel @!p0 .LBB2_33-.Ltmp1, $4  }
0x5a: {  	v61 =	vld [tilespmem:$0x1FFB0]  }
0x5b: {  	v62 =	vld [tilespmem:$0x1FFC0]  }
0x5c: {  	[sflag:s2] =	ssyncset.done $0x0;
	v63 =	vld [tilespmem:$0x1FFD0]  }
0x5d: {  	v31 =	vld [tilespmem:$0x1FFF0];
	[sflag:s2] =	ssyncadd.s32 $0xFFFFE000  }
.LBB2_1:
0x5e: {  	[dreg:$0x8] =	wrdreg s6  }
0x5f: {  	s3 =	rddreg [dreg:$0x4];
	s6 =	simm.s32 $0x9  }
0x60: {  	[tilespmem:s4], [sflag:$0x9] =	stream.linear.gather [hbm4b:s3+s4], $0x6400, $0x38;
	[tilespmem:$0x1E600] =	vst v63  }
0x61: {  	_ =	swait.ge [sflag:s6], $0x6400  }
0x62: {  	v1 =	vld [tilespmem:$0x1FDE0];
	_ =	sdelay $0x5  }
0x63: {  	[sflag:s6] =	ssyncset.done $0x0  }
0x64: {  	[sflag:s6] =	ssyncadd.s32 $0xFFFF9C00  }
0x65: {  	v1 =	vld.idx.msk [tilespmem:v1+s4+$0x0], $0xffff;
	_ =	sdelay $0x4  }
0x66: {  	[tilespmem:$0x6400] =	vst v1;
	v1 =	vld [tilespmem:$0x1FC00];
	_ =	sdelay $0x7  }
0x67: {  	v1 =	vld.idx.msk [tilespmem:v1+s4+$0x0], $0xffff;
	_ =	sdelay $0x4  }
0x68: {  	[tilespmem:$0x6410] =	vst v1;
	v1 =	vld [tilespmem:$0x1FC10];
	_ =	sdelay $0x7  }
0x69: {  	v1 =	vld.idx.msk [tilespmem:v1+s4+$0x0], $0xffff;
	_ =	sdelay $0x4  }
0x6a: {  	[tilespmem:$0x6420] =	vst v1;
	v1 =	vld [tilespmem:$0x1FC20];
	_ =	sdelay $0x7  }
0x6b: {  	v1 =	vld.idx.msk [tilespmem:v1+s4+$0x0], $0xffff;
	_ =	sdelay $0x4  }
0x6c: {  	[tilespmem:$0x6430] =	vst v1;
	v1 =	vld [tilespmem:$0x1FC30];
	_ =	sdelay $0x5  }
0x6d: {  	s7 =	simm.s32 $0x6400  }
0x6e: {  	[tilespmem:s18], [sflag:$0x1] =	stream.indirect.gather [hbm4b:s1+s16], $0x80, s7, s16, $0xb8;
	[tilespmem:$0x1E600] =	vst v63  }
0x6f: {  	v1 =	vld.idx.msk [tilespmem:v1+s4+$0x0], $0xffff;
	_ =	sdelay $0x4  }
0x70: {  	[tilespmem:$0x6440] =	vst v1;
	v1 =	vld [tilespmem:$0x1FC40];
	_ =	sdelay $0x7  }
0x71: {  	v1 =	vld.idx.msk [tilespmem:v1+s4+$0x0], $0xffff;
	_ =	sdelay $0x4  }
0x72: {  	[tilespmem:$0x6450] =	vst v1;
	v1 =	vld [tilespmem:$0x1FC50];
	_ =	sdelay $0x7  }
0x73: {  	v1 =	vld.idx.msk [tilespmem:v1+s4+$0x0], $0xffff;
	_ =	sdelay $0x4  }
0x74: {  	[tilespmem:$0x6460] =	vst v1;
	v1 =	vld [tilespmem:$0x1FC60];
	_ =	sdelay $0x7  }
0x75: {  	v1 =	vld.idx.msk [tilespmem:v1+s4+$0x0], $0xffff;
	_ =	sdelay $0x4  }
0x76: {  	[tilespmem:$0x6470] =	vst v1;
	v1 =	vld [tilespmem:$0x1FC70];
	_ =	sdelay $0x5  }
0x77: {  	s19 =	simm.s32 $0x6440;
	s24 =	simm.s32 $0x8600  }
0x78: {  	[tilespmem:s24], [sflag:$0x1] =	stream.indirect.gather [hbm4b:s1+s16], $0x80, s19, s16, $0xb8;
	[tilespmem:$0x1E600] =	vst v63  }
0x79: {  	v1 =	vld.idx.msk [tilespmem:v1+s4+$0x0], $0xffff;
	_ =	sdelay $0x4  }
0x7a: {  	[tilespmem:$0x6480] =	vst v1;
	v1 =	vld [tilespmem:$0x1FC80];
	_ =	sdelay $0x7  }
0x7b: {  	v1 =	vld.idx.msk [tilespmem:v1+s4+$0x0], $0xffff;
	_ =	sdelay $0x4  }
0x7c: {  	[tilespmem:$0x6490] =	vst v1;
	v1 =	vld [tilespmem:$0x1FC90];
	_ =	sdelay $0x7  }
0x7d: {  	v1 =	vld.idx.msk [tilespmem:v1+s4+$0x0], $0xffff;
	_ =	sdelay $0x4  }
0x7e: {  	[tilespmem:$0x64A0] =	vst v1;
	v1 =	vld [tilespmem:$0x1FCA0];
	_ =	sdelay $0x7  }
0x7f: {  	v1 =	vld.idx.msk [tilespmem:v1+s4+$0x0], $0xffff;
	_ =	sdelay $0x4  }
0x80: {  	[tilespmem:$0x64B0] =	vst v1;
	v1 =	vld [tilespmem:$0x1FCB0];
	_ =	sdelay $0x5  }
0x81: {  	s7 =	simm.s32 $0x6480  }
0x82: {  	[tilespmem:s22], [sflag:$0x2] =	stream.indirect.gather [hbm4b:s1+s16], $0x80, s7, s16, $0xb8;
	[tilespmem:$0x1E600] =	vst v63  }
0x83: {  	v1 =	vld.idx.msk [tilespmem:v1+s4+$0x0], $0xffff;
	_ =	sdelay $0x4  }
0x84: {  	[tilespmem:$0x64C0] =	vst v1;
	v1 =	vld [tilespmem:$0x1FCC0];
	_ =	sdelay $0x7  }
0x85: {  	v1 =	vld.idx.msk [tilespmem:v1+s4+$0x0], $0xffff;
	_ =	sdelay $0x4  }
0x86: {  	[tilespmem:$0x64D0] =	vst v1;
	v1 =	vld [tilespmem:$0x1FCD0];
	_ =	sdelay $0x7  }
0x87: {  	v1 =	vld.idx.msk [tilespmem:v1+s4+$0x0], $0xffff;
	_ =	sdelay $0x4  }
0x88: {  	[tilespmem:$0x64E0] =	vst v1;
	v1 =	vld [tilespmem:$0x1FCE0];
	_ =	sdelay $0x7  }
0x89: {  	v1 =	vld.idx.msk [tilespmem:v1+s4+$0x0], $0xffff;
	_ =	sdelay $0x4  }
0x8a: {  	[tilespmem:$0x64F0] =	vst v1;
	v1 =	vld [tilespmem:$0x1FCF0];
	_ =	sdelay $0x5  }
0x8b: {  	s19 =	simm.s32 $0x64C0;
	s24 =	simm.s32 $0xC600  }
0x8c: {  	[tilespmem:s24], [sflag:$0x2] =	stream.indirect.gather [hbm4b:s1+s16], $0x80, s19, s16, $0xb8;
	[tilespmem:$0x1E600] =	vst v63  }
0x8d: {  	v1 =	vld.idx.msk [tilespmem:v1+s4+$0x0], $0xffff;
	_ =	sdelay $0x4  }
0x8e: {  	[tilespmem:$0x6500] =	vst v1;
	v1 =	vld [tilespmem:$0x1FD00];
	_ =	sdelay $0x7  }
0x8f: {  	v1 =	vld.idx.msk [tilespmem:v1+s4+$0x0], $0xffff;
	_ =	sdelay $0x4  }
0x90: {  	[tilespmem:$0x6510] =	vst v1;
	v1 =	vld [tilespmem:$0x1FD10];
	_ =	sdelay $0x7  }
0x91: {  	v1 =	vld.idx.msk [tilespmem:v1+s4+$0x0], $0xffff;
	_ =	sdelay $0x4  }
0x92: {  	[tilespmem:$0x6520] =	vst v1;
	v1 =	vld [tilespmem:$0x1FD20];
	_ =	sdelay $0x7  }
0x93: {  	v1 =	vld.idx.msk [tilespmem:v1+s4+$0x0], $0xffff;
	_ =	sdelay $0x4  }
0x94: {  	[tilespmem:$0x6530] =	vst v1;
	v1 =	vld [tilespmem:$0x1FD30];
	_ =	sdelay $0x5  }
0x95: {  	s7 =	simm.s32 $0x6500  }
0x96: {  	[tilespmem:s26], [sflag:$0x3] =	stream.indirect.gather [hbm4b:s1+s16], $0x80, s7, s16, $0xb8;
	[tilespmem:$0x1E600] =	vst v63  }
0x97: {  	v1 =	vld.idx.msk [tilespmem:v1+s4+$0x0], $0xffff;
	_ =	sdelay $0x4  }
0x98: {  	[tilespmem:$0x6540] =	vst v1;
	v1 =	vld [tilespmem:$0x1FD40];
	_ =	sdelay $0x7  }
0x99: {  	v1 =	vld.idx.msk [tilespmem:v1+s4+$0x0], $0xffff;
	_ =	sdelay $0x4  }
0x9a: {  	[tilespmem:$0x6550] =	vst v1;
	v1 =	vld [tilespmem:$0x1FD50];
	_ =	sdelay $0x7  }
0x9b: {  	v1 =	vld.idx.msk [tilespmem:v1+s4+$0x0], $0xffff;
	_ =	sdelay $0x4  }
0x9c: {  	[tilespmem:$0x6560] =	vst v1;
	v1 =	vld [tilespmem:$0x1FD60];
	_ =	sdelay $0x7  }
0x9d: {  	v1 =	vld.idx.msk [tilespmem:v1+s4+$0x0], $0xffff;
	_ =	sdelay $0x4  }
0x9e: {  	[tilespmem:$0x6570] =	vst v1;
	v1 =	vld [tilespmem:$0x1FD70];
	_ =	sdelay $0x5  }
0x9f: {  	s19 =	simm.s32 $0x6540;
	s24 =	simm.s32 $0x10600  }
0xa0: {  	[tilespmem:s24], [sflag:$0x3] =	stream.indirect.gather [hbm4b:s1+s16], $0x80, s19, s16, $0xb8;
	[tilespmem:$0x1E600] =	vst v63  }
0xa1: {  	v1 =	vld.idx.msk [tilespmem:v1+s4+$0x0], $0xffff;
	_ =	sdelay $0x4  }
0xa2: {  	[tilespmem:$0x6580] =	vst v1;
	v1 =	vld [tilespmem:$0x1FD80];
	_ =	sdelay $0x7  }
0xa3: {  	v1 =	vld.idx.msk [tilespmem:v1+s4+$0x0], $0xffff;
	_ =	sdelay $0x4  }
0xa4: {  	[tilespmem:$0x6590] =	vst v1;
	v1 =	vld [tilespmem:$0x1FD90];
	_ =	sdelay $0x7  }
0xa5: {  	v1 =	vld.idx.msk [tilespmem:v1+s4+$0x0], $0xffff;
	_ =	sdelay $0x4  }
0xa6: {  	[tilespmem:$0x65A0] =	vst v1;
	v1 =	vld [tilespmem:$0x1FDA0];
	_ =	sdelay $0x7  }
0xa7: {  	v1 =	vld.idx.msk [tilespmem:v1+s4+$0x0], $0xffff;
	_ =	sdelay $0x4  }
0xa8: {  	[tilespmem:$0x65B0] =	vst v1;
	v1 =	vld [tilespmem:$0x1FDB0];
	_ =	sdelay $0x5  }
0xa9: {  	s7 =	simm.s32 $0x6580  }
0xaa: {  	[tilespmem:s31], [sflag:$0x4] =	stream.indirect.gather [hbm4b:s1+s16], $0x80, s7, s16, $0xb8;
	[tilespmem:$0x1E600] =	vst v63  }
0xab: {  	v1 =	vld.idx.msk [tilespmem:v1+s4+$0x0], $0xffff;
	_ =	sdelay $0x4  }
0xac: {  	[tilespmem:$0x65C0] =	vst v1;
	v1 =	vld [tilespmem:$0x1FDC0];
	_ =	sdelay $0x7  }
0xad: {  	v1 =	vld.idx.msk [tilespmem:v1+s4+$0x0], $0xffff;
	_ =	sdelay $0x4  }
0xae: {  	[tilespmem:$0x65D0] =	vst v1;
	v1 =	vld [tilespmem:$0x1FDD0];
	_ =	sdelay $0x7  }
0xaf: {  	v1 =	vld.idx.msk [tilespmem:v1+s4+$0x0], $0xffff;
	_ =	sdelay $0x4  }
0xb0: {  	[tilespmem:$0x65E0] =	vst v1;
	v1 =	vld [tilespmem:$0x1FDF0];
	_ =	sdelay $0x7  }
0xb1: {  	v1 =	vld.idx.msk [tilespmem:v1+s4+$0x0], $0xffff;
	_ =	sdelay $0x4  }
0xb2: {  	s19 =	simm.s32 $0x65C0;
	s24 =	simm.s32 $0x14600;
	[tilespmem:$0x65F0] =	vst v1  }
0xb3: {  	[tilespmem:s24], [sflag:$0x4] =	stream.indirect.gather [hbm4b:s1+s16], $0x80, s19, s16, $0xb8;
	[tilespmem:$0x1E600] =	vst v63  }
0xb4: {  	s24 =	simm.s32 $0x0  }
.LBB2_2:
0xb5: {  	_ =	swait.ge [sflag:s5], $0x4000  }
0xb6: {  	p0 =	seq.s32 s24, $0x0;
	[sflag:s5] =	ssyncset.done $0x0  }
0xb7: {  	s6 =	simm.s32 @!p0 $0x5;
	[sflag:s5] =	ssyncadd.s32 $0xFFFFC000  }
0xb8: {  	_ =	swait.ge @!p0 [sflag:s6], $0x2000  }
0xb9: {  	v45 =	vld [tilespmem:$0x1FEB0]  }
0xba: {  	v46 =	vld [tilespmem:$0x1FEC0]  }
0xbb: {  	v47 =	vld [tilespmem:$0x1FED0]  }
0xbc: {  	v48 =	vld [tilespmem:$0x1FEE0]  }
0xbd: {  	v49 =	vld [tilespmem:$0x1FEF0]  }
0xbe: {  	v50 =	vld [tilespmem:$0x1FF00]  }
0xbf: {  	v51 =	vld [tilespmem:$0x1FF10]  }
0xc0: {  	v52 =	vld [tilespmem:$0x1FF20]  }
0xc1: {  	v53 =	vld [tilespmem:$0x1FF30]  }
0xc2: {  	v54 =	vld [tilespmem:$0x1FF40]  }
0xc3: {  	s3 =	sshll.u32 s24, $0x2;
	[sflag:s6] =	ssyncset.done @!p0 $0x0;
	v55 =	vld [tilespmem:$0x1FF50]  }
0xc4: {  	p1 =	por $0x1, $0x1;
	v56 =	vld [tilespmem:$0x1FF60];
	[sflag:s6] =	ssyncadd.s32 @!p0 $0xFFFFE000;
	s6 =	simm.s32 $0x0  }
.LBB2_3:
0xc5: {  	v1 =	vadd.s32 s6, v0;
	s19 =	sor.u32 $0x1, s6  }
0xc6: {  	v2 =	vand.u32 $0xF, v1;
	v12 =	vadd.s32 s19, v0  }
0xc7: {  	v3 =	vshll.u32 v2, $0x7;
	v4 =	vand.u32 $0xF, v12  }
0xc8: {  	v5 =	vor.u32 v0, v3;
	v6 =	vshll.u32 v4, $0x7  }
0xc9: {  	v7 =	vor.u32 v0, v6;
	_ =	sdelay $0x3  }
0xca: {  	v8 =	vor.u32 v31, v2;
	v5 =	vld.idx.msk [tilespmem:v5+s18+$0x0], $0xffff  }
0xcb: {  	v10 =	vor.u32 v9, v3;
	v11 =	vor.u32 v31, v4;
	v7 =	vld.idx.msk [tilespmem:v7+s18+$0x0], $0xffff  }
0xcc: {  	v13 =	vor.u32 v9, v6;
	_ =	sdelay $0x2  }
0xcd: {  	[tilespmem:v8+s14+$0x0] =	vst.idx.msk $0xffff, v5  }
0xce: {  	v8 =	vor.u32 v36, v2;
	v5 =	vld.idx.msk [tilespmem:v10+s18+$0x0], $0xffff;
	[tilespmem:v11+s14+$0x0] =	vst.idx.msk $0xffff, v7  }
0xcf: {  	v35 =	vor.u32 v37, v3;
	v11 =	vor.u32 v36, v4;
	v10 =	vld.idx.msk [tilespmem:v13+s18+$0x0], $0xffff  }
0xd0: {  	v13 =	vor.u32 v37, v6;
	_ =	sdelay $0x2  }
0xd1: {  	[tilespmem:v8+s14+$0x0] =	vst.idx.msk $0xffff, v5  }
0xd2: {  	v16 =	vor.u32 v38, v1;
	v5 =	vld.idx.msk [tilespmem:v35+s18+$0x0], $0xffff;
	[tilespmem:v11+s14+$0x0] =	vst.idx.msk $0xffff, v10  }
0xd3: {  	v8 =	vor.u32 v39, v3;
	v11 =	vor.u32 v38, v12;
	v10 =	vld.idx.msk [tilespmem:v13+s18+$0x0], $0xffff  }
0xd4: {  	v13 =	vor.u32 v39, v6;
	_ =	sdelay $0x2  }
0xd5: {  	[tilespmem:v16+s14+$0x0] =	vst.idx.msk $0xffff, v5  }
0xd6: {  	v17 =	vor.u32 v40, v1;
	v5 =	vld.idx.msk [tilespmem:v8+s18+$0x0], $0xffff;
	[tilespmem:v11+s14+$0x0] =	vst.idx.msk $0xffff, v10  }
0xd7: {  	v8 =	vor.u32 v41, v3;
	v11 =	vor.u32 v40, v12;
	v10 =	vld.idx.msk [tilespmem:v13+s18+$0x0], $0xffff  }
0xd8: {  	v13 =	vor.u32 v41, v6;
	_ =	sdelay $0x2  }
0xd9: {  	[tilespmem:v17+s14+$0x0] =	vst.idx.msk $0xffff, v5  }
0xda: {  	v18 =	vor.u32 v42, v2;
	v5 =	vld.idx.msk [tilespmem:v8+s18+$0x0], $0xffff;
	[tilespmem:v11+s14+$0x0] =	vst.idx.msk $0xffff, v10  }
0xdb: {  	v8 =	vor.u32 v43, v3;
	v11 =	vor.u32 v42, v4;
	v10 =	vld.idx.msk [tilespmem:v13+s18+$0x0], $0xffff  }
0xdc: {  	v13 =	vor.u32 v43, v6;
	_ =	sdelay $0x2  }
0xdd: {  	[tilespmem:v18+s14+$0x0] =	vst.idx.msk $0xffff, v5  }
0xde: {  	v19 =	vor.u32 v44, v2;
	v5 =	vld.idx.msk [tilespmem:v8+s18+$0x0], $0xffff;
	[tilespmem:v11+s14+$0x0] =	vst.idx.msk $0xffff, v10  }
0xdf: {  	v8 =	vor.u32 v45, v3;
	v11 =	vor.u32 v44, v4;
	v10 =	vld.idx.msk [tilespmem:v13+s18+$0x0], $0xffff  }
0xe0: {  	v13 =	vor.u32 v45, v6;
	_ =	sdelay $0x2  }
0xe1: {  	[tilespmem:v19+s14+$0x0] =	vst.idx.msk $0xffff, v5  }
0xe2: {  	v20 =	vor.u32 v46, v1;
	v5 =	vld.idx.msk [tilespmem:v8+s18+$0x0], $0xffff;
	[tilespmem:v11+s14+$0x0] =	vst.idx.msk $0xffff, v10  }
0xe3: {  	v8 =	vor.u32 v47, v3;
	v11 =	vor.u32 v46, v12;
	v10 =	vld.idx.msk [tilespmem:v13+s18+$0x0], $0xffff  }
0xe4: {  	v13 =	vor.u32 v47, v6;
	_ =	sdelay $0x2  }
0xe5: {  	[tilespmem:v20+s14+$0x0] =	vst.idx.msk $0xffff, v5  }
0xe6: {  	v21 =	vor.u32 v48, v1;
	v5 =	vld.idx.msk [tilespmem:v8+s18+$0x0], $0xffff;
	[tilespmem:v11+s14+$0x0] =	vst.idx.msk $0xffff, v10  }
0xe7: {  	v8 =	vor.u32 v49, v3;
	v11 =	vor.u32 v48, v12;
	v10 =	vld.idx.msk [tilespmem:v13+s18+$0x0], $0xffff  }
0xe8: {  	v13 =	vor.u32 v49, v6;
	_ =	sdelay $0x2  }
0xe9: {  	[tilespmem:v21+s14+$0x0] =	vst.idx.msk $0xffff, v5  }
0xea: {  	v22 =	vor.u32 v50, v2;
	v5 =	vld.idx.msk [tilespmem:v8+s18+$0x0], $0xffff;
	[tilespmem:v11+s14+$0x0] =	vst.idx.msk $0xffff, v10  }
0xeb: {  	v8 =	vor.u32 v51, v3;
	v11 =	vor.u32 v50, v4;
	v10 =	vld.idx.msk [tilespmem:v13+s18+$0x0], $0xffff  }
0xec: {  	v13 =	vor.u32 v51, v6;
	_ =	sdelay $0x2  }
0xed: {  	[tilespmem:v22+s14+$0x0] =	vst.idx.msk $0xffff, v5  }
0xee: {  	v23 =	vor.u32 v52, v2;
	v5 =	vld.idx.msk [tilespmem:v8+s18+$0x0], $0xffff;
	[tilespmem:v11+s14+$0x0] =	vst.idx.msk $0xffff, v10  }
0xef: {  	v8 =	vor.u32 v53, v3;
	v11 =	vor.u32 v52, v4;
	v10 =	vld.idx.msk [tilespmem:v13+s18+$0x0], $0xffff  }
0xf0: {  	v13 =	vor.u32 v53, v6;
	_ =	sdelay $0x2  }
0xf1: {  	[tilespmem:v23+s14+$0x0] =	vst.idx.msk $0xffff, v5  }
0xf2: {  	v24 =	vor.u32 v54, v1;
	v5 =	vld.idx.msk [tilespmem:v8+s18+$0x0], $0xffff;
	[tilespmem:v11+s14+$0x0] =	vst.idx.msk $0xffff, v10  }
0xf3: {  	v8 =	vor.u32 v55, v3;
	v11 =	vor.u32 v54, v12;
	v10 =	vld.idx.msk [tilespmem:v13+s18+$0x0], $0xffff  }
0xf4: {  	v13 =	vor.u32 v55, v6;
	_ =	sdelay $0x2  }
0xf5: {  	[tilespmem:v24+s14+$0x0] =	vst.idx.msk $0xffff, v5  }
0xf6: {  	v25 =	vor.u32 v56, v1;
	v5 =	vld.idx.msk [tilespmem:v8+s18+$0x0], $0xffff;
	[tilespmem:v11+s14+$0x0] =	vst.idx.msk $0xffff, v10  }
0xf7: {  	v8 =	vor.u32 v57, v3;
	v11 =	vor.u32 v56, v12;
	v10 =	vld.idx.msk [tilespmem:v13+s18+$0x0], $0xffff  }
0xf8: {  	v13 =	vor.u32 v57, v6;
	_ =	sdelay $0x2  }
0xf9: {  	[tilespmem:v25+s14+$0x0] =	vst.idx.msk $0xffff, v5  }
0xfa: {  	v26 =	vor.u32 v58, v2;
	v5 =	vld.idx.msk [tilespmem:v8+s18+$0x0], $0xffff;
	[tilespmem:v11+s14+$0x0] =	vst.idx.msk $0xffff, v10  }
0xfb: {  	v8 =	vor.u32 v59, v3;
	v11 =	vor.u32 v58, v4;
	v10 =	vld.idx.msk [tilespmem:v13+s18+$0x0], $0xffff  }
0xfc: {  	v13 =	vor.u32 v59, v6;
	_ =	sdelay $0x2  }
0xfd: {  	[tilespmem:v26+s14+$0x0] =	vst.idx.msk $0xffff, v5  }
0xfe: {  	v2 =	vor.u32 v60, v2;
	v5 =	vld.idx.msk [tilespmem:v8+s18+$0x0], $0xffff;
	[tilespmem:v11+s14+$0x0] =	vst.idx.msk $0xffff, v10  }
0xff: {  	v27 =	vor.u32 v61, v3;
	v4 =	vor.u32 v60, v4;
	v8 =	vld.idx.msk [tilespmem:v13+s18+$0x0], $0xffff  }
0x100: {  	v10 =	vor.u32 v61, v6;
	_ =	sdelay $0x1  }
0x101: {  	s7 =	sor.u32 $0x2, s6;
	v19 =	vor.u32 v62, v12;
	v20 =	vor.u32 v14, v1  }
0x102: {  	s19 =	sor.u32 $0x7, s6;
	v21 =	vor.u32 v63, v6;
	v11 =	vor.u32 v62, v1;
	v1 =	vadd.s32 s7, v0;
	s7 =	sor.u32 $0x3, s6;
	[tilespmem:v2+s14+$0x0] =	vst.idx.msk $0xffff, v5  }
0x103: {  	v6 =	vadd.s32 s19, v0;
	v14 =	vand.u32 $0xF, v1;
	v2 =	vadd.s32 s7, v0;
	v18 =	vld.idx.msk [tilespmem:v27+s18+$0x0], $0xffff;
	[tilespmem:v4+s14+$0x0] =	vst.idx.msk $0xffff, v8  }
0x104: {  	v13 =	vor.u32 v63, v3;
	v7 =	vshll.u32 v14, $0x7;
	s7 =	sor.u32 $0x4, s6;
	v15 =	vand.u32 $0xF, v2;
	v22 =	vld.idx.msk [tilespmem:v10+s18+$0x0], $0xffff  }
0x105: {  	v23 =	vor.u32 v0, v7;
	v3 =	vadd.s32 s7, v0;
	s7 =	sor.u32 $0x5, s6;
	v27 =	vld [tilespmem:$0x1FFE0];
	v8 =	vshll.u32 v15, $0x7  }
0x106: {  	v16 =	vand.u32 $0xF, v3;
	v4 =	vadd.s32 s7, v0;
	s7 =	sor.u32 $0x6, s6;
	v24 =	vor.u32 v0, v8  }
0x107: {  	v10 =	vshll.u32 v16, $0x7;
	v17 =	vand.u32 $0xF, v4;
	v5 =	vadd.s32 s7, v0  }
0x108: {  	v25 =	vor.u32 v0, v10;
	[tilespmem:v11+s14+$0x0] =	vst.idx.msk $0xffff, v18;
	v11 =	vshll.u32 v17, $0x7;
	v18 =	vand.u32 $0xF, v5  }
0x109: {  	v26 =	vld.idx.msk [tilespmem:v13+s18+$0x0], $0xffff;
	[tilespmem:v19+s14+$0x0] =	vst.idx.msk $0xffff, v22;
	v22 =	vor.u32 v0, v11;
	v13 =	vshll.u32 v18, $0x7;
	v19 =	vand.u32 $0xF, v6  }
0x10a: {  	v27 =	vor.u32 v27, v12;
	v21 =	vld.idx.msk [tilespmem:v21+s18+$0x0], $0xffff;
	v28 =	vor.u32 v0, v13;
	v12 =	vshll.u32 v19, $0x7  }
0x10b: {  	v29 =	vor.u32 v31, v14;
	v23 =	vld.idx.msk [tilespmem:v23+s18+$0x0], $0xffff;
	v30 =	vor.u32 v0, v12  }
0x10c: {  	v32 =	vor.u32 v9, v7;
	v33 =	vor.u32 v31, v15;
	v24 =	vld.idx.msk [tilespmem:v24+s18+$0x0], $0xffff  }
0x10d: {  	v34 =	vor.u32 v9, v8;
	v35 =	vor.u32 v31, v16;
	v25 =	vld.idx.msk [tilespmem:v25+s18+$0x0], $0xffff  }
0x10e: {  	[tilespmem:v20+s14+$0x0] =	vst.idx.msk $0xffff, v26;
	v20 =	vor.u32 v9, v10;
	v22 =	vld.idx.msk [tilespmem:v22+s18+$0x0], $0xffff;
	v26 =	vor.u32 v31, v17  }
0x10f: {  	[tilespmem:v27+s14+$0x0] =	vst.idx.msk $0xffff, v21;
	v21 =	vor.u32 v9, v11;
	v27 =	vld.idx.msk [tilespmem:v28+s18+$0x0], $0xffff;
	v28 =	vor.u32 v31, v18  }
0x110: {  	[tilespmem:v29+s14+$0x0] =	vst.idx.msk $0xffff, v23;
	v23 =	vor.u32 v9, v13;
	v29 =	vld.idx.msk [tilespmem:v30+s18+$0x0], $0xffff;
	v30 =	vor.u32 v31, v19  }
0x111: {  	v32 =	vld.idx.msk [tilespmem:v32+s18+$0x0], $0xffff;
	[tilespmem:v33+s14+$0x0] =	vst.idx.msk $0xffff, v24;
	v24 =	vor.u32 v36, v14;
	v33 =	vor.u32 v9, v12  }
0x112: {  	[tilespmem:v35+s14+$0x0] =	vst.idx.msk $0xffff, v25;
	v25 =	vor.u32 v37, v7;
	v34 =	vld.idx.msk [tilespmem:v34+s18+$0x0], $0xffff;
	v35 =	vor.u32 v36, v15  }
0x113: {  	[tilespmem:v26+s14+$0x0] =	vst.idx.msk $0xffff, v22;
	v22 =	vor.u32 v37, v8;
	v20 =	vld.idx.msk [tilespmem:v20+s18+$0x0], $0xffff;
	v26 =	vor.u32 v36, v16  }
0x114: {  	[tilespmem:v28+s14+$0x0] =	vst.idx.msk $0xffff, v27;
	v27 =	vor.u32 v37, v10;
	v21 =	vld.idx.msk [tilespmem:v21+s18+$0x0], $0xffff;
	v28 =	vor.u32 v36, v17  }
0x115: {  	[tilespmem:v30+s14+$0x0] =	vst.idx.msk $0xffff, v29;
	v29 =	vor.u32 v37, v11;
	v23 =	vld.idx.msk [tilespmem:v23+s18+$0x0], $0xffff;
	v30 =	vor.u32 v36, v18  }
0x116: {  	[tilespmem:v24+s14+$0x0] =	vst.idx.msk $0xffff, v32;
	v24 =	vor.u32 v37, v13;
	v32 =	vld.idx.msk [tilespmem:v33+s18+$0x0], $0xffff;
	v33 =	vor.u32 v36, v19  }
0x117: {  	v25 =	vld.idx.msk [tilespmem:v25+s18+$0x0], $0xffff;
	[tilespmem:v35+s14+$0x0] =	vst.idx.msk $0xffff, v34;
	v34 =	vor.u32 v38, v1;
	v35 =	vor.u32 v37, v12  }
0x118: {  	[tilespmem:v26+s14+$0x0] =	vst.idx.msk $0xffff, v20;
	v20 =	vor.u32 v39, v7;
	v22 =	vld.idx.msk [tilespmem:v22+s18+$0x0], $0xffff;
	v26 =	vor.u32 v38, v2  }
0x119: {  	[tilespmem:v28+s14+$0x0] =	vst.idx.msk $0xffff, v21;
	v21 =	vor.u32 v39, v8;
	v27 =	vld.idx.msk [tilespmem:v27+s18+$0x0], $0xffff;
	v28 =	vor.u32 v38, v3  }
0x11a: {  	[tilespmem:v30+s14+$0x0] =	vst.idx.msk $0xffff, v23;
	v23 =	vor.u32 v39, v10;
	v29 =	vld.idx.msk [tilespmem:v29+s18+$0x0], $0xffff;
	v30 =	vor.u32 v38, v4  }
0x11b: {  	[tilespmem:v33+s14+$0x0] =	vst.idx.msk $0xffff, v32;
	v32 =	vor.u32 v39, v11;
	v24 =	vld.idx.msk [tilespmem:v24+s18+$0x0], $0xffff;
	v33 =	vor.u32 v38, v5  }
0x11c: {  	[tilespmem:v34+s14+$0x0] =	vst.idx.msk $0xffff, v25;
	v25 =	vor.u32 v39, v13;
	v34 =	vld.idx.msk [tilespmem:v35+s18+$0x0], $0xffff;
	v35 =	vor.u32 v38, v6  }
0x11d: {  	v20 =	vld.idx.msk [tilespmem:v20+s18+$0x0], $0xffff;
	[tilespmem:v26+s14+$0x0] =	vst.idx.msk $0xffff, v22;
	v22 =	vor.u32 v40, v1;
	v26 =	vor.u32 v39, v12  }
0x11e: {  	[tilespmem:v28+s14+$0x0] =	vst.idx.msk $0xffff, v27;
	v27 =	vor.u32 v41, v7;
	v21 =	vld.idx.msk [tilespmem:v21+s18+$0x0], $0xffff;
	v28 =	vor.u32 v40, v2  }
0x11f: {  	[tilespmem:v30+s14+$0x0] =	vst.idx.msk $0xffff, v29;
	v29 =	vor.u32 v41, v8;
	v23 =	vld.idx.msk [tilespmem:v23+s18+$0x0], $0xffff;
	v30 =	vor.u32 v40, v3  }
0x120: {  	[tilespmem:v33+s14+$0x0] =	vst.idx.msk $0xffff, v24;
	v24 =	vor.u32 v41, v10;
	v32 =	vld.idx.msk [tilespmem:v32+s18+$0x0], $0xffff;
	v33 =	vor.u32 v40, v4  }
0x121: {  	[tilespmem:v35+s14+$0x0] =	vst.idx.msk $0xffff, v34;
	v34 =	vor.u32 v41, v11;
	v25 =	vld.idx.msk [tilespmem:v25+s18+$0x0], $0xffff;
	v35 =	vor.u32 v40, v5  }
0x122: {  	[tilespmem:v22+s14+$0x0] =	vst.idx.msk $0xffff, v20;
	v20 =	vor.u32 v41, v13;
	v22 =	vld.idx.msk [tilespmem:v26+s18+$0x0], $0xffff;
	v26 =	vor.u32 v40, v6  }
0x123: {  	v27 =	vld.idx.msk [tilespmem:v27+s18+$0x0], $0xffff;
	[tilespmem:v28+s14+$0x0] =	vst.idx.msk $0xffff, v21;
	v21 =	vor.u32 v42, v14;
	v28 =	vor.u32 v41, v12  }
0x124: {  	[tilespmem:v30+s14+$0x0] =	vst.idx.msk $0xffff, v23;
	v23 =	vor.u32 v43, v7;
	v29 =	vld.idx.msk [tilespmem:v29+s18+$0x0], $0xffff;
	v30 =	vor.u32 v42, v15  }
0x125: {  	[tilespmem:v33+s14+$0x0] =	vst.idx.msk $0xffff, v32;
	v32 =	vor.u32 v43, v8;
	v24 =	vld.idx.msk [tilespmem:v24+s18+$0x0], $0xffff;
	v33 =	vor.u32 v42, v16  }
0x126: {  	[tilespmem:v35+s14+$0x0] =	vst.idx.msk $0xffff, v25;
	v25 =	vor.u32 v43, v10;
	v34 =	vld.idx.msk [tilespmem:v34+s18+$0x0], $0xffff;
	v35 =	vor.u32 v42, v17  }
0x127: {  	[tilespmem:v26+s14+$0x0] =	vst.idx.msk $0xffff, v22;
	v22 =	vor.u32 v43, v11;
	v20 =	vld.idx.msk [tilespmem:v20+s18+$0x0], $0xffff;
	v26 =	vor.u32 v42, v18  }
0x128: {  	[tilespmem:v21+s14+$0x0] =	vst.idx.msk $0xffff, v27;
	v21 =	vor.u32 v43, v13;
	v27 =	vld.idx.msk [tilespmem:v28+s18+$0x0], $0xffff;
	v28 =	vor.u32 v42, v19  }
0x129: {  	v23 =	vld.idx.msk [tilespmem:v23+s18+$0x0], $0xffff;
	[tilespmem:v30+s14+$0x0] =	vst.idx.msk $0xffff, v29;
	v29 =	vor.u32 v44, v14;
	v30 =	vor.u32 v43, v12  }
0x12a: {  	[tilespmem:v33+s14+$0x0] =	vst.idx.msk $0xffff, v24;
	v24 =	vor.u32 v45, v7;
	v32 =	vld.idx.msk [tilespmem:v32+s18+$0x0], $0xffff;
	v33 =	vor.u32 v44, v15  }
0x12b: {  	[tilespmem:v35+s14+$0x0] =	vst.idx.msk $0xffff, v34;
	v34 =	vor.u32 v45, v8;
	v25 =	vld.idx.msk [tilespmem:v25+s18+$0x0], $0xffff;
	v35 =	vor.u32 v44, v16  }
0x12c: {  	[tilespmem:v26+s14+$0x0] =	vst.idx.msk $0xffff, v20;
	v20 =	vor.u32 v45, v10;
	v22 =	vld.idx.msk [tilespmem:v22+s18+$0x0], $0xffff;
	v26 =	vor.u32 v44, v17  }
0x12d: {  	[tilespmem:v28+s14+$0x0] =	vst.idx.msk $0xffff, v27;
	v27 =	vor.u32 v45, v11;
	v21 =	vld.idx.msk [tilespmem:v21+s18+$0x0], $0xffff;
	v28 =	vor.u32 v44, v18  }
0x12e: {  	[tilespmem:v29+s14+$0x0] =	vst.idx.msk $0xffff, v23;
	v23 =	vor.u32 v45, v13;
	v29 =	vld.idx.msk [tilespmem:v30+s18+$0x0], $0xffff;
	v30 =	vor.u32 v44, v19  }
0x12f: {  	v24 =	vld.idx.msk [tilespmem:v24+s18+$0x0], $0xffff;
	[tilespmem:v33+s14+$0x0] =	vst.idx.msk $0xffff, v32;
	v32 =	vor.u32 v46, v1;
	v33 =	vor.u32 v45, v12  }
0x130: {  	[tilespmem:v35+s14+$0x0] =	vst.idx.msk $0xffff, v25;
	v25 =	vor.u32 v47, v7;
	v34 =	vld.idx.msk [tilespmem:v34+s18+$0x0], $0xffff;
	v35 =	vor.u32 v46, v2  }
0x131: {  	[tilespmem:v26+s14+$0x0] =	vst.idx.msk $0xffff, v22;
	v22 =	vor.u32 v47, v8;
	v20 =	vld.idx.msk [tilespmem:v20+s18+$0x0], $0xffff;
	v26 =	vor.u32 v46, v3  }
0x132: {  	[tilespmem:v28+s14+$0x0] =	vst.idx.msk $0xffff, v21;
	v21 =	vor.u32 v47, v10;
	v27 =	vld.idx.msk [tilespmem:v27+s18+$0x0], $0xffff;
	v28 =	vor.u32 v46, v4  }
0x133: {  	[tilespmem:v30+s14+$0x0] =	vst.idx.msk $0xffff, v29;
	v29 =	vor.u32 v47, v11;
	v23 =	vld.idx.msk [tilespmem:v23+s18+$0x0], $0xffff;
	v30 =	vor.u32 v46, v5  }
0x134: {  	[tilespmem:v32+s14+$0x0] =	vst.idx.msk $0xffff, v24;
	v24 =	vor.u32 v47, v13;
	v32 =	vld.idx.msk [tilespmem:v33+s18+$0x0], $0xffff;
	v33 =	vor.u32 v46, v6  }
0x135: {  	v25 =	vld.idx.msk [tilespmem:v25+s18+$0x0], $0xffff;
	[tilespmem:v35+s14+$0x0] =	vst.idx.msk $0xffff, v34;
	v34 =	vor.u32 v48, v1;
	v35 =	vor.u32 v47, v12  }
0x136: {  	[tilespmem:v26+s14+$0x0] =	vst.idx.msk $0xffff, v20;
	v20 =	vor.u32 v49, v7;
	v22 =	vld.idx.msk [tilespmem:v22+s18+$0x0], $0xffff;
	v26 =	vor.u32 v48, v2  }
0x137: {  	[tilespmem:v28+s14+$0x0] =	vst.idx.msk $0xffff, v27;
	v27 =	vor.u32 v49, v8;
	v21 =	vld.idx.msk [tilespmem:v21+s18+$0x0], $0xffff;
	v28 =	vor.u32 v48, v3  }
0x138: {  	[tilespmem:v30+s14+$0x0] =	vst.idx.msk $0xffff, v23;
	v23 =	vor.u32 v49, v10;
	v29 =	vld.idx.msk [tilespmem:v29+s18+$0x0], $0xffff;
	v30 =	vor.u32 v48, v4  }
0x139: {  	[tilespmem:v33+s14+$0x0] =	vst.idx.msk $0xffff, v32;
	v32 =	vor.u32 v49, v11;
	v24 =	vld.idx.msk [tilespmem:v24+s18+$0x0], $0xffff;
	v33 =	vor.u32 v48, v5  }
0x13a: {  	[tilespmem:v34+s14+$0x0] =	vst.idx.msk $0xffff, v25;
	v25 =	vor.u32 v49, v13;
	v34 =	vld.idx.msk [tilespmem:v35+s18+$0x0], $0xffff;
	v35 =	vor.u32 v48, v6  }
0x13b: {  	v20 =	vld.idx.msk [tilespmem:v20+s18+$0x0], $0xffff;
	[tilespmem:v26+s14+$0x0] =	vst.idx.msk $0xffff, v22;
	v22 =	vor.u32 v50, v14;
	v26 =	vor.u32 v49, v12  }
0x13c: {  	[tilespmem:v28+s14+$0x0] =	vst.idx.msk $0xffff, v21;
	v21 =	vor.u32 v51, v7;
	v27 =	vld.idx.msk [tilespmem:v27+s18+$0x0], $0xffff;
	v28 =	vor.u32 v50, v15  }
0x13d: {  	[tilespmem:v30+s14+$0x0] =	vst.idx.msk $0xffff, v29;
	v29 =	vor.u32 v51, v8;
	v23 =	vld.idx.msk [tilespmem:v23+s18+$0x0], $0xffff;
	v30 =	vor.u32 v50, v16  }
0x13e: {  	[tilespmem:v33+s14+$0x0] =	vst.idx.msk $0xffff, v24;
	v24 =	vor.u32 v51, v10;
	v32 =	vld.idx.msk [tilespmem:v32+s18+$0x0], $0xffff;
	v33 =	vor.u32 v50, v17  }
0x13f: {  	[tilespmem:v35+s14+$0x0] =	vst.idx.msk $0xffff, v34;
	v34 =	vor.u32 v51, v11;
	v25 =	vld.idx.msk [tilespmem:v25+s18+$0x0], $0xffff;
	v35 =	vor.u32 v50, v18  }
0x140: {  	[tilespmem:v22+s14+$0x0] =	vst.idx.msk $0xffff, v20;
	v20 =	vor.u32 v51, v13;
	v22 =	vld.idx.msk [tilespmem:v26+s18+$0x0], $0xffff;
	v26 =	vor.u32 v50, v19  }
0x141: {  	v21 =	vld.idx.msk [tilespmem:v21+s18+$0x0], $0xffff;
	[tilespmem:v28+s14+$0x0] =	vst.idx.msk $0xffff, v27;
	v27 =	vor.u32 v52, v14;
	v28 =	vor.u32 v51, v12  }
0x142: {  	[tilespmem:v30+s14+$0x0] =	vst.idx.msk $0xffff, v23;
	v23 =	vor.u32 v53, v7;
	v29 =	vld.idx.msk [tilespmem:v29+s18+$0x0], $0xffff;
	v30 =	vor.u32 v52, v15  }
0x143: {  	[tilespmem:v33+s14+$0x0] =	vst.idx.msk $0xffff, v32;
	v32 =	vor.u32 v53, v8;
	v24 =	vld.idx.msk [tilespmem:v24+s18+$0x0], $0xffff;
	v33 =	vor.u32 v52, v16  }
0x144: {  	[tilespmem:v35+s14+$0x0] =	vst.idx.msk $0xffff, v25;
	v25 =	vor.u32 v53, v10;
	v34 =	vld.idx.msk [tilespmem:v34+s18+$0x0], $0xffff;
	v35 =	vor.u32 v52, v17  }
0x145: {  	[tilespmem:v26+s14+$0x0] =	vst.idx.msk $0xffff, v22;
	v22 =	vor.u32 v53, v11;
	v20 =	vld.idx.msk [tilespmem:v20+s18+$0x0], $0xffff;
	v26 =	vor.u32 v52, v18  }
0x146: {  	[tilespmem:v27+s14+$0x0] =	vst.idx.msk $0xffff, v21;
	v21 =	vor.u32 v53, v13;
	v27 =	vld.idx.msk [tilespmem:v28+s18+$0x0], $0xffff;
	v28 =	vor.u32 v52, v19  }
0x147: {  	v23 =	vld.idx.msk [tilespmem:v23+s18+$0x0], $0xffff;
	[tilespmem:v30+s14+$0x0] =	vst.idx.msk $0xffff, v29;
	v29 =	vor.u32 v54, v1;
	v30 =	vor.u32 v53, v12  }
0x148: {  	[tilespmem:v33+s14+$0x0] =	vst.idx.msk $0xffff, v24;
	v24 =	vor.u32 v55, v7;
	v32 =	vld.idx.msk [tilespmem:v32+s18+$0x0], $0xffff;
	v33 =	vor.u32 v54, v2  }
0x149: {  	[tilespmem:v35+s14+$0x0] =	vst.idx.msk $0xffff, v34;
	v34 =	vor.u32 v55, v8;
	v25 =	vld.idx.msk [tilespmem:v25+s18+$0x0], $0xffff;
	v35 =	vor.u32 v54, v3  }
0x14a: {  	[tilespmem:v26+s14+$0x0] =	vst.idx.msk $0xffff, v20;
	v20 =	vor.u32 v55, v10;
	v22 =	vld.idx.msk [tilespmem:v22+s18+$0x0], $0xffff;
	v26 =	vor.u32 v54, v4  }
0x14b: {  	[tilespmem:v28+s14+$0x0] =	vst.idx.msk $0xffff, v27;
	v27 =	vor.u32 v55, v11;
	v21 =	vld.idx.msk [tilespmem:v21+s18+$0x0], $0xffff;
	v28 =	vor.u32 v54, v5  }
0x14c: {  	[tilespmem:v29+s14+$0x0] =	vst.idx.msk $0xffff, v23;
	v23 =	vor.u32 v55, v13;
	v29 =	vld.idx.msk [tilespmem:v30+s18+$0x0], $0xffff;
	v30 =	vor.u32 v54, v6  }
0x14d: {  	v24 =	vld.idx.msk [tilespmem:v24+s18+$0x0], $0xffff;
	[tilespmem:v33+s14+$0x0] =	vst.idx.msk $0xffff, v32;
	v32 =	vor.u32 v56, v1;
	v33 =	vor.u32 v55, v12  }
0x14e: {  	[tilespmem:v35+s14+$0x0] =	vst.idx.msk $0xffff, v25;
	v25 =	vor.u32 v57, v7;
	v34 =	vld.idx.msk [tilespmem:v34+s18+$0x0], $0xffff;
	v35 =	vor.u32 v56, v2  }
0x14f: {  	[tilespmem:v26+s14+$0x0] =	vst.idx.msk $0xffff, v22;
	v22 =	vor.u32 v57, v8;
	v20 =	vld.idx.msk [tilespmem:v20+s18+$0x0], $0xffff;
	v26 =	vor.u32 v56, v3  }
0x150: {  	[tilespmem:v28+s14+$0x0] =	vst.idx.msk $0xffff, v21;
	v21 =	vor.u32 v57, v10;
	v27 =	vld.idx.msk [tilespmem:v27+s18+$0x0], $0xffff;
	v28 =	vor.u32 v56, v4  }
0x151: {  	[tilespmem:v30+s14+$0x0] =	vst.idx.msk $0xffff, v29;
	v29 =	vor.u32 v57, v11;
	v23 =	vld.idx.msk [tilespmem:v23+s18+$0x0], $0xffff;
	v30 =	vor.u32 v56, v5  }
0x152: {  	[tilespmem:v32+s14+$0x0] =	vst.idx.msk $0xffff, v24;
	v24 =	vor.u32 v57, v13;
	v32 =	vld.idx.msk [tilespmem:v33+s18+$0x0], $0xffff;
	v33 =	vor.u32 v56, v6  }
0x153: {  	v25 =	vld.idx.msk [tilespmem:v25+s18+$0x0], $0xffff;
	[tilespmem:v35+s14+$0x0] =	vst.idx.msk $0xffff, v34;
	v34 =	vor.u32 v58, v14;
	v35 =	vor.u32 v57, v12  }
0x154: {  	[tilespmem:v26+s14+$0x0] =	vst.idx.msk $0xffff, v20;
	v20 =	vor.u32 v59, v7;
	v22 =	vld.idx.msk [tilespmem:v22+s18+$0x0], $0xffff;
	v26 =	vor.u32 v58, v15  }
0x155: {  	[tilespmem:v28+s14+$0x0] =	vst.idx.msk $0xffff, v27;
	v27 =	vor.u32 v59, v8;
	v21 =	vld.idx.msk [tilespmem:v21+s18+$0x0], $0xffff;
	v28 =	vor.u32 v58, v16  }
0x156: {  	[tilespmem:v30+s14+$0x0] =	vst.idx.msk $0xffff, v23;
	v23 =	vor.u32 v59, v10;
	v29 =	vld.idx.msk [tilespmem:v29+s18+$0x0], $0xffff;
	v30 =	vor.u32 v58, v17  }
0x157: {  	[tilespmem:v33+s14+$0x0] =	vst.idx.msk $0xffff, v32;
	v32 =	vor.u32 v59, v11;
	v24 =	vld.idx.msk [tilespmem:v24+s18+$0x0], $0xffff;
	v33 =	vor.u32 v58, v18  }
0x158: {  	[tilespmem:v34+s14+$0x0] =	vst.idx.msk $0xffff, v25;
	v25 =	vor.u32 v59, v13;
	v34 =	vld.idx.msk [tilespmem:v35+s18+$0x0], $0xffff;
	v35 =	vor.u32 v58, v19  }
0x159: {  	v14 =	vor.u32 v60, v14;
	[tilespmem:v26+s14+$0x0] =	vst.idx.msk $0xffff, v22;
	v20 =	vld.idx.msk [tilespmem:v20+s18+$0x0], $0xffff  }
0x15a: {  	v15 =	vor.u32 v60, v15;
	v22 =	vor.u32 v59, v12;
	[tilespmem:v28+s14+$0x0] =	vst.idx.msk $0xffff, v21;
	v26 =	vld.idx.msk [tilespmem:v27+s18+$0x0], $0xffff  }
0x15b: {  	v16 =	vor.u32 v60, v16;
	v27 =	vor.u32 v61, v8;
	[tilespmem:v30+s14+$0x0] =	vst.idx.msk $0xffff, v29;
	v23 =	vld.idx.msk [tilespmem:v23+s18+$0x0], $0xffff  }
0x15c: {  	v17 =	vor.u32 v60, v17;
	[tilespmem:v33+s14+$0x0] =	vst.idx.msk $0xffff, v24;
	v24 =	vor.u32 v61, v10;
	v28 =	vld.idx.msk [tilespmem:v32+s18+$0x0], $0xffff  }
0x15d: {  	v18 =	vor.u32 v60, v18;
	v29 =	vor.u32 v61, v11;
	[tilespmem:v35+s14+$0x0] =	vst.idx.msk $0xffff, v34;
	v25 =	vld.idx.msk [tilespmem:v25+s18+$0x0], $0xffff  }
0x15e: {  	[tilespmem:v14+s14+$0x0] =	vst.idx.msk $0xffff, v20;
	v14 =	vor.u32 v61, v13  }
0x15f: {  	v19 =	vor.u32 v60, v19;
	v21 =	vor.u32 v61, v7;
	v20 =	vld.idx.msk [tilespmem:v22+s18+$0x0], $0xffff;
	[tilespmem:v15+s14+$0x0] =	vst.idx.msk $0xffff, v26  }
0x160: {  	v33 =	vor.u32 v62, v2;
	[tilespmem:v16+s14+$0x0] =	vst.idx.msk $0xffff, v23;
	v16 =	vld.idx.msk [tilespmem:v27+s18+$0x0], $0xffff  }
0x161: {  	v34 =	vor.u32 v62, v3;
	[tilespmem:v17+s14+$0x0] =	vst.idx.msk $0xffff, v28;
	v17 =	vld.idx.msk [tilespmem:v24+s18+$0x0], $0xffff  }
0x162: {  	v35 =	vor.u32 v62, v4;
	[tilespmem:v18+s14+$0x0] =	vst.idx.msk $0xffff, v25;
	v18 =	vld.idx.msk [tilespmem:v29+s18+$0x0], $0xffff  }
0x163: {  	v27 =	vor.u32 v62, v5;
	v14 =	vld.idx.msk [tilespmem:v14+s18+$0x0], $0xffff  }
0x164: {  	v32 =	vor.u32 v61, v12;
	v21 =	vld.idx.msk [tilespmem:v21+s18+$0x0], $0xffff;
	v15 =	vor.u32 v62, v1;
	[tilespmem:v19+s14+$0x0] =	vst.idx.msk $0xffff, v20  }
0x165: {  	v7 =	vor.u32 v63, v7;
	[tilespmem:v33+s14+$0x0] =	vst.idx.msk $0xffff, v16;
	v33 =	vld [tilespmem:$0x1FFE0]  }
0x166: {  	v8 =	vor.u32 v63, v8;
	[tilespmem:v34+s14+$0x0] =	vst.idx.msk $0xffff, v17;
	v34 =	vld [tilespmem:$0x1FFE0]  }
0x167: {  	v10 =	vor.u32 v63, v10;
	[tilespmem:v35+s14+$0x0] =	vst.idx.msk $0xffff, v18;
	v35 =	vld [tilespmem:$0x1FFE0]  }
0x168: {  	v11 =	vor.u32 v63, v11;
	[tilespmem:v27+s14+$0x0] =	vst.idx.msk $0xffff, v14;
	v14 =	vld [tilespmem:$0x1FFE0]  }
0x169: {  	v13 =	vor.u32 v63, v13;
	[tilespmem:v15+s14+$0x0] =	vst.idx.msk $0xffff, v21;
	v15 =	vld.idx.msk [tilespmem:v32+s18+$0x0], $0xffff;
	v32 =	vor.u32 v62, v6  }
0x16a: {  	v12 =	vor.u32 v63, v12;
	v7 =	vld.idx.msk [tilespmem:v7+s18+$0x0], $0xffff;
	v1 =	vor.u32 v33, v1  }
0x16b: {  	v8 =	vld.idx.msk [tilespmem:v8+s18+$0x0], $0xffff;
	v2 =	vor.u32 v34, v2  }
0x16c: {  	v10 =	vld.idx.msk [tilespmem:v10+s18+$0x0], $0xffff;
	v3 =	vor.u32 v35, v3  }
0x16d: {  	v11 =	vld.idx.msk [tilespmem:v11+s18+$0x0], $0xffff;
	v4 =	vor.u32 v14, v4  }
0x16e: {  	[tilespmem:v32+s14+$0x0] =	vst.idx.msk $0xffff, v15;
	v13 =	vld.idx.msk [tilespmem:v13+s18+$0x0], $0xffff;
	v5 =	vor.u32 v14, v5  }
0x16f: {  	p2 =	por p1, p1;
	v6 =	vor.u32 v14, v6;
	[tilespmem:v1+s14+$0x0] =	vst.idx.msk $0xffff, v7;
	v1 =	vld.idx.msk [tilespmem:v12+s18+$0x0], $0xffff  }
.Ltmp2:
0x170: {  	[tilespmem:v2+s14+$0x0] =	vst.idx.msk $0xffff, v8;
	(pc) =	sbr.rel @p2 .LBB2_3-.Ltmp2, $4  }
0x171: {  	[tilespmem:v3+s14+$0x0] =	vst.idx.msk $0xffff, v10  }
0x172: {  	[tilespmem:v4+s14+$0x0] =	vst.idx.msk $0xffff, v11  }
0x173: {  	[tilespmem:v5+s14+$0x0] =	vst.idx.msk $0xffff, v13  }
0x174: {  	p1 =	por $0x0, $0x0;
	s6 =	simm.s32 $0x8;
	[tilespmem:v6+s14+$0x0] =	vst.idx.msk $0xffff, v1  }
0x175: {  	s6 =	sshll.u32 s24, $0x11;
	s7 =	rddreg [dreg:$0x5]  }
0x176: {  	s19 =	sor.u32 s7, s6;
	s7 =	rddreg [dreg:$0x2]  }
0x177: {  	s6 =	sadd.s32 s7, s19  }
0x178: {  	[hbm4b:s6+s15] =	stream.strided.scatter [tilespmem:s14], [sflag:$0x5], $0x1000, s17, s15, $0x38;
	[tilespmem:$0x1E600] =	vst v63  }
0x179: {  	p1 =	por $0x1, $0x1;
	v12 =	vlaneseq.u32;
	s6 =	simm.s32 $0x0  }
.LBB2_5:
0x17a: {  	v9 =	vld [tilespmem:$0x1FE00];
	_ =	sdelay $0x1  }
0x17b: {  	v34 =	vadd.s32 s6, v12;
	s7 =	sor.u32 $0x1, s6  }
0x17c: {  	v6 =	vand.u32 $0xF, v34;
	v44 =	vadd.s32 s7, v12  }
0x17d: {  	v1 =	vshll.u32 v6, $0x7;
	v7 =	vand.u32 $0xF, v44  }
0x17e: {  	v35 =	vshll.u32 v7, $0x7;
	v2 =	vor.u32 v9, v1  }
0x17f: {  	v3 =	vor.u32 v9, v35;
	_ =	sdelay $0x2  }
0x180: {  	v17 =	vor.u32 $0x1000, v31  }
0x181: {  	v19 =	vor.u32 $0x30, v12;
	v4 =	vor.u32 v17, v6;
	v2 =	vld.idx.msk [tilespmem:v2+s18+$0x0], $0xffff  }
0x182: {  	v5 =	vor.u32 v19, v1;
	v8 =	vor.u32 v17, v7;
	v3 =	vld.idx.msk [tilespmem:v3+s18+$0x0], $0xffff  }
0x183: {  	v14 =	vor.u32 v19, v35;
	_ =	sdelay $0x2  }
0x184: {  	v0 =	vor.u32 $0x1800, v31;
	[tilespmem:v4+s14+$0x0] =	vst.idx.msk $0xffff, v2  }
0x185: {  	v21 =	vor.u32 $0x820, v12;
	v4 =	vor.u32 v0, v6;
	[tilespmem:v8+s14+$0x0] =	vst.idx.msk $0xffff, v3;
	v2 =	vld.idx.msk [tilespmem:v5+s18+$0x0], $0xffff  }
0x186: {  	v3 =	vor.u32 v21, v1;
	v8 =	vor.u32 v0, v7;
	v5 =	vld.idx.msk [tilespmem:v14+s18+$0x0], $0xffff  }
0x187: {  	v16 =	vor.u32 v21, v35;
	_ =	sdelay $0x1  }
0x188: {  	[tilespmem:$0x1FBD0] =	vst v0  }
0x189: {  	v14 =	vor.u32 $0x1010, v31;
	[tilespmem:v4+s14+$0x0] =	vst.idx.msk $0xffff, v2  }
0x18a: {  	v0 =	vor.u32 $0x830, v12;
	[tilespmem:v8+s14+$0x0] =	vst.idx.msk $0xffff, v5;
	v2 =	vld.idx.msk [tilespmem:v3+s18+$0x0], $0xffff;
	v3 =	vor.u32 v14, v34  }
0x18b: {  	v4 =	vor.u32 v0, v1;
	v8 =	vor.u32 v14, v44;
	v5 =	vld.idx.msk [tilespmem:v16+s18+$0x0], $0xffff  }
0x18c: {  	v18 =	vor.u32 v0, v35;
	_ =	sdelay $0x2  }
0x18d: {  	v16 =	vor.u32 $0x1810, v31;
	[tilespmem:v3+s14+$0x0] =	vst.idx.msk $0xffff, v2  }
0x18e: {  	v23 =	vor.u32 $0x1020, v12;
	v3 =	vor.u32 v16, v34;
	[tilespmem:v8+s14+$0x0] =	vst.idx.msk $0xffff, v5;
	v2 =	vld.idx.msk [tilespmem:v4+s18+$0x0], $0xffff  }
0x18f: {  	v8 =	vor.u32 v16, v44;
	v4 =	vor.u32 v23, v1;
	v5 =	vld.idx.msk [tilespmem:v18+s18+$0x0], $0xffff  }
0x190: {  	v20 =	vor.u32 v23, v35;
	_ =	sdelay $0x2  }
0x191: {  	v18 =	vor.u32 $0x1020, v31;
	[tilespmem:v3+s14+$0x0] =	vst.idx.msk $0xffff, v2  }
0x192: {  	v25 =	vor.u32 $0x1030, v12;
	v3 =	vor.u32 v18, v6;
	[tilespmem:v8+s14+$0x0] =	vst.idx.msk $0xffff, v5;
	v2 =	vld.idx.msk [tilespmem:v4+s18+$0x0], $0xffff  }
0x193: {  	v8 =	vor.u32 v18, v7;
	v4 =	vor.u32 v25, v1;
	v5 =	vld.idx.msk [tilespmem:v20+s18+$0x0], $0xffff  }
0x194: {  	v22 =	vor.u32 v25, v35;
	_ =	sdelay $0x2  }
0x195: {  	v20 =	vor.u32 $0x1820, v31;
	[tilespmem:v3+s14+$0x0] =	vst.idx.msk $0xffff, v2  }
0x196: {  	v27 =	vor.u32 $0x1820, v12;
	v3 =	vor.u32 v20, v6;
	[tilespmem:v8+s14+$0x0] =	vst.idx.msk $0xffff, v5;
	v2 =	vld.idx.msk [tilespmem:v4+s18+$0x0], $0xffff  }
0x197: {  	v8 =	vor.u32 v20, v7;
	v4 =	vor.u32 v27, v1;
	v5 =	vld.idx.msk [tilespmem:v22+s18+$0x0], $0xffff  }
0x198: {  	v24 =	vor.u32 v27, v35;
	_ =	sdelay $0x2  }
0x199: {  	v22 =	vor.u32 $0x1030, v31;
	[tilespmem:v3+s14+$0x0] =	vst.idx.msk $0xffff, v2  }
0x19a: {  	v29 =	vor.u32 $0x1830, v12;
	v3 =	vor.u32 v22, v34;
	[tilespmem:v8+s14+$0x0] =	vst.idx.msk $0xffff, v5;
	v2 =	vld.idx.msk [tilespmem:v4+s18+$0x0], $0xffff  }
0x19b: {  	v8 =	vor.u32 v22, v44;
	v4 =	vor.u32 v29, v1;
	v5 =	vld.idx.msk [tilespmem:v24+s18+$0x0], $0xffff  }
0x19c: {  	v26 =	vor.u32 v29, v35;
	_ =	sdelay $0x2  }
0x19d: {  	v24 =	vor.u32 $0x1830, v31;
	[tilespmem:v3+s14+$0x0] =	vst.idx.msk $0xffff, v2  }
0x19e: {  	v32 =	vor.u32 $0x2020, v12;
	v3 =	vor.u32 v24, v34;
	[tilespmem:v8+s14+$0x0] =	vst.idx.msk $0xffff, v5;
	v2 =	vld.idx.msk [tilespmem:v4+s18+$0x0], $0xffff  }
0x19f: {  	v8 =	vor.u32 v24, v44;
	v4 =	vor.u32 v32, v1;
	v5 =	vld.idx.msk [tilespmem:v26+s18+$0x0], $0xffff  }
0x1a0: {  	v28 =	vor.u32 v32, v35;
	_ =	sdelay $0x1  }
0x1a1: {  	[tilespmem:$0x1FBF0] =	vst v0  }
0x1a2: {  	v26 =	vor.u32 $0x1040, v31;
	[tilespmem:v3+s14+$0x0] =	vst.idx.msk $0xffff, v2  }
0x1a3: {  	v0 =	vor.u32 $0x2030, v12;
	v3 =	vor.u32 v26, v6;
	[tilespmem:v8+s14+$0x0] =	vst.idx.msk $0xffff, v5;
	v2 =	vld.idx.msk [tilespmem:v4+s18+$0x0], $0xffff  }
0x1a4: {  	v8 =	vor.u32 v26, v7;
	v4 =	vor.u32 v0, v1;
	v5 =	vld.idx.msk [tilespmem:v28+s18+$0x0], $0xffff  }
0x1a5: {  	v30 =	vor.u32 v0, v35;
	_ =	sdelay $0x2  }
0x1a6: {  	v28 =	vor.u32 $0x1840, v31;
	[tilespmem:v3+s14+$0x0] =	vst.idx.msk $0xffff, v2  }
0x1a7: {  	v13 =	vor.u32 $0x2820, v12;
	v3 =	vor.u32 v28, v6;
	[tilespmem:v8+s14+$0x0] =	vst.idx.msk $0xffff, v5;
	v2 =	vld.idx.msk [tilespmem:v4+s18+$0x0], $0xffff  }
0x1a8: {  	v8 =	vor.u32 v28, v7;
	v4 =	vor.u32 v13, v1;
	v5 =	vld.idx.msk [tilespmem:v30+s18+$0x0], $0xffff  }
0x1a9: {  	v33 =	vor.u32 v13, v35;
	_ =	sdelay $0x2  }
0x1aa: {  	v30 =	vor.u32 $0x1050, v31;
	[tilespmem:v3+s14+$0x0] =	vst.idx.msk $0xffff, v2  }
0x1ab: {  	v15 =	vor.u32 $0x2830, v12;
	v3 =	vor.u32 v30, v34;
	[tilespmem:v8+s14+$0x0] =	vst.idx.msk $0xffff, v5;
	v2 =	vld.idx.msk [tilespmem:v4+s18+$0x0], $0xffff  }
0x1ac: {  	v8 =	vor.u32 v30, v44;
	v4 =	vor.u32 v15, v1;
	v5 =	vld.idx.msk [tilespmem:v33+s18+$0x0], $0xffff  }
0x1ad: {  	v36 =	vor.u32 v15, v35;
	_ =	sdelay $0x2  }
0x1ae: {  	[tilespmem:v3+s14+$0x0] =	vst.idx.msk $0xffff, v2;
	v2 =	vor.u32 $0x1850, v31  }
0x1af: {  	v33 =	vor.u32 $0x3020, v12;
	[tilespmem:v8+s14+$0x0] =	vst.idx.msk $0xffff, v5;
	v3 =	vld.idx.msk [tilespmem:v4+s18+$0x0], $0xffff;
	v4 =	vor.u32 v2, v34  }
0x1b0: {  	v5 =	vor.u32 v33, v1;
	v8 =	vld.idx.msk [tilespmem:v36+s18+$0x0], $0xffff;
	v56 =	vor.u32 v2, v44  }
0x1b1: {  	v37 =	vor.u32 v33, v35;
	_ =	sdelay $0x2  }
0x1b2: {  	[tilespmem:v4+s14+$0x0] =	vst.idx.msk $0xffff, v3;
	v3 =	vor.u32 $0x1060, v31  }
0x1b3: {  	[tilespmem:v56+s14+$0x0] =	vst.idx.msk $0xffff, v8;
	v5 =	vld.idx.msk [tilespmem:v5+s18+$0x0], $0xffff;
	v38 =	vor.u32 v3, v6  }
0x1b4: {  	v4 =	vor.u32 $0x3030, v12;
	v36 =	vld.idx.msk [tilespmem:v37+s18+$0x0], $0xffff;
	v57 =	vor.u32 v3, v7  }
0x1b5: {  	v8 =	vor.u32 v4, v1  }
0x1b6: {  	v39 =	vor.u32 v4, v35;
	_ =	sdelay $0x1  }
0x1b7: {  	[tilespmem:v38+s14+$0x0] =	vst.idx.msk $0xffff, v5  }
0x1b8: {  	v5 =	vor.u32 $0x1860, v31;
	[tilespmem:v57+s14+$0x0] =	vst.idx.msk $0xffff, v36  }
0x1b9: {  	v38 =	vld.idx.msk [tilespmem:v8+s18+$0x0], $0xffff;
	v40 =	vor.u32 v5, v6;
	v6 =	vor.u32 $0x3820, v12;
	v59 =	vor.u32 v5, v7  }
0x1ba: {  	v37 =	vld.idx.msk [tilespmem:v39+s18+$0x0], $0xffff;
	v7 =	vor.u32 $0x1070, v31;
	v8 =	vor.u32 $0x3830, v12;
	v58 =	vor.u32 v6, v1  }
0x1bb: {  	s7 =	sor.u32 $0x2, s6;
	v41 =	vor.u32 v6, v35;
	v45 =	vor.u32 v8, v1;
	v1 =	vor.u32 $0x1870, v31  }
0x1bc: {  	v43 =	vor.u32 v7, v34;
	v52 =	vor.u32 v1, v34;
	v34 =	vadd.s32 s7, v12  }
0x1bd: {  	v46 =	vand.u32 $0xF, v34  }
0x1be: {  	[tilespmem:v40+s14+$0x0] =	vst.idx.msk $0xffff, v38;
	v40 =	vshll.u32 v46, $0x7  }
0x1bf: {  	s7 =	sor.u32 $0x3, s6;
	[tilespmem:v59+s14+$0x0] =	vst.idx.msk $0xffff, v37;
	v50 =	vld.idx.msk [tilespmem:v58+s18+$0x0], $0xffff;
	v55 =	vor.u32 v9, v40  }
0x1c0: {  	v51 =	vor.u32 v7, v44;
	v53 =	vor.u32 v8, v35;
	v35 =	vadd.s32 s7, v12;
	s7 =	sor.u32 $0x4, s6;
	v54 =	vld.idx.msk [tilespmem:v41+s18+$0x0], $0xffff  }
0x1c1: {  	v36 =	vadd.s32 s7, v12;
	s7 =	sor.u32 $0x5, s6  }
0x1c2: {  	v37 =	vadd.s32 s7, v12;
	s7 =	sor.u32 $0x6, s6  }
0x1c3: {  	v47 =	vand.u32 $0xF, v35;
	v61 =	vor.u32 v17, v46;
	v38 =	vadd.s32 s7, v12;
	s7 =	sor.u32 $0x7, s6  }
0x1c4: {  	v41 =	vshll.u32 v47, $0x7;
	v39 =	vadd.s32 s7, v12;
	[tilespmem:v43+s14+$0x0] =	vst.idx.msk $0xffff, v50;
	v50 =	vand.u32 $0xF, v38;
	v55 =	vld.idx.msk [tilespmem:v55+s18+$0x0], $0xffff  }
0x1c5: {  	v56 =	vor.u32 v9, v41;
	[tilespmem:v51+s14+$0x0] =	vst.idx.msk $0xffff, v54;
	v51 =	vand.u32 $0xF, v39;
	v58 =	vld.idx.msk [tilespmem:v45+s18+$0x0], $0xffff;
	v45 =	vshll.u32 v50, $0x7  }
0x1c6: {  	v59 =	vor.u32 v1, v44;
	v53 =	vld.idx.msk [tilespmem:v53+s18+$0x0], $0xffff;
	v44 =	vshll.u32 v51, $0x7;
	v60 =	vor.u32 v9, v45  }
0x1c7: {  	v48 =	vand.u32 $0xF, v36;
	v62 =	vor.u32 v9, v44  }
0x1c8: {  	v42 =	vshll.u32 v48, $0x7;
	v49 =	vand.u32 $0xF, v37;
	v63 =	vor.u32 v19, v40  }
0x1c9: {  	[tilespmem:$0x1FBC0] =	vst v17;
	v11 =	vor.u32 v17, v48;
	v57 =	vor.u32 v9, v42;
	v43 =	vshll.u32 v49, $0x7  }
0x1ca: {  	v10 =	vor.u32 v19, v41;
	v54 =	vor.u32 v9, v43;
	v56 =	vld.idx.msk [tilespmem:v56+s18+$0x0], $0xffff;
	[tilespmem:v61+s14+$0x0] =	vst.idx.msk $0xffff, v55  }
0x1cb: {  	v9 =	vor.u32 v17, v47;
	v55 =	vor.u32 v19, v45;
	[tilespmem:v59+s14+$0x0] =	vst.idx.msk $0xffff, v53;
	v59 =	vld.idx.msk [tilespmem:v60+s18+$0x0], $0xffff  }
0x1cc: {  	[tilespmem:v52+s14+$0x0] =	vst.idx.msk $0xffff, v58;
	v52 =	vor.u32 v19, v42;
	v58 =	vor.u32 v17, v49;
	v61 =	vld.idx.msk [tilespmem:v62+s18+$0x0], $0xffff  }
0x1cd: {  	v53 =	vor.u32 v19, v43;
	v60 =	vor.u32 v17, v50;
	v62 =	vor.u32 v17, v51;
	v17 =	vmovc v19;
	v19 =	vld [tilespmem:$0x1FBD0]  }
0x1ce: {  	v57 =	vld.idx.msk [tilespmem:v57+s18+$0x0], $0xffff  }
0x1cf: {  	v54 =	vld.idx.msk [tilespmem:v54+s18+$0x0], $0xffff;
	_ =	sdelay $0x1  }
0x1d0: {  	[tilespmem:$0x1FBE0] =	vst v21  }
0x1d1: {  	v63 =	vld.idx.msk [tilespmem:v63+s18+$0x0], $0xffff;
	[tilespmem:v9+s14+$0x0] =	vst.idx.msk $0xffff, v56;
	v9 =	vor.u32 v19, v46  }
0x1d2: {  	[tilespmem:v11+s14+$0x0] =	vst.idx.msk $0xffff, v57;
	v10 =	vld.idx.msk [tilespmem:v10+s18+$0x0], $0xffff;
	v57 =	vor.u32 v19, v47  }
0x1d3: {  	v11 =	vor.u32 v21, v40;
	[tilespmem:v58+s14+$0x0] =	vst.idx.msk $0xffff, v54  }
0x1d4: {  	v56 =	vor.u32 v17, v44;
	v54 =	vor.u32 v21, v41;
	[tilespmem:v60+s14+$0x0] =	vst.idx.msk $0xffff, v59  }
0x1d5: {  	v58 =	vor.u32 v19, v48;
	v59 =	vor.u32 v21, v42;
	[tilespmem:v62+s14+$0x0] =	vst.idx.msk $0xffff, v61  }
0x1d6: {  	v52 =	vld.idx.msk [tilespmem:v52+s18+$0x0], $0xffff;
	v61 =	vor.u32 v21, v43;
	[tilespmem:v9+s14+$0x0] =	vst.idx.msk $0xffff, v63;
	v9 =	vor.u32 v21, v45  }
0x1d7: {  	[tilespmem:v57+s14+$0x0] =	vst.idx.msk $0xffff, v10;
	v10 =	vor.u32 v14, v34;
	v57 =	vor.u32 v21, v44;
	v21 =	vmov v14;
	v14 =	vld [tilespmem:$0x1FBF0]  }
0x1d8: {  	v53 =	vld.idx.msk [tilespmem:v53+s18+$0x0], $0xffff;
	v60 =	vor.u32 v19, v49  }
0x1d9: {  	v62 =	vor.u32 v19, v50;
	v55 =	vld.idx.msk [tilespmem:v55+s18+$0x0], $0xffff  }
0x1da: {  	v56 =	vld.idx.msk [tilespmem:v56+s18+$0x0], $0xffff;
	v63 =	vor.u32 v19, v51  }
0x1db: {  	v11 =	vld.idx.msk [tilespmem:v11+s18+$0x0], $0xffff  }
0x1dc: {  	[tilespmem:v58+s14+$0x0] =	vst.idx.msk $0xffff, v52;
	v54 =	vld.idx.msk [tilespmem:v54+s18+$0x0], $0xffff;
	v58 =	vor.u32 v21, v35;
	v52 =	vor.u32 v14, v40  }
0x1dd: {  	[tilespmem:v60+s14+$0x0] =	vst.idx.msk $0xffff, v53;
	v59 =	vld.idx.msk [tilespmem:v59+s18+$0x0], $0xffff;
	v60 =	vor.u32 v21, v36;
	v53 =	vor.u32 v14, v41  }
0x1de: {  	[tilespmem:v62+s14+$0x0] =	vst.idx.msk $0xffff, v55;
	v61 =	vld.idx.msk [tilespmem:v61+s18+$0x0], $0xffff;
	v62 =	vor.u32 v21, v37;
	v55 =	vor.u32 v14, v42  }
0x1df: {  	[tilespmem:v63+s14+$0x0] =	vst.idx.msk $0xffff, v56;
	v56 =	vor.u32 v14, v43;
	v9 =	vld.idx.msk [tilespmem:v9+s18+$0x0], $0xffff;
	v63 =	vor.u32 v21, v38  }
0x1e0: {  	[tilespmem:v10+s14+$0x0] =	vst.idx.msk $0xffff, v11;
	v10 =	vor.u32 v14, v45;
	v11 =	vld.idx.msk [tilespmem:v57+s18+$0x0], $0xffff;
	v57 =	vor.u32 v21, v39  }
0x1e1: {  	[tilespmem:v58+s14+$0x0] =	vst.idx.msk $0xffff, v54;
	v54 =	vor.u32 v16, v34;
	v58 =	vor.u32 v14, v44;
	v52 =	vld.idx.msk [tilespmem:v52+s18+$0x0], $0xffff  }
0x1e2: {  	[tilespmem:v60+s14+$0x0] =	vst.idx.msk $0xffff, v59;
	v59 =	vor.u32 v23, v40;
	v60 =	vor.u32 v16, v35;
	v53 =	vld.idx.msk [tilespmem:v53+s18+$0x0], $0xffff  }
0x1e3: {  	[tilespmem:v62+s14+$0x0] =	vst.idx.msk $0xffff, v61;
	v61 =	vor.u32 v23, v41;
	v62 =	vor.u32 v16, v36;
	v55 =	vld.idx.msk [tilespmem:v55+s18+$0x0], $0xffff  }
0x1e4: {  	[tilespmem:v63+s14+$0x0] =	vst.idx.msk $0xffff, v9;
	v9 =	vor.u32 v23, v42;
	v56 =	vld.idx.msk [tilespmem:v56+s18+$0x0], $0xffff;
	v63 =	vor.u32 v16, v37  }
0x1e5: {  	[tilespmem:v57+s14+$0x0] =	vst.idx.msk $0xffff, v11;
	v11 =	vor.u32 v23, v43;
	v10 =	vld.idx.msk [tilespmem:v10+s18+$0x0], $0xffff;
	v57 =	vor.u32 v16, v38  }
0x1e6: {  	[tilespmem:v54+s14+$0x0] =	vst.idx.msk $0xffff, v52;
	v52 =	vor.u32 v23, v45;
	v54 =	vld.idx.msk [tilespmem:v58+s18+$0x0], $0xffff;
	v58 =	vor.u32 v16, v39  }
0x1e7: {  	[tilespmem:v60+s14+$0x0] =	vst.idx.msk $0xffff, v53;
	v53 =	vor.u32 v18, v46;
	v60 =	vor.u32 v23, v44;
	v59 =	vld.idx.msk [tilespmem:v59+s18+$0x0], $0xffff  }
0x1e8: {  	[tilespmem:v62+s14+$0x0] =	vst.idx.msk $0xffff, v55;
	v55 =	vor.u32 v25, v40;
	v62 =	vor.u32 v18, v47;
	v61 =	vld.idx.msk [tilespmem:v61+s18+$0x0], $0xffff  }
0x1e9: {  	[tilespmem:v63+s14+$0x0] =	vst.idx.msk $0xffff, v56;
	v56 =	vor.u32 v25, v41;
	v63 =	vor.u32 v18, v48;
	v9 =	vld.idx.msk [tilespmem:v9+s18+$0x0], $0xffff  }
0x1ea: {  	[tilespmem:v57+s14+$0x0] =	vst.idx.msk $0xffff, v10;
	v10 =	vor.u32 v25, v42;
	v11 =	vld.idx.msk [tilespmem:v11+s18+$0x0], $0xffff;
	v57 =	vor.u32 v18, v49  }
0x1eb: {  	[tilespmem:v58+s14+$0x0] =	vst.idx.msk $0xffff, v54;
	v54 =	vor.u32 v25, v43;
	v52 =	vld.idx.msk [tilespmem:v52+s18+$0x0], $0xffff;
	v58 =	vor.u32 v18, v50  }
0x1ec: {  	[tilespmem:v53+s14+$0x0] =	vst.idx.msk $0xffff, v59;
	v53 =	vor.u32 v25, v45;
	v59 =	vld.idx.msk [tilespmem:v60+s18+$0x0], $0xffff;
	v60 =	vor.u32 v18, v51  }
0x1ed: {  	[tilespmem:v62+s14+$0x0] =	vst.idx.msk $0xffff, v61;
	v61 =	vor.u32 v20, v46;
	v62 =	vor.u32 v25, v44;
	v55 =	vld.idx.msk [tilespmem:v55+s18+$0x0], $0xffff  }
0x1ee: {  	[tilespmem:v63+s14+$0x0] =	vst.idx.msk $0xffff, v9;
	v9 =	vor.u32 v27, v40;
	v63 =	vor.u32 v20, v47;
	v56 =	vld.idx.msk [tilespmem:v56+s18+$0x0], $0xffff  }
0x1ef: {  	[tilespmem:v57+s14+$0x0] =	vst.idx.msk $0xffff, v11;
	v11 =	vor.u32 v27, v41;
	v57 =	vor.u32 v20, v48;
	v10 =	vld.idx.msk [tilespmem:v10+s18+$0x0], $0xffff  }
0x1f0: {  	[tilespmem:v58+s14+$0x0] =	vst.idx.msk $0xffff, v52;
	v52 =	vor.u32 v27, v42;
	v54 =	vld.idx.msk [tilespmem:v54+s18+$0x0], $0xffff;
	v58 =	vor.u32 v20, v49  }
0x1f1: {  	[tilespmem:v60+s14+$0x0] =	vst.idx.msk $0xffff, v59;
	v59 =	vor.u32 v27, v43;
	v53 =	vld.idx.msk [tilespmem:v53+s18+$0x0], $0xffff;
	v60 =	vor.u32 v20, v50  }
0x1f2: {  	[tilespmem:v61+s14+$0x0] =	vst.idx.msk $0xffff, v55;
	v55 =	vor.u32 v27, v45;
	v61 =	vld.idx.msk [tilespmem:v62+s18+$0x0], $0xffff;
	v62 =	vor.u32 v20, v51  }
0x1f3: {  	[tilespmem:v63+s14+$0x0] =	vst.idx.msk $0xffff, v56;
	v56 =	vor.u32 v22, v34;
	v63 =	vor.u32 v27, v44;
	v9 =	vld.idx.msk [tilespmem:v9+s18+$0x0], $0xffff  }
0x1f4: {  	[tilespmem:v57+s14+$0x0] =	vst.idx.msk $0xffff, v10;
	v10 =	vor.u32 v29, v40;
	v57 =	vor.u32 v22, v35;
	v11 =	vld.idx.msk [tilespmem:v11+s18+$0x0], $0xffff  }
0x1f5: {  	[tilespmem:v58+s14+$0x0] =	vst.idx.msk $0xffff, v54;
	v54 =	vor.u32 v29, v41;
	v52 =	vld.idx.msk [tilespmem:v52+s18+$0x0], $0xffff;
	v58 =	vor.u32 v22, v36  }
0x1f6: {  	[tilespmem:v60+s14+$0x0] =	vst.idx.msk $0xffff, v53;
	v53 =	vor.u32 v29, v42;
	v59 =	vld.idx.msk [tilespmem:v59+s18+$0x0], $0xffff;
	v60 =	vor.u32 v22, v37  }
0x1f7: {  	[tilespmem:v62+s14+$0x0] =	vst.idx.msk $0xffff, v61;
	v61 =	vor.u32 v29, v43;
	v55 =	vld.idx.msk [tilespmem:v55+s18+$0x0], $0xffff;
	v62 =	vor.u32 v22, v38  }
0x1f8: {  	[tilespmem:v56+s14+$0x0] =	vst.idx.msk $0xffff, v9;
	v9 =	vor.u32 v29, v45;
	v56 =	vld.idx.msk [tilespmem:v63+s18+$0x0], $0xffff;
	v63 =	vor.u32 v22, v39  }
0x1f9: {  	[tilespmem:v57+s14+$0x0] =	vst.idx.msk $0xffff, v11;
	v11 =	vor.u32 v24, v34;
	v57 =	vor.u32 v29, v44;
	v10 =	vld.idx.msk [tilespmem:v10+s18+$0x0], $0xffff  }
0x1fa: {  	[tilespmem:v58+s14+$0x0] =	vst.idx.msk $0xffff, v52;
	v52 =	vor.u32 v32, v40;
	v54 =	vld.idx.msk [tilespmem:v54+s18+$0x0], $0xffff;
	v58 =	vor.u32 v24, v35  }
0x1fb: {  	[tilespmem:v60+s14+$0x0] =	vst.idx.msk $0xffff, v59;
	v59 =	vor.u32 v32, v41;
	v53 =	vld.idx.msk [tilespmem:v53+s18+$0x0], $0xffff;
	v60 =	vor.u32 v24, v36  }
0x1fc: {  	[tilespmem:v62+s14+$0x0] =	vst.idx.msk $0xffff, v55;
	v55 =	vor.u32 v32, v42;
	v61 =	vld.idx.msk [tilespmem:v61+s18+$0x0], $0xffff;
	v62 =	vor.u32 v24, v37  }
0x1fd: {  	[tilespmem:v63+s14+$0x0] =	vst.idx.msk $0xffff, v56;
	v56 =	vor.u32 v32, v43;
	v9 =	vld.idx.msk [tilespmem:v9+s18+$0x0], $0xffff;
	v63 =	vor.u32 v24, v38  }
0x1fe: {  	[tilespmem:v11+s14+$0x0] =	vst.idx.msk $0xffff, v10;
	v10 =	vor.u32 v32, v45;
	v11 =	vld.idx.msk [tilespmem:v57+s18+$0x0], $0xffff;
	v57 =	vor.u32 v24, v39  }
0x1ff: {  	v52 =	vld.idx.msk [tilespmem:v52+s18+$0x0], $0xffff;
	[tilespmem:v58+s14+$0x0] =	vst.idx.msk $0xffff, v54;
	v54 =	vor.u32 v26, v46;
	v58 =	vor.u32 v32, v44  }
0x200: {  	[tilespmem:v60+s14+$0x0] =	vst.idx.msk $0xffff, v53;
	v53 =	vor.u32 v0, v40;
	v59 =	vld.idx.msk [tilespmem:v59+s18+$0x0], $0xffff;
	v60 =	vor.u32 v26, v47  }
0x201: {  	[tilespmem:v62+s14+$0x0] =	vst.idx.msk $0xffff, v61;
	v61 =	vor.u32 v0, v41;
	v55 =	vld.idx.msk [tilespmem:v55+s18+$0x0], $0xffff;
	v62 =	vor.u32 v26, v48  }
0x202: {  	[tilespmem:v63+s14+$0x0] =	vst.idx.msk $0xffff, v9;
	v9 =	vor.u32 v0, v42;
	v56 =	vld.idx.msk [tilespmem:v56+s18+$0x0], $0xffff;
	v63 =	vor.u32 v26, v49  }
0x203: {  	[tilespmem:v57+s14+$0x0] =	vst.idx.msk $0xffff, v11;
	v11 =	vor.u32 v0, v43;
	v10 =	vld.idx.msk [tilespmem:v10+s18+$0x0], $0xffff;
	v57 =	vor.u32 v26, v50  }
0x204: {  	[tilespmem:v54+s14+$0x0] =	vst.idx.msk $0xffff, v52;
	v52 =	vor.u32 v0, v45;
	v54 =	vld.idx.msk [tilespmem:v58+s18+$0x0], $0xffff;
	v58 =	vor.u32 v26, v51  }
0x205: {  	v53 =	vld.idx.msk [tilespmem:v53+s18+$0x0], $0xffff;
	[tilespmem:v60+s14+$0x0] =	vst.idx.msk $0xffff, v59;
	v59 =	vor.u32 v28, v46;
	v60 =	vor.u32 v0, v44  }
0x206: {  	[tilespmem:v62+s14+$0x0] =	vst.idx.msk $0xffff, v55;
	v55 =	vor.u32 v13, v40;
	v61 =	vld.idx.msk [tilespmem:v61+s18+$0x0], $0xffff;
	v62 =	vor.u32 v28, v47  }
0x207: {  	[tilespmem:v63+s14+$0x0] =	vst.idx.msk $0xffff, v56;
	v56 =	vor.u32 v13, v41;
	v9 =	vld.idx.msk [tilespmem:v9+s18+$0x0], $0xffff;
	v63 =	vor.u32 v28, v48  }
0x208: {  	[tilespmem:v57+s14+$0x0] =	vst.idx.msk $0xffff, v10;
	v10 =	vor.u32 v13, v42;
	v11 =	vld.idx.msk [tilespmem:v11+s18+$0x0], $0xffff;
	v57 =	vor.u32 v28, v49  }
0x209: {  	[tilespmem:v58+s14+$0x0] =	vst.idx.msk $0xffff, v54;
	v54 =	vor.u32 v13, v43;
	v52 =	vld.idx.msk [tilespmem:v52+s18+$0x0], $0xffff;
	v58 =	vor.u32 v28, v50  }
0x20a: {  	[tilespmem:v59+s14+$0x0] =	vst.idx.msk $0xffff, v53;
	v53 =	vor.u32 v13, v45;
	v59 =	vld.idx.msk [tilespmem:v60+s18+$0x0], $0xffff;
	v60 =	vor.u32 v28, v51  }
0x20b: {  	v55 =	vld.idx.msk [tilespmem:v55+s18+$0x0], $0xffff;
	[tilespmem:v62+s14+$0x0] =	vst.idx.msk $0xffff, v61;
	v61 =	vor.u32 v30, v34;
	v62 =	vor.u32 v13, v44  }
0x20c: {  	[tilespmem:v63+s14+$0x0] =	vst.idx.msk $0xffff, v9;
	v9 =	vor.u32 v15, v40;
	v56 =	vld.idx.msk [tilespmem:v56+s18+$0x0], $0xffff;
	v63 =	vor.u32 v30, v35  }
0x20d: {  	[tilespmem:v57+s14+$0x0] =	vst.idx.msk $0xffff, v11;
	v11 =	vor.u32 v15, v41;
	v10 =	vld.idx.msk [tilespmem:v10+s18+$0x0], $0xffff;
	v57 =	vor.u32 v30, v36  }
0x20e: {  	[tilespmem:v58+s14+$0x0] =	vst.idx.msk $0xffff, v52;
	v52 =	vor.u32 v15, v42;
	v54 =	vld.idx.msk [tilespmem:v54+s18+$0x0], $0xffff;
	v58 =	vor.u32 v30, v37  }
0x20f: {  	[tilespmem:v60+s14+$0x0] =	vst.idx.msk $0xffff, v59;
	v59 =	vor.u32 v15, v43;
	v53 =	vld.idx.msk [tilespmem:v53+s18+$0x0], $0xffff;
	v60 =	vor.u32 v30, v38  }
0x210: {  	[tilespmem:v61+s14+$0x0] =	vst.idx.msk $0xffff, v55;
	v55 =	vor.u32 v15, v45;
	v61 =	vld.idx.msk [tilespmem:v62+s18+$0x0], $0xffff;
	v62 =	vor.u32 v30, v39  }
0x211: {  	v9 =	vld.idx.msk [tilespmem:v9+s18+$0x0], $0xffff;
	[tilespmem:v63+s14+$0x0] =	vst.idx.msk $0xffff, v56;
	v56 =	vor.u32 v2, v34;
	v63 =	vor.u32 v15, v44  }
0x212: {  	[tilespmem:v57+s14+$0x0] =	vst.idx.msk $0xffff, v10;
	v10 =	vor.u32 v33, v40;
	v11 =	vld.idx.msk [tilespmem:v11+s18+$0x0], $0xffff;
	v57 =	vor.u32 v2, v35  }
0x213: {  	[tilespmem:v58+s14+$0x0] =	vst.idx.msk $0xffff, v54;
	v54 =	vor.u32 v33, v41;
	v52 =	vld.idx.msk [tilespmem:v52+s18+$0x0], $0xffff;
	v58 =	vor.u32 v2, v36  }
0x214: {  	[tilespmem:v60+s14+$0x0] =	vst.idx.msk $0xffff, v53;
	v53 =	vor.u32 v33, v42;
	v59 =	vld.idx.msk [tilespmem:v59+s18+$0x0], $0xffff;
	v60 =	vor.u32 v2, v37  }
0x215: {  	[tilespmem:v62+s14+$0x0] =	vst.idx.msk $0xffff, v61;
	v61 =	vor.u32 v33, v43;
	v55 =	vld.idx.msk [tilespmem:v55+s18+$0x0], $0xffff;
	v62 =	vor.u32 v2, v38  }
0x216: {  	[tilespmem:v56+s14+$0x0] =	vst.idx.msk $0xffff, v9;
	v9 =	vor.u32 v33, v45;
	v56 =	vld.idx.msk [tilespmem:v63+s18+$0x0], $0xffff;
	v63 =	vor.u32 v2, v39  }
0x217: {  	v10 =	vld.idx.msk [tilespmem:v10+s18+$0x0], $0xffff;
	[tilespmem:v57+s14+$0x0] =	vst.idx.msk $0xffff, v11;
	v11 =	vor.u32 v3, v46;
	v57 =	vor.u32 v33, v44  }
0x218: {  	[tilespmem:v58+s14+$0x0] =	vst.idx.msk $0xffff, v52;
	v52 =	vor.u32 v4, v40;
	v54 =	vld.idx.msk [tilespmem:v54+s18+$0x0], $0xffff;
	v58 =	vor.u32 v3, v47  }
0x219: {  	[tilespmem:v60+s14+$0x0] =	vst.idx.msk $0xffff, v59;
	v59 =	vor.u32 v4, v41;
	v53 =	vld.idx.msk [tilespmem:v53+s18+$0x0], $0xffff;
	v60 =	vor.u32 v3, v48  }
0x21a: {  	[tilespmem:v62+s14+$0x0] =	vst.idx.msk $0xffff, v55;
	v55 =	vor.u32 v4, v42;
	v61 =	vld.idx.msk [tilespmem:v61+s18+$0x0], $0xffff;
	v62 =	vor.u32 v3, v49  }
0x21b: {  	[tilespmem:v63+s14+$0x0] =	vst.idx.msk $0xffff, v56;
	v56 =	vor.u32 v4, v43;
	v9 =	vld.idx.msk [tilespmem:v9+s18+$0x0], $0xffff;
	v63 =	vor.u32 v3, v50  }
0x21c: {  	[tilespmem:v11+s14+$0x0] =	vst.idx.msk $0xffff, v10;
	v10 =	vor.u32 v4, v45;
	v11 =	vld.idx.msk [tilespmem:v57+s18+$0x0], $0xffff;
	v57 =	vor.u32 v3, v51  }
0x21d: {  	v46 =	vor.u32 v5, v46;
	[tilespmem:v58+s14+$0x0] =	vst.idx.msk $0xffff, v54;
	v52 =	vld.idx.msk [tilespmem:v52+s18+$0x0], $0xffff;
	v54 =	vor.u32 v4, v44  }
0x21e: {  	v47 =	vor.u32 v5, v47;
	[tilespmem:v60+s14+$0x0] =	vst.idx.msk $0xffff, v53;
	v60 =	vor.u32 v6, v40;
	v58 =	vld.idx.msk [tilespmem:v59+s18+$0x0], $0xffff  }
0x21f: {  	v48 =	vor.u32 v5, v48;
	[tilespmem:v62+s14+$0x0] =	vst.idx.msk $0xffff, v61;
	v62 =	vor.u32 v6, v41;
	v55 =	vld.idx.msk [tilespmem:v55+s18+$0x0], $0xffff  }
0x220: {  	v49 =	vor.u32 v5, v49;
	[tilespmem:v63+s14+$0x0] =	vst.idx.msk $0xffff, v9;
	v9 =	vor.u32 v6, v42;
	v56 =	vld.idx.msk [tilespmem:v56+s18+$0x0], $0xffff  }
0x221: {  	v50 =	vor.u32 v5, v50;
	[tilespmem:v57+s14+$0x0] =	vst.idx.msk $0xffff, v11;
	v11 =	vor.u32 v6, v43;
	v10 =	vld.idx.msk [tilespmem:v10+s18+$0x0], $0xffff  }
0x222: {  	v51 =	vor.u32 v5, v51;
	[tilespmem:v46+s14+$0x0] =	vst.idx.msk $0xffff, v52;
	v46 =	vor.u32 v6, v45;
	v52 =	vld.idx.msk [tilespmem:v54+s18+$0x0], $0xffff  }
0x223: {  	v61 =	vor.u32 v6, v44;
	v53 =	vld.idx.msk [tilespmem:v60+s18+$0x0], $0xffff;
	[tilespmem:v47+s14+$0x0] =	vst.idx.msk $0xffff, v58;
	v60 =	vor.u32 v7, v34  }
0x224: {  	v40 =	vor.u32 v8, v40;
	v63 =	vor.u32 v7, v35;
	[tilespmem:v48+s14+$0x0] =	vst.idx.msk $0xffff, v55;
	v62 =	vld.idx.msk [tilespmem:v62+s18+$0x0], $0xffff  }
0x225: {  	v41 =	vor.u32 v8, v41;
	[tilespmem:v49+s14+$0x0] =	vst.idx.msk $0xffff, v56;
	v9 =	vld.idx.msk [tilespmem:v9+s18+$0x0], $0xffff;
	v56 =	vor.u32 v7, v36  }
0x226: {  	v57 =	vor.u32 v7, v37;
	[tilespmem:v50+s14+$0x0] =	vst.idx.msk $0xffff, v10;
	v10 =	vor.u32 v8, v42;
	v11 =	vld.idx.msk [tilespmem:v11+s18+$0x0], $0xffff  }
0x227: {  	v43 =	vor.u32 v8, v43;
	v58 =	vor.u32 v7, v38;
	[tilespmem:v51+s14+$0x0] =	vst.idx.msk $0xffff, v52;
	v46 =	vld.idx.msk [tilespmem:v46+s18+$0x0], $0xffff  }
0x228: {  	v45 =	vor.u32 v8, v45;
	[tilespmem:v60+s14+$0x0] =	vst.idx.msk $0xffff, v53;
	v59 =	vld.idx.msk [tilespmem:v61+s18+$0x0], $0xffff;
	v60 =	vor.u32 v7, v39  }
0x229: {  	v44 =	vor.u32 v8, v44;
	v34 =	vor.u32 v1, v34;
	[tilespmem:v63+s14+$0x0] =	vst.idx.msk $0xffff, v62;
	v40 =	vld.idx.msk [tilespmem:v40+s18+$0x0], $0xffff  }
0x22a: {  	v35 =	vor.u32 v1, v35;
	[tilespmem:v56+s14+$0x0] =	vst.idx.msk $0xffff, v9;
	v9 =	vld.idx.msk [tilespmem:v41+s18+$0x0], $0xffff  }
0x22b: {  	[tilespmem:v57+s14+$0x0] =	vst.idx.msk $0xffff, v11;
	v10 =	vld.idx.msk [tilespmem:v10+s18+$0x0], $0xffff;
	v11 =	vor.u32 v1, v36  }
0x22c: {  	v37 =	vor.u32 v1, v37;
	[tilespmem:v58+s14+$0x0] =	vst.idx.msk $0xffff, v46;
	v61 =	vld.idx.msk [tilespmem:v43+s18+$0x0], $0xffff  }
0x22d: {  	v38 =	vor.u32 v1, v38;
	[tilespmem:v60+s14+$0x0] =	vst.idx.msk $0xffff, v59;
	v62 =	vld.idx.msk [tilespmem:v45+s18+$0x0], $0xffff  }
0x22e: {  	p2 =	por p1, p1;
	v39 =	vor.u32 v1, v39;
	[tilespmem:v34+s14+$0x0] =	vst.idx.msk $0xffff, v40;
	v63 =	vld.idx.msk [tilespmem:v44+s18+$0x0], $0xffff  }
.Ltmp3:
0x22f: {  	[tilespmem:v35+s14+$0x0] =	vst.idx.msk $0xffff, v9;
	(pc) =	sbr.rel @p2 .LBB2_5-.Ltmp3, $4  }
0x230: {  	[tilespmem:v11+s14+$0x0] =	vst.idx.msk $0xffff, v10  }
0x231: {  	[tilespmem:v37+s14+$0x0] =	vst.idx.msk $0xffff, v61  }
0x232: {  	[tilespmem:v38+s14+$0x0] =	vst.idx.msk $0xffff, v62  }
0x233: {  	p1 =	por $0x0, $0x0;
	s6 =	simm.s32 $0x8;
	[tilespmem:v39+s14+$0x0] =	vst.idx.msk $0xffff, v63  }
0x234: {  	[tilespmem:$0x1FA40] =	vst v3  }
0x235: {  	[tilespmem:$0x1FA50] =	vst v15  }
0x236: {  	[tilespmem:$0x1FA60] =	vst v13  }
0x237: {  	[tilespmem:$0x1FA70] =	vst v0  }
0x238: {  	[tilespmem:$0x1FA80] =	vst v17  }
0x239: {  	[tilespmem:$0x1FA90] =	vst v21  }
0x23a: {  	[tilespmem:$0x1FAA0] =	vst v16  }
0x23b: {  	[tilespmem:$0x1FAB0] =	vst v23  }
0x23c: {  	[tilespmem:$0x1FAC0] =	vst v18  }
0x23d: {  	[tilespmem:$0x1FAD0] =	vst v25  }
0x23e: {  	[tilespmem:$0x1FAE0] =	vst v20  }
0x23f: {  	[tilespmem:$0x1FAF0] =	vst v27  }
0x240: {  	[tilespmem:$0x1FB00] =	vst v22  }
0x241: {  	[tilespmem:$0x1FB10] =	vst v29  }
0x242: {  	[tilespmem:$0x1FB20] =	vst v24  }
0x243: {  	[tilespmem:$0x1FB30] =	vst v32  }
0x244: {  	[tilespmem:$0x1FB40] =	vst v26  }
0x245: {  	[tilespmem:$0x1FB50] =	vst v28  }
0x246: {  	[tilespmem:$0x1FB60] =	vst v30  }
0x247: {  	p1 =	sne.s32 s24, $0x31;
	[tilespmem:$0x1FB70] =	vst v2  }
.Ltmp4:
0x248: {  	[tilespmem:$0x1FB80] =	vst v33;
	(pc) =	sbr.rel @p1 .LBB2_8-.Ltmp4, $4  }
0x249: {  	[tilespmem:$0x1FB90] =	vst v4  }
0x24a: {  	s6 =	rddreg [dreg:$0x6];
	[tilespmem:$0x1FBA0] =	vst v5  }
0x24b: {  	s7 =	simm.s32 $0x17600;
	[tilespmem:$0x1FBB0] =	vst v6;
	s6 =	sadd.s32 s19, s6  }
0x24c: {  	[hbm4b:s6+s15] =	stream.strided.scatter [tilespmem:s7], [sflag:$0x5], $0x1000, s17, s15, $0x38;
	[tilespmem:$0x1E600] =	vst v63  }
.Ltmp5:
0x24d: {  	_ =	swait.ge [sflag:s20], $0x4000;
	(pc) =	sbr.rel .LBB2_9-.Ltmp5, $4  }
0x24e: {  	v59 =	vld [tilespmem:$0x1FFA0]  }
0x24f: {  	v61 =	vld [tilespmem:$0x1FFB0]  }
0x250: {  	[sflag:s20] =	ssyncset.done $0x0;
	v60 =	vld [tilespmem:$0x1FFC0]  }
0x251: {  	v0 =	vlaneseq.u32;
	v62 =	vld [tilespmem:$0x1FFD0];
	[sflag:s20] =	ssyncadd.s32 $0xFFFFC000  }
.LBB2_8:
0x252: {  	v9 =	vld [tilespmem:$0x1FDE0];
	_ =	sdelay $0x3  }
0x253: {  	s6 =	sadd.s32 $0x4, s3  }
0x254: {  	v9 =	vadd.s32 s6, v9  }
0x255: {  	v10 =	vld [tilespmem:$0x1FC00];
	_ =	sdelay $0x3  }
0x256: {  	v9 =	vld.idx.msk [tilespmem:v9+s4+$0x0], $0xffff  }
0x257: {  	v10 =	vadd.s32 s6, v10;
	_ =	sdelay $0x3  }
0x258: {  	[tilespmem:$0x6400] =	vst v9  }
0x259: {  	v9 =	vld.idx.msk [tilespmem:v10+s4+$0x0], $0xffff  }
0x25a: {  	v10 =	vld [tilespmem:$0x1FC10];
	_ =	sdelay $0x4  }
0x25b: {  	v10 =	vadd.s32 s6, v10;
	_ =	sdelay $0x3  }
0x25c: {  	[tilespmem:$0x6410] =	vst v9  }
0x25d: {  	v9 =	vld.idx.msk [tilespmem:v10+s4+$0x0], $0xffff  }
0x25e: {  	v10 =	vld [tilespmem:$0x1FC20];
	_ =	sdelay $0x4  }
0x25f: {  	v10 =	vadd.s32 s6, v10;
	_ =	sdelay $0x3  }
0x260: {  	[tilespmem:$0x6420] =	vst v9  }
0x261: {  	v9 =	vld.idx.msk [tilespmem:v10+s4+$0x0], $0xffff  }
0x262: {  	v10 =	vld [tilespmem:$0x1FC30];
	_ =	sdelay $0x4  }
0x263: {  	v10 =	vadd.s32 s6, v10;
	_ =	sdelay $0x2  }
0x264: {  	s7 =	simm.s32 $0x6400;
	[tilespmem:$0x6430] =	vst v9  }
0x265: {  	[tilespmem:s18], [sflag:$0x1] =	stream.indirect.gather [hbm4b:s1+s16], $0x80, s7, s16, $0xb8;
	[tilespmem:$0x1E600] =	vst v63  }
0x266: {  	v9 =	vld.idx.msk [tilespmem:v10+s4+$0x0], $0xffff  }
0x267: {  	v10 =	vld [tilespmem:$0x1FC40];
	_ =	sdelay $0x4  }
0x268: {  	v10 =	vadd.s32 s6, v10;
	_ =	sdelay $0x3  }
0x269: {  	[tilespmem:$0x6440] =	vst v9  }
0x26a: {  	v9 =	vld.idx.msk [tilespmem:v10+s4+$0x0], $0xffff  }
0x26b: {  	v10 =	vld [tilespmem:$0x1FC50];
	_ =	sdelay $0x4  }
0x26c: {  	v10 =	vadd.s32 s6, v10;
	_ =	sdelay $0x3  }
0x26d: {  	[tilespmem:$0x6450] =	vst v9  }
0x26e: {  	v9 =	vld.idx.msk [tilespmem:v10+s4+$0x0], $0xffff  }
0x26f: {  	v10 =	vld [tilespmem:$0x1FC60];
	_ =	sdelay $0x4  }
0x270: {  	v10 =	vadd.s32 s6, v10;
	_ =	sdelay $0x3  }
0x271: {  	[tilespmem:$0x6460] =	vst v9  }
0x272: {  	v9 =	vld.idx.msk [tilespmem:v10+s4+$0x0], $0xffff;
	_ =	sdelay $0x4  }
0x273: {  	s7 =	simm.s32 $0x8600;
	s6 =	simm.s32 $0x6440;
	[tilespmem:$0x6470] =	vst v9  }
0x274: {  	[tilespmem:s7], [sflag:$0x1] =	stream.indirect.gather [hbm4b:s1+s16], $0x80, s6, s16, $0xb8;
	[tilespmem:$0x1E600] =	vst v63  }
.Ltmp6:
0x275: {  	_ =	swait.ge [sflag:s20], $0x4000;
	(pc) =	sbr.rel @p0 .LBB2_10-.Ltmp6, $4  }
0x276: {  	v59 =	vld [tilespmem:$0x1FFA0]  }
0x277: {  	v61 =	vld [tilespmem:$0x1FFB0]  }
0x278: {  	[sflag:s20] =	ssyncset.done $0x0;
	v60 =	vld [tilespmem:$0x1FFC0]  }
0x279: {  	v0 =	vlaneseq.u32;
	v62 =	vld [tilespmem:$0x1FFD0];
	[sflag:s20] =	ssyncadd.s32 $0xFFFFC000  }
.LBB2_9:
0x27a: {  	_ =	swait.ge [sflag:s21], $0x2000  }
0x27b: {  	[sflag:s21] =	ssyncset.done $0x0  }
0x27c: {  	[sflag:s21] =	ssyncadd.s32 $0xFFFFE000  }
.LBB2_10:
0x27d: {  	v12 =	vld [tilespmem:$0x1FE10]  }
0x27e: {  	v13 =	vld [tilespmem:$0x1FE20]  }
0x27f: {  	v14 =	vld [tilespmem:$0x1FE30]  }
0x280: {  	v15 =	vld [tilespmem:$0x1FE40]  }
0x281: {  	v16 =	vld [tilespmem:$0x1FE50]  }
0x282: {  	v17 =	vld [tilespmem:$0x1FE60]  }
0x283: {  	v18 =	vld [tilespmem:$0x1FE70]  }
0x284: {  	v19 =	vld [tilespmem:$0x1FE80]  }
0x285: {  	v20 =	vld [tilespmem:$0x1FE90]  }
0x286: {  	v21 =	vld [tilespmem:$0x1FEA0]  }
0x287: {  	v22 =	vld [tilespmem:$0x1FEB0]  }
0x288: {  	v23 =	vld [tilespmem:$0x1FEC0]  }
0x289: {  	v24 =	vld [tilespmem:$0x1FED0]  }
0x28a: {  	v25 =	vld [tilespmem:$0x1FEE0]  }
0x28b: {  	v26 =	vld [tilespmem:$0x1FEF0]  }
0x28c: {  	v27 =	vld [tilespmem:$0x1FF00]  }
0x28d: {  	v28 =	vld [tilespmem:$0x1FF10]  }
0x28e: {  	v29 =	vld [tilespmem:$0x1FF20]  }
0x28f: {  	v30 =	vld [tilespmem:$0x1FF30]  }
0x290: {  	v32 =	vld [tilespmem:$0x1FF40]  }
0x291: {  	v33 =	vld [tilespmem:$0x1FF50]  }
0x292: {  	v2 =	vld [tilespmem:$0x1FF60]  }
0x293: {  	v3 =	vld [tilespmem:$0x1FF70]  }
0x294: {  	[tilespmem:$0x1FA10] =	vst v1;
	v4 =	vld [tilespmem:$0x1FF80]  }
0x295: {  	[tilespmem:$0x1FA20] =	vst v8;
	v5 =	vld [tilespmem:$0x1FF90]  }
0x296: {  	[tilespmem:$0x1FA30] =	vst v7;
	s6 =	simm.s32 $0x0;
	p2 =	por $0x1, $0x1;
	v6 =	vld [tilespmem:$0x1FFE0]  }
.LBB2_11:
0x297: {  	v9 =	vadd.s32 s6, v0;
	s7 =	sor.u32 $0x1, s6  }
0x298: {  	v10 =	vand.u32 $0xF, v9;
	v44 =	vadd.s32 s7, v0  }
0x299: {  	v11 =	vshll.u32 v10, $0x7;
	v34 =	vand.u32 $0xF, v44  }
0x29a: {  	v35 =	vor.u32 v0, v11;
	v36 =	vshll.u32 v34, $0x7  }
0x29b: {  	v37 =	vor.u32 v0, v36;
	_ =	sdelay $0x3  }
0x29c: {  	v38 =	vor.u32 v31, v10;
	v35 =	vld.idx.msk [tilespmem:v35+s22+$0x0], $0xffff  }
0x29d: {  	v39 =	vor.u32 v12, v11;
	v40 =	vor.u32 v31, v34;
	v37 =	vld.idx.msk [tilespmem:v37+s22+$0x0], $0xffff  }
0x29e: {  	v41 =	vor.u32 v12, v36;
	_ =	sdelay $0x2  }
0x29f: {  	[tilespmem:v38+s23+$0x0] =	vst.idx.msk $0xffff, v35  }
0x2a0: {  	v53 =	vor.u32 v13, v10;
	v35 =	vld.idx.msk [tilespmem:v39+s22+$0x0], $0xffff;
	[tilespmem:v40+s23+$0x0] =	vst.idx.msk $0xffff, v37  }
0x2a1: {  	v54 =	vor.u32 v14, v11;
	v56 =	vor.u32 v13, v34;
	v55 =	vld.idx.msk [tilespmem:v41+s22+$0x0], $0xffff  }
0x2a2: {  	v57 =	vor.u32 v14, v36;
	_ =	sdelay $0x2  }
0x2a3: {  	[tilespmem:v53+s23+$0x0] =	vst.idx.msk $0xffff, v35  }
0x2a4: {  	v58 =	vor.u32 v15, v9;
	v35 =	vld.idx.msk [tilespmem:v54+s22+$0x0], $0xffff;
	[tilespmem:v56+s23+$0x0] =	vst.idx.msk $0xffff, v55  }
0x2a5: {  	v45 =	vor.u32 v15, v44;
	v63 =	vor.u32 v16, v11;
	v39 =	vld.idx.msk [tilespmem:v57+s22+$0x0], $0xffff  }
0x2a6: {  	v46 =	vor.u32 v16, v36;
	_ =	sdelay $0x2  }
0x2a7: {  	[tilespmem:v58+s23+$0x0] =	vst.idx.msk $0xffff, v35  }
0x2a8: {  	v47 =	vor.u32 v17, v9;
	v35 =	vld.idx.msk [tilespmem:v63+s22+$0x0], $0xffff;
	[tilespmem:v45+s23+$0x0] =	vst.idx.msk $0xffff, v39  }
0x2a9: {  	v49 =	vor.u32 v17, v44;
	v48 =	vor.u32 v18, v11;
	v39 =	vld.idx.msk [tilespmem:v46+s22+$0x0], $0xffff  }
0x2aa: {  	v50 =	vor.u32 v18, v36;
	_ =	sdelay $0x2  }
0x2ab: {  	[tilespmem:v47+s23+$0x0] =	vst.idx.msk $0xffff, v35  }
0x2ac: {  	v51 =	vor.u32 v19, v10;
	v35 =	vld.idx.msk [tilespmem:v48+s22+$0x0], $0xffff;
	[tilespmem:v49+s23+$0x0] =	vst.idx.msk $0xffff, v39  }
0x2ad: {  	v52 =	vor.u32 v20, v11;
	v53 =	vor.u32 v19, v34;
	v39 =	vld.idx.msk [tilespmem:v50+s22+$0x0], $0xffff  }
0x2ae: {  	v54 =	vor.u32 v20, v36;
	_ =	sdelay $0x2  }
0x2af: {  	[tilespmem:v51+s23+$0x0] =	vst.idx.msk $0xffff, v35  }
0x2b0: {  	v55 =	vor.u32 v21, v10;
	v35 =	vld.idx.msk [tilespmem:v52+s22+$0x0], $0xffff;
	[tilespmem:v53+s23+$0x0] =	vst.idx.msk $0xffff, v39  }
0x2b1: {  	v56 =	vor.u32 v22, v11;
	v57 =	vor.u32 v21, v34;
	v39 =	vld.idx.msk [tilespmem:v54+s22+$0x0], $0xffff  }
0x2b2: {  	v58 =	vor.u32 v22, v36;
	_ =	sdelay $0x2  }
0x2b3: {  	[tilespmem:v55+s23+$0x0] =	vst.idx.msk $0xffff, v35  }
0x2b4: {  	v63 =	vor.u32 v23, v9;
	v35 =	vld.idx.msk [tilespmem:v56+s22+$0x0], $0xffff;
	[tilespmem:v57+s23+$0x0] =	vst.idx.msk $0xffff, v39  }
0x2b5: {  	v45 =	vor.u32 v24, v11;
	v46 =	vor.u32 v23, v44;
	v39 =	vld.idx.msk [tilespmem:v58+s22+$0x0], $0xffff  }
0x2b6: {  	v47 =	vor.u32 v24, v36;
	_ =	sdelay $0x2  }
0x2b7: {  	[tilespmem:v63+s23+$0x0] =	vst.idx.msk $0xffff, v35  }
0x2b8: {  	v48 =	vor.u32 v25, v9;
	v35 =	vld.idx.msk [tilespmem:v45+s22+$0x0], $0xffff;
	[tilespmem:v46+s23+$0x0] =	vst.idx.msk $0xffff, v39  }
0x2b9: {  	v49 =	vor.u32 v26, v11;
	v50 =	vor.u32 v25, v44;
	v39 =	vld.idx.msk [tilespmem:v47+s22+$0x0], $0xffff  }
0x2ba: {  	v51 =	vor.u32 v26, v36;
	_ =	sdelay $0x2  }
0x2bb: {  	[tilespmem:v48+s23+$0x0] =	vst.idx.msk $0xffff, v35  }
0x2bc: {  	v52 =	vor.u32 v27, v10;
	v35 =	vld.idx.msk [tilespmem:v49+s22+$0x0], $0xffff;
	[tilespmem:v50+s23+$0x0] =	vst.idx.msk $0xffff, v39  }
0x2bd: {  	v53 =	vor.u32 v28, v11;
	v54 =	vor.u32 v27, v34;
	v39 =	vld.idx.msk [tilespmem:v51+s22+$0x0], $0xffff  }
0x2be: {  	v55 =	vor.u32 v28, v36;
	_ =	sdelay $0x2  }
0x2bf: {  	[tilespmem:v52+s23+$0x0] =	vst.idx.msk $0xffff, v35  }
0x2c0: {  	v56 =	vor.u32 v29, v10;
	v35 =	vld.idx.msk [tilespmem:v53+s22+$0x0], $0xffff;
	[tilespmem:v54+s23+$0x0] =	vst.idx.msk $0xffff, v39  }
0x2c1: {  	v57 =	vor.u32 v30, v11;
	v58 =	vor.u32 v29, v34;
	v39 =	vld.idx.msk [tilespmem:v55+s22+$0x0], $0xffff  }
0x2c2: {  	v63 =	vor.u32 v30, v36;
	_ =	sdelay $0x2  }
0x2c3: {  	[tilespmem:v56+s23+$0x0] =	vst.idx.msk $0xffff, v35  }
0x2c4: {  	v45 =	vor.u32 v32, v9;
	v35 =	vld.idx.msk [tilespmem:v57+s22+$0x0], $0xffff;
	[tilespmem:v58+s23+$0x0] =	vst.idx.msk $0xffff, v39  }
0x2c5: {  	v46 =	vor.u32 v33, v11;
	v47 =	vor.u32 v32, v44;
	v39 =	vld.idx.msk [tilespmem:v63+s22+$0x0], $0xffff  }
0x2c6: {  	v48 =	vor.u32 v33, v36;
	_ =	sdelay $0x2  }
0x2c7: {  	[tilespmem:v45+s23+$0x0] =	vst.idx.msk $0xffff, v35  }
0x2c8: {  	v49 =	vor.u32 v2, v9;
	v35 =	vld.idx.msk [tilespmem:v46+s22+$0x0], $0xffff;
	[tilespmem:v47+s23+$0x0] =	vst.idx.msk $0xffff, v39  }
0x2c9: {  	v50 =	vor.u32 v3, v11;
	v51 =	vor.u32 v2, v44;
	v39 =	vld.idx.msk [tilespmem:v48+s22+$0x0], $0xffff  }
0x2ca: {  	v52 =	vor.u32 v3, v36;
	_ =	sdelay $0x2  }
0x2cb: {  	[tilespmem:v49+s23+$0x0] =	vst.idx.msk $0xffff, v35  }
0x2cc: {  	v53 =	vor.u32 v4, v10;
	v35 =	vld.idx.msk [tilespmem:v50+s22+$0x0], $0xffff;
	[tilespmem:v51+s23+$0x0] =	vst.idx.msk $0xffff, v39  }
0x2cd: {  	v54 =	vor.u32 v5, v11;
	v55 =	vor.u32 v4, v34;
	v39 =	vld.idx.msk [tilespmem:v52+s22+$0x0], $0xffff  }
0x2ce: {  	v56 =	vor.u32 v5, v36;
	_ =	sdelay $0x2  }
0x2cf: {  	[tilespmem:v53+s23+$0x0] =	vst.idx.msk $0xffff, v35  }
0x2d0: {  	v10 =	vor.u32 v59, v10;
	v35 =	vld.idx.msk [tilespmem:v54+s22+$0x0], $0xffff;
	[tilespmem:v55+s23+$0x0] =	vst.idx.msk $0xffff, v39  }
0x2d1: {  	v59 =	vor.u32 v59, v34;
	v57 =	vor.u32 v61, v11;
	v58 =	vld.idx.msk [tilespmem:v56+s22+$0x0], $0xffff  }
0x2d2: {  	v61 =	vor.u32 v61, v36  }
0x2d3: {  	s7 =	sor.u32 $0x2, s6  }
0x2d4: {  	v43 =	vor.u32 v60, v9;
	v34 =	vadd.s32 s7, v0  }
0x2d5: {  	v9 =	vor.u32 v6, v9;
	s7 =	sor.u32 $0x3, s6;
	v11 =	vor.u32 v62, v11;
	v46 =	vand.u32 $0xF, v34;
	[tilespmem:v10+s23+$0x0] =	vst.idx.msk $0xffff, v35  }
0x2d6: {  	v63 =	vor.u32 v60, v44;
	v40 =	vshll.u32 v46, $0x7;
	v35 =	vadd.s32 s7, v0;
	s7 =	sor.u32 $0x4, s6;
	v45 =	vld.idx.msk [tilespmem:v57+s22+$0x0], $0xffff;
	[tilespmem:v59+s23+$0x0] =	vst.idx.msk $0xffff, v58  }
0x2d7: {  	v52 =	vor.u32 v62, v36;
	v47 =	vand.u32 $0xF, v35;
	v36 =	vadd.s32 s7, v0;
	v51 =	vld.idx.msk [tilespmem:v61+s22+$0x0], $0xffff  }
0x2d8: {  	v53 =	vor.u32 v0, v40;
	s7 =	sor.u32 $0x5, s6;
	v41 =	vshll.u32 v47, $0x7;
	v48 =	vand.u32 $0xF, v36  }
0x2d9: {  	v37 =	vadd.s32 s7, v0;
	s7 =	sor.u32 $0x6, s6;
	v54 =	vor.u32 v0, v41;
	v42 =	vshll.u32 v48, $0x7  }
0x2da: {  	v49 =	vand.u32 $0xF, v37;
	v38 =	vadd.s32 s7, v0;
	s7 =	sor.u32 $0x7, s6;
	v55 =	vor.u32 v0, v42  }
0x2db: {  	v50 =	vand.u32 $0xF, v38;
	v39 =	vadd.s32 s7, v0;
	[tilespmem:v43+s23+$0x0] =	vst.idx.msk $0xffff, v45;
	v43 =	vshll.u32 v49, $0x7  }
0x2dc: {  	v45 =	vshll.u32 v50, $0x7;
	v11 =	vld.idx.msk [tilespmem:v11+s22+$0x0], $0xffff;
	[tilespmem:v63+s23+$0x0] =	vst.idx.msk $0xffff, v51;
	v10 =	vor.u32 v0, v43;
	v51 =	vand.u32 $0xF, v39  }
0x2dd: {  	v56 =	vor.u32 v6, v44;
	v57 =	vor.u32 v0, v45;
	v52 =	vld.idx.msk [tilespmem:v52+s22+$0x0], $0xffff;
	v44 =	vshll.u32 v51, $0x7  }
0x2de: {  	v53 =	vld.idx.msk [tilespmem:v53+s22+$0x0], $0xffff;
	v58 =	vor.u32 v31, v46;
	v59 =	vor.u32 v0, v44  }
0x2df: {  	v60 =	vor.u32 v12, v40;
	v61 =	vor.u32 v31, v47;
	v54 =	vld.idx.msk [tilespmem:v54+s22+$0x0], $0xffff  }
0x2e0: {  	v62 =	vor.u32 v12, v41;
	v63 =	vor.u32 v31, v48;
	v55 =	vld.idx.msk [tilespmem:v55+s22+$0x0], $0xffff  }
0x2e1: {  	[tilespmem:v9+s23+$0x0] =	vst.idx.msk $0xffff, v11;
	v9 =	vor.u32 v12, v42;
	v10 =	vld.idx.msk [tilespmem:v10+s22+$0x0], $0xffff;
	v11 =	vor.u32 v31, v49  }
0x2e2: {  	[tilespmem:v56+s23+$0x0] =	vst.idx.msk $0xffff, v52;
	v52 =	vor.u32 v12, v43;
	v56 =	vld.idx.msk [tilespmem:v57+s22+$0x0], $0xffff;
	v57 =	vor.u32 v31, v50  }
0x2e3: {  	[tilespmem:v58+s23+$0x0] =	vst.idx.msk $0xffff, v53;
	v53 =	vor.u32 v12, v45;
	v58 =	vld.idx.msk [tilespmem:v59+s22+$0x0], $0xffff;
	v59 =	vor.u32 v31, v51  }
0x2e4: {  	v60 =	vld.idx.msk [tilespmem:v60+s22+$0x0], $0xffff;
	[tilespmem:v61+s23+$0x0] =	vst.idx.msk $0xffff, v54;
	v54 =	vor.u32 v13, v46;
	v61 =	vor.u32 v12, v44  }
0x2e5: {  	[tilespmem:v63+s23+$0x0] =	vst.idx.msk $0xffff, v55;
	v55 =	vor.u32 v14, v40;
	v62 =	vld.idx.msk [tilespmem:v62+s22+$0x0], $0xffff;
	v63 =	vor.u32 v13, v47  }
0x2e6: {  	[tilespmem:v11+s23+$0x0] =	vst.idx.msk $0xffff, v10;
	v10 =	vor.u32 v14, v41;
	v9 =	vld.idx.msk [tilespmem:v9+s22+$0x0], $0xffff;
	v11 =	vor.u32 v13, v48  }
0x2e7: {  	[tilespmem:v57+s23+$0x0] =	vst.idx.msk $0xffff, v56;
	v56 =	vor.u32 v14, v42;
	v52 =	vld.idx.msk [tilespmem:v52+s22+$0x0], $0xffff;
	v57 =	vor.u32 v13, v49  }
0x2e8: {  	[tilespmem:v59+s23+$0x0] =	vst.idx.msk $0xffff, v58;
	v58 =	vor.u32 v14, v43;
	v53 =	vld.idx.msk [tilespmem:v53+s22+$0x0], $0xffff;
	v59 =	vor.u32 v13, v50  }
0x2e9: {  	[tilespmem:v54+s23+$0x0] =	vst.idx.msk $0xffff, v60;
	v54 =	vor.u32 v14, v45;
	v60 =	vld.idx.msk [tilespmem:v61+s22+$0x0], $0xffff;
	v61 =	vor.u32 v13, v51  }
0x2ea: {  	v55 =	vld.idx.msk [tilespmem:v55+s22+$0x0], $0xffff;
	[tilespmem:v63+s23+$0x0] =	vst.idx.msk $0xffff, v62;
	v62 =	vor.u32 v15, v34;
	v63 =	vor.u32 v14, v44  }
0x2eb: {  	[tilespmem:v11+s23+$0x0] =	vst.idx.msk $0xffff, v9;
	v9 =	vor.u32 v16, v40;
	v10 =	vld.idx.msk [tilespmem:v10+s22+$0x0], $0xffff;
	v11 =	vor.u32 v15, v35  }
0x2ec: {  	[tilespmem:v57+s23+$0x0] =	vst.idx.msk $0xffff, v52;
	v52 =	vor.u32 v16, v41;
	v56 =	vld.idx.msk [tilespmem:v56+s22+$0x0], $0xffff;
	v57 =	vor.u32 v15, v36  }
0x2ed: {  	[tilespmem:v59+s23+$0x0] =	vst.idx.msk $0xffff, v53;
	v53 =	vor.u32 v16, v42;
	v58 =	vld.idx.msk [tilespmem:v58+s22+$0x0], $0xffff;
	v59 =	vor.u32 v15, v37  }
0x2ee: {  	[tilespmem:v61+s23+$0x0] =	vst.idx.msk $0xffff, v60;
	v60 =	vor.u32 v16, v43;
	v54 =	vld.idx.msk [tilespmem:v54+s22+$0x0], $0xffff;
	v61 =	vor.u32 v15, v38  }
0x2ef: {  	[tilespmem:v62+s23+$0x0] =	vst.idx.msk $0xffff, v55;
	v55 =	vor.u32 v16, v45;
	v62 =	vld.idx.msk [tilespmem:v63+s22+$0x0], $0xffff;
	v63 =	vor.u32 v15, v39  }
0x2f0: {  	v9 =	vld.idx.msk [tilespmem:v9+s22+$0x0], $0xffff;
	[tilespmem:v11+s23+$0x0] =	vst.idx.msk $0xffff, v10;
	v10 =	vor.u32 v17, v34;
	v11 =	vor.u32 v16, v44  }
0x2f1: {  	[tilespmem:v57+s23+$0x0] =	vst.idx.msk $0xffff, v56;
	v56 =	vor.u32 v18, v40;
	v52 =	vld.idx.msk [tilespmem:v52+s22+$0x0], $0xffff;
	v57 =	vor.u32 v17, v35  }
0x2f2: {  	[tilespmem:v59+s23+$0x0] =	vst.idx.msk $0xffff, v58;
	v58 =	vor.u32 v18, v41;
	v53 =	vld.idx.msk [tilespmem:v53+s22+$0x0], $0xffff;
	v59 =	vor.u32 v17, v36  }
0x2f3: {  	[tilespmem:v61+s23+$0x0] =	vst.idx.msk $0xffff, v54;
	v54 =	vor.u32 v18, v42;
	v60 =	vld.idx.msk [tilespmem:v60+s22+$0x0], $0xffff;
	v61 =	vor.u32 v17, v37  }
0x2f4: {  	[tilespmem:v63+s23+$0x0] =	vst.idx.msk $0xffff, v62;
	v62 =	vor.u32 v18, v43;
	v55 =	vld.idx.msk [tilespmem:v55+s22+$0x0], $0xffff;
	v63 =	vor.u32 v17, v38  }
0x2f5: {  	[tilespmem:v10+s23+$0x0] =	vst.idx.msk $0xffff, v9;
	v9 =	vor.u32 v18, v45;
	v10 =	vld.idx.msk [tilespmem:v11+s22+$0x0], $0xffff;
	v11 =	vor.u32 v17, v39  }
0x2f6: {  	v56 =	vld.idx.msk [tilespmem:v56+s22+$0x0], $0xffff;
	[tilespmem:v57+s23+$0x0] =	vst.idx.msk $0xffff, v52;
	v52 =	vor.u32 v19, v46;
	v57 =	vor.u32 v18, v44  }
0x2f7: {  	[tilespmem:v59+s23+$0x0] =	vst.idx.msk $0xffff, v53;
	v53 =	vor.u32 v20, v40;
	v58 =	vld.idx.msk [tilespmem:v58+s22+$0x0], $0xffff;
	v59 =	vor.u32 v19, v47  }
0x2f8: {  	[tilespmem:v61+s23+$0x0] =	vst.idx.msk $0xffff, v60;
	v60 =	vor.u32 v20, v41;
	v54 =	vld.idx.msk [tilespmem:v54+s22+$0x0], $0xffff;
	v61 =	vor.u32 v19, v48  }
0x2f9: {  	[tilespmem:v63+s23+$0x0] =	vst.idx.msk $0xffff, v55;
	v55 =	vor.u32 v20, v42;
	v62 =	vld.idx.msk [tilespmem:v62+s22+$0x0], $0xffff;
	v63 =	vor.u32 v19, v49  }
0x2fa: {  	[tilespmem:v11+s23+$0x0] =	vst.idx.msk $0xffff, v10;
	v10 =	vor.u32 v20, v43;
	v9 =	vld.idx.msk [tilespmem:v9+s22+$0x0], $0xffff;
	v11 =	vor.u32 v19, v50  }
0x2fb: {  	[tilespmem:v52+s23+$0x0] =	vst.idx.msk $0xffff, v56;
	v52 =	vor.u32 v20, v45;
	v56 =	vld.idx.msk [tilespmem:v57+s22+$0x0], $0xffff;
	v57 =	vor.u32 v19, v51  }
0x2fc: {  	v53 =	vld.idx.msk [tilespmem:v53+s22+$0x0], $0xffff;
	[tilespmem:v59+s23+$0x0] =	vst.idx.msk $0xffff, v58;
	v58 =	vor.u32 v21, v46;
	v59 =	vor.u32 v20, v44  }
0x2fd: {  	[tilespmem:v61+s23+$0x0] =	vst.idx.msk $0xffff, v54;
	v54 =	vor.u32 v22, v40;
	v60 =	vld.idx.msk [tilespmem:v60+s22+$0x0], $0xffff;
	v61 =	vor.u32 v21, v47  }
0x2fe: {  	[tilespmem:v63+s23+$0x0] =	vst.idx.msk $0xffff, v62;
	v62 =	vor.u32 v22, v41;
	v55 =	vld.idx.msk [tilespmem:v55+s22+$0x0], $0xffff;
	v63 =	vor.u32 v21, v48  }
0x2ff: {  	[tilespmem:v11+s23+$0x0] =	vst.idx.msk $0xffff, v9;
	v9 =	vor.u32 v22, v42;
	v10 =	vld.idx.msk [tilespmem:v10+s22+$0x0], $0xffff;
	v11 =	vor.u32 v21, v49  }
0x300: {  	[tilespmem:v57+s23+$0x0] =	vst.idx.msk $0xffff, v56;
	v56 =	vor.u32 v22, v43;
	v52 =	vld.idx.msk [tilespmem:v52+s22+$0x0], $0xffff;
	v57 =	vor.u32 v21, v50  }
0x301: {  	[tilespmem:v58+s23+$0x0] =	vst.idx.msk $0xffff, v53;
	v53 =	vor.u32 v22, v45;
	v58 =	vld.idx.msk [tilespmem:v59+s22+$0x0], $0xffff;
	v59 =	vor.u32 v21, v51  }
0x302: {  	v54 =	vld.idx.msk [tilespmem:v54+s22+$0x0], $0xffff;
	[tilespmem:v61+s23+$0x0] =	vst.idx.msk $0xffff, v60;
	v60 =	vor.u32 v23, v34;
	v61 =	vor.u32 v22, v44  }
0x303: {  	[tilespmem:v63+s23+$0x0] =	vst.idx.msk $0xffff, v55;
	v55 =	vor.u32 v24, v40;
	v62 =	vld.idx.msk [tilespmem:v62+s22+$0x0], $0xffff;
	v63 =	vor.u32 v23, v35  }
0x304: {  	[tilespmem:v11+s23+$0x0] =	vst.idx.msk $0xffff, v10;
	v10 =	vor.u32 v24, v41;
	v9 =	vld.idx.msk [tilespmem:v9+s22+$0x0], $0xffff;
	v11 =	vor.u32 v23, v36  }
0x305: {  	[tilespmem:v57+s23+$0x0] =	vst.idx.msk $0xffff, v52;
	v52 =	vor.u32 v24, v42;
	v56 =	vld.idx.msk [tilespmem:v56+s22+$0x0], $0xffff;
	v57 =	vor.u32 v23, v37  }
0x306: {  	[tilespmem:v59+s23+$0x0] =	vst.idx.msk $0xffff, v58;
	v58 =	vor.u32 v24, v43;
	v53 =	vld.idx.msk [tilespmem:v53+s22+$0x0], $0xffff;
	v59 =	vor.u32 v23, v38  }
0x307: {  	[tilespmem:v60+s23+$0x0] =	vst.idx.msk $0xffff, v54;
	v54 =	vor.u32 v24, v45;
	v60 =	vld.idx.msk [tilespmem:v61+s22+$0x0], $0xffff;
	v61 =	vor.u32 v23, v39  }
0x308: {  	v55 =	vld.idx.msk [tilespmem:v55+s22+$0x0], $0xffff;
	[tilespmem:v63+s23+$0x0] =	vst.idx.msk $0xffff, v62;
	v62 =	vor.u32 v25, v34;
	v63 =	vor.u32 v24, v44  }
0x309: {  	[tilespmem:v11+s23+$0x0] =	vst.idx.msk $0xffff, v9;
	v9 =	vor.u32 v26, v40;
	v10 =	vld.idx.msk [tilespmem:v10+s22+$0x0], $0xffff;
	v11 =	vor.u32 v25, v35  }
0x30a: {  	[tilespmem:v57+s23+$0x0] =	vst.idx.msk $0xffff, v56;
	v56 =	vor.u32 v26, v41;
	v52 =	vld.idx.msk [tilespmem:v52+s22+$0x0], $0xffff;
	v57 =	vor.u32 v25, v36  }
0x30b: {  	[tilespmem:v59+s23+$0x0] =	vst.idx.msk $0xffff, v53;
	v53 =	vor.u32 v26, v42;
	v58 =	vld.idx.msk [tilespmem:v58+s22+$0x0], $0xffff;
	v59 =	vor.u32 v25, v37  }
0x30c: {  	[tilespmem:v61+s23+$0x0] =	vst.idx.msk $0xffff, v60;
	v60 =	vor.u32 v26, v43;
	v54 =	vld.idx.msk [tilespmem:v54+s22+$0x0], $0xffff;
	v61 =	vor.u32 v25, v38  }
0x30d: {  	[tilespmem:v62+s23+$0x0] =	vst.idx.msk $0xffff, v55;
	v55 =	vor.u32 v26, v45;
	v62 =	vld.idx.msk [tilespmem:v63+s22+$0x0], $0xffff;
	v63 =	vor.u32 v25, v39  }
0x30e: {  	v9 =	vld.idx.msk [tilespmem:v9+s22+$0x0], $0xffff;
	[tilespmem:v11+s23+$0x0] =	vst.idx.msk $0xffff, v10;
	v10 =	vor.u32 v27, v46;
	v11 =	vor.u32 v26, v44  }
0x30f: {  	[tilespmem:v57+s23+$0x0] =	vst.idx.msk $0xffff, v52;
	v52 =	vor.u32 v28, v40;
	v56 =	vld.idx.msk [tilespmem:v56+s22+$0x0], $0xffff;
	v57 =	vor.u32 v27, v47  }
0x310: {  	[tilespmem:v59+s23+$0x0] =	vst.idx.msk $0xffff, v58;
	v58 =	vor.u32 v28, v41;
	v53 =	vld.idx.msk [tilespmem:v53+s22+$0x0], $0xffff;
	v59 =	vor.u32 v27, v48  }
0x311: {  	[tilespmem:v61+s23+$0x0] =	vst.idx.msk $0xffff, v54;
	v54 =	vor.u32 v28, v42;
	v60 =	vld.idx.msk [tilespmem:v60+s22+$0x0], $0xffff;
	v61 =	vor.u32 v27, v49  }
0x312: {  	[tilespmem:v63+s23+$0x0] =	vst.idx.msk $0xffff, v62;
	v62 =	vor.u32 v28, v43;
	v55 =	vld.idx.msk [tilespmem:v55+s22+$0x0], $0xffff;
	v63 =	vor.u32 v27, v50  }
0x313: {  	[tilespmem:v10+s23+$0x0] =	vst.idx.msk $0xffff, v9;
	v9 =	vor.u32 v28, v45;
	v10 =	vld.idx.msk [tilespmem:v11+s22+$0x0], $0xffff;
	v11 =	vor.u32 v27, v51  }
0x314: {  	v52 =	vld.idx.msk [tilespmem:v52+s22+$0x0], $0xffff;
	[tilespmem:v57+s23+$0x0] =	vst.idx.msk $0xffff, v56;
	v56 =	vor.u32 v29, v46;
	v57 =	vor.u32 v28, v44  }
0x315: {  	[tilespmem:v59+s23+$0x0] =	vst.idx.msk $0xffff, v53;
	v53 =	vor.u32 v30, v40;
	v58 =	vld.idx.msk [tilespmem:v58+s22+$0x0], $0xffff;
	v59 =	vor.u32 v29, v47  }
0x316: {  	[tilespmem:v61+s23+$0x0] =	vst.idx.msk $0xffff, v60;
	v60 =	vor.u32 v30, v41;
	v54 =	vld.idx.msk [tilespmem:v54+s22+$0x0], $0xffff;
	v61 =	vor.u32 v29, v48  }
0x317: {  	[tilespmem:v63+s23+$0x0] =	vst.idx.msk $0xffff, v55;
	v55 =	vor.u32 v30, v42;
	v62 =	vld.idx.msk [tilespmem:v62+s22+$0x0], $0xffff;
	v63 =	vor.u32 v29, v49  }
0x318: {  	[tilespmem:v11+s23+$0x0] =	vst.idx.msk $0xffff, v10;
	v10 =	vor.u32 v30, v43;
	v9 =	vld.idx.msk [tilespmem:v9+s22+$0x0], $0xffff;
	v11 =	vor.u32 v29, v50  }
0x319: {  	[tilespmem:v56+s23+$0x0] =	vst.idx.msk $0xffff, v52;
	v52 =	vor.u32 v30, v45;
	v56 =	vld.idx.msk [tilespmem:v57+s22+$0x0], $0xffff;
	v57 =	vor.u32 v29, v51  }
0x31a: {  	v53 =	vld.idx.msk [tilespmem:v53+s22+$0x0], $0xffff;
	[tilespmem:v59+s23+$0x0] =	vst.idx.msk $0xffff, v58;
	v58 =	vor.u32 v32, v34;
	v59 =	vor.u32 v30, v44  }
0x31b: {  	[tilespmem:v61+s23+$0x0] =	vst.idx.msk $0xffff, v54;
	v54 =	vor.u32 v33, v40;
	v60 =	vld.idx.msk [tilespmem:v60+s22+$0x0], $0xffff;
	v61 =	vor.u32 v32, v35  }
0x31c: {  	[tilespmem:v63+s23+$0x0] =	vst.idx.msk $0xffff, v62;
	v62 =	vor.u32 v33, v41;
	v55 =	vld.idx.msk [tilespmem:v55+s22+$0x0], $0xffff;
	v63 =	vor.u32 v32, v36  }
0x31d: {  	[tilespmem:v11+s23+$0x0] =	vst.idx.msk $0xffff, v9;
	v9 =	vor.u32 v33, v42;
	v10 =	vld.idx.msk [tilespmem:v10+s22+$0x0], $0xffff;
	v11 =	vor.u32 v32, v37  }
0x31e: {  	[tilespmem:v57+s23+$0x0] =	vst.idx.msk $0xffff, v56;
	v56 =	vor.u32 v33, v43;
	v52 =	vld.idx.msk [tilespmem:v52+s22+$0x0], $0xffff;
	v57 =	vor.u32 v32, v38  }
0x31f: {  	[tilespmem:v58+s23+$0x0] =	vst.idx.msk $0xffff, v53;
	v53 =	vor.u32 v33, v45;
	v58 =	vld.idx.msk [tilespmem:v59+s22+$0x0], $0xffff;
	v59 =	vor.u32 v32, v39  }
0x320: {  	v54 =	vld.idx.msk [tilespmem:v54+s22+$0x0], $0xffff;
	[tilespmem:v61+s23+$0x0] =	vst.idx.msk $0xffff, v60;
	v60 =	vor.u32 v2, v34;
	v61 =	vor.u32 v33, v44  }
0x321: {  	[tilespmem:v63+s23+$0x0] =	vst.idx.msk $0xffff, v55;
	v55 =	vor.u32 v3, v40;
	v62 =	vld.idx.msk [tilespmem:v62+s22+$0x0], $0xffff;
	v63 =	vor.u32 v2, v35  }
0x322: {  	[tilespmem:v11+s23+$0x0] =	vst.idx.msk $0xffff, v10;
	v10 =	vor.u32 v3, v41;
	v9 =	vld.idx.msk [tilespmem:v9+s22+$0x0], $0xffff;
	v11 =	vor.u32 v2, v36  }
0x323: {  	[tilespmem:v57+s23+$0x0] =	vst.idx.msk $0xffff, v52;
	v52 =	vor.u32 v3, v42;
	v56 =	vld.idx.msk [tilespmem:v56+s22+$0x0], $0xffff;
	v57 =	vor.u32 v2, v37  }
0x324: {  	[tilespmem:v59+s23+$0x0] =	vst.idx.msk $0xffff, v58;
	v58 =	vor.u32 v3, v43;
	v53 =	vld.idx.msk [tilespmem:v53+s22+$0x0], $0xffff;
	v59 =	vor.u32 v2, v38  }
0x325: {  	[tilespmem:v60+s23+$0x0] =	vst.idx.msk $0xffff, v54;
	v54 =	vor.u32 v3, v45;
	v60 =	vld.idx.msk [tilespmem:v61+s22+$0x0], $0xffff;
	v61 =	vor.u32 v2, v39  }
0x326: {  	v55 =	vld.idx.msk [tilespmem:v55+s22+$0x0], $0xffff;
	[tilespmem:v63+s23+$0x0] =	vst.idx.msk $0xffff, v62;
	v62 =	vor.u32 v4, v46;
	v63 =	vor.u32 v3, v44  }
0x327: {  	[tilespmem:v11+s23+$0x0] =	vst.idx.msk $0xffff, v9;
	v9 =	vor.u32 v5, v40;
	v10 =	vld.idx.msk [tilespmem:v10+s22+$0x0], $0xffff  }
0x328: {  	v11 =	vor.u32 v4, v47;
	[tilespmem:v57+s23+$0x0] =	vst.idx.msk $0xffff, v56;
	v52 =	vld.idx.msk [tilespmem:v52+s22+$0x0], $0xffff  }
0x329: {  	v57 =	vor.u32 v4, v48;
	[tilespmem:v59+s23+$0x0] =	vst.idx.msk $0xffff, v53;
	v58 =	vld.idx.msk [tilespmem:v58+s22+$0x0], $0xffff  }
0x32a: {  	v56 =	vor.u32 v5, v41;
	[tilespmem:v61+s23+$0x0] =	vst.idx.msk $0xffff, v60;
	v54 =	vld.idx.msk [tilespmem:v54+s22+$0x0], $0xffff  }
0x32b: {  	[tilespmem:v62+s23+$0x0] =	vst.idx.msk $0xffff, v55;
	v62 =	vld.idx.msk [tilespmem:v63+s22+$0x0], $0xffff  }
0x32c: {  	v53 =	vor.u32 v5, v42;
	v9 =	vld.idx.msk [tilespmem:v9+s22+$0x0], $0xffff  }
0x32d: {  	v59 =	vor.u32 v4, v49;
	[tilespmem:v11+s23+$0x0] =	vst.idx.msk $0xffff, v10;
	v10 =	vld [tilespmem:$0x1FFA0]  }
0x32e: {  	[tilespmem:v57+s23+$0x0] =	vst.idx.msk $0xffff, v52;
	v57 =	vld [tilespmem:$0x1FFB0]  }
0x32f: {  	v61 =	vor.u32 v4, v50;
	v52 =	vld.idx.msk [tilespmem:v56+s22+$0x0], $0xffff  }
0x330: {  	v56 =	vld [tilespmem:$0x1FFA0]  }
0x331: {  	v55 =	vor.u32 v5, v45;
	v63 =	vor.u32 v4, v51;
	v53 =	vld.idx.msk [tilespmem:v53+s22+$0x0], $0xffff  }
0x332: {  	v11 =	vor.u32 v5, v44;
	[tilespmem:v59+s23+$0x0] =	vst.idx.msk $0xffff, v58;
	v59 =	vld [tilespmem:$0x1FFA0];
	v10 =	vor.u32 v10, v46  }
0x333: {  	v60 =	vor.u32 v5, v43;
	v46 =	vor.u32 v57, v40;
	v57 =	vld [tilespmem:$0x1FFA0]  }
0x334: {  	[tilespmem:v61+s23+$0x0] =	vst.idx.msk $0xffff, v54;
	v61 =	vld [tilespmem:$0x1FFB0]  }
0x335: {  	v47 =	vor.u32 v56, v47;
	v56 =	vld [tilespmem:$0x1FFB0]  }
0x336: {  	[tilespmem:v63+s23+$0x0] =	vst.idx.msk $0xffff, v62;
	v55 =	vld.idx.msk [tilespmem:v55+s22+$0x0], $0xffff  }
0x337: {  	[tilespmem:v10+s23+$0x0] =	vst.idx.msk $0xffff, v9;
	v10 =	vld.idx.msk [tilespmem:v11+s22+$0x0], $0xffff  }
0x338: {  	v50 =	vor.u32 v59, v50;
	v48 =	vor.u32 v57, v48;
	v57 =	vld.idx.msk [tilespmem:v60+s22+$0x0], $0xffff  }
0x339: {  	v9 =	vor.u32 v61, v45;
	v11 =	vor.u32 v59, v51;
	v60 =	vld [tilespmem:$0x1FFC0]  }
0x33a: {  	v62 =	vld [tilespmem:$0x1FFD0];
	v56 =	vor.u32 v56, v41  }
0x33b: {  	v49 =	vor.u32 v59, v49;
	v63 =	vor.u32 v61, v44  }
0x33c: {  	v58 =	vor.u32 v61, v43;
	[tilespmem:v47+s23+$0x0] =	vst.idx.msk $0xffff, v52  }
0x33d: {  	v54 =	vor.u32 v61, v42;
	v46 =	vld.idx.msk [tilespmem:v46+s22+$0x0], $0xffff;
	[tilespmem:v50+s23+$0x0] =	vst.idx.msk $0xffff, v55  }
0x33e: {  	[tilespmem:v11+s23+$0x0] =	vst.idx.msk $0xffff, v10;
	v9 =	vld.idx.msk [tilespmem:v9+s22+$0x0], $0xffff;
	v47 =	vor.u32 v60, v34  }
0x33f: {  	v40 =	vor.u32 v62, v40;
	[tilespmem:v48+s23+$0x0] =	vst.idx.msk $0xffff, v53;
	v48 =	vld.idx.msk [tilespmem:v56+s22+$0x0], $0xffff;
	v52 =	vor.u32 v60, v35  }
0x340: {  	v41 =	vor.u32 v62, v41;
	[tilespmem:v49+s23+$0x0] =	vst.idx.msk $0xffff, v57;
	v57 =	vor.u32 v60, v38;
	v63 =	vld.idx.msk [tilespmem:v63+s22+$0x0], $0xffff  }
0x341: {  	v51 =	vor.u32 v60, v39;
	v50 =	vld.idx.msk [tilespmem:v58+s22+$0x0], $0xffff;
	v58 =	vor.u32 v62, v45  }
0x342: {  	v44 =	vor.u32 v62, v44;
	v53 =	vor.u32 v60, v36;
	v49 =	vld.idx.msk [tilespmem:v54+s22+$0x0], $0xffff  }
0x343: {  	v42 =	vor.u32 v62, v42;
	v54 =	vor.u32 v60, v37;
	[tilespmem:v47+s23+$0x0] =	vst.idx.msk $0xffff, v46  }
0x344: {  	v56 =	vor.u32 v62, v43;
	v34 =	vor.u32 v6, v34;
	[tilespmem:v52+s23+$0x0] =	vst.idx.msk $0xffff, v48;
	v40 =	vld.idx.msk [tilespmem:v40+s22+$0x0], $0xffff  }
0x345: {  	v35 =	vor.u32 v6, v35;
	[tilespmem:v57+s23+$0x0] =	vst.idx.msk $0xffff, v9;
	v41 =	vld.idx.msk [tilespmem:v41+s22+$0x0], $0xffff  }
0x346: {  	[tilespmem:v51+s23+$0x0] =	vst.idx.msk $0xffff, v63;
	v57 =	vor.u32 v6, v38;
	v11 =	vld.idx.msk [tilespmem:v58+s22+$0x0], $0xffff  }
0x347: {  	v63 =	vor.u32 v6, v39;
	[tilespmem:v53+s23+$0x0] =	vst.idx.msk $0xffff, v49;
	v58 =	vld.idx.msk [tilespmem:v44+s22+$0x0], $0xffff  }
0x348: {  	v36 =	vor.u32 v6, v36;
	[tilespmem:v54+s23+$0x0] =	vst.idx.msk $0xffff, v50;
	v42 =	vld.idx.msk [tilespmem:v42+s22+$0x0], $0xffff  }
0x349: {  	p3 =	por p2, p2;
	v55 =	vld.idx.msk [tilespmem:v56+s22+$0x0], $0xffff;
	v56 =	vor.u32 v6, v37;
	[tilespmem:v34+s23+$0x0] =	vst.idx.msk $0xffff, v40  }
.Ltmp7:
0x34a: {  	[tilespmem:v35+s23+$0x0] =	vst.idx.msk $0xffff, v41;
	(pc) =	sbr.rel @p3 .LBB2_11-.Ltmp7, $4  }
0x34b: {  	[tilespmem:v57+s23+$0x0] =	vst.idx.msk $0xffff, v11  }
0x34c: {  	[tilespmem:v63+s23+$0x0] =	vst.idx.msk $0xffff, v58  }
0x34d: {  	[tilespmem:v36+s23+$0x0] =	vst.idx.msk $0xffff, v42  }
0x34e: {  	p2 =	por $0x0, $0x0;
	s6 =	simm.s32 $0x8;
	[tilespmem:v56+s23+$0x0] =	vst.idx.msk $0xffff, v55  }
0x34f: {  	s6 =	sadd.s32 s19, s8  }
0x350: {  	[hbm4b:s6+s15] =	stream.strided.scatter [tilespmem:s23], [sflag:$0x6], $0x1000, s17, s15, $0x38;
	[tilespmem:$0x1E600] =	vst v63  }
0x351: {  	p2 =	por $0x1, $0x1;
	s6 =	simm.s32 $0x0  }
.LBB2_13:
0x352: {  	v59 =	vld [tilespmem:$0x1FE00];
	_ =	sdelay $0x1  }
0x353: {  	v9 =	vadd.s32 s6, v0;
	s7 =	sor.u32 $0x1, s6  }
0x354: {  	v10 =	vand.u32 $0xF, v9;
	v44 =	vadd.s32 s7, v0  }
0x355: {  	v11 =	vshll.u32 v10, $0x7;
	v34 =	vand.u32 $0xF, v44  }
0x356: {  	v4 =	vld [tilespmem:$0x1FBC0];
	v36 =	vshll.u32 v34, $0x7;
	v35 =	vor.u32 v59, v11  }
0x357: {  	v5 =	vld [tilespmem:$0x1FA80];
	v37 =	vor.u32 v59, v36;
	_ =	sdelay $0x2  }
0x358: {  	v6 =	vld [tilespmem:$0x1FBD0]  }
0x359: {  	v38 =	vor.u32 v4, v10;
	v35 =	vld.idx.msk [tilespmem:v35+s22+$0x0], $0xffff  }
0x35a: {  	v39 =	vor.u32 v5, v11;
	v40 =	vor.u32 v4, v34;
	v37 =	vld.idx.msk [tilespmem:v37+s22+$0x0], $0xffff  }
0x35b: {  	v12 =	vld [tilespmem:$0x1FBE0];
	v41 =	vor.u32 v5, v36;
	_ =	sdelay $0x2  }
0x35c: {  	v13 =	vld [tilespmem:$0x1FA90];
	[tilespmem:v38+s23+$0x0] =	vst.idx.msk $0xffff, v35  }
0x35d: {  	v56 =	vor.u32 v6, v10;
	[tilespmem:v40+s23+$0x0] =	vst.idx.msk $0xffff, v37;
	v35 =	vld.idx.msk [tilespmem:v39+s22+$0x0], $0xffff  }
0x35e: {  	v57 =	vor.u32 v12, v11;
	v60 =	vor.u32 v6, v34;
	v58 =	vld.idx.msk [tilespmem:v41+s22+$0x0], $0xffff  }
0x35f: {  	v14 =	vld [tilespmem:$0x1FBF0];
	v61 =	vor.u32 v12, v36;
	_ =	sdelay $0x2  }
0x360: {  	v15 =	vld [tilespmem:$0x1FAA0];
	[tilespmem:v56+s23+$0x0] =	vst.idx.msk $0xffff, v35  }
0x361: {  	v62 =	vor.u32 v13, v9;
	[tilespmem:v60+s23+$0x0] =	vst.idx.msk $0xffff, v58;
	v35 =	vld.idx.msk [tilespmem:v57+s22+$0x0], $0xffff  }
0x362: {  	v63 =	vor.u32 v14, v11;
	v7 =	vor.u32 v13, v44;
	v39 =	vld.idx.msk [tilespmem:v61+s22+$0x0], $0xffff  }
0x363: {  	v16 =	vld [tilespmem:$0x1FAB0];
	v8 =	vor.u32 v14, v36;
	_ =	sdelay $0x2  }
0x364: {  	v17 =	vld [tilespmem:$0x1FAC0];
	[tilespmem:v62+s23+$0x0] =	vst.idx.msk $0xffff, v35  }
0x365: {  	v20 =	vor.u32 v15, v9;
	[tilespmem:v7+s23+$0x0] =	vst.idx.msk $0xffff, v39;
	v35 =	vld.idx.msk [tilespmem:v63+s22+$0x0], $0xffff  }
0x366: {  	v21 =	vor.u32 v16, v11;
	v22 =	vor.u32 v15, v44;
	v39 =	vld.idx.msk [tilespmem:v8+s22+$0x0], $0xffff  }
0x367: {  	v18 =	vld [tilespmem:$0x1FAD0];
	v23 =	vor.u32 v16, v36;
	_ =	sdelay $0x2  }
0x368: {  	v19 =	vld [tilespmem:$0x1FAE0];
	[tilespmem:v20+s23+$0x0] =	vst.idx.msk $0xffff, v35  }
0x369: {  	v24 =	vor.u32 v17, v10;
	[tilespmem:v22+s23+$0x0] =	vst.idx.msk $0xffff, v39;
	v35 =	vld.idx.msk [tilespmem:v21+s22+$0x0], $0xffff  }
0x36a: {  	v25 =	vor.u32 v18, v11;
	v26 =	vor.u32 v17, v34;
	v39 =	vld.idx.msk [tilespmem:v23+s22+$0x0], $0xffff  }
0x36b: {  	v27 =	vor.u32 v18, v36;
	v20 =	vld [tilespmem:$0x1FAF0];
	_ =	sdelay $0x2  }
0x36c: {  	v21 =	vld [tilespmem:$0x1FB00];
	[tilespmem:v24+s23+$0x0] =	vst.idx.msk $0xffff, v35  }
0x36d: {  	v28 =	vor.u32 v19, v10;
	[tilespmem:v26+s23+$0x0] =	vst.idx.msk $0xffff, v39;
	v35 =	vld.idx.msk [tilespmem:v25+s22+$0x0], $0xffff  }
0x36e: {  	v30 =	vor.u32 v19, v34;
	v29 =	vor.u32 v20, v11;
	v39 =	vld.idx.msk [tilespmem:v27+s22+$0x0], $0xffff  }
0x36f: {  	v22 =	vld [tilespmem:$0x1FB10];
	v31 =	vor.u32 v20, v36;
	_ =	sdelay $0x2  }
0x370: {  	v23 =	vld [tilespmem:$0x1FB20];
	[tilespmem:v28+s23+$0x0] =	vst.idx.msk $0xffff, v35  }
0x371: {  	v45 =	vor.u32 v21, v9;
	[tilespmem:v30+s23+$0x0] =	vst.idx.msk $0xffff, v39;
	v35 =	vld.idx.msk [tilespmem:v29+s22+$0x0], $0xffff  }
0x372: {  	v46 =	vor.u32 v22, v11;
	v47 =	vor.u32 v21, v44;
	v39 =	vld.idx.msk [tilespmem:v31+s22+$0x0], $0xffff  }
0x373: {  	v48 =	vor.u32 v22, v36;
	v24 =	vld [tilespmem:$0x1FB30];
	_ =	sdelay $0x2  }
0x374: {  	v25 =	vld [tilespmem:$0x1FB40];
	[tilespmem:v45+s23+$0x0] =	vst.idx.msk $0xffff, v35  }
0x375: {  	v49 =	vor.u32 v23, v9;
	[tilespmem:v47+s23+$0x0] =	vst.idx.msk $0xffff, v39;
	v35 =	vld.idx.msk [tilespmem:v46+s22+$0x0], $0xffff  }
0x376: {  	v51 =	vor.u32 v23, v44;
	v50 =	vor.u32 v24, v11;
	v39 =	vld.idx.msk [tilespmem:v48+s22+$0x0], $0xffff  }
0x377: {  	v26 =	vld [tilespmem:$0x1FA70];
	v52 =	vor.u32 v24, v36;
	_ =	sdelay $0x2  }
0x378: {  	v27 =	vld [tilespmem:$0x1FB50];
	[tilespmem:v49+s23+$0x0] =	vst.idx.msk $0xffff, v35  }
0x379: {  	v53 =	vor.u32 v25, v10;
	[tilespmem:v51+s23+$0x0] =	vst.idx.msk $0xffff, v39;
	v35 =	vld.idx.msk [tilespmem:v50+s22+$0x0], $0xffff  }
0x37a: {  	v54 =	vor.u32 v26, v11;
	v55 =	vor.u32 v25, v34;
	v39 =	vld.idx.msk [tilespmem:v52+s22+$0x0], $0xffff  }
0x37b: {  	v56 =	vor.u32 v26, v36;
	v28 =	vld [tilespmem:$0x1FA60];
	_ =	sdelay $0x2  }
0x37c: {  	v29 =	vld [tilespmem:$0x1FB60];
	[tilespmem:v53+s23+$0x0] =	vst.idx.msk $0xffff, v35  }
0x37d: {  	v57 =	vor.u32 v27, v10;
	[tilespmem:v55+s23+$0x0] =	vst.idx.msk $0xffff, v39;
	v35 =	vld.idx.msk [tilespmem:v54+s22+$0x0], $0xffff  }
0x37e: {  	v60 =	vor.u32 v27, v34;
	v58 =	vor.u32 v28, v11;
	v39 =	vld.idx.msk [tilespmem:v56+s22+$0x0], $0xffff  }
0x37f: {  	v61 =	vor.u32 v28, v36  }
0x380: {  	v30 =	vld [tilespmem:$0x1FA50];
	_ =	sdelay $0x1  }
0x381: {  	[tilespmem:v57+s23+$0x0] =	vst.idx.msk $0xffff, v35  }
0x382: {  	v62 =	vor.u32 v29, v9;
	[tilespmem:v60+s23+$0x0] =	vst.idx.msk $0xffff, v39;
	v35 =	vld.idx.msk [tilespmem:v58+s22+$0x0], $0xffff  }
0x383: {  	v7 =	vor.u32 v29, v44;
	v39 =	vld.idx.msk [tilespmem:v61+s22+$0x0], $0xffff  }
0x384: {  	v32 =	vld [tilespmem:$0x1FB70];
	v63 =	vor.u32 v30, v11  }
0x385: {  	v33 =	vld [tilespmem:$0x1FB80];
	v8 =	vor.u32 v30, v36;
	_ =	sdelay $0x1  }
0x386: {  	[tilespmem:v62+s23+$0x0] =	vst.idx.msk $0xffff, v35  }
0x387: {  	[tilespmem:v7+s23+$0x0] =	vst.idx.msk $0xffff, v39;
	v7 =	vld [tilespmem:$0x1FA40]  }
0x388: {  	v45 =	vor.u32 v32, v9;
	v35 =	vld.idx.msk [tilespmem:v63+s22+$0x0], $0xffff  }
0x389: {  	v47 =	vor.u32 v32, v44;
	v46 =	vor.u32 v33, v11;
	v39 =	vld.idx.msk [tilespmem:v8+s22+$0x0], $0xffff  }
0x38a: {  	v48 =	vor.u32 v33, v36;
	v8 =	vld [tilespmem:$0x1FB90];
	_ =	sdelay $0x2  }
0x38b: {  	v1 =	vld [tilespmem:$0x1FBA0];
	[tilespmem:v45+s23+$0x0] =	vst.idx.msk $0xffff, v35  }
0x38c: {  	v49 =	vor.u32 v7, v10;
	[tilespmem:v47+s23+$0x0] =	vst.idx.msk $0xffff, v39;
	v35 =	vld.idx.msk [tilespmem:v46+s22+$0x0], $0xffff  }
0x38d: {  	v51 =	vor.u32 v7, v34;
	v50 =	vor.u32 v8, v11;
	v39 =	vld.idx.msk [tilespmem:v48+s22+$0x0], $0xffff  }
0x38e: {  	v2 =	vld [tilespmem:$0x1FBB0];
	v52 =	vor.u32 v8, v36  }
0x38f: {  	v3 =	vld [tilespmem:$0x1FA20]  }
0x390: {  	v31 =	vld [tilespmem:$0x1FA30]  }
0x391: {  	v56 =	vld [tilespmem:$0x1FA10];
	[tilespmem:v49+s23+$0x0] =	vst.idx.msk $0xffff, v35  }
0x392: {  	v10 =	vor.u32 v1, v10;
	[tilespmem:v51+s23+$0x0] =	vst.idx.msk $0xffff, v39;
	v35 =	vld.idx.msk [tilespmem:v50+s22+$0x0], $0xffff  }
0x393: {  	v53 =	vor.u32 v2, v11;
	v61 =	vor.u32 v1, v34;
	v60 =	vld.idx.msk [tilespmem:v52+s22+$0x0], $0xffff  }
0x394: {  	v62 =	vor.u32 v2, v36  }
0x395: {  	s7 =	sor.u32 $0x2, s6  }
0x396: {  	v43 =	vor.u32 v31, v9;
	v34 =	vadd.s32 s7, v0  }
0x397: {  	v9 =	vor.u32 v56, v9;
	v63 =	vor.u32 v31, v44;
	s7 =	sor.u32 $0x3, s6;
	v46 =	vand.u32 $0xF, v34;
	[tilespmem:v10+s23+$0x0] =	vst.idx.msk $0xffff, v35  }
0x398: {  	v11 =	vor.u32 v3, v11;
	v40 =	vshll.u32 v46, $0x7;
	[tilespmem:v61+s23+$0x0] =	vst.idx.msk $0xffff, v60;
	v35 =	vadd.s32 s7, v0;
	s7 =	sor.u32 $0x4, s6;
	v45 =	vld.idx.msk [tilespmem:v53+s22+$0x0], $0xffff  }
0x399: {  	v52 =	vor.u32 v3, v36;
	v51 =	vld.idx.msk [tilespmem:v62+s22+$0x0], $0xffff;
	v47 =	vand.u32 $0xF, v35;
	v36 =	vadd.s32 s7, v0  }
0x39a: {  	v53 =	vor.u32 v59, v40;
	s7 =	sor.u32 $0x5, s6;
	v41 =	vshll.u32 v47, $0x7;
	v48 =	vand.u32 $0xF, v36  }
0x39b: {  	v37 =	vadd.s32 s7, v0;
	s7 =	sor.u32 $0x6, s6;
	v54 =	vor.u32 v59, v41;
	v42 =	vshll.u32 v48, $0x7  }
0x39c: {  	v49 =	vand.u32 $0xF, v37;
	v38 =	vadd.s32 s7, v0;
	s7 =	sor.u32 $0x7, s6;
	v55 =	vor.u32 v59, v42  }
0x39d: {  	v50 =	vand.u32 $0xF, v38;
	v39 =	vadd.s32 s7, v0;
	[tilespmem:v43+s23+$0x0] =	vst.idx.msk $0xffff, v45;
	v43 =	vshll.u32 v49, $0x7  }
0x39e: {  	[tilespmem:v63+s23+$0x0] =	vst.idx.msk $0xffff, v51;
	v45 =	vshll.u32 v50, $0x7;
	v51 =	vand.u32 $0xF, v39;
	v11 =	vld.idx.msk [tilespmem:v11+s22+$0x0], $0xffff;
	v10 =	vor.u32 v59, v43  }
0x39f: {  	v56 =	vor.u32 v56, v44;
	v52 =	vld.idx.msk [tilespmem:v52+s22+$0x0], $0xffff;
	v57 =	vor.u32 v59, v45;
	v44 =	vshll.u32 v51, $0x7  }
0x3a0: {  	v58 =	vor.u32 v4, v46;
	v53 =	vld.idx.msk [tilespmem:v53+s22+$0x0], $0xffff;
	v59 =	vor.u32 v59, v44  }
0x3a1: {  	v60 =	vor.u32 v5, v40;
	v61 =	vor.u32 v4, v47;
	v54 =	vld.idx.msk [tilespmem:v54+s22+$0x0], $0xffff  }
0x3a2: {  	v62 =	vor.u32 v5, v41;
	v63 =	vor.u32 v4, v48;
	v55 =	vld.idx.msk [tilespmem:v55+s22+$0x0], $0xffff  }
0x3a3: {  	[tilespmem:v9+s23+$0x0] =	vst.idx.msk $0xffff, v11;
	v9 =	vor.u32 v5, v42;
	v10 =	vld.idx.msk [tilespmem:v10+s22+$0x0], $0xffff;
	v11 =	vor.u32 v4, v49  }
0x3a4: {  	[tilespmem:v56+s23+$0x0] =	vst.idx.msk $0xffff, v52;
	v52 =	vor.u32 v5, v43;
	v56 =	vld.idx.msk [tilespmem:v57+s22+$0x0], $0xffff;
	v57 =	vor.u32 v4, v50  }
0x3a5: {  	[tilespmem:v58+s23+$0x0] =	vst.idx.msk $0xffff, v53;
	v53 =	vor.u32 v5, v45;
	v58 =	vld.idx.msk [tilespmem:v59+s22+$0x0], $0xffff;
	v59 =	vor.u32 v4, v51  }
0x3a6: {  	v60 =	vld.idx.msk [tilespmem:v60+s22+$0x0], $0xffff;
	[tilespmem:v61+s23+$0x0] =	vst.idx.msk $0xffff, v54;
	v54 =	vor.u32 v6, v46;
	v61 =	vor.u32 v5, v44  }
0x3a7: {  	[tilespmem:v63+s23+$0x0] =	vst.idx.msk $0xffff, v55;
	v55 =	vor.u32 v12, v40;
	v62 =	vld.idx.msk [tilespmem:v62+s22+$0x0], $0xffff;
	v63 =	vor.u32 v6, v47  }
0x3a8: {  	v4 =	vor.u32 v6, v48;
	[tilespmem:v11+s23+$0x0] =	vst.idx.msk $0xffff, v10;
	v10 =	vor.u32 v12, v41;
	v9 =	vld.idx.msk [tilespmem:v9+s22+$0x0], $0xffff  }
0x3a9: {  	v5 =	vor.u32 v6, v49;
	[tilespmem:v57+s23+$0x0] =	vst.idx.msk $0xffff, v56;
	v56 =	vor.u32 v12, v42;
	v52 =	vld.idx.msk [tilespmem:v52+s22+$0x0], $0xffff  }
0x3aa: {  	[tilespmem:v59+s23+$0x0] =	vst.idx.msk $0xffff, v58;
	v58 =	vor.u32 v12, v43;
	v53 =	vld.idx.msk [tilespmem:v53+s22+$0x0], $0xffff;
	v59 =	vor.u32 v6, v50  }
0x3ab: {  	[tilespmem:v54+s23+$0x0] =	vst.idx.msk $0xffff, v60;
	v54 =	vor.u32 v12, v45;
	v60 =	vld.idx.msk [tilespmem:v61+s22+$0x0], $0xffff;
	v61 =	vor.u32 v6, v51  }
0x3ac: {  	v55 =	vld.idx.msk [tilespmem:v55+s22+$0x0], $0xffff;
	[tilespmem:v63+s23+$0x0] =	vst.idx.msk $0xffff, v62;
	v62 =	vor.u32 v13, v34;
	v63 =	vor.u32 v12, v44  }
0x3ad: {  	[tilespmem:v4+s23+$0x0] =	vst.idx.msk $0xffff, v9;
	v9 =	vor.u32 v14, v40;
	v10 =	vld.idx.msk [tilespmem:v10+s22+$0x0], $0xffff;
	v4 =	vor.u32 v13, v35  }
0x3ae: {  	v6 =	vor.u32 v13, v36;
	[tilespmem:v5+s23+$0x0] =	vst.idx.msk $0xffff, v52;
	v5 =	vor.u32 v14, v41;
	v56 =	vld.idx.msk [tilespmem:v56+s22+$0x0], $0xffff  }
0x3af: {  	v12 =	vor.u32 v13, v37;
	[tilespmem:v59+s23+$0x0] =	vst.idx.msk $0xffff, v53;
	v53 =	vor.u32 v14, v42;
	v58 =	vld.idx.msk [tilespmem:v58+s22+$0x0], $0xffff  }
0x3b0: {  	[tilespmem:v61+s23+$0x0] =	vst.idx.msk $0xffff, v60;
	v60 =	vor.u32 v14, v43;
	v54 =	vld.idx.msk [tilespmem:v54+s22+$0x0], $0xffff;
	v61 =	vor.u32 v13, v38  }
0x3b1: {  	[tilespmem:v62+s23+$0x0] =	vst.idx.msk $0xffff, v55;
	v55 =	vor.u32 v14, v45;
	v62 =	vld.idx.msk [tilespmem:v63+s22+$0x0], $0xffff;
	v63 =	vor.u32 v13, v39  }
0x3b2: {  	v11 =	vor.u32 v14, v44;
	v9 =	vld.idx.msk [tilespmem:v9+s22+$0x0], $0xffff;
	[tilespmem:v4+s23+$0x0] =	vst.idx.msk $0xffff, v10;
	v10 =	vor.u32 v15, v34  }
0x3b3: {  	v4 =	vor.u32 v16, v40;
	[tilespmem:v6+s23+$0x0] =	vst.idx.msk $0xffff, v56;
	v52 =	vld.idx.msk [tilespmem:v5+s22+$0x0], $0xffff;
	v5 =	vor.u32 v15, v35  }
0x3b4: {  	v6 =	vor.u32 v16, v41;
	[tilespmem:v12+s23+$0x0] =	vst.idx.msk $0xffff, v58;
	v53 =	vld.idx.msk [tilespmem:v53+s22+$0x0], $0xffff;
	v12 =	vor.u32 v15, v36  }
0x3b5: {  	v13 =	vor.u32 v15, v37;
	[tilespmem:v61+s23+$0x0] =	vst.idx.msk $0xffff, v54;
	v54 =	vor.u32 v16, v42;
	v60 =	vld.idx.msk [tilespmem:v60+s22+$0x0], $0xffff  }
0x3b6: {  	v14 =	vor.u32 v15, v38;
	[tilespmem:v63+s23+$0x0] =	vst.idx.msk $0xffff, v62;
	v62 =	vor.u32 v16, v43;
	v55 =	vld.idx.msk [tilespmem:v55+s22+$0x0], $0xffff  }
0x3b7: {  	[tilespmem:v10+s23+$0x0] =	vst.idx.msk $0xffff, v9;
	v9 =	vor.u32 v16, v45;
	v10 =	vld.idx.msk [tilespmem:v11+s22+$0x0], $0xffff;
	v11 =	vor.u32 v15, v39  }
0x3b8: {  	v56 =	vld.idx.msk [tilespmem:v4+s22+$0x0], $0xffff;
	[tilespmem:v5+s23+$0x0] =	vst.idx.msk $0xffff, v52;
	v52 =	vor.u32 v17, v46;
	v4 =	vor.u32 v16, v44  }
0x3b9: {  	v5 =	vor.u32 v18, v40;
	[tilespmem:v12+s23+$0x0] =	vst.idx.msk $0xffff, v53;
	v58 =	vld.idx.msk [tilespmem:v6+s22+$0x0], $0xffff;
	v6 =	vor.u32 v17, v47  }
0x3ba: {  	[tilespmem:v13+s23+$0x0] =	vst.idx.msk $0xffff, v60;
	v54 =	vld.idx.msk [tilespmem:v54+s22+$0x0], $0xffff;
	v13 =	vor.u32 v17, v48  }
0x3bb: {  	v15 =	vor.u32 v17, v49;
	v12 =	vor.u32 v18, v41;
	[tilespmem:v14+s23+$0x0] =	vst.idx.msk $0xffff, v55;
	v62 =	vld.idx.msk [tilespmem:v62+s22+$0x0], $0xffff  }
0x3bc: {  	v16 =	vor.u32 v17, v50;
	v14 =	vor.u32 v18, v42;
	[tilespmem:v11+s23+$0x0] =	vst.idx.msk $0xffff, v10;
	v9 =	vld.idx.msk [tilespmem:v9+s22+$0x0], $0xffff  }
0x3bd: {  	v17 =	vor.u32 v17, v51;
	v10 =	vor.u32 v18, v43;
	[tilespmem:v52+s23+$0x0] =	vst.idx.msk $0xffff, v56;
	v56 =	vld.idx.msk [tilespmem:v4+s22+$0x0], $0xffff  }
0x3be: {  	v52 =	vor.u32 v18, v45;
	v4 =	vor.u32 v19, v46;
	v53 =	vld.idx.msk [tilespmem:v5+s22+$0x0], $0xffff;
	[tilespmem:v6+s23+$0x0] =	vst.idx.msk $0xffff, v58  }
0x3bf: {  	v5 =	vor.u32 v18, v44;
	[tilespmem:v13+s23+$0x0] =	vst.idx.msk $0xffff, v54  }
0x3c0: {  	v6 =	vor.u32 v20, v40;
	v60 =	vld.idx.msk [tilespmem:v12+s22+$0x0], $0xffff;
	v12 =	vor.u32 v19, v47;
	[tilespmem:v15+s23+$0x0] =	vst.idx.msk $0xffff, v62  }
0x3c1: {  	v13 =	vor.u32 v20, v41;
	v55 =	vld.idx.msk [tilespmem:v14+s22+$0x0], $0xffff;
	v14 =	vor.u32 v19, v48;
	[tilespmem:v16+s23+$0x0] =	vst.idx.msk $0xffff, v9  }
0x3c2: {  	v15 =	vor.u32 v20, v42;
	v10 =	vld.idx.msk [tilespmem:v10+s22+$0x0], $0xffff;
	v16 =	vor.u32 v19, v49;
	[tilespmem:v17+s23+$0x0] =	vst.idx.msk $0xffff, v56  }
0x3c3: {  	v56 =	vor.u32 v20, v43;
	v52 =	vld.idx.msk [tilespmem:v52+s22+$0x0], $0xffff;
	v17 =	vor.u32 v19, v50;
	[tilespmem:v4+s23+$0x0] =	vst.idx.msk $0xffff, v53  }
0x3c4: {  	v53 =	vor.u32 v20, v45;
	v18 =	vld.idx.msk [tilespmem:v5+s22+$0x0], $0xffff;
	v4 =	vor.u32 v19, v51;
	v5 =	vor.u32 v21, v34  }
0x3c5: {  	v19 =	vor.u32 v21, v38;
	v54 =	vld.idx.msk [tilespmem:v6+s22+$0x0], $0xffff;
	[tilespmem:v12+s23+$0x0] =	vst.idx.msk $0xffff, v60;
	v6 =	vor.u32 v20, v44  }
0x3c6: {  	v12 =	vor.u32 v22, v40;
	[tilespmem:v14+s23+$0x0] =	vst.idx.msk $0xffff, v55;
	v62 =	vld.idx.msk [tilespmem:v13+s22+$0x0], $0xffff;
	v13 =	vor.u32 v21, v35  }
0x3c7: {  	v14 =	vor.u32 v22, v41;
	[tilespmem:v16+s23+$0x0] =	vst.idx.msk $0xffff, v10;
	v9 =	vld.idx.msk [tilespmem:v15+s22+$0x0], $0xffff;
	v15 =	vor.u32 v21, v36  }
0x3c8: {  	v16 =	vor.u32 v22, v42;
	[tilespmem:v17+s23+$0x0] =	vst.idx.msk $0xffff, v52;
	v56 =	vld.idx.msk [tilespmem:v56+s22+$0x0], $0xffff;
	v17 =	vor.u32 v21, v37  }
0x3c9: {  	v20 =	vor.u32 v22, v45;
	[tilespmem:v4+s23+$0x0] =	vst.idx.msk $0xffff, v18;
	v18 =	vor.u32 v22, v43;
	v53 =	vld.idx.msk [tilespmem:v53+s22+$0x0], $0xffff  }
0x3ca: {  	[tilespmem:v5+s23+$0x0] =	vst.idx.msk $0xffff, v54;
	v4 =	vld.idx.msk [tilespmem:v6+s22+$0x0], $0xffff;
	v5 =	vor.u32 v21, v39;
	v6 =	vor.u32 v23, v34  }
0x3cb: {  	v21 =	vor.u32 v24, v45;
	v55 =	vld.idx.msk [tilespmem:v12+s22+$0x0], $0xffff;
	[tilespmem:v13+s23+$0x0] =	vst.idx.msk $0xffff, v62;
	v12 =	vor.u32 v22, v44  }
0x3cc: {  	v13 =	vor.u32 v24, v40;
	[tilespmem:v15+s23+$0x0] =	vst.idx.msk $0xffff, v9;
	v10 =	vld.idx.msk [tilespmem:v14+s22+$0x0], $0xffff;
	v14 =	vor.u32 v23, v35  }
0x3cd: {  	v15 =	vor.u32 v24, v41;
	[tilespmem:v17+s23+$0x0] =	vst.idx.msk $0xffff, v56;
	v52 =	vld.idx.msk [tilespmem:v16+s22+$0x0], $0xffff;
	v16 =	vor.u32 v23, v36  }
0x3ce: {  	v17 =	vor.u32 v24, v42;
	[tilespmem:v19+s23+$0x0] =	vst.idx.msk $0xffff, v53;
	v58 =	vld.idx.msk [tilespmem:v18+s22+$0x0], $0xffff;
	v18 =	vor.u32 v23, v37  }
0x3cf: {  	v19 =	vor.u32 v24, v43;
	[tilespmem:v5+s23+$0x0] =	vst.idx.msk $0xffff, v4;
	v54 =	vld.idx.msk [tilespmem:v20+s22+$0x0], $0xffff;
	v20 =	vor.u32 v23, v38  }
0x3d0: {  	v23 =	vor.u32 v23, v39;
	v4 =	vor.u32 v25, v46;
	v5 =	vor.u32 v24, v44  }
0x3d1: {  	v24 =	vor.u32 v28, v40;
	[tilespmem:v6+s23+$0x0] =	vst.idx.msk $0xffff, v55;
	v22 =	vld.idx.msk [tilespmem:v12+s22+$0x0], $0xffff;
	v6 =	vor.u32 v26, v40  }
0x3d2: {  	v12 =	vor.u32 v25, v47;
	v9 =	vld.idx.msk [tilespmem:v13+s22+$0x0], $0xffff;
	[tilespmem:v14+s23+$0x0] =	vst.idx.msk $0xffff, v10;
	v13 =	vor.u32 v26, v41  }
0x3d3: {  	v14 =	vor.u32 v25, v48;
	[tilespmem:v16+s23+$0x0] =	vst.idx.msk $0xffff, v52;
	v56 =	vld.idx.msk [tilespmem:v15+s22+$0x0], $0xffff;
	v15 =	vor.u32 v26, v42  }
0x3d4: {  	v16 =	vor.u32 v25, v49;
	[tilespmem:v18+s23+$0x0] =	vst.idx.msk $0xffff, v58;
	v53 =	vld.idx.msk [tilespmem:v17+s22+$0x0], $0xffff;
	v17 =	vor.u32 v26, v43  }
0x3d5: {  	v18 =	vor.u32 v25, v50;
	[tilespmem:v20+s23+$0x0] =	vst.idx.msk $0xffff, v54;
	v60 =	vld.idx.msk [tilespmem:v19+s22+$0x0], $0xffff;
	v19 =	vor.u32 v26, v45  }
0x3d6: {  	[tilespmem:v23+s23+$0x0] =	vst.idx.msk $0xffff, v22;
	v55 =	vld.idx.msk [tilespmem:v21+s22+$0x0], $0xffff;
	v21 =	vor.u32 v25, v51;
	v22 =	vor.u32 v27, v46  }
0x3d7: {  	v23 =	vor.u32 v26, v44;
	v25 =	vor.u32 v27, v47;
	[tilespmem:v4+s23+$0x0] =	vst.idx.msk $0xffff, v9;
	v20 =	vld.idx.msk [tilespmem:v5+s22+$0x0], $0xffff  }
0x3d8: {  	v26 =	vor.u32 v28, v41;
	v4 =	vor.u32 v27, v48;
	v52 =	vld.idx.msk [tilespmem:v6+s22+$0x0], $0xffff;
	[tilespmem:v12+s23+$0x0] =	vst.idx.msk $0xffff, v56  }
0x3d9: {  	v5 =	vor.u32 v28, v42;
	v6 =	vor.u32 v27, v49;
	[tilespmem:v14+s23+$0x0] =	vst.idx.msk $0xffff, v53;
	v58 =	vld.idx.msk [tilespmem:v13+s22+$0x0], $0xffff  }
0x3da: {  	v12 =	vor.u32 v28, v43;
	v13 =	vor.u32 v27, v50;
	[tilespmem:v16+s23+$0x0] =	vst.idx.msk $0xffff, v60;
	v54 =	vld.idx.msk [tilespmem:v15+s22+$0x0], $0xffff  }
0x3db: {  	v14 =	vor.u32 v28, v45;
	v16 =	vor.u32 v27, v51;
	[tilespmem:v18+s23+$0x0] =	vst.idx.msk $0xffff, v55;
	v62 =	vld.idx.msk [tilespmem:v17+s22+$0x0], $0xffff  }
0x3dc: {  	v27 =	vor.u32 v30, v45;
	v17 =	vor.u32 v29, v34;
	[tilespmem:v21+s23+$0x0] =	vst.idx.msk $0xffff, v20;
	v9 =	vld.idx.msk [tilespmem:v19+s22+$0x0], $0xffff  }
0x3dd: {  	v18 =	vor.u32 v28, v44;
	v19 =	vor.u32 v30, v40;
	[tilespmem:v22+s23+$0x0] =	vst.idx.msk $0xffff, v52;
	v15 =	vld.idx.msk [tilespmem:v23+s22+$0x0], $0xffff  }
0x3de: {  	v20 =	vor.u32 v29, v35;
	v21 =	vor.u32 v30, v41;
	v53 =	vld.idx.msk [tilespmem:v24+s22+$0x0], $0xffff;
	[tilespmem:v25+s23+$0x0] =	vst.idx.msk $0xffff, v58  }
0x3df: {  	v22 =	vor.u32 v29, v36;
	v23 =	vor.u32 v30, v42;
	[tilespmem:v4+s23+$0x0] =	vst.idx.msk $0xffff, v54;
	v60 =	vld.idx.msk [tilespmem:v26+s22+$0x0], $0xffff  }
0x3e0: {  	v24 =	vor.u32 v29, v37;
	v25 =	vor.u32 v30, v43;
	[tilespmem:v6+s23+$0x0] =	vst.idx.msk $0xffff, v62;
	v55 =	vld.idx.msk [tilespmem:v5+s22+$0x0], $0xffff  }
0x3e1: {  	v26 =	vor.u32 v29, v38;
	v4 =	vor.u32 v29, v39;
	[tilespmem:v13+s23+$0x0] =	vst.idx.msk $0xffff, v9;
	v10 =	vld.idx.msk [tilespmem:v12+s22+$0x0], $0xffff  }
0x3e2: {  	v29 =	vor.u32 v8, v42;
	v5 =	vor.u32 v32, v34;
	[tilespmem:v16+s23+$0x0] =	vst.idx.msk $0xffff, v15;
	v52 =	vld.idx.msk [tilespmem:v14+s22+$0x0], $0xffff  }
0x3e3: {  	v6 =	vor.u32 v30, v44;
	v30 =	vor.u32 v7, v49;
	[tilespmem:v17+s23+$0x0] =	vst.idx.msk $0xffff, v53;
	v28 =	vld.idx.msk [tilespmem:v18+s22+$0x0], $0xffff  }
0x3e4: {  	v49 =	vor.u32 v1, v49;
	v12 =	vor.u32 v33, v40;
	v54 =	vld.idx.msk [tilespmem:v19+s22+$0x0], $0xffff;
	[tilespmem:v20+s23+$0x0] =	vst.idx.msk $0xffff, v60  }
0x3e5: {  	v13 =	vor.u32 v32, v35;
	v14 =	vor.u32 v33, v41;
	[tilespmem:v22+s23+$0x0] =	vst.idx.msk $0xffff, v55;
	v62 =	vld.idx.msk [tilespmem:v21+s22+$0x0], $0xffff  }
0x3e6: {  	v15 =	vor.u32 v32, v36;
	v16 =	vor.u32 v33, v42;
	[tilespmem:v24+s23+$0x0] =	vst.idx.msk $0xffff, v10;
	v9 =	vld.idx.msk [tilespmem:v23+s22+$0x0], $0xffff  }
0x3e7: {  	v17 =	vor.u32 v32, v37;
	v18 =	vor.u32 v33, v43;
	[tilespmem:v26+s23+$0x0] =	vst.idx.msk $0xffff, v52;
	v56 =	vld.idx.msk [tilespmem:v25+s22+$0x0], $0xffff  }
0x3e8: {  	v19 =	vor.u32 v32, v38;
	v20 =	vor.u32 v33, v45;
	[tilespmem:v4+s23+$0x0] =	vst.idx.msk $0xffff, v28;
	v53 =	vld.idx.msk [tilespmem:v27+s22+$0x0], $0xffff  }
0x3e9: {  	v22 =	vor.u32 v32, v39;
	v32 =	vor.u32 v8, v43;
	[tilespmem:v5+s23+$0x0] =	vst.idx.msk $0xffff, v54;
	v21 =	vld.idx.msk [tilespmem:v6+s22+$0x0], $0xffff  }
0x3ea: {  	v23 =	vor.u32 v7, v46;
	v24 =	vor.u32 v33, v44;
	v55 =	vld.idx.msk [tilespmem:v12+s22+$0x0], $0xffff;
	[tilespmem:v13+s23+$0x0] =	vst.idx.msk $0xffff, v62  }
0x3eb: {  	v33 =	vor.u32 v7, v50;
	v50 =	vor.u32 v1, v50;
	[tilespmem:v15+s23+$0x0] =	vst.idx.msk $0xffff, v9;
	v10 =	vld.idx.msk [tilespmem:v14+s22+$0x0], $0xffff  }
0x3ec: {  	v25 =	vor.u32 v8, v40;
	v26 =	vor.u32 v7, v47;
	[tilespmem:v17+s23+$0x0] =	vst.idx.msk $0xffff, v56;
	v52 =	vld.idx.msk [tilespmem:v16+s22+$0x0], $0xffff  }
0x3ed: {  	v27 =	vor.u32 v8, v41;
	v28 =	vor.u32 v7, v48;
	[tilespmem:v19+s23+$0x0] =	vst.idx.msk $0xffff, v53;
	v58 =	vld.idx.msk [tilespmem:v18+s22+$0x0], $0xffff  }
0x3ee: {  	v47 =	vor.u32 v1, v47;
	v48 =	vor.u32 v1, v48;
	v6 =	vor.u32 v7, v51;
	v54 =	vld.idx.msk [tilespmem:v20+s22+$0x0], $0xffff  }
0x3ef: {  	v7 =	vor.u32 v1, v46;
	[tilespmem:v22+s23+$0x0] =	vst.idx.msk $0xffff, v21;
	v21 =	vor.u32 v1, v51;
	v1 =	vld [tilespmem:$0x1FA10]  }
0x3f0: {  	v4 =	vor.u32 v8, v45;
	[tilespmem:v23+s23+$0x0] =	vst.idx.msk $0xffff, v55;
	v5 =	vld.idx.msk [tilespmem:v24+s22+$0x0], $0xffff  }
0x3f1: {  	v12 =	vor.u32 v8, v44;
	[tilespmem:v26+s23+$0x0] =	vst.idx.msk $0xffff, v10;
	v9 =	vld.idx.msk [tilespmem:v25+s22+$0x0], $0xffff  }
0x3f2: {  	v13 =	vor.u32 v2, v40;
	[tilespmem:v28+s23+$0x0] =	vst.idx.msk $0xffff, v52;
	v14 =	vld.idx.msk [tilespmem:v27+s22+$0x0], $0xffff  }
0x3f3: {  	v15 =	vor.u32 v2, v41;
	[tilespmem:v30+s23+$0x0] =	vst.idx.msk $0xffff, v58;
	v53 =	vld.idx.msk [tilespmem:v29+s22+$0x0], $0xffff  }
0x3f4: {  	v16 =	vor.u32 v2, v42;
	[tilespmem:v33+s23+$0x0] =	vst.idx.msk $0xffff, v54;
	v17 =	vld.idx.msk [tilespmem:v32+s22+$0x0], $0xffff  }
0x3f5: {  	v18 =	vor.u32 v2, v43;
	[tilespmem:v6+s23+$0x0] =	vst.idx.msk $0xffff, v5;
	v55 =	vld.idx.msk [tilespmem:v4+s22+$0x0], $0xffff  }
0x3f6: {  	v19 =	vor.u32 v2, v45;
	[tilespmem:v7+s23+$0x0] =	vst.idx.msk $0xffff, v9;
	v20 =	vld.idx.msk [tilespmem:v12+s22+$0x0], $0xffff  }
0x3f7: {  	v22 =	vor.u32 v31, v34;
	v23 =	vor.u32 v2, v44;
	v46 =	vld.idx.msk [tilespmem:v13+s22+$0x0], $0xffff;
	[tilespmem:v47+s23+$0x0] =	vst.idx.msk $0xffff, v14  }
0x3f8: {  	v40 =	vor.u32 v3, v40;
	v25 =	vor.u32 v31, v35;
	[tilespmem:v48+s23+$0x0] =	vst.idx.msk $0xffff, v53;
	v24 =	vld.idx.msk [tilespmem:v15+s22+$0x0], $0xffff  }
0x3f9: {  	v41 =	vor.u32 v3, v41;
	v27 =	vor.u32 v31, v36;
	[tilespmem:v49+s23+$0x0] =	vst.idx.msk $0xffff, v17;
	v26 =	vld.idx.msk [tilespmem:v16+s22+$0x0], $0xffff  }
0x3fa: {  	v42 =	vor.u32 v3, v42;
	v29 =	vor.u32 v31, v37;
	[tilespmem:v50+s23+$0x0] =	vst.idx.msk $0xffff, v55;
	v28 =	vld.idx.msk [tilespmem:v18+s22+$0x0], $0xffff  }
0x3fb: {  	v30 =	vor.u32 v3, v43;
	v55 =	vor.u32 v31, v38;
	[tilespmem:v21+s23+$0x0] =	vst.idx.msk $0xffff, v20;
	v9 =	vld.idx.msk [tilespmem:v19+s22+$0x0], $0xffff  }
0x3fc: {  	v56 =	vor.u32 v3, v45;
	v58 =	vor.u32 v31, v39;
	[tilespmem:v22+s23+$0x0] =	vst.idx.msk $0xffff, v46;
	v57 =	vld.idx.msk [tilespmem:v23+s22+$0x0], $0xffff  }
0x3fd: {  	v44 =	vor.u32 v3, v44;
	v34 =	vor.u32 v1, v34;
	[tilespmem:v25+s23+$0x0] =	vst.idx.msk $0xffff, v24;
	v40 =	vld.idx.msk [tilespmem:v40+s22+$0x0], $0xffff  }
0x3fe: {  	v35 =	vor.u32 v1, v35;
	[tilespmem:v27+s23+$0x0] =	vst.idx.msk $0xffff, v26;
	v41 =	vld.idx.msk [tilespmem:v41+s22+$0x0], $0xffff  }
0x3ff: {  	v36 =	vor.u32 v1, v36;
	[tilespmem:v29+s23+$0x0] =	vst.idx.msk $0xffff, v28;
	v42 =	vld.idx.msk [tilespmem:v42+s22+$0x0], $0xffff  }
0x400: {  	v60 =	vor.u32 v1, v37;
	[tilespmem:v55+s23+$0x0] =	vst.idx.msk $0xffff, v9;
	v59 =	vld.idx.msk [tilespmem:v30+s22+$0x0], $0xffff  }
0x401: {  	v61 =	vor.u32 v1, v38;
	[tilespmem:v58+s23+$0x0] =	vst.idx.msk $0xffff, v57;
	v11 =	vld.idx.msk [tilespmem:v56+s22+$0x0], $0xffff  }
0x402: {  	p3 =	por p2, p2;
	v63 =	vor.u32 v1, v39;
	[tilespmem:v34+s23+$0x0] =	vst.idx.msk $0xffff, v40;
	v62 =	vld.idx.msk [tilespmem:v44+s22+$0x0], $0xffff  }
.Ltmp8:
0x403: {  	[tilespmem:v35+s23+$0x0] =	vst.idx.msk $0xffff, v41;
	(pc) =	sbr.rel @p3 .LBB2_13-.Ltmp8, $4  }
0x404: {  	[tilespmem:v36+s23+$0x0] =	vst.idx.msk $0xffff, v42  }
0x405: {  	[tilespmem:v60+s23+$0x0] =	vst.idx.msk $0xffff, v59  }
0x406: {  	[tilespmem:v61+s23+$0x0] =	vst.idx.msk $0xffff, v11  }
0x407: {  	p2 =	por $0x0, $0x0;
	s6 =	simm.s32 $0x8;
	[tilespmem:v63+s23+$0x0] =	vst.idx.msk $0xffff, v62  }
.Ltmp9:
0x408: {  	(pc) =	sbr.rel @p1 .LBB2_16-.Ltmp9, $3  }
0x409: {  	_ =	sdelay $0x1  }
0x40a: {  	s6 =	sadd.s32 s19, s9;
	s7 =	simm.s32 $0x19600  }
0x40b: {  	[hbm4b:s6+s15] =	stream.strided.scatter [tilespmem:s7], [sflag:$0x6], $0x1000, s17, s15, $0x38;
	[tilespmem:$0x1E600] =	vst v63  }
0x40c: {  	_ =	swait.ge [sflag:s25], $0x4000  }
.Ltmp10:
0x40d: {  	v59 =	vld [tilespmem:$0x1FFA0];
	(pc) =	sbr.rel .LBB2_17-.Ltmp10, $4  }
0x40e: {  	v61 =	vld [tilespmem:$0x1FFB0]  }
0x40f: {  	v60 =	vld [tilespmem:$0x1FFC0]  }
0x410: {  	[sflag:s25] =	ssyncset.done $0x0;
	v62 =	vld [tilespmem:$0x1FFD0]  }
0x411: {  	v1 =	vld [tilespmem:$0x1FFF0];
	[sflag:s25] =	ssyncadd.s32 $0xFFFFC000  }
.LBB2_16:
0x412: {  	v9 =	vld [tilespmem:$0x1FDE0];
	_ =	sdelay $0x3  }
0x413: {  	s6 =	sadd.s32 $0x5, s3  }
0x414: {  	v9 =	vadd.s32 s6, v9  }
0x415: {  	v10 =	vld [tilespmem:$0x1FC00];
	_ =	sdelay $0x3  }
0x416: {  	v9 =	vld.idx.msk [tilespmem:v9+s4+$0x0], $0xffff  }
0x417: {  	v10 =	vadd.s32 s6, v10  }
0x418: {  	v58 =	vld [tilespmem:$0x1FC10];
	_ =	sdelay $0x2  }
0x419: {  	[tilespmem:$0x6480] =	vst v9  }
0x41a: {  	v9 =	vld.idx.msk [tilespmem:v10+s4+$0x0], $0xffff  }
0x41b: {  	v10 =	vadd.s32 s6, v58  }
0x41c: {  	v59 =	vld [tilespmem:$0x1FC20];
	_ =	sdelay $0x2  }
0x41d: {  	[tilespmem:$0x6490] =	vst v9  }
0x41e: {  	v9 =	vld.idx.msk [tilespmem:v10+s4+$0x0], $0xffff  }
0x41f: {  	v10 =	vadd.s32 s6, v59;
	_ =	sdelay $0x1  }
0x420: {  	v60 =	vld [tilespmem:$0x1FC30];
	_ =	sdelay $0x1  }
0x421: {  	[tilespmem:$0x64A0] =	vst v9  }
0x422: {  	v9 =	vld.idx.msk [tilespmem:v10+s4+$0x0], $0xffff;
	_ =	sdelay $0x1  }
0x423: {  	v10 =	vadd.s32 s6, v60  }
0x424: {  	v61 =	vld [tilespmem:$0x1FC40];
	_ =	sdelay $0x1  }
0x425: {  	s7 =	simm.s32 $0x6480;
	[tilespmem:$0x64B0] =	vst v9  }
0x426: {  	[tilespmem:s22], [sflag:$0x2] =	stream.indirect.gather [hbm4b:s1+s16], $0x80, s7, s16, $0xb8;
	[tilespmem:$0x1E600] =	vst v63  }
0x427: {  	v9 =	vld.idx.msk [tilespmem:v10+s4+$0x0], $0xffff  }
0x428: {  	v10 =	vadd.s32 s6, v61  }
0x429: {  	v62 =	vld [tilespmem:$0x1FC50];
	_ =	sdelay $0x2  }
0x42a: {  	[tilespmem:$0x64C0] =	vst v9  }
0x42b: {  	v9 =	vld.idx.msk [tilespmem:v10+s4+$0x0], $0xffff  }
0x42c: {  	v10 =	vadd.s32 s6, v62  }
0x42d: {  	v63 =	vld [tilespmem:$0x1FC60];
	_ =	sdelay $0x2  }
0x42e: {  	[tilespmem:$0x64D0] =	vst v9  }
0x42f: {  	v9 =	vld.idx.msk [tilespmem:v10+s4+$0x0], $0xffff  }
0x430: {  	v10 =	vadd.s32 s6, v63;
	_ =	sdelay $0x3  }
0x431: {  	[tilespmem:$0x64E0] =	vst v9  }
0x432: {  	v9 =	vld.idx.msk [tilespmem:v10+s4+$0x0], $0xffff;
	_ =	sdelay $0x4  }
0x433: {  	s7 =	simm.s32 $0xC600;
	s6 =	simm.s32 $0x64C0;
	[tilespmem:$0x64F0] =	vst v9  }
0x434: {  	[tilespmem:s7], [sflag:$0x2] =	stream.indirect.gather [hbm4b:s1+s16], $0x80, s6, s16, $0xb8;
	[tilespmem:$0x1E600] =	vst v63  }
0x435: {  	_ =	swait.ge [sflag:s25], $0x4000  }
.Ltmp11:
0x436: {  	v59 =	vld [tilespmem:$0x1FFA0];
	(pc) =	sbr.rel @p0 .LBB2_18-.Ltmp11, $4  }
0x437: {  	v61 =	vld [tilespmem:$0x1FFB0]  }
0x438: {  	v60 =	vld [tilespmem:$0x1FFC0]  }
0x439: {  	[sflag:s25] =	ssyncset.done $0x0;
	v62 =	vld [tilespmem:$0x1FFD0]  }
0x43a: {  	v1 =	vld [tilespmem:$0x1FFF0];
	[sflag:s25] =	ssyncadd.s32 $0xFFFFC000  }
.LBB2_17:
0x43b: {  	_ =	swait.ge [sflag:s28], $0x2000  }
0x43c: {  	[sflag:s28] =	ssyncset.done $0x0  }
0x43d: {  	[sflag:s28] =	ssyncadd.s32 $0xFFFFE000  }
.LBB2_18:
0x43e: {  	v12 =	vld [tilespmem:$0x1FE10]  }
0x43f: {  	v13 =	vld [tilespmem:$0x1FE20]  }
0x440: {  	v14 =	vld [tilespmem:$0x1FE30]  }
0x441: {  	v15 =	vld [tilespmem:$0x1FE40]  }
0x442: {  	v16 =	vld [tilespmem:$0x1FE50]  }
0x443: {  	v17 =	vld [tilespmem:$0x1FE60]  }
0x444: {  	v18 =	vld [tilespmem:$0x1FE70]  }
0x445: {  	v19 =	vld [tilespmem:$0x1FE80]  }
0x446: {  	v20 =	vld [tilespmem:$0x1FE90]  }
0x447: {  	v21 =	vld [tilespmem:$0x1FEA0]  }
0x448: {  	v22 =	vld [tilespmem:$0x1FEB0]  }
0x449: {  	v23 =	vld [tilespmem:$0x1FEC0]  }
0x44a: {  	v24 =	vld [tilespmem:$0x1FED0]  }
0x44b: {  	v25 =	vld [tilespmem:$0x1FEE0]  }
0x44c: {  	v26 =	vld [tilespmem:$0x1FEF0]  }
0x44d: {  	v27 =	vld [tilespmem:$0x1FF00]  }
0x44e: {  	v28 =	vld [tilespmem:$0x1FF10]  }
0x44f: {  	v29 =	vld [tilespmem:$0x1FF20]  }
0x450: {  	v30 =	vld [tilespmem:$0x1FF30]  }
0x451: {  	v32 =	vld [tilespmem:$0x1FF40]  }
0x452: {  	v33 =	vld [tilespmem:$0x1FF50]  }
0x453: {  	v2 =	vld [tilespmem:$0x1FF60]  }
0x454: {  	v3 =	vld [tilespmem:$0x1FF70]  }
0x455: {  	v4 =	vld [tilespmem:$0x1FF80]  }
0x456: {  	v5 =	vld [tilespmem:$0x1FF90]  }
0x457: {  	s6 =	simm.s32 $0x0;
	p2 =	por $0x1, $0x1;
	v6 =	vld [tilespmem:$0x1FFE0]  }
.LBB2_19:
0x458: {  	v9 =	vadd.s32 s6, v0;
	s7 =	sor.u32 $0x1, s6  }
0x459: {  	v10 =	vand.u32 $0xF, v9;
	v44 =	vadd.s32 s7, v0  }
0x45a: {  	v11 =	vshll.u32 v10, $0x7;
	v34 =	vand.u32 $0xF, v44  }
0x45b: {  	v35 =	vor.u32 v0, v11;
	v36 =	vshll.u32 v34, $0x7  }
0x45c: {  	v37 =	vor.u32 v0, v36;
	_ =	sdelay $0x3  }
0x45d: {  	v38 =	vor.u32 v1, v10;
	v35 =	vld.idx.msk [tilespmem:v35+s26+$0x0], $0xffff  }
0x45e: {  	v39 =	vor.u32 v12, v11;
	v40 =	vor.u32 v1, v34;
	v37 =	vld.idx.msk [tilespmem:v37+s26+$0x0], $0xffff  }
0x45f: {  	v41 =	vor.u32 v12, v36;
	_ =	sdelay $0x2  }
0x460: {  	[tilespmem:v38+s29+$0x0] =	vst.idx.msk $0xffff, v35  }
0x461: {  	v53 =	vor.u32 v13, v10;
	v35 =	vld.idx.msk [tilespmem:v39+s26+$0x0], $0xffff;
	[tilespmem:v40+s29+$0x0] =	vst.idx.msk $0xffff, v37  }
0x462: {  	v54 =	vor.u32 v14, v11;
	v56 =	vor.u32 v13, v34;
	v55 =	vld.idx.msk [tilespmem:v41+s26+$0x0], $0xffff  }
0x463: {  	v57 =	vor.u32 v14, v36;
	_ =	sdelay $0x2  }
0x464: {  	[tilespmem:v53+s29+$0x0] =	vst.idx.msk $0xffff, v35  }
0x465: {  	v58 =	vor.u32 v15, v9;
	v35 =	vld.idx.msk [tilespmem:v54+s26+$0x0], $0xffff;
	[tilespmem:v56+s29+$0x0] =	vst.idx.msk $0xffff, v55  }
0x466: {  	v45 =	vor.u32 v15, v44;
	v63 =	vor.u32 v16, v11;
	v39 =	vld.idx.msk [tilespmem:v57+s26+$0x0], $0xffff  }
0x467: {  	v46 =	vor.u32 v16, v36;
	_ =	sdelay $0x2  }
0x468: {  	[tilespmem:v58+s29+$0x0] =	vst.idx.msk $0xffff, v35  }
0x469: {  	v47 =	vor.u32 v17, v9;
	v35 =	vld.idx.msk [tilespmem:v63+s26+$0x0], $0xffff;
	[tilespmem:v45+s29+$0x0] =	vst.idx.msk $0xffff, v39  }
0x46a: {  	v49 =	vor.u32 v17, v44;
	v48 =	vor.u32 v18, v11;
	v39 =	vld.idx.msk [tilespmem:v46+s26+$0x0], $0xffff  }
0x46b: {  	v50 =	vor.u32 v18, v36;
	_ =	sdelay $0x2  }
0x46c: {  	[tilespmem:v47+s29+$0x0] =	vst.idx.msk $0xffff, v35  }
0x46d: {  	v51 =	vor.u32 v19, v10;
	v35 =	vld.idx.msk [tilespmem:v48+s26+$0x0], $0xffff;
	[tilespmem:v49+s29+$0x0] =	vst.idx.msk $0xffff, v39  }
0x46e: {  	v52 =	vor.u32 v20, v11;
	v53 =	vor.u32 v19, v34;
	v39 =	vld.idx.msk [tilespmem:v50+s26+$0x0], $0xffff  }
0x46f: {  	v54 =	vor.u32 v20, v36;
	_ =	sdelay $0x2  }
0x470: {  	[tilespmem:v51+s29+$0x0] =	vst.idx.msk $0xffff, v35  }
0x471: {  	v55 =	vor.u32 v21, v10;
	v35 =	vld.idx.msk [tilespmem:v52+s26+$0x0], $0xffff;
	[tilespmem:v53+s29+$0x0] =	vst.idx.msk $0xffff, v39  }
0x472: {  	v56 =	vor.u32 v22, v11;
	v57 =	vor.u32 v21, v34;
	v39 =	vld.idx.msk [tilespmem:v54+s26+$0x0], $0xffff  }
0x473: {  	v58 =	vor.u32 v22, v36;
	_ =	sdelay $0x2  }
0x474: {  	[tilespmem:v55+s29+$0x0] =	vst.idx.msk $0xffff, v35  }
0x475: {  	v63 =	vor.u32 v23, v9;
	v35 =	vld.idx.msk [tilespmem:v56+s26+$0x0], $0xffff;
	[tilespmem:v57+s29+$0x0] =	vst.idx.msk $0xffff, v39  }
0x476: {  	v45 =	vor.u32 v24, v11;
	v46 =	vor.u32 v23, v44;
	v39 =	vld.idx.msk [tilespmem:v58+s26+$0x0], $0xffff  }
0x477: {  	v47 =	vor.u32 v24, v36;
	_ =	sdelay $0x2  }
0x478: {  	[tilespmem:v63+s29+$0x0] =	vst.idx.msk $0xffff, v35  }
0x479: {  	v48 =	vor.u32 v25, v9;
	v35 =	vld.idx.msk [tilespmem:v45+s26+$0x0], $0xffff;
	[tilespmem:v46+s29+$0x0] =	vst.idx.msk $0xffff, v39  }
0x47a: {  	v49 =	vor.u32 v26, v11;
	v50 =	vor.u32 v25, v44;
	v39 =	vld.idx.msk [tilespmem:v47+s26+$0x0], $0xffff  }
0x47b: {  	v51 =	vor.u32 v26, v36;
	_ =	sdelay $0x2  }
0x47c: {  	[tilespmem:v48+s29+$0x0] =	vst.idx.msk $0xffff, v35  }
0x47d: {  	v52 =	vor.u32 v27, v10;
	v35 =	vld.idx.msk [tilespmem:v49+s26+$0x0], $0xffff;
	[tilespmem:v50+s29+$0x0] =	vst.idx.msk $0xffff, v39  }
0x47e: {  	v53 =	vor.u32 v28, v11;
	v54 =	vor.u32 v27, v34;
	v39 =	vld.idx.msk [tilespmem:v51+s26+$0x0], $0xffff  }
0x47f: {  	v55 =	vor.u32 v28, v36;
	_ =	sdelay $0x2  }
0x480: {  	[tilespmem:v52+s29+$0x0] =	vst.idx.msk $0xffff, v35  }
0x481: {  	v56 =	vor.u32 v29, v10;
	v35 =	vld.idx.msk [tilespmem:v53+s26+$0x0], $0xffff;
	[tilespmem:v54+s29+$0x0] =	vst.idx.msk $0xffff, v39  }
0x482: {  	v57 =	vor.u32 v30, v11;
	v58 =	vor.u32 v29, v34;
	v39 =	vld.idx.msk [tilespmem:v55+s26+$0x0], $0xffff  }
0x483: {  	v63 =	vor.u32 v30, v36;
	_ =	sdelay $0x2  }
0x484: {  	[tilespmem:v56+s29+$0x0] =	vst.idx.msk $0xffff, v35  }
0x485: {  	v45 =	vor.u32 v32, v9;
	v35 =	vld.idx.msk [tilespmem:v57+s26+$0x0], $0xffff;
	[tilespmem:v58+s29+$0x0] =	vst.idx.msk $0xffff, v39  }
0x486: {  	v46 =	vor.u32 v33, v11;
	v47 =	vor.u32 v32, v44;
	v39 =	vld.idx.msk [tilespmem:v63+s26+$0x0], $0xffff  }
0x487: {  	v48 =	vor.u32 v33, v36;
	_ =	sdelay $0x2  }
0x488: {  	[tilespmem:v45+s29+$0x0] =	vst.idx.msk $0xffff, v35  }
0x489: {  	v49 =	vor.u32 v2, v9;
	v35 =	vld.idx.msk [tilespmem:v46+s26+$0x0], $0xffff;
	[tilespmem:v47+s29+$0x0] =	vst.idx.msk $0xffff, v39  }
0x48a: {  	v50 =	vor.u32 v3, v11;
	v51 =	vor.u32 v2, v44;
	v39 =	vld.idx.msk [tilespmem:v48+s26+$0x0], $0xffff  }
0x48b: {  	v52 =	vor.u32 v3, v36;
	_ =	sdelay $0x2  }
0x48c: {  	[tilespmem:v49+s29+$0x0] =	vst.idx.msk $0xffff, v35  }
0x48d: {  	v53 =	vor.u32 v4, v10;
	v35 =	vld.idx.msk [tilespmem:v50+s26+$0x0], $0xffff;
	[tilespmem:v51+s29+$0x0] =	vst.idx.msk $0xffff, v39  }
0x48e: {  	v54 =	vor.u32 v5, v11;
	v55 =	vor.u32 v4, v34;
	v39 =	vld.idx.msk [tilespmem:v52+s26+$0x0], $0xffff  }
0x48f: {  	v56 =	vor.u32 v5, v36;
	_ =	sdelay $0x2  }
0x490: {  	[tilespmem:v53+s29+$0x0] =	vst.idx.msk $0xffff, v35  }
0x491: {  	v10 =	vor.u32 v59, v10;
	v35 =	vld.idx.msk [tilespmem:v54+s26+$0x0], $0xffff;
	[tilespmem:v55+s29+$0x0] =	vst.idx.msk $0xffff, v39  }
0x492: {  	v59 =	vor.u32 v59, v34;
	v57 =	vor.u32 v61, v11;
	v58 =	vld.idx.msk [tilespmem:v56+s26+$0x0], $0xffff  }
0x493: {  	v61 =	vor.u32 v61, v36  }
0x494: {  	s7 =	sor.u32 $0x2, s6  }
0x495: {  	v43 =	vor.u32 v60, v9;
	v34 =	vadd.s32 s7, v0  }
0x496: {  	v9 =	vor.u32 v6, v9;
	s7 =	sor.u32 $0x3, s6;
	v11 =	vor.u32 v62, v11;
	v46 =	vand.u32 $0xF, v34;
	[tilespmem:v10+s29+$0x0] =	vst.idx.msk $0xffff, v35  }
0x497: {  	v63 =	vor.u32 v60, v44;
	v40 =	vshll.u32 v46, $0x7;
	v35 =	vadd.s32 s7, v0;
	s7 =	sor.u32 $0x4, s6;
	v45 =	vld.idx.msk [tilespmem:v57+s26+$0x0], $0xffff;
	[tilespmem:v59+s29+$0x0] =	vst.idx.msk $0xffff, v58  }
0x498: {  	v52 =	vor.u32 v62, v36;
	v47 =	vand.u32 $0xF, v35;
	v36 =	vadd.s32 s7, v0;
	v51 =	vld.idx.msk [tilespmem:v61+s26+$0x0], $0xffff  }
0x499: {  	v53 =	vor.u32 v0, v40;
	s7 =	sor.u32 $0x5, s6;
	v41 =	vshll.u32 v47, $0x7;
	v48 =	vand.u32 $0xF, v36  }
0x49a: {  	v37 =	vadd.s32 s7, v0;
	s7 =	sor.u32 $0x6, s6;
	v54 =	vor.u32 v0, v41;
	v42 =	vshll.u32 v48, $0x7  }
0x49b: {  	v49 =	vand.u32 $0xF, v37;
	v38 =	vadd.s32 s7, v0;
	s7 =	sor.u32 $0x7, s6;
	v55 =	vor.u32 v0, v42  }
0x49c: {  	v50 =	vand.u32 $0xF, v38;
	v39 =	vadd.s32 s7, v0;
	[tilespmem:v43+s29+$0x0] =	vst.idx.msk $0xffff, v45;
	v43 =	vshll.u32 v49, $0x7  }
0x49d: {  	v45 =	vshll.u32 v50, $0x7;
	v11 =	vld.idx.msk [tilespmem:v11+s26+$0x0], $0xffff;
	[tilespmem:v63+s29+$0x0] =	vst.idx.msk $0xffff, v51;
	v10 =	vor.u32 v0, v43;
	v51 =	vand.u32 $0xF, v39  }
0x49e: {  	v56 =	vor.u32 v6, v44;
	v57 =	vor.u32 v0, v45;
	v52 =	vld.idx.msk [tilespmem:v52+s26+$0x0], $0xffff;
	v44 =	vshll.u32 v51, $0x7  }
0x49f: {  	v53 =	vld.idx.msk [tilespmem:v53+s26+$0x0], $0xffff;
	v58 =	vor.u32 v1, v46;
	v59 =	vor.u32 v0, v44  }
0x4a0: {  	v60 =	vor.u32 v12, v40;
	v61 =	vor.u32 v1, v47;
	v54 =	vld.idx.msk [tilespmem:v54+s26+$0x0], $0xffff  }
0x4a1: {  	v62 =	vor.u32 v12, v41;
	v63 =	vor.u32 v1, v48;
	v55 =	vld.idx.msk [tilespmem:v55+s26+$0x0], $0xffff  }
0x4a2: {  	[tilespmem:v9+s29+$0x0] =	vst.idx.msk $0xffff, v11;
	v9 =	vor.u32 v12, v42;
	v10 =	vld.idx.msk [tilespmem:v10+s26+$0x0], $0xffff;
	v11 =	vor.u32 v1, v49  }
0x4a3: {  	[tilespmem:v56+s29+$0x0] =	vst.idx.msk $0xffff, v52;
	v52 =	vor.u32 v12, v43;
	v56 =	vld.idx.msk [tilespmem:v57+s26+$0x0], $0xffff;
	v57 =	vor.u32 v1, v50  }
0x4a4: {  	[tilespmem:v58+s29+$0x0] =	vst.idx.msk $0xffff, v53;
	v53 =	vor.u32 v12, v45;
	v58 =	vld.idx.msk [tilespmem:v59+s26+$0x0], $0xffff;
	v59 =	vor.u32 v1, v51  }
0x4a5: {  	v60 =	vld.idx.msk [tilespmem:v60+s26+$0x0], $0xffff;
	[tilespmem:v61+s29+$0x0] =	vst.idx.msk $0xffff, v54;
	v54 =	vor.u32 v13, v46;
	v61 =	vor.u32 v12, v44  }
0x4a6: {  	[tilespmem:v63+s29+$0x0] =	vst.idx.msk $0xffff, v55;
	v55 =	vor.u32 v14, v40;
	v62 =	vld.idx.msk [tilespmem:v62+s26+$0x0], $0xffff;
	v63 =	vor.u32 v13, v47  }
0x4a7: {  	[tilespmem:v11+s29+$0x0] =	vst.idx.msk $0xffff, v10;
	v10 =	vor.u32 v14, v41;
	v9 =	vld.idx.msk [tilespmem:v9+s26+$0x0], $0xffff;
	v11 =	vor.u32 v13, v48  }
0x4a8: {  	[tilespmem:v57+s29+$0x0] =	vst.idx.msk $0xffff, v56;
	v56 =	vor.u32 v14, v42;
	v52 =	vld.idx.msk [tilespmem:v52+s26+$0x0], $0xffff;
	v57 =	vor.u32 v13, v49  }
0x4a9: {  	[tilespmem:v59+s29+$0x0] =	vst.idx.msk $0xffff, v58;
	v58 =	vor.u32 v14, v43;
	v53 =	vld.idx.msk [tilespmem:v53+s26+$0x0], $0xffff;
	v59 =	vor.u32 v13, v50  }
0x4aa: {  	[tilespmem:v54+s29+$0x0] =	vst.idx.msk $0xffff, v60;
	v54 =	vor.u32 v14, v45;
	v60 =	vld.idx.msk [tilespmem:v61+s26+$0x0], $0xffff;
	v61 =	vor.u32 v13, v51  }
0x4ab: {  	v55 =	vld.idx.msk [tilespmem:v55+s26+$0x0], $0xffff;
	[tilespmem:v63+s29+$0x0] =	vst.idx.msk $0xffff, v62;
	v62 =	vor.u32 v15, v34;
	v63 =	vor.u32 v14, v44  }
0x4ac: {  	[tilespmem:v11+s29+$0x0] =	vst.idx.msk $0xffff, v9;
	v9 =	vor.u32 v16, v40;
	v10 =	vld.idx.msk [tilespmem:v10+s26+$0x0], $0xffff;
	v11 =	vor.u32 v15, v35  }
0x4ad: {  	[tilespmem:v57+s29+$0x0] =	vst.idx.msk $0xffff, v52;
	v52 =	vor.u32 v16, v41;
	v56 =	vld.idx.msk [tilespmem:v56+s26+$0x0], $0xffff;
	v57 =	vor.u32 v15, v36  }
0x4ae: {  	[tilespmem:v59+s29+$0x0] =	vst.idx.msk $0xffff, v53;
	v53 =	vor.u32 v16, v42;
	v58 =	vld.idx.msk [tilespmem:v58+s26+$0x0], $0xffff;
	v59 =	vor.u32 v15, v37  }
0x4af: {  	[tilespmem:v61+s29+$0x0] =	vst.idx.msk $0xffff, v60;
	v60 =	vor.u32 v16, v43;
	v54 =	vld.idx.msk [tilespmem:v54+s26+$0x0], $0xffff;
	v61 =	vor.u32 v15, v38  }
0x4b0: {  	[tilespmem:v62+s29+$0x0] =	vst.idx.msk $0xffff, v55;
	v55 =	vor.u32 v16, v45;
	v62 =	vld.idx.msk [tilespmem:v63+s26+$0x0], $0xffff;
	v63 =	vor.u32 v15, v39  }
0x4b1: {  	v9 =	vld.idx.msk [tilespmem:v9+s26+$0x0], $0xffff;
	[tilespmem:v11+s29+$0x0] =	vst.idx.msk $0xffff, v10;
	v10 =	vor.u32 v17, v34;
	v11 =	vor.u32 v16, v44  }
0x4b2: {  	[tilespmem:v57+s29+$0x0] =	vst.idx.msk $0xffff, v56;
	v56 =	vor.u32 v18, v40;
	v52 =	vld.idx.msk [tilespmem:v52+s26+$0x0], $0xffff;
	v57 =	vor.u32 v17, v35  }
0x4b3: {  	[tilespmem:v59+s29+$0x0] =	vst.idx.msk $0xffff, v58;
	v58 =	vor.u32 v18, v41;
	v53 =	vld.idx.msk [tilespmem:v53+s26+$0x0], $0xffff;
	v59 =	vor.u32 v17, v36  }
0x4b4: {  	[tilespmem:v61+s29+$0x0] =	vst.idx.msk $0xffff, v54;
	v54 =	vor.u32 v18, v42;
	v60 =	vld.idx.msk [tilespmem:v60+s26+$0x0], $0xffff;
	v61 =	vor.u32 v17, v37  }
0x4b5: {  	[tilespmem:v63+s29+$0x0] =	vst.idx.msk $0xffff, v62;
	v62 =	vor.u32 v18, v43;
	v55 =	vld.idx.msk [tilespmem:v55+s26+$0x0], $0xffff;
	v63 =	vor.u32 v17, v38  }
0x4b6: {  	[tilespmem:v10+s29+$0x0] =	vst.idx.msk $0xffff, v9;
	v9 =	vor.u32 v18, v45;
	v10 =	vld.idx.msk [tilespmem:v11+s26+$0x0], $0xffff;
	v11 =	vor.u32 v17, v39  }
0x4b7: {  	v56 =	vld.idx.msk [tilespmem:v56+s26+$0x0], $0xffff;
	[tilespmem:v57+s29+$0x0] =	vst.idx.msk $0xffff, v52;
	v52 =	vor.u32 v19, v46;
	v57 =	vor.u32 v18, v44  }
0x4b8: {  	[tilespmem:v59+s29+$0x0] =	vst.idx.msk $0xffff, v53;
	v53 =	vor.u32 v20, v40;
	v58 =	vld.idx.msk [tilespmem:v58+s26+$0x0], $0xffff;
	v59 =	vor.u32 v19, v47  }
0x4b9: {  	[tilespmem:v61+s29+$0x0] =	vst.idx.msk $0xffff, v60;
	v60 =	vor.u32 v20, v41;
	v54 =	vld.idx.msk [tilespmem:v54+s26+$0x0], $0xffff;
	v61 =	vor.u32 v19, v48  }
0x4ba: {  	[tilespmem:v63+s29+$0x0] =	vst.idx.msk $0xffff, v55;
	v55 =	vor.u32 v20, v42;
	v62 =	vld.idx.msk [tilespmem:v62+s26+$0x0], $0xffff;
	v63 =	vor.u32 v19, v49  }
0x4bb: {  	[tilespmem:v11+s29+$0x0] =	vst.idx.msk $0xffff, v10;
	v10 =	vor.u32 v20, v43;
	v9 =	vld.idx.msk [tilespmem:v9+s26+$0x0], $0xffff;
	v11 =	vor.u32 v19, v50  }
0x4bc: {  	[tilespmem:v52+s29+$0x0] =	vst.idx.msk $0xffff, v56;
	v52 =	vor.u32 v20, v45;
	v56 =	vld.idx.msk [tilespmem:v57+s26+$0x0], $0xffff;
	v57 =	vor.u32 v19, v51  }
0x4bd: {  	v53 =	vld.idx.msk [tilespmem:v53+s26+$0x0], $0xffff;
	[tilespmem:v59+s29+$0x0] =	vst.idx.msk $0xffff, v58;
	v58 =	vor.u32 v21, v46;
	v59 =	vor.u32 v20, v44  }
0x4be: {  	[tilespmem:v61+s29+$0x0] =	vst.idx.msk $0xffff, v54;
	v54 =	vor.u32 v22, v40;
	v60 =	vld.idx.msk [tilespmem:v60+s26+$0x0], $0xffff;
	v61 =	vor.u32 v21, v47  }
0x4bf: {  	[tilespmem:v63+s29+$0x0] =	vst.idx.msk $0xffff, v62;
	v62 =	vor.u32 v22, v41;
	v55 =	vld.idx.msk [tilespmem:v55+s26+$0x0], $0xffff;
	v63 =	vor.u32 v21, v48  }
0x4c0: {  	[tilespmem:v11+s29+$0x0] =	vst.idx.msk $0xffff, v9;
	v9 =	vor.u32 v22, v42;
	v10 =	vld.idx.msk [tilespmem:v10+s26+$0x0], $0xffff;
	v11 =	vor.u32 v21, v49  }
0x4c1: {  	[tilespmem:v57+s29+$0x0] =	vst.idx.msk $0xffff, v56;
	v56 =	vor.u32 v22, v43;
	v52 =	vld.idx.msk [tilespmem:v52+s26+$0x0], $0xffff;
	v57 =	vor.u32 v21, v50  }
0x4c2: {  	[tilespmem:v58+s29+$0x0] =	vst.idx.msk $0xffff, v53;
	v53 =	vor.u32 v22, v45;
	v58 =	vld.idx.msk [tilespmem:v59+s26+$0x0], $0xffff;
	v59 =	vor.u32 v21, v51  }
0x4c3: {  	v54 =	vld.idx.msk [tilespmem:v54+s26+$0x0], $0xffff;
	[tilespmem:v61+s29+$0x0] =	vst.idx.msk $0xffff, v60;
	v60 =	vor.u32 v23, v34;
	v61 =	vor.u32 v22, v44  }
0x4c4: {  	[tilespmem:v63+s29+$0x0] =	vst.idx.msk $0xffff, v55;
	v55 =	vor.u32 v24, v40;
	v62 =	vld.idx.msk [tilespmem:v62+s26+$0x0], $0xffff;
	v63 =	vor.u32 v23, v35  }
0x4c5: {  	[tilespmem:v11+s29+$0x0] =	vst.idx.msk $0xffff, v10;
	v10 =	vor.u32 v24, v41;
	v9 =	vld.idx.msk [tilespmem:v9+s26+$0x0], $0xffff;
	v11 =	vor.u32 v23, v36  }
0x4c6: {  	[tilespmem:v57+s29+$0x0] =	vst.idx.msk $0xffff, v52;
	v52 =	vor.u32 v24, v42;
	v56 =	vld.idx.msk [tilespmem:v56+s26+$0x0], $0xffff;
	v57 =	vor.u32 v23, v37  }
0x4c7: {  	[tilespmem:v59+s29+$0x0] =	vst.idx.msk $0xffff, v58;
	v58 =	vor.u32 v24, v43;
	v53 =	vld.idx.msk [tilespmem:v53+s26+$0x0], $0xffff;
	v59 =	vor.u32 v23, v38  }
0x4c8: {  	[tilespmem:v60+s29+$0x0] =	vst.idx.msk $0xffff, v54;
	v54 =	vor.u32 v24, v45;
	v60 =	vld.idx.msk [tilespmem:v61+s26+$0x0], $0xffff;
	v61 =	vor.u32 v23, v39  }
0x4c9: {  	v55 =	vld.idx.msk [tilespmem:v55+s26+$0x0], $0xffff;
	[tilespmem:v63+s29+$0x0] =	vst.idx.msk $0xffff, v62;
	v62 =	vor.u32 v25, v34;
	v63 =	vor.u32 v24, v44  }
0x4ca: {  	[tilespmem:v11+s29+$0x0] =	vst.idx.msk $0xffff, v9;
	v9 =	vor.u32 v26, v40;
	v10 =	vld.idx.msk [tilespmem:v10+s26+$0x0], $0xffff;
	v11 =	vor.u32 v25, v35  }
0x4cb: {  	[tilespmem:v57+s29+$0x0] =	vst.idx.msk $0xffff, v56;
	v56 =	vor.u32 v26, v41;
	v52 =	vld.idx.msk [tilespmem:v52+s26+$0x0], $0xffff;
	v57 =	vor.u32 v25, v36  }
0x4cc: {  	[tilespmem:v59+s29+$0x0] =	vst.idx.msk $0xffff, v53;
	v53 =	vor.u32 v26, v42;
	v58 =	vld.idx.msk [tilespmem:v58+s26+$0x0], $0xffff;
	v59 =	vor.u32 v25, v37  }
0x4cd: {  	[tilespmem:v61+s29+$0x0] =	vst.idx.msk $0xffff, v60;
	v60 =	vor.u32 v26, v43;
	v54 =	vld.idx.msk [tilespmem:v54+s26+$0x0], $0xffff;
	v61 =	vor.u32 v25, v38  }
0x4ce: {  	[tilespmem:v62+s29+$0x0] =	vst.idx.msk $0xffff, v55;
	v55 =	vor.u32 v26, v45;
	v62 =	vld.idx.msk [tilespmem:v63+s26+$0x0], $0xffff;
	v63 =	vor.u32 v25, v39  }
0x4cf: {  	v9 =	vld.idx.msk [tilespmem:v9+s26+$0x0], $0xffff;
	[tilespmem:v11+s29+$0x0] =	vst.idx.msk $0xffff, v10;
	v10 =	vor.u32 v27, v46;
	v11 =	vor.u32 v26, v44  }
0x4d0: {  	[tilespmem:v57+s29+$0x0] =	vst.idx.msk $0xffff, v52;
	v52 =	vor.u32 v28, v40;
	v56 =	vld.idx.msk [tilespmem:v56+s26+$0x0], $0xffff;
	v57 =	vor.u32 v27, v47  }
0x4d1: {  	[tilespmem:v59+s29+$0x0] =	vst.idx.msk $0xffff, v58;
	v58 =	vor.u32 v28, v41;
	v53 =	vld.idx.msk [tilespmem:v53+s26+$0x0], $0xffff;
	v59 =	vor.u32 v27, v48  }
0x4d2: {  	[tilespmem:v61+s29+$0x0] =	vst.idx.msk $0xffff, v54;
	v54 =	vor.u32 v28, v42;
	v60 =	vld.idx.msk [tilespmem:v60+s26+$0x0], $0xffff;
	v61 =	vor.u32 v27, v49  }
0x4d3: {  	[tilespmem:v63+s29+$0x0] =	vst.idx.msk $0xffff, v62;
	v62 =	vor.u32 v28, v43;
	v55 =	vld.idx.msk [tilespmem:v55+s26+$0x0], $0xffff;
	v63 =	vor.u32 v27, v50  }
0x4d4: {  	[tilespmem:v10+s29+$0x0] =	vst.idx.msk $0xffff, v9;
	v9 =	vor.u32 v28, v45;
	v10 =	vld.idx.msk [tilespmem:v11+s26+$0x0], $0xffff;
	v11 =	vor.u32 v27, v51  }
0x4d5: {  	v52 =	vld.idx.msk [tilespmem:v52+s26+$0x0], $0xffff;
	[tilespmem:v57+s29+$0x0] =	vst.idx.msk $0xffff, v56;
	v56 =	vor.u32 v29, v46;
	v57 =	vor.u32 v28, v44  }
0x4d6: {  	[tilespmem:v59+s29+$0x0] =	vst.idx.msk $0xffff, v53;
	v53 =	vor.u32 v30, v40;
	v58 =	vld.idx.msk [tilespmem:v58+s26+$0x0], $0xffff;
	v59 =	vor.u32 v29, v47  }
0x4d7: {  	[tilespmem:v61+s29+$0x0] =	vst.idx.msk $0xffff, v60;
	v60 =	vor.u32 v30, v41;
	v54 =	vld.idx.msk [tilespmem:v54+s26+$0x0], $0xffff;
	v61 =	vor.u32 v29, v48  }
0x4d8: {  	[tilespmem:v63+s29+$0x0] =	vst.idx.msk $0xffff, v55;
	v55 =	vor.u32 v30, v42;
	v62 =	vld.idx.msk [tilespmem:v62+s26+$0x0], $0xffff;
	v63 =	vor.u32 v29, v49  }
0x4d9: {  	[tilespmem:v11+s29+$0x0] =	vst.idx.msk $0xffff, v10;
	v10 =	vor.u32 v30, v43;
	v9 =	vld.idx.msk [tilespmem:v9+s26+$0x0], $0xffff;
	v11 =	vor.u32 v29, v50  }
0x4da: {  	[tilespmem:v56+s29+$0x0] =	vst.idx.msk $0xffff, v52;
	v52 =	vor.u32 v30, v45;
	v56 =	vld.idx.msk [tilespmem:v57+s26+$0x0], $0xffff;
	v57 =	vor.u32 v29, v51  }
0x4db: {  	v53 =	vld.idx.msk [tilespmem:v53+s26+$0x0], $0xffff;
	[tilespmem:v59+s29+$0x0] =	vst.idx.msk $0xffff, v58;
	v58 =	vor.u32 v32, v34;
	v59 =	vor.u32 v30, v44  }
0x4dc: {  	[tilespmem:v61+s29+$0x0] =	vst.idx.msk $0xffff, v54;
	v54 =	vor.u32 v33, v40;
	v60 =	vld.idx.msk [tilespmem:v60+s26+$0x0], $0xffff;
	v61 =	vor.u32 v32, v35  }
0x4dd: {  	[tilespmem:v63+s29+$0x0] =	vst.idx.msk $0xffff, v62;
	v62 =	vor.u32 v33, v41;
	v55 =	vld.idx.msk [tilespmem:v55+s26+$0x0], $0xffff;
	v63 =	vor.u32 v32, v36  }
0x4de: {  	[tilespmem:v11+s29+$0x0] =	vst.idx.msk $0xffff, v9;
	v9 =	vor.u32 v33, v42;
	v10 =	vld.idx.msk [tilespmem:v10+s26+$0x0], $0xffff;
	v11 =	vor.u32 v32, v37  }
0x4df: {  	[tilespmem:v57+s29+$0x0] =	vst.idx.msk $0xffff, v56;
	v56 =	vor.u32 v33, v43;
	v52 =	vld.idx.msk [tilespmem:v52+s26+$0x0], $0xffff;
	v57 =	vor.u32 v32, v38  }
0x4e0: {  	[tilespmem:v58+s29+$0x0] =	vst.idx.msk $0xffff, v53;
	v53 =	vor.u32 v33, v45;
	v58 =	vld.idx.msk [tilespmem:v59+s26+$0x0], $0xffff;
	v59 =	vor.u32 v32, v39  }
0x4e1: {  	v54 =	vld.idx.msk [tilespmem:v54+s26+$0x0], $0xffff;
	[tilespmem:v61+s29+$0x0] =	vst.idx.msk $0xffff, v60;
	v60 =	vor.u32 v2, v34;
	v61 =	vor.u32 v33, v44  }
0x4e2: {  	[tilespmem:v63+s29+$0x0] =	vst.idx.msk $0xffff, v55;
	v55 =	vor.u32 v3, v40;
	v62 =	vld.idx.msk [tilespmem:v62+s26+$0x0], $0xffff;
	v63 =	vor.u32 v2, v35  }
0x4e3: {  	[tilespmem:v11+s29+$0x0] =	vst.idx.msk $0xffff, v10;
	v10 =	vor.u32 v3, v41;
	v9 =	vld.idx.msk [tilespmem:v9+s26+$0x0], $0xffff;
	v11 =	vor.u32 v2, v36  }
0x4e4: {  	[tilespmem:v57+s29+$0x0] =	vst.idx.msk $0xffff, v52;
	v52 =	vor.u32 v3, v42;
	v56 =	vld.idx.msk [tilespmem:v56+s26+$0x0], $0xffff;
	v57 =	vor.u32 v2, v37  }
0x4e5: {  	[tilespmem:v59+s29+$0x0] =	vst.idx.msk $0xffff, v58;
	v58 =	vor.u32 v3, v43;
	v53 =	vld.idx.msk [tilespmem:v53+s26+$0x0], $0xffff;
	v59 =	vor.u32 v2, v38  }
0x4e6: {  	[tilespmem:v60+s29+$0x0] =	vst.idx.msk $0xffff, v54;
	v54 =	vor.u32 v3, v45;
	v60 =	vld.idx.msk [tilespmem:v61+s26+$0x0], $0xffff;
	v61 =	vor.u32 v2, v39  }
0x4e7: {  	v55 =	vld.idx.msk [tilespmem:v55+s26+$0x0], $0xffff;
	[tilespmem:v63+s29+$0x0] =	vst.idx.msk $0xffff, v62;
	v62 =	vor.u32 v4, v46;
	v63 =	vor.u32 v3, v44  }
0x4e8: {  	[tilespmem:v11+s29+$0x0] =	vst.idx.msk $0xffff, v9;
	v9 =	vor.u32 v5, v40;
	v10 =	vld.idx.msk [tilespmem:v10+s26+$0x0], $0xffff  }
0x4e9: {  	v11 =	vor.u32 v4, v47;
	[tilespmem:v57+s29+$0x0] =	vst.idx.msk $0xffff, v56;
	v52 =	vld.idx.msk [tilespmem:v52+s26+$0x0], $0xffff  }
0x4ea: {  	v57 =	vor.u32 v4, v48;
	[tilespmem:v59+s29+$0x0] =	vst.idx.msk $0xffff, v53;
	v58 =	vld.idx.msk [tilespmem:v58+s26+$0x0], $0xffff  }
0x4eb: {  	v56 =	vor.u32 v5, v41;
	[tilespmem:v61+s29+$0x0] =	vst.idx.msk $0xffff, v60;
	v54 =	vld.idx.msk [tilespmem:v54+s26+$0x0], $0xffff  }
0x4ec: {  	[tilespmem:v62+s29+$0x0] =	vst.idx.msk $0xffff, v55;
	v62 =	vld.idx.msk [tilespmem:v63+s26+$0x0], $0xffff  }
0x4ed: {  	v53 =	vor.u32 v5, v42;
	v9 =	vld.idx.msk [tilespmem:v9+s26+$0x0], $0xffff  }
0x4ee: {  	v59 =	vor.u32 v4, v49;
	[tilespmem:v11+s29+$0x0] =	vst.idx.msk $0xffff, v10;
	v10 =	vld [tilespmem:$0x1FFA0]  }
0x4ef: {  	[tilespmem:v57+s29+$0x0] =	vst.idx.msk $0xffff, v52;
	v57 =	vld [tilespmem:$0x1FFB0]  }
0x4f0: {  	v61 =	vor.u32 v4, v50;
	v52 =	vld.idx.msk [tilespmem:v56+s26+$0x0], $0xffff  }
0x4f1: {  	v56 =	vld [tilespmem:$0x1FFA0]  }
0x4f2: {  	v55 =	vor.u32 v5, v45;
	v63 =	vor.u32 v4, v51;
	v53 =	vld.idx.msk [tilespmem:v53+s26+$0x0], $0xffff  }
0x4f3: {  	v11 =	vor.u32 v5, v44;
	[tilespmem:v59+s29+$0x0] =	vst.idx.msk $0xffff, v58;
	v59 =	vld [tilespmem:$0x1FFA0];
	v10 =	vor.u32 v10, v46  }
0x4f4: {  	v60 =	vor.u32 v5, v43;
	v46 =	vor.u32 v57, v40;
	v57 =	vld [tilespmem:$0x1FFA0]  }
0x4f5: {  	[tilespmem:v61+s29+$0x0] =	vst.idx.msk $0xffff, v54;
	v61 =	vld [tilespmem:$0x1FFB0]  }
0x4f6: {  	v47 =	vor.u32 v56, v47;
	v56 =	vld [tilespmem:$0x1FFB0]  }
0x4f7: {  	[tilespmem:v63+s29+$0x0] =	vst.idx.msk $0xffff, v62;
	v55 =	vld.idx.msk [tilespmem:v55+s26+$0x0], $0xffff  }
0x4f8: {  	[tilespmem:v10+s29+$0x0] =	vst.idx.msk $0xffff, v9;
	v10 =	vld.idx.msk [tilespmem:v11+s26+$0x0], $0xffff  }
0x4f9: {  	v50 =	vor.u32 v59, v50;
	v48 =	vor.u32 v57, v48;
	v57 =	vld.idx.msk [tilespmem:v60+s26+$0x0], $0xffff  }
0x4fa: {  	v9 =	vor.u32 v61, v45;
	v11 =	vor.u32 v59, v51;
	v60 =	vld [tilespmem:$0x1FFC0]  }
0x4fb: {  	v62 =	vld [tilespmem:$0x1FFD0];
	v56 =	vor.u32 v56, v41  }
0x4fc: {  	v49 =	vor.u32 v59, v49;
	v63 =	vor.u32 v61, v44  }
0x4fd: {  	v58 =	vor.u32 v61, v43;
	[tilespmem:v47+s29+$0x0] =	vst.idx.msk $0xffff, v52  }
0x4fe: {  	v54 =	vor.u32 v61, v42;
	v46 =	vld.idx.msk [tilespmem:v46+s26+$0x0], $0xffff;
	[tilespmem:v50+s29+$0x0] =	vst.idx.msk $0xffff, v55  }
0x4ff: {  	[tilespmem:v11+s29+$0x0] =	vst.idx.msk $0xffff, v10;
	v9 =	vld.idx.msk [tilespmem:v9+s26+$0x0], $0xffff;
	v47 =	vor.u32 v60, v34  }
0x500: {  	v40 =	vor.u32 v62, v40;
	[tilespmem:v48+s29+$0x0] =	vst.idx.msk $0xffff, v53;
	v48 =	vld.idx.msk [tilespmem:v56+s26+$0x0], $0xffff;
	v52 =	vor.u32 v60, v35  }
0x501: {  	v41 =	vor.u32 v62, v41;
	[tilespmem:v49+s29+$0x0] =	vst.idx.msk $0xffff, v57;
	v57 =	vor.u32 v60, v38;
	v63 =	vld.idx.msk [tilespmem:v63+s26+$0x0], $0xffff  }
0x502: {  	v51 =	vor.u32 v60, v39;
	v50 =	vld.idx.msk [tilespmem:v58+s26+$0x0], $0xffff;
	v58 =	vor.u32 v62, v45  }
0x503: {  	v44 =	vor.u32 v62, v44;
	v53 =	vor.u32 v60, v36;
	v49 =	vld.idx.msk [tilespmem:v54+s26+$0x0], $0xffff  }
0x504: {  	v42 =	vor.u32 v62, v42;
	v54 =	vor.u32 v60, v37;
	[tilespmem:v47+s29+$0x0] =	vst.idx.msk $0xffff, v46  }
0x505: {  	v56 =	vor.u32 v62, v43;
	v34 =	vor.u32 v6, v34;
	[tilespmem:v52+s29+$0x0] =	vst.idx.msk $0xffff, v48;
	v40 =	vld.idx.msk [tilespmem:v40+s26+$0x0], $0xffff  }
0x506: {  	v35 =	vor.u32 v6, v35;
	[tilespmem:v57+s29+$0x0] =	vst.idx.msk $0xffff, v9;
	v41 =	vld.idx.msk [tilespmem:v41+s26+$0x0], $0xffff  }
0x507: {  	[tilespmem:v51+s29+$0x0] =	vst.idx.msk $0xffff, v63;
	v57 =	vor.u32 v6, v38;
	v11 =	vld.idx.msk [tilespmem:v58+s26+$0x0], $0xffff  }
0x508: {  	v63 =	vor.u32 v6, v39;
	[tilespmem:v53+s29+$0x0] =	vst.idx.msk $0xffff, v49;
	v58 =	vld.idx.msk [tilespmem:v44+s26+$0x0], $0xffff  }
0x509: {  	v36 =	vor.u32 v6, v36;
	[tilespmem:v54+s29+$0x0] =	vst.idx.msk $0xffff, v50;
	v42 =	vld.idx.msk [tilespmem:v42+s26+$0x0], $0xffff  }
0x50a: {  	p3 =	por p2, p2;
	v55 =	vld.idx.msk [tilespmem:v56+s26+$0x0], $0xffff;
	v56 =	vor.u32 v6, v37;
	[tilespmem:v34+s29+$0x0] =	vst.idx.msk $0xffff, v40  }
.Ltmp12:
0x50b: {  	[tilespmem:v35+s29+$0x0] =	vst.idx.msk $0xffff, v41;
	(pc) =	sbr.rel @p3 .LBB2_19-.Ltmp12, $4  }
0x50c: {  	[tilespmem:v57+s29+$0x0] =	vst.idx.msk $0xffff, v11  }
0x50d: {  	[tilespmem:v63+s29+$0x0] =	vst.idx.msk $0xffff, v58  }
0x50e: {  	[tilespmem:v36+s29+$0x0] =	vst.idx.msk $0xffff, v42  }
0x50f: {  	p2 =	por $0x0, $0x0;
	s6 =	simm.s32 $0x8;
	[tilespmem:v56+s29+$0x0] =	vst.idx.msk $0xffff, v55  }
0x510: {  	s6 =	sadd.s32 s19, s10  }
0x511: {  	[hbm4b:s6+s15] =	stream.strided.scatter [tilespmem:s29], [sflag:$0x7], $0x1000, s17, s15, $0x38;
	[tilespmem:$0x1E600] =	vst v63  }
0x512: {  	p2 =	por $0x1, $0x1;
	s6 =	simm.s32 $0x0  }
.LBB2_21:
0x513: {  	v59 =	vld [tilespmem:$0x1FE00];
	_ =	sdelay $0x1  }
0x514: {  	v9 =	vadd.s32 s6, v0;
	s7 =	sor.u32 $0x1, s6  }
0x515: {  	v10 =	vand.u32 $0xF, v9;
	v44 =	vadd.s32 s7, v0  }
0x516: {  	v11 =	vshll.u32 v10, $0x7;
	v34 =	vand.u32 $0xF, v44  }
0x517: {  	v4 =	vld [tilespmem:$0x1FBC0];
	v36 =	vshll.u32 v34, $0x7;
	v35 =	vor.u32 v59, v11  }
0x518: {  	v5 =	vld [tilespmem:$0x1FA80];
	v37 =	vor.u32 v59, v36;
	_ =	sdelay $0x2  }
0x519: {  	v6 =	vld [tilespmem:$0x1FBD0]  }
0x51a: {  	v38 =	vor.u32 v4, v10;
	v35 =	vld.idx.msk [tilespmem:v35+s26+$0x0], $0xffff  }
0x51b: {  	v39 =	vor.u32 v5, v11;
	v40 =	vor.u32 v4, v34;
	v37 =	vld.idx.msk [tilespmem:v37+s26+$0x0], $0xffff  }
0x51c: {  	v12 =	vld [tilespmem:$0x1FBE0];
	v41 =	vor.u32 v5, v36;
	_ =	sdelay $0x2  }
0x51d: {  	v13 =	vld [tilespmem:$0x1FA90];
	[tilespmem:v38+s29+$0x0] =	vst.idx.msk $0xffff, v35  }
0x51e: {  	v56 =	vor.u32 v6, v10;
	[tilespmem:v40+s29+$0x0] =	vst.idx.msk $0xffff, v37;
	v35 =	vld.idx.msk [tilespmem:v39+s26+$0x0], $0xffff  }
0x51f: {  	v57 =	vor.u32 v12, v11;
	v60 =	vor.u32 v6, v34;
	v58 =	vld.idx.msk [tilespmem:v41+s26+$0x0], $0xffff  }
0x520: {  	v14 =	vld [tilespmem:$0x1FBF0];
	v61 =	vor.u32 v12, v36;
	_ =	sdelay $0x2  }
0x521: {  	v15 =	vld [tilespmem:$0x1FAA0];
	[tilespmem:v56+s29+$0x0] =	vst.idx.msk $0xffff, v35  }
0x522: {  	v62 =	vor.u32 v13, v9;
	[tilespmem:v60+s29+$0x0] =	vst.idx.msk $0xffff, v58;
	v35 =	vld.idx.msk [tilespmem:v57+s26+$0x0], $0xffff  }
0x523: {  	v63 =	vor.u32 v14, v11;
	v7 =	vor.u32 v13, v44;
	v39 =	vld.idx.msk [tilespmem:v61+s26+$0x0], $0xffff  }
0x524: {  	v16 =	vld [tilespmem:$0x1FAB0];
	v8 =	vor.u32 v14, v36;
	_ =	sdelay $0x2  }
0x525: {  	v17 =	vld [tilespmem:$0x1FAC0];
	[tilespmem:v62+s29+$0x0] =	vst.idx.msk $0xffff, v35  }
0x526: {  	v20 =	vor.u32 v15, v9;
	[tilespmem:v7+s29+$0x0] =	vst.idx.msk $0xffff, v39;
	v35 =	vld.idx.msk [tilespmem:v63+s26+$0x0], $0xffff  }
0x527: {  	v21 =	vor.u32 v16, v11;
	v22 =	vor.u32 v15, v44;
	v39 =	vld.idx.msk [tilespmem:v8+s26+$0x0], $0xffff  }
0x528: {  	v18 =	vld [tilespmem:$0x1FAD0];
	v23 =	vor.u32 v16, v36;
	_ =	sdelay $0x2  }
0x529: {  	v19 =	vld [tilespmem:$0x1FAE0];
	[tilespmem:v20+s29+$0x0] =	vst.idx.msk $0xffff, v35  }
0x52a: {  	v24 =	vor.u32 v17, v10;
	[tilespmem:v22+s29+$0x0] =	vst.idx.msk $0xffff, v39;
	v35 =	vld.idx.msk [tilespmem:v21+s26+$0x0], $0xffff  }
0x52b: {  	v25 =	vor.u32 v18, v11;
	v26 =	vor.u32 v17, v34;
	v39 =	vld.idx.msk [tilespmem:v23+s26+$0x0], $0xffff  }
0x52c: {  	v27 =	vor.u32 v18, v36;
	v20 =	vld [tilespmem:$0x1FAF0];
	_ =	sdelay $0x2  }
0x52d: {  	v21 =	vld [tilespmem:$0x1FB00];
	[tilespmem:v24+s29+$0x0] =	vst.idx.msk $0xffff, v35  }
0x52e: {  	v28 =	vor.u32 v19, v10;
	[tilespmem:v26+s29+$0x0] =	vst.idx.msk $0xffff, v39;
	v35 =	vld.idx.msk [tilespmem:v25+s26+$0x0], $0xffff  }
0x52f: {  	v30 =	vor.u32 v19, v34;
	v29 =	vor.u32 v20, v11;
	v39 =	vld.idx.msk [tilespmem:v27+s26+$0x0], $0xffff  }
0x530: {  	v22 =	vld [tilespmem:$0x1FB10];
	v31 =	vor.u32 v20, v36;
	_ =	sdelay $0x2  }
0x531: {  	v23 =	vld [tilespmem:$0x1FB20];
	[tilespmem:v28+s29+$0x0] =	vst.idx.msk $0xffff, v35  }
0x532: {  	v45 =	vor.u32 v21, v9;
	[tilespmem:v30+s29+$0x0] =	vst.idx.msk $0xffff, v39;
	v35 =	vld.idx.msk [tilespmem:v29+s26+$0x0], $0xffff  }
0x533: {  	v46 =	vor.u32 v22, v11;
	v47 =	vor.u32 v21, v44;
	v39 =	vld.idx.msk [tilespmem:v31+s26+$0x0], $0xffff  }
0x534: {  	v48 =	vor.u32 v22, v36;
	v24 =	vld [tilespmem:$0x1FB30];
	_ =	sdelay $0x2  }
0x535: {  	v25 =	vld [tilespmem:$0x1FB40];
	[tilespmem:v45+s29+$0x0] =	vst.idx.msk $0xffff, v35  }
0x536: {  	v49 =	vor.u32 v23, v9;
	[tilespmem:v47+s29+$0x0] =	vst.idx.msk $0xffff, v39;
	v35 =	vld.idx.msk [tilespmem:v46+s26+$0x0], $0xffff  }
0x537: {  	v51 =	vor.u32 v23, v44;
	v50 =	vor.u32 v24, v11;
	v39 =	vld.idx.msk [tilespmem:v48+s26+$0x0], $0xffff  }
0x538: {  	v26 =	vld [tilespmem:$0x1FA70];
	v52 =	vor.u32 v24, v36;
	_ =	sdelay $0x2  }
0x539: {  	v27 =	vld [tilespmem:$0x1FB50];
	[tilespmem:v49+s29+$0x0] =	vst.idx.msk $0xffff, v35  }
0x53a: {  	v53 =	vor.u32 v25, v10;
	[tilespmem:v51+s29+$0x0] =	vst.idx.msk $0xffff, v39;
	v35 =	vld.idx.msk [tilespmem:v50+s26+$0x0], $0xffff  }
0x53b: {  	v54 =	vor.u32 v26, v11;
	v55 =	vor.u32 v25, v34;
	v39 =	vld.idx.msk [tilespmem:v52+s26+$0x0], $0xffff  }
0x53c: {  	v56 =	vor.u32 v26, v36;
	v28 =	vld [tilespmem:$0x1FA60];
	_ =	sdelay $0x2  }
0x53d: {  	v29 =	vld [tilespmem:$0x1FB60];
	[tilespmem:v53+s29+$0x0] =	vst.idx.msk $0xffff, v35  }
0x53e: {  	v57 =	vor.u32 v27, v10;
	[tilespmem:v55+s29+$0x0] =	vst.idx.msk $0xffff, v39;
	v35 =	vld.idx.msk [tilespmem:v54+s26+$0x0], $0xffff  }
0x53f: {  	v60 =	vor.u32 v27, v34;
	v58 =	vor.u32 v28, v11;
	v39 =	vld.idx.msk [tilespmem:v56+s26+$0x0], $0xffff  }
0x540: {  	v61 =	vor.u32 v28, v36  }
0x541: {  	v30 =	vld [tilespmem:$0x1FA50];
	_ =	sdelay $0x1  }
0x542: {  	[tilespmem:v57+s29+$0x0] =	vst.idx.msk $0xffff, v35  }
0x543: {  	v62 =	vor.u32 v29, v9;
	[tilespmem:v60+s29+$0x0] =	vst.idx.msk $0xffff, v39;
	v35 =	vld.idx.msk [tilespmem:v58+s26+$0x0], $0xffff  }
0x544: {  	v7 =	vor.u32 v29, v44;
	v39 =	vld.idx.msk [tilespmem:v61+s26+$0x0], $0xffff  }
0x545: {  	v32 =	vld [tilespmem:$0x1FB70];
	v63 =	vor.u32 v30, v11  }
0x546: {  	v33 =	vld [tilespmem:$0x1FB80];
	v8 =	vor.u32 v30, v36;
	_ =	sdelay $0x1  }
0x547: {  	[tilespmem:v62+s29+$0x0] =	vst.idx.msk $0xffff, v35  }
0x548: {  	[tilespmem:v7+s29+$0x0] =	vst.idx.msk $0xffff, v39;
	v7 =	vld [tilespmem:$0x1FA40]  }
0x549: {  	v45 =	vor.u32 v32, v9;
	v35 =	vld.idx.msk [tilespmem:v63+s26+$0x0], $0xffff  }
0x54a: {  	v47 =	vor.u32 v32, v44;
	v46 =	vor.u32 v33, v11;
	v39 =	vld.idx.msk [tilespmem:v8+s26+$0x0], $0xffff  }
0x54b: {  	v48 =	vor.u32 v33, v36;
	v8 =	vld [tilespmem:$0x1FB90];
	_ =	sdelay $0x2  }
0x54c: {  	v1 =	vld [tilespmem:$0x1FBA0];
	[tilespmem:v45+s29+$0x0] =	vst.idx.msk $0xffff, v35  }
0x54d: {  	v49 =	vor.u32 v7, v10;
	[tilespmem:v47+s29+$0x0] =	vst.idx.msk $0xffff, v39;
	v35 =	vld.idx.msk [tilespmem:v46+s26+$0x0], $0xffff  }
0x54e: {  	v51 =	vor.u32 v7, v34;
	v50 =	vor.u32 v8, v11;
	v39 =	vld.idx.msk [tilespmem:v48+s26+$0x0], $0xffff  }
0x54f: {  	v31 =	vld [tilespmem:$0x1FBB0];
	v52 =	vor.u32 v8, v36  }
0x550: {  	v2 =	vld [tilespmem:$0x1FA30]  }
0x551: {  	v3 =	vld [tilespmem:$0x1FA20]  }
0x552: {  	v56 =	vld [tilespmem:$0x1FA10];
	[tilespmem:v49+s29+$0x0] =	vst.idx.msk $0xffff, v35  }
0x553: {  	v10 =	vor.u32 v1, v10;
	[tilespmem:v51+s29+$0x0] =	vst.idx.msk $0xffff, v39;
	v35 =	vld.idx.msk [tilespmem:v50+s26+$0x0], $0xffff  }
0x554: {  	v53 =	vor.u32 v31, v11;
	v61 =	vor.u32 v1, v34;
	v60 =	vld.idx.msk [tilespmem:v52+s26+$0x0], $0xffff  }
0x555: {  	v62 =	vor.u32 v31, v36  }
0x556: {  	s7 =	sor.u32 $0x2, s6  }
0x557: {  	v43 =	vor.u32 v2, v9;
	v34 =	vadd.s32 s7, v0  }
0x558: {  	v9 =	vor.u32 v56, v9;
	v63 =	vor.u32 v2, v44;
	s7 =	sor.u32 $0x3, s6;
	v46 =	vand.u32 $0xF, v34;
	[tilespmem:v10+s29+$0x0] =	vst.idx.msk $0xffff, v35  }
0x559: {  	v11 =	vor.u32 v3, v11;
	v40 =	vshll.u32 v46, $0x7;
	[tilespmem:v61+s29+$0x0] =	vst.idx.msk $0xffff, v60;
	v35 =	vadd.s32 s7, v0;
	s7 =	sor.u32 $0x4, s6;
	v45 =	vld.idx.msk [tilespmem:v53+s26+$0x0], $0xffff  }
0x55a: {  	v52 =	vor.u32 v3, v36;
	v51 =	vld.idx.msk [tilespmem:v62+s26+$0x0], $0xffff;
	v47 =	vand.u32 $0xF, v35;
	v36 =	vadd.s32 s7, v0  }
0x55b: {  	v53 =	vor.u32 v59, v40;
	s7 =	sor.u32 $0x5, s6;
	v41 =	vshll.u32 v47, $0x7;
	v48 =	vand.u32 $0xF, v36  }
0x55c: {  	v37 =	vadd.s32 s7, v0;
	s7 =	sor.u32 $0x6, s6;
	v54 =	vor.u32 v59, v41;
	v42 =	vshll.u32 v48, $0x7  }
0x55d: {  	v49 =	vand.u32 $0xF, v37;
	v38 =	vadd.s32 s7, v0;
	s7 =	sor.u32 $0x7, s6;
	v55 =	vor.u32 v59, v42  }
0x55e: {  	v50 =	vand.u32 $0xF, v38;
	v39 =	vadd.s32 s7, v0;
	[tilespmem:v43+s29+$0x0] =	vst.idx.msk $0xffff, v45;
	v43 =	vshll.u32 v49, $0x7  }
0x55f: {  	[tilespmem:v63+s29+$0x0] =	vst.idx.msk $0xffff, v51;
	v45 =	vshll.u32 v50, $0x7;
	v51 =	vand.u32 $0xF, v39;
	v11 =	vld.idx.msk [tilespmem:v11+s26+$0x0], $0xffff;
	v10 =	vor.u32 v59, v43  }
0x560: {  	v56 =	vor.u32 v56, v44;
	v52 =	vld.idx.msk [tilespmem:v52+s26+$0x0], $0xffff;
	v57 =	vor.u32 v59, v45;
	v44 =	vshll.u32 v51, $0x7  }
0x561: {  	v58 =	vor.u32 v4, v46;
	v53 =	vld.idx.msk [tilespmem:v53+s26+$0x0], $0xffff;
	v59 =	vor.u32 v59, v44  }
0x562: {  	v60 =	vor.u32 v5, v40;
	v61 =	vor.u32 v4, v47;
	v54 =	vld.idx.msk [tilespmem:v54+s26+$0x0], $0xffff  }
0x563: {  	v62 =	vor.u32 v5, v41;
	v63 =	vor.u32 v4, v48;
	v55 =	vld.idx.msk [tilespmem:v55+s26+$0x0], $0xffff  }
0x564: {  	[tilespmem:v9+s29+$0x0] =	vst.idx.msk $0xffff, v11;
	v9 =	vor.u32 v5, v42;
	v10 =	vld.idx.msk [tilespmem:v10+s26+$0x0], $0xffff;
	v11 =	vor.u32 v4, v49  }
0x565: {  	[tilespmem:v56+s29+$0x0] =	vst.idx.msk $0xffff, v52;
	v52 =	vor.u32 v5, v43;
	v56 =	vld.idx.msk [tilespmem:v57+s26+$0x0], $0xffff;
	v57 =	vor.u32 v4, v50  }
0x566: {  	[tilespmem:v58+s29+$0x0] =	vst.idx.msk $0xffff, v53;
	v53 =	vor.u32 v5, v45;
	v58 =	vld.idx.msk [tilespmem:v59+s26+$0x0], $0xffff;
	v59 =	vor.u32 v4, v51  }
0x567: {  	v60 =	vld.idx.msk [tilespmem:v60+s26+$0x0], $0xffff;
	[tilespmem:v61+s29+$0x0] =	vst.idx.msk $0xffff, v54;
	v54 =	vor.u32 v6, v46;
	v61 =	vor.u32 v5, v44  }
0x568: {  	[tilespmem:v63+s29+$0x0] =	vst.idx.msk $0xffff, v55;
	v55 =	vor.u32 v12, v40;
	v62 =	vld.idx.msk [tilespmem:v62+s26+$0x0], $0xffff;
	v63 =	vor.u32 v6, v47  }
0x569: {  	v4 =	vor.u32 v6, v48;
	[tilespmem:v11+s29+$0x0] =	vst.idx.msk $0xffff, v10;
	v10 =	vor.u32 v12, v41;
	v9 =	vld.idx.msk [tilespmem:v9+s26+$0x0], $0xffff  }
0x56a: {  	v5 =	vor.u32 v6, v49;
	[tilespmem:v57+s29+$0x0] =	vst.idx.msk $0xffff, v56;
	v56 =	vor.u32 v12, v42;
	v52 =	vld.idx.msk [tilespmem:v52+s26+$0x0], $0xffff  }
0x56b: {  	[tilespmem:v59+s29+$0x0] =	vst.idx.msk $0xffff, v58;
	v58 =	vor.u32 v12, v43;
	v53 =	vld.idx.msk [tilespmem:v53+s26+$0x0], $0xffff;
	v59 =	vor.u32 v6, v50  }
0x56c: {  	[tilespmem:v54+s29+$0x0] =	vst.idx.msk $0xffff, v60;
	v54 =	vor.u32 v12, v45;
	v60 =	vld.idx.msk [tilespmem:v61+s26+$0x0], $0xffff;
	v61 =	vor.u32 v6, v51  }
0x56d: {  	v55 =	vld.idx.msk [tilespmem:v55+s26+$0x0], $0xffff;
	[tilespmem:v63+s29+$0x0] =	vst.idx.msk $0xffff, v62;
	v62 =	vor.u32 v13, v34;
	v63 =	vor.u32 v12, v44  }
0x56e: {  	[tilespmem:v4+s29+$0x0] =	vst.idx.msk $0xffff, v9;
	v9 =	vor.u32 v14, v40;
	v10 =	vld.idx.msk [tilespmem:v10+s26+$0x0], $0xffff;
	v4 =	vor.u32 v13, v35  }
0x56f: {  	v6 =	vor.u32 v13, v36;
	[tilespmem:v5+s29+$0x0] =	vst.idx.msk $0xffff, v52;
	v5 =	vor.u32 v14, v41;
	v56 =	vld.idx.msk [tilespmem:v56+s26+$0x0], $0xffff  }
0x570: {  	v12 =	vor.u32 v13, v37;
	[tilespmem:v59+s29+$0x0] =	vst.idx.msk $0xffff, v53;
	v53 =	vor.u32 v14, v42;
	v58 =	vld.idx.msk [tilespmem:v58+s26+$0x0], $0xffff  }
0x571: {  	[tilespmem:v61+s29+$0x0] =	vst.idx.msk $0xffff, v60;
	v60 =	vor.u32 v14, v43;
	v54 =	vld.idx.msk [tilespmem:v54+s26+$0x0], $0xffff;
	v61 =	vor.u32 v13, v38  }
0x572: {  	[tilespmem:v62+s29+$0x0] =	vst.idx.msk $0xffff, v55;
	v55 =	vor.u32 v14, v45;
	v62 =	vld.idx.msk [tilespmem:v63+s26+$0x0], $0xffff;
	v63 =	vor.u32 v13, v39  }
0x573: {  	v11 =	vor.u32 v14, v44;
	v9 =	vld.idx.msk [tilespmem:v9+s26+$0x0], $0xffff;
	[tilespmem:v4+s29+$0x0] =	vst.idx.msk $0xffff, v10;
	v10 =	vor.u32 v15, v34  }
0x574: {  	v4 =	vor.u32 v16, v40;
	[tilespmem:v6+s29+$0x0] =	vst.idx.msk $0xffff, v56;
	v52 =	vld.idx.msk [tilespmem:v5+s26+$0x0], $0xffff;
	v5 =	vor.u32 v15, v35  }
0x575: {  	v6 =	vor.u32 v16, v41;
	[tilespmem:v12+s29+$0x0] =	vst.idx.msk $0xffff, v58;
	v53 =	vld.idx.msk [tilespmem:v53+s26+$0x0], $0xffff;
	v12 =	vor.u32 v15, v36  }
0x576: {  	v13 =	vor.u32 v15, v37;
	[tilespmem:v61+s29+$0x0] =	vst.idx.msk $0xffff, v54;
	v54 =	vor.u32 v16, v42;
	v60 =	vld.idx.msk [tilespmem:v60+s26+$0x0], $0xffff  }
0x577: {  	v14 =	vor.u32 v15, v38;
	[tilespmem:v63+s29+$0x0] =	vst.idx.msk $0xffff, v62;
	v62 =	vor.u32 v16, v43;
	v55 =	vld.idx.msk [tilespmem:v55+s26+$0x0], $0xffff  }
0x578: {  	[tilespmem:v10+s29+$0x0] =	vst.idx.msk $0xffff, v9;
	v9 =	vor.u32 v16, v45;
	v10 =	vld.idx.msk [tilespmem:v11+s26+$0x0], $0xffff;
	v11 =	vor.u32 v15, v39  }
0x579: {  	v56 =	vld.idx.msk [tilespmem:v4+s26+$0x0], $0xffff;
	[tilespmem:v5+s29+$0x0] =	vst.idx.msk $0xffff, v52;
	v52 =	vor.u32 v17, v46;
	v4 =	vor.u32 v16, v44  }
0x57a: {  	v5 =	vor.u32 v18, v40;
	[tilespmem:v12+s29+$0x0] =	vst.idx.msk $0xffff, v53;
	v58 =	vld.idx.msk [tilespmem:v6+s26+$0x0], $0xffff;
	v6 =	vor.u32 v17, v47  }
0x57b: {  	v12 =	vor.u32 v18, v41;
	[tilespmem:v13+s29+$0x0] =	vst.idx.msk $0xffff, v60;
	v54 =	vld.idx.msk [tilespmem:v54+s26+$0x0], $0xffff;
	v13 =	vor.u32 v17, v48  }
0x57c: {  	v15 =	vor.u32 v17, v49;
	[tilespmem:v14+s29+$0x0] =	vst.idx.msk $0xffff, v55;
	v14 =	vor.u32 v18, v42;
	v62 =	vld.idx.msk [tilespmem:v62+s26+$0x0], $0xffff  }
0x57d: {  	v16 =	vor.u32 v17, v50;
	[tilespmem:v11+s29+$0x0] =	vst.idx.msk $0xffff, v10;
	v10 =	vor.u32 v18, v43;
	v9 =	vld.idx.msk [tilespmem:v9+s26+$0x0], $0xffff  }
0x57e: {  	v17 =	vor.u32 v17, v51;
	[tilespmem:v52+s29+$0x0] =	vst.idx.msk $0xffff, v56;
	v52 =	vor.u32 v18, v45;
	v56 =	vld.idx.msk [tilespmem:v4+s26+$0x0], $0xffff  }
0x57f: {  	v4 =	vor.u32 v19, v46;
	v53 =	vld.idx.msk [tilespmem:v5+s26+$0x0], $0xffff;
	[tilespmem:v6+s29+$0x0] =	vst.idx.msk $0xffff, v58;
	v5 =	vor.u32 v18, v44  }
0x580: {  	v6 =	vor.u32 v20, v40;
	[tilespmem:v13+s29+$0x0] =	vst.idx.msk $0xffff, v54;
	v60 =	vld.idx.msk [tilespmem:v12+s26+$0x0], $0xffff;
	v12 =	vor.u32 v19, v47  }
0x581: {  	v13 =	vor.u32 v20, v41;
	[tilespmem:v15+s29+$0x0] =	vst.idx.msk $0xffff, v62;
	v55 =	vld.idx.msk [tilespmem:v14+s26+$0x0], $0xffff;
	v14 =	vor.u32 v19, v48  }
0x582: {  	v15 =	vor.u32 v20, v42;
	[tilespmem:v16+s29+$0x0] =	vst.idx.msk $0xffff, v9;
	v10 =	vld.idx.msk [tilespmem:v10+s26+$0x0], $0xffff;
	v16 =	vor.u32 v19, v49  }
0x583: {  	[tilespmem:v17+s29+$0x0] =	vst.idx.msk $0xffff, v56;
	v56 =	vor.u32 v20, v43;
	v52 =	vld.idx.msk [tilespmem:v52+s26+$0x0], $0xffff;
	v17 =	vor.u32 v19, v50  }
0x584: {  	[tilespmem:v4+s29+$0x0] =	vst.idx.msk $0xffff, v53;
	v53 =	vor.u32 v20, v45;
	v18 =	vld.idx.msk [tilespmem:v5+s26+$0x0], $0xffff;
	v4 =	vor.u32 v19, v51  }
0x585: {  	v5 =	vor.u32 v21, v34;
	v54 =	vld.idx.msk [tilespmem:v6+s26+$0x0], $0xffff;
	[tilespmem:v12+s29+$0x0] =	vst.idx.msk $0xffff, v60;
	v6 =	vor.u32 v20, v44  }
0x586: {  	v19 =	vor.u32 v21, v38;
	[tilespmem:v14+s29+$0x0] =	vst.idx.msk $0xffff, v55;
	v62 =	vld.idx.msk [tilespmem:v13+s26+$0x0], $0xffff;
	v13 =	vor.u32 v21, v35  }
0x587: {  	v12 =	vor.u32 v22, v40;
	[tilespmem:v16+s29+$0x0] =	vst.idx.msk $0xffff, v10;
	v9 =	vld.idx.msk [tilespmem:v15+s26+$0x0], $0xffff;
	v15 =	vor.u32 v21, v36  }
0x588: {  	v14 =	vor.u32 v22, v41;
	[tilespmem:v17+s29+$0x0] =	vst.idx.msk $0xffff, v52;
	v56 =	vld.idx.msk [tilespmem:v56+s26+$0x0], $0xffff;
	v17 =	vor.u32 v21, v37  }
0x589: {  	v20 =	vor.u32 v22, v45;
	v16 =	vor.u32 v22, v42;
	[tilespmem:v4+s29+$0x0] =	vst.idx.msk $0xffff, v18;
	v53 =	vld.idx.msk [tilespmem:v53+s26+$0x0], $0xffff  }
0x58a: {  	v18 =	vor.u32 v22, v43;
	[tilespmem:v5+s29+$0x0] =	vst.idx.msk $0xffff, v54;
	v4 =	vld.idx.msk [tilespmem:v6+s26+$0x0], $0xffff;
	v5 =	vor.u32 v21, v39  }
0x58b: {  	v6 =	vor.u32 v23, v34;
	v21 =	vor.u32 v24, v45;
	[tilespmem:v13+s29+$0x0] =	vst.idx.msk $0xffff, v62  }
0x58c: {  	v55 =	vld.idx.msk [tilespmem:v12+s26+$0x0], $0xffff;
	v12 =	vor.u32 v22, v44;
	v13 =	vor.u32 v24, v40;
	[tilespmem:v15+s29+$0x0] =	vst.idx.msk $0xffff, v9  }
0x58d: {  	v10 =	vld.idx.msk [tilespmem:v14+s26+$0x0], $0xffff;
	v14 =	vor.u32 v23, v35;
	v15 =	vor.u32 v24, v41;
	[tilespmem:v17+s29+$0x0] =	vst.idx.msk $0xffff, v56  }
0x58e: {  	v52 =	vld.idx.msk [tilespmem:v16+s26+$0x0], $0xffff;
	v16 =	vor.u32 v23, v36;
	v17 =	vor.u32 v24, v42;
	[tilespmem:v19+s29+$0x0] =	vst.idx.msk $0xffff, v53  }
0x58f: {  	v58 =	vld.idx.msk [tilespmem:v18+s26+$0x0], $0xffff;
	v18 =	vor.u32 v23, v37;
	v19 =	vor.u32 v24, v43;
	[tilespmem:v5+s29+$0x0] =	vst.idx.msk $0xffff, v4  }
0x590: {  	v54 =	vld.idx.msk [tilespmem:v20+s26+$0x0], $0xffff;
	v20 =	vor.u32 v23, v38;
	v4 =	vor.u32 v23, v39;
	v5 =	vor.u32 v25, v46  }
0x591: {  	v23 =	vor.u32 v27, v46;
	[tilespmem:v6+s29+$0x0] =	vst.idx.msk $0xffff, v55;
	v22 =	vld.idx.msk [tilespmem:v12+s26+$0x0], $0xffff;
	v6 =	vor.u32 v24, v44  }
0x592: {  	v12 =	vor.u32 v26, v40;
	v24 =	vor.u32 v26, v44;
	v9 =	vld.idx.msk [tilespmem:v13+s26+$0x0], $0xffff;
	[tilespmem:v14+s29+$0x0] =	vst.idx.msk $0xffff, v10  }
0x593: {  	v13 =	vor.u32 v25, v47;
	v14 =	vor.u32 v26, v41;
	[tilespmem:v16+s29+$0x0] =	vst.idx.msk $0xffff, v52;
	v56 =	vld.idx.msk [tilespmem:v15+s26+$0x0], $0xffff  }
0x594: {  	v15 =	vor.u32 v25, v48;
	v16 =	vor.u32 v26, v42;
	[tilespmem:v18+s29+$0x0] =	vst.idx.msk $0xffff, v58;
	v53 =	vld.idx.msk [tilespmem:v17+s26+$0x0], $0xffff  }
0x595: {  	v17 =	vor.u32 v25, v49;
	v18 =	vor.u32 v26, v43;
	[tilespmem:v20+s29+$0x0] =	vst.idx.msk $0xffff, v54;
	v60 =	vld.idx.msk [tilespmem:v19+s26+$0x0], $0xffff  }
0x596: {  	v19 =	vor.u32 v25, v50;
	v20 =	vor.u32 v26, v45;
	[tilespmem:v4+s29+$0x0] =	vst.idx.msk $0xffff, v22;
	v55 =	vld.idx.msk [tilespmem:v21+s26+$0x0], $0xffff  }
0x597: {  	v26 =	vor.u32 v27, v47;
	v22 =	vor.u32 v25, v51;
	[tilespmem:v5+s29+$0x0] =	vst.idx.msk $0xffff, v9;
	v21 =	vld.idx.msk [tilespmem:v6+s26+$0x0], $0xffff  }
0x598: {  	v25 =	vor.u32 v28, v40;
	v4 =	vor.u32 v28, v41;
	v52 =	vld.idx.msk [tilespmem:v12+s26+$0x0], $0xffff;
	[tilespmem:v13+s29+$0x0] =	vst.idx.msk $0xffff, v56  }
0x599: {  	v5 =	vor.u32 v27, v48;
	v6 =	vor.u32 v28, v42;
	[tilespmem:v15+s29+$0x0] =	vst.idx.msk $0xffff, v53;
	v58 =	vld.idx.msk [tilespmem:v14+s26+$0x0], $0xffff  }
0x59a: {  	v12 =	vor.u32 v27, v49;
	v13 =	vor.u32 v28, v43;
	[tilespmem:v17+s29+$0x0] =	vst.idx.msk $0xffff, v60;
	v54 =	vld.idx.msk [tilespmem:v16+s26+$0x0], $0xffff  }
0x59b: {  	v14 =	vor.u32 v27, v50;
	v15 =	vor.u32 v28, v45;
	[tilespmem:v19+s29+$0x0] =	vst.idx.msk $0xffff, v55;
	v62 =	vld.idx.msk [tilespmem:v18+s26+$0x0], $0xffff  }
0x59c: {  	v17 =	vor.u32 v27, v51;
	v27 =	vor.u32 v29, v38;
	[tilespmem:v22+s29+$0x0] =	vst.idx.msk $0xffff, v21;
	v9 =	vld.idx.msk [tilespmem:v20+s26+$0x0], $0xffff  }
0x59d: {  	v18 =	vor.u32 v29, v34;
	v19 =	vor.u32 v28, v44;
	[tilespmem:v23+s29+$0x0] =	vst.idx.msk $0xffff, v52;
	v16 =	vld.idx.msk [tilespmem:v24+s26+$0x0], $0xffff  }
0x59e: {  	v28 =	vor.u32 v30, v45;
	v20 =	vor.u32 v30, v40;
	v53 =	vld.idx.msk [tilespmem:v25+s26+$0x0], $0xffff;
	[tilespmem:v26+s29+$0x0] =	vst.idx.msk $0xffff, v58  }
0x59f: {  	v21 =	vor.u32 v29, v35;
	v22 =	vor.u32 v30, v41;
	[tilespmem:v5+s29+$0x0] =	vst.idx.msk $0xffff, v54;
	v60 =	vld.idx.msk [tilespmem:v4+s26+$0x0], $0xffff  }
0x5a0: {  	v23 =	vor.u32 v29, v36;
	v24 =	vor.u32 v30, v42;
	[tilespmem:v12+s29+$0x0] =	vst.idx.msk $0xffff, v62;
	v55 =	vld.idx.msk [tilespmem:v6+s26+$0x0], $0xffff  }
0x5a1: {  	v25 =	vor.u32 v29, v37;
	v26 =	vor.u32 v30, v43;
	[tilespmem:v14+s29+$0x0] =	vst.idx.msk $0xffff, v9;
	v10 =	vld.idx.msk [tilespmem:v13+s26+$0x0], $0xffff  }
0x5a2: {  	v5 =	vor.u32 v29, v39;
	v29 =	vor.u32 v7, v48;
	[tilespmem:v17+s29+$0x0] =	vst.idx.msk $0xffff, v16;
	v52 =	vld.idx.msk [tilespmem:v15+s26+$0x0], $0xffff  }
0x5a3: {  	v48 =	vor.u32 v1, v48;
	v6 =	vor.u32 v32, v34;
	[tilespmem:v18+s29+$0x0] =	vst.idx.msk $0xffff, v53;
	v4 =	vld.idx.msk [tilespmem:v19+s26+$0x0], $0xffff  }
0x5a4: {  	v12 =	vor.u32 v30, v44;
	v30 =	vor.u32 v8, v42;
	v54 =	vld.idx.msk [tilespmem:v20+s26+$0x0], $0xffff;
	[tilespmem:v21+s29+$0x0] =	vst.idx.msk $0xffff, v60  }
0x5a5: {  	v13 =	vor.u32 v33, v40;
	v14 =	vor.u32 v32, v35;
	[tilespmem:v23+s29+$0x0] =	vst.idx.msk $0xffff, v55;
	v62 =	vld.idx.msk [tilespmem:v22+s26+$0x0], $0xffff  }
0x5a6: {  	v15 =	vor.u32 v33, v41;
	v16 =	vor.u32 v32, v36;
	[tilespmem:v25+s29+$0x0] =	vst.idx.msk $0xffff, v10;
	v9 =	vld.idx.msk [tilespmem:v24+s26+$0x0], $0xffff  }
0x5a7: {  	v17 =	vor.u32 v33, v42;
	v18 =	vor.u32 v32, v37;
	[tilespmem:v27+s29+$0x0] =	vst.idx.msk $0xffff, v52;
	v56 =	vld.idx.msk [tilespmem:v26+s26+$0x0], $0xffff  }
0x5a8: {  	v19 =	vor.u32 v33, v43;
	v20 =	vor.u32 v32, v38;
	[tilespmem:v5+s29+$0x0] =	vst.idx.msk $0xffff, v4;
	v53 =	vld.idx.msk [tilespmem:v28+s26+$0x0], $0xffff  }
0x5a9: {  	v21 =	vor.u32 v33, v45;
	v23 =	vor.u32 v32, v39;
	[tilespmem:v6+s29+$0x0] =	vst.idx.msk $0xffff, v54;
	v22 =	vld.idx.msk [tilespmem:v12+s26+$0x0], $0xffff  }
0x5aa: {  	v32 =	vor.u32 v7, v49;
	v49 =	vor.u32 v1, v49;
	v55 =	vld.idx.msk [tilespmem:v13+s26+$0x0], $0xffff;
	[tilespmem:v14+s29+$0x0] =	vst.idx.msk $0xffff, v62  }
0x5ab: {  	v24 =	vor.u32 v7, v46;
	v25 =	vor.u32 v33, v44;
	[tilespmem:v16+s29+$0x0] =	vst.idx.msk $0xffff, v9;
	v10 =	vld.idx.msk [tilespmem:v15+s26+$0x0], $0xffff  }
0x5ac: {  	v26 =	vor.u32 v8, v40;
	v27 =	vor.u32 v7, v47;
	[tilespmem:v18+s29+$0x0] =	vst.idx.msk $0xffff, v56;
	v52 =	vld.idx.msk [tilespmem:v17+s26+$0x0], $0xffff  }
0x5ad: {  	v33 =	vor.u32 v8, v43;
	v28 =	vor.u32 v8, v41;
	[tilespmem:v20+s29+$0x0] =	vst.idx.msk $0xffff, v53;
	v58 =	vld.idx.msk [tilespmem:v19+s26+$0x0], $0xffff  }
0x5ae: {  	v47 =	vor.u32 v1, v47;
	v4 =	vor.u32 v7, v50;
	v50 =	vor.u32 v1, v50;
	v54 =	vld.idx.msk [tilespmem:v21+s26+$0x0], $0xffff  }
0x5af: {  	v12 =	vor.u32 v1, v46;
	[tilespmem:v23+s29+$0x0] =	vst.idx.msk $0xffff, v22;
	v22 =	vor.u32 v1, v51;
	v1 =	vld [tilespmem:$0x1FA10]  }
0x5b0: {  	v5 =	vor.u32 v8, v45;
	v7 =	vor.u32 v7, v51;
	[tilespmem:v24+s29+$0x0] =	vst.idx.msk $0xffff, v55;
	v6 =	vld.idx.msk [tilespmem:v25+s26+$0x0], $0xffff  }
0x5b1: {  	v13 =	vor.u32 v8, v44;
	[tilespmem:v27+s29+$0x0] =	vst.idx.msk $0xffff, v10;
	v9 =	vld.idx.msk [tilespmem:v26+s26+$0x0], $0xffff  }
0x5b2: {  	v14 =	vor.u32 v31, v40;
	[tilespmem:v29+s29+$0x0] =	vst.idx.msk $0xffff, v52;
	v15 =	vld.idx.msk [tilespmem:v28+s26+$0x0], $0xffff  }
0x5b3: {  	v16 =	vor.u32 v31, v41;
	[tilespmem:v32+s29+$0x0] =	vst.idx.msk $0xffff, v58;
	v53 =	vld.idx.msk [tilespmem:v30+s26+$0x0], $0xffff  }
0x5b4: {  	v17 =	vor.u32 v31, v42;
	[tilespmem:v4+s29+$0x0] =	vst.idx.msk $0xffff, v54;
	v18 =	vld.idx.msk [tilespmem:v33+s26+$0x0], $0xffff  }
0x5b5: {  	v19 =	vor.u32 v31, v43;
	[tilespmem:v7+s29+$0x0] =	vst.idx.msk $0xffff, v6;
	v55 =	vld.idx.msk [tilespmem:v5+s26+$0x0], $0xffff  }
0x5b6: {  	v20 =	vor.u32 v31, v45;
	[tilespmem:v12+s29+$0x0] =	vst.idx.msk $0xffff, v9;
	v21 =	vld.idx.msk [tilespmem:v13+s26+$0x0], $0xffff  }
0x5b7: {  	v23 =	vor.u32 v2, v34;
	v24 =	vor.u32 v31, v44;
	v46 =	vld.idx.msk [tilespmem:v14+s26+$0x0], $0xffff;
	[tilespmem:v47+s29+$0x0] =	vst.idx.msk $0xffff, v15  }
0x5b8: {  	v40 =	vor.u32 v3, v40;
	v26 =	vor.u32 v2, v35;
	[tilespmem:v48+s29+$0x0] =	vst.idx.msk $0xffff, v53;
	v25 =	vld.idx.msk [tilespmem:v16+s26+$0x0], $0xffff  }
0x5b9: {  	v41 =	vor.u32 v3, v41;
	v28 =	vor.u32 v2, v36;
	[tilespmem:v49+s29+$0x0] =	vst.idx.msk $0xffff, v18;
	v27 =	vld.idx.msk [tilespmem:v17+s26+$0x0], $0xffff  }
0x5ba: {  	v42 =	vor.u32 v3, v42;
	v30 =	vor.u32 v2, v37;
	[tilespmem:v50+s29+$0x0] =	vst.idx.msk $0xffff, v55;
	v29 =	vld.idx.msk [tilespmem:v19+s26+$0x0], $0xffff  }
0x5bb: {  	v31 =	vor.u32 v3, v43;
	v55 =	vor.u32 v2, v38;
	[tilespmem:v22+s29+$0x0] =	vst.idx.msk $0xffff, v21;
	v9 =	vld.idx.msk [tilespmem:v20+s26+$0x0], $0xffff  }
0x5bc: {  	v56 =	vor.u32 v3, v45;
	v58 =	vor.u32 v2, v39;
	[tilespmem:v23+s29+$0x0] =	vst.idx.msk $0xffff, v46;
	v57 =	vld.idx.msk [tilespmem:v24+s26+$0x0], $0xffff  }
0x5bd: {  	v44 =	vor.u32 v3, v44;
	v34 =	vor.u32 v1, v34;
	[tilespmem:v26+s29+$0x0] =	vst.idx.msk $0xffff, v25;
	v40 =	vld.idx.msk [tilespmem:v40+s26+$0x0], $0xffff  }
0x5be: {  	v35 =	vor.u32 v1, v35;
	[tilespmem:v28+s29+$0x0] =	vst.idx.msk $0xffff, v27;
	v41 =	vld.idx.msk [tilespmem:v41+s26+$0x0], $0xffff  }
0x5bf: {  	v36 =	vor.u32 v1, v36;
	[tilespmem:v30+s29+$0x0] =	vst.idx.msk $0xffff, v29;
	v42 =	vld.idx.msk [tilespmem:v42+s26+$0x0], $0xffff  }
0x5c0: {  	v60 =	vor.u32 v1, v37;
	[tilespmem:v55+s29+$0x0] =	vst.idx.msk $0xffff, v9;
	v59 =	vld.idx.msk [tilespmem:v31+s26+$0x0], $0xffff  }
0x5c1: {  	v61 =	vor.u32 v1, v38;
	[tilespmem:v58+s29+$0x0] =	vst.idx.msk $0xffff, v57;
	v11 =	vld.idx.msk [tilespmem:v56+s26+$0x0], $0xffff  }
0x5c2: {  	p3 =	por p2, p2;
	v63 =	vor.u32 v1, v39;
	[tilespmem:v34+s29+$0x0] =	vst.idx.msk $0xffff, v40;
	v62 =	vld.idx.msk [tilespmem:v44+s26+$0x0], $0xffff  }
.Ltmp13:
0x5c3: {  	[tilespmem:v35+s29+$0x0] =	vst.idx.msk $0xffff, v41;
	(pc) =	sbr.rel @p3 .LBB2_21-.Ltmp13, $4  }
0x5c4: {  	[tilespmem:v36+s29+$0x0] =	vst.idx.msk $0xffff, v42  }
0x5c5: {  	[tilespmem:v60+s29+$0x0] =	vst.idx.msk $0xffff, v59  }
0x5c6: {  	[tilespmem:v61+s29+$0x0] =	vst.idx.msk $0xffff, v11  }
0x5c7: {  	p2 =	por $0x0, $0x0;
	s6 =	simm.s32 $0x8;
	[tilespmem:v63+s29+$0x0] =	vst.idx.msk $0xffff, v62  }
.Ltmp14:
0x5c8: {  	(pc) =	sbr.rel @p1 .LBB2_24-.Ltmp14, $3  }
0x5c9: {  	_ =	sdelay $0x1  }
0x5ca: {  	s6 =	sadd.s32 s19, s11;
	s7 =	simm.s32 $0x1B600  }
0x5cb: {  	[hbm4b:s6+s15] =	stream.strided.scatter [tilespmem:s7], [sflag:$0x7], $0x1000, s17, s15, $0x38;
	[tilespmem:$0x1E600] =	vst v63  }
0x5cc: {  	_ =	swait.ge [sflag:s30], $0x4000  }
.Ltmp15:
0x5cd: {  	v59 =	vld [tilespmem:$0x1FFA0];
	(pc) =	sbr.rel .LBB2_25-.Ltmp15, $4  }
0x5ce: {  	v61 =	vld [tilespmem:$0x1FFB0]  }
0x5cf: {  	v60 =	vld [tilespmem:$0x1FFC0]  }
0x5d0: {  	[sflag:s30] =	ssyncset.done $0x0;
	v62 =	vld [tilespmem:$0x1FFD0]  }
0x5d1: {  	v1 =	vld [tilespmem:$0x1FFF0];
	[sflag:s30] =	ssyncadd.s32 $0xFFFFC000  }
.LBB2_24:
0x5d2: {  	v9 =	vld [tilespmem:$0x1FDE0];
	_ =	sdelay $0x3  }
0x5d3: {  	s6 =	sadd.s32 $0x6, s3  }
0x5d4: {  	v9 =	vadd.s32 s6, v9  }
0x5d5: {  	v10 =	vld [tilespmem:$0x1FC00];
	_ =	sdelay $0x3  }
0x5d6: {  	v9 =	vld.idx.msk [tilespmem:v9+s4+$0x0], $0xffff  }
0x5d7: {  	v10 =	vadd.s32 s6, v10  }
0x5d8: {  	v58 =	vld [tilespmem:$0x1FC10];
	_ =	sdelay $0x2  }
0x5d9: {  	[tilespmem:$0x6500] =	vst v9  }
0x5da: {  	v9 =	vld.idx.msk [tilespmem:v10+s4+$0x0], $0xffff  }
0x5db: {  	v10 =	vadd.s32 s6, v58  }
0x5dc: {  	v59 =	vld [tilespmem:$0x1FC20];
	_ =	sdelay $0x2  }
0x5dd: {  	[tilespmem:$0x6510] =	vst v9  }
0x5de: {  	v9 =	vld.idx.msk [tilespmem:v10+s4+$0x0], $0xffff  }
0x5df: {  	v10 =	vadd.s32 s6, v59;
	_ =	sdelay $0x1  }
0x5e0: {  	v60 =	vld [tilespmem:$0x1FC30];
	_ =	sdelay $0x1  }
0x5e1: {  	[tilespmem:$0x6520] =	vst v9  }
0x5e2: {  	v9 =	vld.idx.msk [tilespmem:v10+s4+$0x0], $0xffff;
	_ =	sdelay $0x1  }
0x5e3: {  	v10 =	vadd.s32 s6, v60  }
0x5e4: {  	v61 =	vld [tilespmem:$0x1FC40];
	_ =	sdelay $0x1  }
0x5e5: {  	s7 =	simm.s32 $0x6500;
	[tilespmem:$0x6530] =	vst v9  }
0x5e6: {  	[tilespmem:s26], [sflag:$0x3] =	stream.indirect.gather [hbm4b:s1+s16], $0x80, s7, s16, $0xb8;
	[tilespmem:$0x1E600] =	vst v63  }
0x5e7: {  	v9 =	vld.idx.msk [tilespmem:v10+s4+$0x0], $0xffff  }
0x5e8: {  	v10 =	vadd.s32 s6, v61  }
0x5e9: {  	v62 =	vld [tilespmem:$0x1FC50];
	_ =	sdelay $0x2  }
0x5ea: {  	[tilespmem:$0x6540] =	vst v9  }
0x5eb: {  	v9 =	vld.idx.msk [tilespmem:v10+s4+$0x0], $0xffff  }
0x5ec: {  	v10 =	vadd.s32 s6, v62  }
0x5ed: {  	v63 =	vld [tilespmem:$0x1FC60];
	_ =	sdelay $0x2  }
0x5ee: {  	[tilespmem:$0x6550] =	vst v9  }
0x5ef: {  	v9 =	vld.idx.msk [tilespmem:v10+s4+$0x0], $0xffff  }
0x5f0: {  	v10 =	vadd.s32 s6, v63;
	_ =	sdelay $0x3  }
0x5f1: {  	[tilespmem:$0x6560] =	vst v9  }
0x5f2: {  	v9 =	vld.idx.msk [tilespmem:v10+s4+$0x0], $0xffff;
	_ =	sdelay $0x4  }
0x5f3: {  	s7 =	simm.s32 $0x10600;
	s6 =	simm.s32 $0x6540;
	[tilespmem:$0x6570] =	vst v9  }
0x5f4: {  	[tilespmem:s7], [sflag:$0x3] =	stream.indirect.gather [hbm4b:s1+s16], $0x80, s6, s16, $0xb8;
	[tilespmem:$0x1E600] =	vst v63  }
0x5f5: {  	_ =	swait.ge [sflag:s30], $0x4000  }
.Ltmp16:
0x5f6: {  	v59 =	vld [tilespmem:$0x1FFA0];
	(pc) =	sbr.rel @p0 .LBB2_26-.Ltmp16, $4  }
0x5f7: {  	v61 =	vld [tilespmem:$0x1FFB0]  }
0x5f8: {  	v60 =	vld [tilespmem:$0x1FFC0]  }
0x5f9: {  	[sflag:s30] =	ssyncset.done $0x0;
	v62 =	vld [tilespmem:$0x1FFD0]  }
0x5fa: {  	v1 =	vld [tilespmem:$0x1FFF0];
	[sflag:s30] =	ssyncadd.s32 $0xFFFFC000  }
.LBB2_25:
0x5fb: {  	_ =	swait.ge [sflag:s2], $0x2000  }
0x5fc: {  	[sflag:s2] =	ssyncset.done $0x0  }
0x5fd: {  	[sflag:s2] =	ssyncadd.s32 $0xFFFFE000  }
.LBB2_26:
0x5fe: {  	v12 =	vld [tilespmem:$0x1FE10]  }
0x5ff: {  	v13 =	vld [tilespmem:$0x1FE20]  }
0x600: {  	v14 =	vld [tilespmem:$0x1FE30]  }
0x601: {  	v15 =	vld [tilespmem:$0x1FE40]  }
0x602: {  	v16 =	vld [tilespmem:$0x1FE50]  }
0x603: {  	v17 =	vld [tilespmem:$0x1FE60]  }
0x604: {  	v18 =	vld [tilespmem:$0x1FE70]  }
0x605: {  	v19 =	vld [tilespmem:$0x1FE80]  }
0x606: {  	v20 =	vld [tilespmem:$0x1FE90]  }
0x607: {  	v21 =	vld [tilespmem:$0x1FEA0]  }
0x608: {  	v22 =	vld [tilespmem:$0x1FEB0]  }
0x609: {  	v23 =	vld [tilespmem:$0x1FEC0]  }
0x60a: {  	v24 =	vld [tilespmem:$0x1FED0]  }
0x60b: {  	v25 =	vld [tilespmem:$0x1FEE0]  }
0x60c: {  	v26 =	vld [tilespmem:$0x1FEF0]  }
0x60d: {  	v27 =	vld [tilespmem:$0x1FF00]  }
0x60e: {  	v28 =	vld [tilespmem:$0x1FF10]  }
0x60f: {  	v29 =	vld [tilespmem:$0x1FF20]  }
0x610: {  	v30 =	vld [tilespmem:$0x1FF30]  }
0x611: {  	v32 =	vld [tilespmem:$0x1FF40]  }
0x612: {  	v33 =	vld [tilespmem:$0x1FF50]  }
0x613: {  	v2 =	vld [tilespmem:$0x1FF60]  }
0x614: {  	v3 =	vld [tilespmem:$0x1FF70]  }
0x615: {  	v4 =	vld [tilespmem:$0x1FF80]  }
0x616: {  	v5 =	vld [tilespmem:$0x1FF90]  }
0x617: {  	s6 =	simm.s32 $0x0;
	p0 =	por $0x1, $0x1;
	v6 =	vld [tilespmem:$0x1FFE0]  }
.LBB2_27:
0x618: {  	v9 =	vadd.s32 s6, v0;
	s7 =	sor.u32 $0x1, s6  }
0x619: {  	v10 =	vand.u32 $0xF, v9;
	v44 =	vadd.s32 s7, v0  }
0x61a: {  	v11 =	vshll.u32 v10, $0x7;
	v34 =	vand.u32 $0xF, v44  }
0x61b: {  	v35 =	vor.u32 v0, v11;
	v36 =	vshll.u32 v34, $0x7  }
0x61c: {  	v37 =	vor.u32 v0, v36;
	_ =	sdelay $0x3  }
0x61d: {  	v38 =	vor.u32 v1, v10;
	v35 =	vld.idx.msk [tilespmem:v35+s31+$0x0], $0xffff  }
0x61e: {  	v39 =	vor.u32 v12, v11;
	v40 =	vor.u32 v1, v34;
	v37 =	vld.idx.msk [tilespmem:v37+s31+$0x0], $0xffff  }
0x61f: {  	v41 =	vor.u32 v12, v36;
	_ =	sdelay $0x2  }
0x620: {  	[tilespmem:v38+s0+$0x0] =	vst.idx.msk $0xffff, v35  }
0x621: {  	v53 =	vor.u32 v13, v10;
	v35 =	vld.idx.msk [tilespmem:v39+s31+$0x0], $0xffff;
	[tilespmem:v40+s0+$0x0] =	vst.idx.msk $0xffff, v37  }
0x622: {  	v54 =	vor.u32 v14, v11;
	v56 =	vor.u32 v13, v34;
	v55 =	vld.idx.msk [tilespmem:v41+s31+$0x0], $0xffff  }
0x623: {  	v57 =	vor.u32 v14, v36;
	_ =	sdelay $0x2  }
0x624: {  	[tilespmem:v53+s0+$0x0] =	vst.idx.msk $0xffff, v35  }
0x625: {  	v58 =	vor.u32 v15, v9;
	v35 =	vld.idx.msk [tilespmem:v54+s31+$0x0], $0xffff;
	[tilespmem:v56+s0+$0x0] =	vst.idx.msk $0xffff, v55  }
0x626: {  	v45 =	vor.u32 v15, v44;
	v63 =	vor.u32 v16, v11;
	v39 =	vld.idx.msk [tilespmem:v57+s31+$0x0], $0xffff  }
0x627: {  	v46 =	vor.u32 v16, v36;
	_ =	sdelay $0x2  }
0x628: {  	[tilespmem:v58+s0+$0x0] =	vst.idx.msk $0xffff, v35  }
0x629: {  	v47 =	vor.u32 v17, v9;
	v35 =	vld.idx.msk [tilespmem:v63+s31+$0x0], $0xffff;
	[tilespmem:v45+s0+$0x0] =	vst.idx.msk $0xffff, v39  }
0x62a: {  	v49 =	vor.u32 v17, v44;
	v48 =	vor.u32 v18, v11;
	v39 =	vld.idx.msk [tilespmem:v46+s31+$0x0], $0xffff  }
0x62b: {  	v50 =	vor.u32 v18, v36;
	_ =	sdelay $0x2  }
0x62c: {  	[tilespmem:v47+s0+$0x0] =	vst.idx.msk $0xffff, v35  }
0x62d: {  	v51 =	vor.u32 v19, v10;
	v35 =	vld.idx.msk [tilespmem:v48+s31+$0x0], $0xffff;
	[tilespmem:v49+s0+$0x0] =	vst.idx.msk $0xffff, v39  }
0x62e: {  	v52 =	vor.u32 v20, v11;
	v53 =	vor.u32 v19, v34;
	v39 =	vld.idx.msk [tilespmem:v50+s31+$0x0], $0xffff  }
0x62f: {  	v54 =	vor.u32 v20, v36;
	_ =	sdelay $0x2  }
0x630: {  	[tilespmem:v51+s0+$0x0] =	vst.idx.msk $0xffff, v35  }
0x631: {  	v55 =	vor.u32 v21, v10;
	v35 =	vld.idx.msk [tilespmem:v52+s31+$0x0], $0xffff;
	[tilespmem:v53+s0+$0x0] =	vst.idx.msk $0xffff, v39  }
0x632: {  	v56 =	vor.u32 v22, v11;
	v57 =	vor.u32 v21, v34;
	v39 =	vld.idx.msk [tilespmem:v54+s31+$0x0], $0xffff  }
0x633: {  	v58 =	vor.u32 v22, v36;
	_ =	sdelay $0x2  }
0x634: {  	[tilespmem:v55+s0+$0x0] =	vst.idx.msk $0xffff, v35  }
0x635: {  	v63 =	vor.u32 v23, v9;
	v35 =	vld.idx.msk [tilespmem:v56+s31+$0x0], $0xffff;
	[tilespmem:v57+s0+$0x0] =	vst.idx.msk $0xffff, v39  }
0x636: {  	v45 =	vor.u32 v24, v11;
	v46 =	vor.u32 v23, v44;
	v39 =	vld.idx.msk [tilespmem:v58+s31+$0x0], $0xffff  }
0x637: {  	v47 =	vor.u32 v24, v36;
	_ =	sdelay $0x2  }
0x638: {  	[tilespmem:v63+s0+$0x0] =	vst.idx.msk $0xffff, v35  }
0x639: {  	v48 =	vor.u32 v25, v9;
	v35 =	vld.idx.msk [tilespmem:v45+s31+$0x0], $0xffff;
	[tilespmem:v46+s0+$0x0] =	vst.idx.msk $0xffff, v39  }
0x63a: {  	v49 =	vor.u32 v26, v11;
	v50 =	vor.u32 v25, v44;
	v39 =	vld.idx.msk [tilespmem:v47+s31+$0x0], $0xffff  }
0x63b: {  	v51 =	vor.u32 v26, v36;
	_ =	sdelay $0x2  }
0x63c: {  	[tilespmem:v48+s0+$0x0] =	vst.idx.msk $0xffff, v35  }
0x63d: {  	v52 =	vor.u32 v27, v10;
	v35 =	vld.idx.msk [tilespmem:v49+s31+$0x0], $0xffff;
	[tilespmem:v50+s0+$0x0] =	vst.idx.msk $0xffff, v39  }
0x63e: {  	v53 =	vor.u32 v28, v11;
	v54 =	vor.u32 v27, v34;
	v39 =	vld.idx.msk [tilespmem:v51+s31+$0x0], $0xffff  }
0x63f: {  	v55 =	vor.u32 v28, v36;
	_ =	sdelay $0x2  }
0x640: {  	[tilespmem:v52+s0+$0x0] =	vst.idx.msk $0xffff, v35  }
0x641: {  	v56 =	vor.u32 v29, v10;
	v35 =	vld.idx.msk [tilespmem:v53+s31+$0x0], $0xffff;
	[tilespmem:v54+s0+$0x0] =	vst.idx.msk $0xffff, v39  }
0x642: {  	v57 =	vor.u32 v30, v11;
	v58 =	vor.u32 v29, v34;
	v39 =	vld.idx.msk [tilespmem:v55+s31+$0x0], $0xffff  }
0x643: {  	v63 =	vor.u32 v30, v36;
	_ =	sdelay $0x2  }
0x644: {  	[tilespmem:v56+s0+$0x0] =	vst.idx.msk $0xffff, v35  }
0x645: {  	v45 =	vor.u32 v32, v9;
	v35 =	vld.idx.msk [tilespmem:v57+s31+$0x0], $0xffff;
	[tilespmem:v58+s0+$0x0] =	vst.idx.msk $0xffff, v39  }
0x646: {  	v46 =	vor.u32 v33, v11;
	v47 =	vor.u32 v32, v44;
	v39 =	vld.idx.msk [tilespmem:v63+s31+$0x0], $0xffff  }
0x647: {  	v48 =	vor.u32 v33, v36;
	_ =	sdelay $0x2  }
0x648: {  	[tilespmem:v45+s0+$0x0] =	vst.idx.msk $0xffff, v35  }
0x649: {  	v49 =	vor.u32 v2, v9;
	v35 =	vld.idx.msk [tilespmem:v46+s31+$0x0], $0xffff;
	[tilespmem:v47+s0+$0x0] =	vst.idx.msk $0xffff, v39  }
0x64a: {  	v50 =	vor.u32 v3, v11;
	v51 =	vor.u32 v2, v44;
	v39 =	vld.idx.msk [tilespmem:v48+s31+$0x0], $0xffff  }
0x64b: {  	v52 =	vor.u32 v3, v36;
	_ =	sdelay $0x2  }
0x64c: {  	[tilespmem:v49+s0+$0x0] =	vst.idx.msk $0xffff, v35  }
0x64d: {  	v53 =	vor.u32 v4, v10;
	v35 =	vld.idx.msk [tilespmem:v50+s31+$0x0], $0xffff;
	[tilespmem:v51+s0+$0x0] =	vst.idx.msk $0xffff, v39  }
0x64e: {  	v54 =	vor.u32 v5, v11;
	v55 =	vor.u32 v4, v34;
	v39 =	vld.idx.msk [tilespmem:v52+s31+$0x0], $0xffff  }
0x64f: {  	v56 =	vor.u32 v5, v36;
	_ =	sdelay $0x2  }
0x650: {  	[tilespmem:v53+s0+$0x0] =	vst.idx.msk $0xffff, v35  }
0x651: {  	v10 =	vor.u32 v59, v10;
	v35 =	vld.idx.msk [tilespmem:v54+s31+$0x0], $0xffff;
	[tilespmem:v55+s0+$0x0] =	vst.idx.msk $0xffff, v39  }
0x652: {  	v59 =	vor.u32 v59, v34;
	v57 =	vor.u32 v61, v11;
	v58 =	vld.idx.msk [tilespmem:v56+s31+$0x0], $0xffff  }
0x653: {  	v61 =	vor.u32 v61, v36  }
0x654: {  	s7 =	sor.u32 $0x2, s6  }
0x655: {  	v43 =	vor.u32 v60, v9;
	v34 =	vadd.s32 s7, v0  }
0x656: {  	v9 =	vor.u32 v6, v9;
	s7 =	sor.u32 $0x3, s6;
	v11 =	vor.u32 v62, v11;
	v46 =	vand.u32 $0xF, v34;
	[tilespmem:v10+s0+$0x0] =	vst.idx.msk $0xffff, v35  }
0x657: {  	v63 =	vor.u32 v60, v44;
	v40 =	vshll.u32 v46, $0x7;
	v35 =	vadd.s32 s7, v0;
	s7 =	sor.u32 $0x4, s6;
	v45 =	vld.idx.msk [tilespmem:v57+s31+$0x0], $0xffff;
	[tilespmem:v59+s0+$0x0] =	vst.idx.msk $0xffff, v58  }
0x658: {  	v52 =	vor.u32 v62, v36;
	v47 =	vand.u32 $0xF, v35;
	v36 =	vadd.s32 s7, v0;
	v51 =	vld.idx.msk [tilespmem:v61+s31+$0x0], $0xffff  }
0x659: {  	v53 =	vor.u32 v0, v40;
	s7 =	sor.u32 $0x5, s6;
	v41 =	vshll.u32 v47, $0x7;
	v48 =	vand.u32 $0xF, v36  }
0x65a: {  	v37 =	vadd.s32 s7, v0;
	s7 =	sor.u32 $0x6, s6;
	v54 =	vor.u32 v0, v41;
	v42 =	vshll.u32 v48, $0x7  }
0x65b: {  	v49 =	vand.u32 $0xF, v37;
	v38 =	vadd.s32 s7, v0;
	s7 =	sor.u32 $0x7, s6;
	v55 =	vor.u32 v0, v42  }
0x65c: {  	v50 =	vand.u32 $0xF, v38;
	v39 =	vadd.s32 s7, v0;
	[tilespmem:v43+s0+$0x0] =	vst.idx.msk $0xffff, v45;
	v43 =	vshll.u32 v49, $0x7  }
0x65d: {  	v45 =	vshll.u32 v50, $0x7;
	v11 =	vld.idx.msk [tilespmem:v11+s31+$0x0], $0xffff;
	[tilespmem:v63+s0+$0x0] =	vst.idx.msk $0xffff, v51;
	v10 =	vor.u32 v0, v43;
	v51 =	vand.u32 $0xF, v39  }
0x65e: {  	v56 =	vor.u32 v6, v44;
	v57 =	vor.u32 v0, v45;
	v52 =	vld.idx.msk [tilespmem:v52+s31+$0x0], $0xffff;
	v44 =	vshll.u32 v51, $0x7  }
0x65f: {  	v53 =	vld.idx.msk [tilespmem:v53+s31+$0x0], $0xffff;
	v58 =	vor.u32 v1, v46;
	v59 =	vor.u32 v0, v44  }
0x660: {  	v60 =	vor.u32 v12, v40;
	v61 =	vor.u32 v1, v47;
	v54 =	vld.idx.msk [tilespmem:v54+s31+$0x0], $0xffff  }
0x661: {  	v62 =	vor.u32 v12, v41;
	v63 =	vor.u32 v1, v48;
	v55 =	vld.idx.msk [tilespmem:v55+s31+$0x0], $0xffff  }
0x662: {  	[tilespmem:v9+s0+$0x0] =	vst.idx.msk $0xffff, v11;
	v9 =	vor.u32 v12, v42;
	v10 =	vld.idx.msk [tilespmem:v10+s31+$0x0], $0xffff;
	v11 =	vor.u32 v1, v49  }
0x663: {  	[tilespmem:v56+s0+$0x0] =	vst.idx.msk $0xffff, v52;
	v52 =	vor.u32 v12, v43;
	v56 =	vld.idx.msk [tilespmem:v57+s31+$0x0], $0xffff;
	v57 =	vor.u32 v1, v50  }
0x664: {  	[tilespmem:v58+s0+$0x0] =	vst.idx.msk $0xffff, v53;
	v53 =	vor.u32 v12, v45;
	v58 =	vld.idx.msk [tilespmem:v59+s31+$0x0], $0xffff;
	v59 =	vor.u32 v1, v51  }
0x665: {  	v60 =	vld.idx.msk [tilespmem:v60+s31+$0x0], $0xffff;
	[tilespmem:v61+s0+$0x0] =	vst.idx.msk $0xffff, v54;
	v54 =	vor.u32 v13, v46;
	v61 =	vor.u32 v12, v44  }
0x666: {  	[tilespmem:v63+s0+$0x0] =	vst.idx.msk $0xffff, v55;
	v55 =	vor.u32 v14, v40;
	v62 =	vld.idx.msk [tilespmem:v62+s31+$0x0], $0xffff;
	v63 =	vor.u32 v13, v47  }
0x667: {  	[tilespmem:v11+s0+$0x0] =	vst.idx.msk $0xffff, v10;
	v10 =	vor.u32 v14, v41;
	v9 =	vld.idx.msk [tilespmem:v9+s31+$0x0], $0xffff;
	v11 =	vor.u32 v13, v48  }
0x668: {  	[tilespmem:v57+s0+$0x0] =	vst.idx.msk $0xffff, v56;
	v56 =	vor.u32 v14, v42;
	v52 =	vld.idx.msk [tilespmem:v52+s31+$0x0], $0xffff;
	v57 =	vor.u32 v13, v49  }
0x669: {  	[tilespmem:v59+s0+$0x0] =	vst.idx.msk $0xffff, v58;
	v58 =	vor.u32 v14, v43;
	v53 =	vld.idx.msk [tilespmem:v53+s31+$0x0], $0xffff;
	v59 =	vor.u32 v13, v50  }
0x66a: {  	[tilespmem:v54+s0+$0x0] =	vst.idx.msk $0xffff, v60;
	v54 =	vor.u32 v14, v45;
	v60 =	vld.idx.msk [tilespmem:v61+s31+$0x0], $0xffff;
	v61 =	vor.u32 v13, v51  }
0x66b: {  	v55 =	vld.idx.msk [tilespmem:v55+s31+$0x0], $0xffff;
	[tilespmem:v63+s0+$0x0] =	vst.idx.msk $0xffff, v62;
	v62 =	vor.u32 v15, v34;
	v63 =	vor.u32 v14, v44  }
0x66c: {  	[tilespmem:v11+s0+$0x0] =	vst.idx.msk $0xffff, v9;
	v9 =	vor.u32 v16, v40;
	v10 =	vld.idx.msk [tilespmem:v10+s31+$0x0], $0xffff;
	v11 =	vor.u32 v15, v35  }
0x66d: {  	[tilespmem:v57+s0+$0x0] =	vst.idx.msk $0xffff, v52;
	v52 =	vor.u32 v16, v41;
	v56 =	vld.idx.msk [tilespmem:v56+s31+$0x0], $0xffff;
	v57 =	vor.u32 v15, v36  }
0x66e: {  	[tilespmem:v59+s0+$0x0] =	vst.idx.msk $0xffff, v53;
	v53 =	vor.u32 v16, v42;
	v58 =	vld.idx.msk [tilespmem:v58+s31+$0x0], $0xffff;
	v59 =	vor.u32 v15, v37  }
0x66f: {  	[tilespmem:v61+s0+$0x0] =	vst.idx.msk $0xffff, v60;
	v60 =	vor.u32 v16, v43;
	v54 =	vld.idx.msk [tilespmem:v54+s31+$0x0], $0xffff;
	v61 =	vor.u32 v15, v38  }
0x670: {  	[tilespmem:v62+s0+$0x0] =	vst.idx.msk $0xffff, v55;
	v55 =	vor.u32 v16, v45;
	v62 =	vld.idx.msk [tilespmem:v63+s31+$0x0], $0xffff;
	v63 =	vor.u32 v15, v39  }
0x671: {  	v9 =	vld.idx.msk [tilespmem:v9+s31+$0x0], $0xffff;
	[tilespmem:v11+s0+$0x0] =	vst.idx.msk $0xffff, v10;
	v10 =	vor.u32 v17, v34;
	v11 =	vor.u32 v16, v44  }
0x672: {  	[tilespmem:v57+s0+$0x0] =	vst.idx.msk $0xffff, v56;
	v56 =	vor.u32 v18, v40;
	v52 =	vld.idx.msk [tilespmem:v52+s31+$0x0], $0xffff;
	v57 =	vor.u32 v17, v35  }
0x673: {  	[tilespmem:v59+s0+$0x0] =	vst.idx.msk $0xffff, v58;
	v58 =	vor.u32 v18, v41;
	v53 =	vld.idx.msk [tilespmem:v53+s31+$0x0], $0xffff;
	v59 =	vor.u32 v17, v36  }
0x674: {  	[tilespmem:v61+s0+$0x0] =	vst.idx.msk $0xffff, v54;
	v54 =	vor.u32 v18, v42;
	v60 =	vld.idx.msk [tilespmem:v60+s31+$0x0], $0xffff;
	v61 =	vor.u32 v17, v37  }
0x675: {  	[tilespmem:v63+s0+$0x0] =	vst.idx.msk $0xffff, v62;
	v62 =	vor.u32 v18, v43;
	v55 =	vld.idx.msk [tilespmem:v55+s31+$0x0], $0xffff;
	v63 =	vor.u32 v17, v38  }
0x676: {  	[tilespmem:v10+s0+$0x0] =	vst.idx.msk $0xffff, v9;
	v9 =	vor.u32 v18, v45;
	v10 =	vld.idx.msk [tilespmem:v11+s31+$0x0], $0xffff;
	v11 =	vor.u32 v17, v39  }
0x677: {  	v56 =	vld.idx.msk [tilespmem:v56+s31+$0x0], $0xffff;
	[tilespmem:v57+s0+$0x0] =	vst.idx.msk $0xffff, v52;
	v52 =	vor.u32 v19, v46;
	v57 =	vor.u32 v18, v44  }
0x678: {  	[tilespmem:v59+s0+$0x0] =	vst.idx.msk $0xffff, v53;
	v53 =	vor.u32 v20, v40;
	v58 =	vld.idx.msk [tilespmem:v58+s31+$0x0], $0xffff;
	v59 =	vor.u32 v19, v47  }
0x679: {  	[tilespmem:v61+s0+$0x0] =	vst.idx.msk $0xffff, v60;
	v60 =	vor.u32 v20, v41;
	v54 =	vld.idx.msk [tilespmem:v54+s31+$0x0], $0xffff;
	v61 =	vor.u32 v19, v48  }
0x67a: {  	[tilespmem:v63+s0+$0x0] =	vst.idx.msk $0xffff, v55;
	v55 =	vor.u32 v20, v42;
	v62 =	vld.idx.msk [tilespmem:v62+s31+$0x0], $0xffff;
	v63 =	vor.u32 v19, v49  }
0x67b: {  	[tilespmem:v11+s0+$0x0] =	vst.idx.msk $0xffff, v10;
	v10 =	vor.u32 v20, v43;
	v9 =	vld.idx.msk [tilespmem:v9+s31+$0x0], $0xffff;
	v11 =	vor.u32 v19, v50  }
0x67c: {  	[tilespmem:v52+s0+$0x0] =	vst.idx.msk $0xffff, v56;
	v52 =	vor.u32 v20, v45;
	v56 =	vld.idx.msk [tilespmem:v57+s31+$0x0], $0xffff;
	v57 =	vor.u32 v19, v51  }
0x67d: {  	v53 =	vld.idx.msk [tilespmem:v53+s31+$0x0], $0xffff;
	[tilespmem:v59+s0+$0x0] =	vst.idx.msk $0xffff, v58;
	v58 =	vor.u32 v21, v46;
	v59 =	vor.u32 v20, v44  }
0x67e: {  	[tilespmem:v61+s0+$0x0] =	vst.idx.msk $0xffff, v54;
	v54 =	vor.u32 v22, v40;
	v60 =	vld.idx.msk [tilespmem:v60+s31+$0x0], $0xffff;
	v61 =	vor.u32 v21, v47  }
0x67f: {  	[tilespmem:v63+s0+$0x0] =	vst.idx.msk $0xffff, v62;
	v62 =	vor.u32 v22, v41;
	v55 =	vld.idx.msk [tilespmem:v55+s31+$0x0], $0xffff;
	v63 =	vor.u32 v21, v48  }
0x680: {  	[tilespmem:v11+s0+$0x0] =	vst.idx.msk $0xffff, v9;
	v9 =	vor.u32 v22, v42;
	v10 =	vld.idx.msk [tilespmem:v10+s31+$0x0], $0xffff;
	v11 =	vor.u32 v21, v49  }
0x681: {  	[tilespmem:v57+s0+$0x0] =	vst.idx.msk $0xffff, v56;
	v56 =	vor.u32 v22, v43;
	v52 =	vld.idx.msk [tilespmem:v52+s31+$0x0], $0xffff;
	v57 =	vor.u32 v21, v50  }
0x682: {  	[tilespmem:v58+s0+$0x0] =	vst.idx.msk $0xffff, v53;
	v53 =	vor.u32 v22, v45;
	v58 =	vld.idx.msk [tilespmem:v59+s31+$0x0], $0xffff;
	v59 =	vor.u32 v21, v51  }
0x683: {  	v54 =	vld.idx.msk [tilespmem:v54+s31+$0x0], $0xffff;
	[tilespmem:v61+s0+$0x0] =	vst.idx.msk $0xffff, v60;
	v60 =	vor.u32 v23, v34;
	v61 =	vor.u32 v22, v44  }
0x684: {  	[tilespmem:v63+s0+$0x0] =	vst.idx.msk $0xffff, v55;
	v55 =	vor.u32 v24, v40;
	v62 =	vld.idx.msk [tilespmem:v62+s31+$0x0], $0xffff;
	v63 =	vor.u32 v23, v35  }
0x685: {  	[tilespmem:v11+s0+$0x0] =	vst.idx.msk $0xffff, v10;
	v10 =	vor.u32 v24, v41;
	v9 =	vld.idx.msk [tilespmem:v9+s31+$0x0], $0xffff;
	v11 =	vor.u32 v23, v36  }
0x686: {  	[tilespmem:v57+s0+$0x0] =	vst.idx.msk $0xffff, v52;
	v52 =	vor.u32 v24, v42;
	v56 =	vld.idx.msk [tilespmem:v56+s31+$0x0], $0xffff;
	v57 =	vor.u32 v23, v37  }
0x687: {  	[tilespmem:v59+s0+$0x0] =	vst.idx.msk $0xffff, v58;
	v58 =	vor.u32 v24, v43;
	v53 =	vld.idx.msk [tilespmem:v53+s31+$0x0], $0xffff;
	v59 =	vor.u32 v23, v38  }
0x688: {  	[tilespmem:v60+s0+$0x0] =	vst.idx.msk $0xffff, v54;
	v54 =	vor.u32 v24, v45;
	v60 =	vld.idx.msk [tilespmem:v61+s31+$0x0], $0xffff;
	v61 =	vor.u32 v23, v39  }
0x689: {  	v55 =	vld.idx.msk [tilespmem:v55+s31+$0x0], $0xffff;
	[tilespmem:v63+s0+$0x0] =	vst.idx.msk $0xffff, v62;
	v62 =	vor.u32 v25, v34;
	v63 =	vor.u32 v24, v44  }
0x68a: {  	[tilespmem:v11+s0+$0x0] =	vst.idx.msk $0xffff, v9;
	v9 =	vor.u32 v26, v40;
	v10 =	vld.idx.msk [tilespmem:v10+s31+$0x0], $0xffff;
	v11 =	vor.u32 v25, v35  }
0x68b: {  	[tilespmem:v57+s0+$0x0] =	vst.idx.msk $0xffff, v56;
	v56 =	vor.u32 v26, v41;
	v52 =	vld.idx.msk [tilespmem:v52+s31+$0x0], $0xffff;
	v57 =	vor.u32 v25, v36  }
0x68c: {  	[tilespmem:v59+s0+$0x0] =	vst.idx.msk $0xffff, v53;
	v53 =	vor.u32 v26, v42;
	v58 =	vld.idx.msk [tilespmem:v58+s31+$0x0], $0xffff;
	v59 =	vor.u32 v25, v37  }
0x68d: {  	[tilespmem:v61+s0+$0x0] =	vst.idx.msk $0xffff, v60;
	v60 =	vor.u32 v26, v43;
	v54 =	vld.idx.msk [tilespmem:v54+s31+$0x0], $0xffff;
	v61 =	vor.u32 v25, v38  }
0x68e: {  	[tilespmem:v62+s0+$0x0] =	vst.idx.msk $0xffff, v55;
	v55 =	vor.u32 v26, v45;
	v62 =	vld.idx.msk [tilespmem:v63+s31+$0x0], $0xffff;
	v63 =	vor.u32 v25, v39  }
0x68f: {  	v9 =	vld.idx.msk [tilespmem:v9+s31+$0x0], $0xffff;
	[tilespmem:v11+s0+$0x0] =	vst.idx.msk $0xffff, v10;
	v10 =	vor.u32 v27, v46;
	v11 =	vor.u32 v26, v44  }
0x690: {  	[tilespmem:v57+s0+$0x0] =	vst.idx.msk $0xffff, v52;
	v52 =	vor.u32 v28, v40;
	v56 =	vld.idx.msk [tilespmem:v56+s31+$0x0], $0xffff;
	v57 =	vor.u32 v27, v47  }
0x691: {  	[tilespmem:v59+s0+$0x0] =	vst.idx.msk $0xffff, v58;
	v58 =	vor.u32 v28, v41;
	v53 =	vld.idx.msk [tilespmem:v53+s31+$0x0], $0xffff;
	v59 =	vor.u32 v27, v48  }
0x692: {  	[tilespmem:v61+s0+$0x0] =	vst.idx.msk $0xffff, v54;
	v54 =	vor.u32 v28, v42;
	v60 =	vld.idx.msk [tilespmem:v60+s31+$0x0], $0xffff;
	v61 =	vor.u32 v27, v49  }
0x693: {  	[tilespmem:v63+s0+$0x0] =	vst.idx.msk $0xffff, v62;
	v62 =	vor.u32 v28, v43;
	v55 =	vld.idx.msk [tilespmem:v55+s31+$0x0], $0xffff;
	v63 =	vor.u32 v27, v50  }
0x694: {  	[tilespmem:v10+s0+$0x0] =	vst.idx.msk $0xffff, v9;
	v9 =	vor.u32 v28, v45;
	v10 =	vld.idx.msk [tilespmem:v11+s31+$0x0], $0xffff;
	v11 =	vor.u32 v27, v51  }
0x695: {  	v52 =	vld.idx.msk [tilespmem:v52+s31+$0x0], $0xffff;
	[tilespmem:v57+s0+$0x0] =	vst.idx.msk $0xffff, v56;
	v56 =	vor.u32 v29, v46;
	v57 =	vor.u32 v28, v44  }
0x696: {  	[tilespmem:v59+s0+$0x0] =	vst.idx.msk $0xffff, v53;
	v53 =	vor.u32 v30, v40;
	v58 =	vld.idx.msk [tilespmem:v58+s31+$0x0], $0xffff;
	v59 =	vor.u32 v29, v47  }
0x697: {  	[tilespmem:v61+s0+$0x0] =	vst.idx.msk $0xffff, v60;
	v60 =	vor.u32 v30, v41;
	v54 =	vld.idx.msk [tilespmem:v54+s31+$0x0], $0xffff;
	v61 =	vor.u32 v29, v48  }
0x698: {  	[tilespmem:v63+s0+$0x0] =	vst.idx.msk $0xffff, v55;
	v55 =	vor.u32 v30, v42;
	v62 =	vld.idx.msk [tilespmem:v62+s31+$0x0], $0xffff;
	v63 =	vor.u32 v29, v49  }
0x699: {  	[tilespmem:v11+s0+$0x0] =	vst.idx.msk $0xffff, v10;
	v10 =	vor.u32 v30, v43;
	v9 =	vld.idx.msk [tilespmem:v9+s31+$0x0], $0xffff;
	v11 =	vor.u32 v29, v50  }
0x69a: {  	[tilespmem:v56+s0+$0x0] =	vst.idx.msk $0xffff, v52;
	v52 =	vor.u32 v30, v45;
	v56 =	vld.idx.msk [tilespmem:v57+s31+$0x0], $0xffff;
	v57 =	vor.u32 v29, v51  }
0x69b: {  	v53 =	vld.idx.msk [tilespmem:v53+s31+$0x0], $0xffff;
	[tilespmem:v59+s0+$0x0] =	vst.idx.msk $0xffff, v58;
	v58 =	vor.u32 v32, v34;
	v59 =	vor.u32 v30, v44  }
0x69c: {  	[tilespmem:v61+s0+$0x0] =	vst.idx.msk $0xffff, v54;
	v54 =	vor.u32 v33, v40;
	v60 =	vld.idx.msk [tilespmem:v60+s31+$0x0], $0xffff;
	v61 =	vor.u32 v32, v35  }
0x69d: {  	[tilespmem:v63+s0+$0x0] =	vst.idx.msk $0xffff, v62;
	v62 =	vor.u32 v33, v41;
	v55 =	vld.idx.msk [tilespmem:v55+s31+$0x0], $0xffff;
	v63 =	vor.u32 v32, v36  }
0x69e: {  	[tilespmem:v11+s0+$0x0] =	vst.idx.msk $0xffff, v9;
	v9 =	vor.u32 v33, v42;
	v10 =	vld.idx.msk [tilespmem:v10+s31+$0x0], $0xffff;
	v11 =	vor.u32 v32, v37  }
0x69f: {  	[tilespmem:v57+s0+$0x0] =	vst.idx.msk $0xffff, v56;
	v56 =	vor.u32 v33, v43;
	v52 =	vld.idx.msk [tilespmem:v52+s31+$0x0], $0xffff;
	v57 =	vor.u32 v32, v38  }
0x6a0: {  	[tilespmem:v58+s0+$0x0] =	vst.idx.msk $0xffff, v53;
	v53 =	vor.u32 v33, v45;
	v58 =	vld.idx.msk [tilespmem:v59+s31+$0x0], $0xffff;
	v59 =	vor.u32 v32, v39  }
0x6a1: {  	v54 =	vld.idx.msk [tilespmem:v54+s31+$0x0], $0xffff;
	[tilespmem:v61+s0+$0x0] =	vst.idx.msk $0xffff, v60;
	v60 =	vor.u32 v2, v34;
	v61 =	vor.u32 v33, v44  }
0x6a2: {  	[tilespmem:v63+s0+$0x0] =	vst.idx.msk $0xffff, v55;
	v55 =	vor.u32 v3, v40;
	v62 =	vld.idx.msk [tilespmem:v62+s31+$0x0], $0xffff;
	v63 =	vor.u32 v2, v35  }
0x6a3: {  	[tilespmem:v11+s0+$0x0] =	vst.idx.msk $0xffff, v10;
	v10 =	vor.u32 v3, v41;
	v9 =	vld.idx.msk [tilespmem:v9+s31+$0x0], $0xffff;
	v11 =	vor.u32 v2, v36  }
0x6a4: {  	[tilespmem:v57+s0+$0x0] =	vst.idx.msk $0xffff, v52;
	v52 =	vor.u32 v3, v42;
	v56 =	vld.idx.msk [tilespmem:v56+s31+$0x0], $0xffff;
	v57 =	vor.u32 v2, v37  }
0x6a5: {  	[tilespmem:v59+s0+$0x0] =	vst.idx.msk $0xffff, v58;
	v58 =	vor.u32 v3, v43;
	v53 =	vld.idx.msk [tilespmem:v53+s31+$0x0], $0xffff;
	v59 =	vor.u32 v2, v38  }
0x6a6: {  	[tilespmem:v60+s0+$0x0] =	vst.idx.msk $0xffff, v54;
	v54 =	vor.u32 v3, v45;
	v60 =	vld.idx.msk [tilespmem:v61+s31+$0x0], $0xffff;
	v61 =	vor.u32 v2, v39  }
0x6a7: {  	v55 =	vld.idx.msk [tilespmem:v55+s31+$0x0], $0xffff;
	[tilespmem:v63+s0+$0x0] =	vst.idx.msk $0xffff, v62;
	v62 =	vor.u32 v4, v46;
	v63 =	vor.u32 v3, v44  }
0x6a8: {  	[tilespmem:v11+s0+$0x0] =	vst.idx.msk $0xffff, v9;
	v9 =	vor.u32 v5, v40;
	v10 =	vld.idx.msk [tilespmem:v10+s31+$0x0], $0xffff  }
0x6a9: {  	v11 =	vor.u32 v4, v47;
	[tilespmem:v57+s0+$0x0] =	vst.idx.msk $0xffff, v56;
	v52 =	vld.idx.msk [tilespmem:v52+s31+$0x0], $0xffff  }
0x6aa: {  	v57 =	vor.u32 v4, v48;
	[tilespmem:v59+s0+$0x0] =	vst.idx.msk $0xffff, v53;
	v58 =	vld.idx.msk [tilespmem:v58+s31+$0x0], $0xffff  }
0x6ab: {  	v56 =	vor.u32 v5, v41;
	[tilespmem:v61+s0+$0x0] =	vst.idx.msk $0xffff, v60;
	v54 =	vld.idx.msk [tilespmem:v54+s31+$0x0], $0xffff  }
0x6ac: {  	[tilespmem:v62+s0+$0x0] =	vst.idx.msk $0xffff, v55;
	v62 =	vld.idx.msk [tilespmem:v63+s31+$0x0], $0xffff  }
0x6ad: {  	v53 =	vor.u32 v5, v42;
	v9 =	vld.idx.msk [tilespmem:v9+s31+$0x0], $0xffff  }
0x6ae: {  	v59 =	vor.u32 v4, v49;
	[tilespmem:v11+s0+$0x0] =	vst.idx.msk $0xffff, v10;
	v10 =	vld [tilespmem:$0x1FFA0]  }
0x6af: {  	[tilespmem:v57+s0+$0x0] =	vst.idx.msk $0xffff, v52;
	v57 =	vld [tilespmem:$0x1FFB0]  }
0x6b0: {  	v61 =	vor.u32 v4, v50;
	v52 =	vld.idx.msk [tilespmem:v56+s31+$0x0], $0xffff  }
0x6b1: {  	v56 =	vld [tilespmem:$0x1FFA0]  }
0x6b2: {  	v55 =	vor.u32 v5, v45;
	v63 =	vor.u32 v4, v51;
	v53 =	vld.idx.msk [tilespmem:v53+s31+$0x0], $0xffff  }
0x6b3: {  	v11 =	vor.u32 v5, v44;
	[tilespmem:v59+s0+$0x0] =	vst.idx.msk $0xffff, v58;
	v59 =	vld [tilespmem:$0x1FFA0];
	v10 =	vor.u32 v10, v46  }
0x6b4: {  	v60 =	vor.u32 v5, v43;
	v46 =	vor.u32 v57, v40;
	v57 =	vld [tilespmem:$0x1FFA0]  }
0x6b5: {  	[tilespmem:v61+s0+$0x0] =	vst.idx.msk $0xffff, v54;
	v61 =	vld [tilespmem:$0x1FFB0]  }
0x6b6: {  	v47 =	vor.u32 v56, v47;
	v56 =	vld [tilespmem:$0x1FFB0]  }
0x6b7: {  	[tilespmem:v63+s0+$0x0] =	vst.idx.msk $0xffff, v62;
	v55 =	vld.idx.msk [tilespmem:v55+s31+$0x0], $0xffff  }
0x6b8: {  	[tilespmem:v10+s0+$0x0] =	vst.idx.msk $0xffff, v9;
	v10 =	vld.idx.msk [tilespmem:v11+s31+$0x0], $0xffff  }
0x6b9: {  	v50 =	vor.u32 v59, v50;
	v48 =	vor.u32 v57, v48;
	v57 =	vld.idx.msk [tilespmem:v60+s31+$0x0], $0xffff  }
0x6ba: {  	v9 =	vor.u32 v61, v45;
	v11 =	vor.u32 v59, v51;
	v60 =	vld [tilespmem:$0x1FFC0]  }
0x6bb: {  	v62 =	vld [tilespmem:$0x1FFD0];
	v56 =	vor.u32 v56, v41  }
0x6bc: {  	v49 =	vor.u32 v59, v49;
	v63 =	vor.u32 v61, v44  }
0x6bd: {  	v58 =	vor.u32 v61, v43;
	[tilespmem:v47+s0+$0x0] =	vst.idx.msk $0xffff, v52  }
0x6be: {  	v54 =	vor.u32 v61, v42;
	v46 =	vld.idx.msk [tilespmem:v46+s31+$0x0], $0xffff;
	[tilespmem:v50+s0+$0x0] =	vst.idx.msk $0xffff, v55  }
0x6bf: {  	[tilespmem:v11+s0+$0x0] =	vst.idx.msk $0xffff, v10;
	v9 =	vld.idx.msk [tilespmem:v9+s31+$0x0], $0xffff;
	v47 =	vor.u32 v60, v34  }
0x6c0: {  	v40 =	vor.u32 v62, v40;
	[tilespmem:v48+s0+$0x0] =	vst.idx.msk $0xffff, v53;
	v48 =	vld.idx.msk [tilespmem:v56+s31+$0x0], $0xffff;
	v52 =	vor.u32 v60, v35  }
0x6c1: {  	v41 =	vor.u32 v62, v41;
	[tilespmem:v49+s0+$0x0] =	vst.idx.msk $0xffff, v57;
	v57 =	vor.u32 v60, v38;
	v63 =	vld.idx.msk [tilespmem:v63+s31+$0x0], $0xffff  }
0x6c2: {  	v51 =	vor.u32 v60, v39;
	v50 =	vld.idx.msk [tilespmem:v58+s31+$0x0], $0xffff;
	v58 =	vor.u32 v62, v45  }
0x6c3: {  	v44 =	vor.u32 v62, v44;
	v53 =	vor.u32 v60, v36;
	v49 =	vld.idx.msk [tilespmem:v54+s31+$0x0], $0xffff  }
0x6c4: {  	v42 =	vor.u32 v62, v42;
	v54 =	vor.u32 v60, v37;
	[tilespmem:v47+s0+$0x0] =	vst.idx.msk $0xffff, v46  }
0x6c5: {  	v56 =	vor.u32 v62, v43;
	v34 =	vor.u32 v6, v34;
	[tilespmem:v52+s0+$0x0] =	vst.idx.msk $0xffff, v48;
	v40 =	vld.idx.msk [tilespmem:v40+s31+$0x0], $0xffff  }
0x6c6: {  	v35 =	vor.u32 v6, v35;
	[tilespmem:v57+s0+$0x0] =	vst.idx.msk $0xffff, v9;
	v41 =	vld.idx.msk [tilespmem:v41+s31+$0x0], $0xffff  }
0x6c7: {  	[tilespmem:v51+s0+$0x0] =	vst.idx.msk $0xffff, v63;
	v57 =	vor.u32 v6, v38;
	v11 =	vld.idx.msk [tilespmem:v58+s31+$0x0], $0xffff  }
0x6c8: {  	v63 =	vor.u32 v6, v39;
	[tilespmem:v53+s0+$0x0] =	vst.idx.msk $0xffff, v49;
	v58 =	vld.idx.msk [tilespmem:v44+s31+$0x0], $0xffff  }
0x6c9: {  	v36 =	vor.u32 v6, v36;
	[tilespmem:v54+s0+$0x0] =	vst.idx.msk $0xffff, v50;
	v42 =	vld.idx.msk [tilespmem:v42+s31+$0x0], $0xffff  }
0x6ca: {  	p1 =	por p0, p0;
	v55 =	vld.idx.msk [tilespmem:v56+s31+$0x0], $0xffff;
	v56 =	vor.u32 v6, v37;
	[tilespmem:v34+s0+$0x0] =	vst.idx.msk $0xffff, v40  }
.Ltmp17:
0x6cb: {  	[tilespmem:v35+s0+$0x0] =	vst.idx.msk $0xffff, v41;
	(pc) =	sbr.rel @p1 .LBB2_27-.Ltmp17, $4  }
0x6cc: {  	[tilespmem:v57+s0+$0x0] =	vst.idx.msk $0xffff, v11  }
0x6cd: {  	[tilespmem:v63+s0+$0x0] =	vst.idx.msk $0xffff, v58  }
0x6ce: {  	[tilespmem:v36+s0+$0x0] =	vst.idx.msk $0xffff, v42  }
0x6cf: {  	p0 =	por $0x0, $0x0;
	s6 =	simm.s32 $0x8;
	[tilespmem:v56+s0+$0x0] =	vst.idx.msk $0xffff, v55  }
0x6d0: {  	s6 =	sadd.s32 s19, s12  }
0x6d1: {  	[hbm4b:s6+s15] =	stream.strided.scatter [tilespmem:s0], [sflag:$0x8], $0x1000, s17, s15, $0x38;
	[tilespmem:$0x1E600] =	vst v63  }
0x6d2: {  	p0 =	por $0x1, $0x1;
	v59 =	vld [tilespmem:$0x1FE00];
	s6 =	simm.s32 $0x0  }
.LBB2_29:
0x6d3: {  	_ = 	snop  }
0x6d4: {  	v9 =	vadd.s32 s6, v0;
	s7 =	sor.u32 $0x1, s6  }
0x6d5: {  	v10 =	vand.u32 $0xF, v9;
	v44 =	vadd.s32 s7, v0  }
0x6d6: {  	v11 =	vshll.u32 v10, $0x7;
	v34 =	vand.u32 $0xF, v44  }
0x6d7: {  	v3 =	vld [tilespmem:$0x1FBC0];
	v36 =	vshll.u32 v34, $0x7;
	v35 =	vor.u32 v59, v11  }
0x6d8: {  	v4 =	vld [tilespmem:$0x1FA80];
	v37 =	vor.u32 v59, v36;
	_ =	sdelay $0x2  }
0x6d9: {  	v5 =	vld [tilespmem:$0x1FBD0]  }
0x6da: {  	v38 =	vor.u32 v3, v10;
	v35 =	vld.idx.msk [tilespmem:v35+s31+$0x0], $0xffff  }
0x6db: {  	v39 =	vor.u32 v4, v11;
	v40 =	vor.u32 v3, v34;
	v37 =	vld.idx.msk [tilespmem:v37+s31+$0x0], $0xffff  }
0x6dc: {  	v6 =	vld [tilespmem:$0x1FBE0];
	v41 =	vor.u32 v4, v36;
	_ =	sdelay $0x2  }
0x6dd: {  	v12 =	vld [tilespmem:$0x1FA90];
	[tilespmem:v38+s0+$0x0] =	vst.idx.msk $0xffff, v35  }
0x6de: {  	v62 =	vor.u32 v5, v10;
	[tilespmem:v40+s0+$0x0] =	vst.idx.msk $0xffff, v37;
	v35 =	vld.idx.msk [tilespmem:v39+s31+$0x0], $0xffff  }
0x6df: {  	v63 =	vor.u32 v6, v11;
	v8 =	vor.u32 v5, v34;
	v7 =	vld.idx.msk [tilespmem:v41+s31+$0x0], $0xffff  }
0x6e0: {  	v13 =	vld [tilespmem:$0x1FBF0];
	v16 =	vor.u32 v6, v36;
	_ =	sdelay $0x2  }
0x6e1: {  	v14 =	vld [tilespmem:$0x1FAA0];
	[tilespmem:v62+s0+$0x0] =	vst.idx.msk $0xffff, v35  }
0x6e2: {  	v17 =	vor.u32 v12, v9;
	[tilespmem:v8+s0+$0x0] =	vst.idx.msk $0xffff, v7;
	v35 =	vld.idx.msk [tilespmem:v63+s31+$0x0], $0xffff  }
0x6e3: {  	v18 =	vor.u32 v13, v11;
	v19 =	vor.u32 v12, v44;
	v39 =	vld.idx.msk [tilespmem:v16+s31+$0x0], $0xffff  }
0x6e4: {  	v20 =	vor.u32 v13, v36;
	v16 =	vld [tilespmem:$0x1FAB0];
	_ =	sdelay $0x2  }
0x6e5: {  	[tilespmem:v17+s0+$0x0] =	vst.idx.msk $0xffff, v35;
	v17 =	vld [tilespmem:$0x1FAC0]  }
0x6e6: {  	v21 =	vor.u32 v14, v9;
	[tilespmem:v19+s0+$0x0] =	vst.idx.msk $0xffff, v39;
	v35 =	vld.idx.msk [tilespmem:v18+s31+$0x0], $0xffff  }
0x6e7: {  	v23 =	vor.u32 v14, v44;
	v22 =	vor.u32 v16, v11;
	v39 =	vld.idx.msk [tilespmem:v20+s31+$0x0], $0xffff  }
0x6e8: {  	v24 =	vor.u32 v16, v36;
	v18 =	vld [tilespmem:$0x1FAD0];
	_ =	sdelay $0x2  }
0x6e9: {  	v19 =	vld [tilespmem:$0x1FAE0];
	[tilespmem:v21+s0+$0x0] =	vst.idx.msk $0xffff, v35  }
0x6ea: {  	v25 =	vor.u32 v17, v10;
	[tilespmem:v23+s0+$0x0] =	vst.idx.msk $0xffff, v39;
	v35 =	vld.idx.msk [tilespmem:v22+s31+$0x0], $0xffff  }
0x6eb: {  	v27 =	vor.u32 v17, v34;
	v26 =	vor.u32 v18, v11;
	v39 =	vld.idx.msk [tilespmem:v24+s31+$0x0], $0xffff  }
0x6ec: {  	v20 =	vld [tilespmem:$0x1FAF0];
	v28 =	vor.u32 v18, v36;
	_ =	sdelay $0x2  }
0x6ed: {  	v21 =	vld [tilespmem:$0x1FB00];
	[tilespmem:v25+s0+$0x0] =	vst.idx.msk $0xffff, v35  }
0x6ee: {  	v29 =	vor.u32 v19, v10;
	[tilespmem:v27+s0+$0x0] =	vst.idx.msk $0xffff, v39;
	v35 =	vld.idx.msk [tilespmem:v26+s31+$0x0], $0xffff  }
0x6ef: {  	v31 =	vor.u32 v19, v34;
	v30 =	vor.u32 v20, v11;
	v39 =	vld.idx.msk [tilespmem:v28+s31+$0x0], $0xffff  }
0x6f0: {  	v45 =	vor.u32 v20, v36;
	v22 =	vld [tilespmem:$0x1FB10];
	_ =	sdelay $0x2  }
0x6f1: {  	v23 =	vld [tilespmem:$0x1FB20];
	[tilespmem:v29+s0+$0x0] =	vst.idx.msk $0xffff, v35  }
0x6f2: {  	v46 =	vor.u32 v21, v9;
	[tilespmem:v31+s0+$0x0] =	vst.idx.msk $0xffff, v39;
	v35 =	vld.idx.msk [tilespmem:v30+s31+$0x0], $0xffff  }
0x6f3: {  	v48 =	vor.u32 v21, v44;
	v47 =	vor.u32 v22, v11;
	v39 =	vld.idx.msk [tilespmem:v45+s31+$0x0], $0xffff  }
0x6f4: {  	v24 =	vld [tilespmem:$0x1FB30];
	v49 =	vor.u32 v22, v36;
	_ =	sdelay $0x2  }
0x6f5: {  	v25 =	vld [tilespmem:$0x1FB40];
	[tilespmem:v46+s0+$0x0] =	vst.idx.msk $0xffff, v35  }
0x6f6: {  	v50 =	vor.u32 v23, v9;
	[tilespmem:v48+s0+$0x0] =	vst.idx.msk $0xffff, v39;
	v35 =	vld.idx.msk [tilespmem:v47+s31+$0x0], $0xffff  }
0x6f7: {  	v52 =	vor.u32 v23, v44;
	v51 =	vor.u32 v24, v11;
	v39 =	vld.idx.msk [tilespmem:v49+s31+$0x0], $0xffff  }
0x6f8: {  	v53 =	vor.u32 v24, v36;
	v26 =	vld [tilespmem:$0x1FA70];
	_ =	sdelay $0x2  }
0x6f9: {  	v27 =	vld [tilespmem:$0x1FB50];
	[tilespmem:v50+s0+$0x0] =	vst.idx.msk $0xffff, v35  }
0x6fa: {  	v54 =	vor.u32 v25, v10;
	[tilespmem:v52+s0+$0x0] =	vst.idx.msk $0xffff, v39;
	v35 =	vld.idx.msk [tilespmem:v51+s31+$0x0], $0xffff  }
0x6fb: {  	v56 =	vor.u32 v25, v34;
	v55 =	vor.u32 v26, v11;
	v39 =	vld.idx.msk [tilespmem:v53+s31+$0x0], $0xffff  }
0x6fc: {  	v28 =	vld [tilespmem:$0x1FA60];
	v57 =	vor.u32 v26, v36;
	_ =	sdelay $0x2  }
0x6fd: {  	v29 =	vld [tilespmem:$0x1FB60];
	[tilespmem:v54+s0+$0x0] =	vst.idx.msk $0xffff, v35  }
0x6fe: {  	v58 =	vor.u32 v27, v10;
	[tilespmem:v56+s0+$0x0] =	vst.idx.msk $0xffff, v39;
	v35 =	vld.idx.msk [tilespmem:v55+s31+$0x0], $0xffff  }
0x6ff: {  	v61 =	vor.u32 v27, v34;
	v60 =	vor.u32 v28, v11;
	v39 =	vld.idx.msk [tilespmem:v57+s31+$0x0], $0xffff  }
0x700: {  	v62 =	vor.u32 v28, v36;
	v30 =	vld [tilespmem:$0x1FA50];
	_ =	sdelay $0x2  }
0x701: {  	[tilespmem:v58+s0+$0x0] =	vst.idx.msk $0xffff, v35  }
0x702: {  	v63 =	vor.u32 v29, v9;
	[tilespmem:v61+s0+$0x0] =	vst.idx.msk $0xffff, v39;
	v35 =	vld.idx.msk [tilespmem:v60+s31+$0x0], $0xffff  }
0x703: {  	v8 =	vor.u32 v29, v44;
	v7 =	vor.u32 v30, v11;
	v39 =	vld.idx.msk [tilespmem:v62+s31+$0x0], $0xffff  }
0x704: {  	v32 =	vld [tilespmem:$0x1FB70];
	v15 =	vor.u32 v30, v36  }
0x705: {  	v33 =	vld [tilespmem:$0x1FB80];
	_ =	sdelay $0x1  }
0x706: {  	[tilespmem:v63+s0+$0x0] =	vst.idx.msk $0xffff, v35  }
0x707: {  	[tilespmem:v8+s0+$0x0] =	vst.idx.msk $0xffff, v39;
	v35 =	vld.idx.msk [tilespmem:v7+s31+$0x0], $0xffff  }
0x708: {  	v45 =	vor.u32 v32, v9;
	v39 =	vld.idx.msk [tilespmem:v15+s31+$0x0], $0xffff  }
0x709: {  	v46 =	vor.u32 v33, v11;
	v47 =	vor.u32 v32, v44;
	v7 =	vld [tilespmem:$0x1FA40]  }
0x70a: {  	v48 =	vor.u32 v33, v36;
	v8 =	vld [tilespmem:$0x1FB90];
	_ =	sdelay $0x2  }
0x70b: {  	v1 =	vld [tilespmem:$0x1FBA0];
	[tilespmem:v45+s0+$0x0] =	vst.idx.msk $0xffff, v35  }
0x70c: {  	v49 =	vor.u32 v7, v10;
	[tilespmem:v47+s0+$0x0] =	vst.idx.msk $0xffff, v39;
	v35 =	vld.idx.msk [tilespmem:v46+s31+$0x0], $0xffff  }
0x70d: {  	v50 =	vor.u32 v8, v11;
	v51 =	vor.u32 v7, v34;
	v39 =	vld.idx.msk [tilespmem:v48+s31+$0x0], $0xffff  }
0x70e: {  	v31 =	vld [tilespmem:$0x1FBB0];
	v52 =	vor.u32 v8, v36  }
0x70f: {  	v2 =	vld [tilespmem:$0x1FA20]  }
0x710: {  	v56 =	vld [tilespmem:$0x1FA10]  }
0x711: {  	v15 =	vld [tilespmem:$0x1FA30];
	[tilespmem:v49+s0+$0x0] =	vst.idx.msk $0xffff, v35  }
0x712: {  	v10 =	vor.u32 v1, v10;
	[tilespmem:v51+s0+$0x0] =	vst.idx.msk $0xffff, v39;
	v35 =	vld.idx.msk [tilespmem:v50+s31+$0x0], $0xffff  }
0x713: {  	v53 =	vor.u32 v31, v11;
	v61 =	vor.u32 v1, v34;
	v60 =	vld.idx.msk [tilespmem:v52+s31+$0x0], $0xffff  }
0x714: {  	v62 =	vor.u32 v31, v36  }
0x715: {  	s7 =	sor.u32 $0x2, s6  }
0x716: {  	v11 =	vor.u32 v2, v11;
	v34 =	vadd.s32 s7, v0  }
0x717: {  	v43 =	vor.u32 v15, v9;
	v9 =	vor.u32 v56, v9;
	s7 =	sor.u32 $0x3, s6;
	v46 =	vand.u32 $0xF, v34;
	[tilespmem:v10+s0+$0x0] =	vst.idx.msk $0xffff, v35  }
0x718: {  	v63 =	vor.u32 v15, v44;
	v40 =	vshll.u32 v46, $0x7;
	[tilespmem:v61+s0+$0x0] =	vst.idx.msk $0xffff, v60;
	v35 =	vadd.s32 s7, v0;
	s7 =	sor.u32 $0x4, s6;
	v45 =	vld.idx.msk [tilespmem:v53+s31+$0x0], $0xffff  }
0x719: {  	v52 =	vor.u32 v2, v36;
	v51 =	vld.idx.msk [tilespmem:v62+s31+$0x0], $0xffff;
	v47 =	vand.u32 $0xF, v35;
	v36 =	vadd.s32 s7, v0  }
0x71a: {  	v53 =	vor.u32 v59, v40;
	s7 =	sor.u32 $0x5, s6;
	v41 =	vshll.u32 v47, $0x7;
	v48 =	vand.u32 $0xF, v36  }
0x71b: {  	v37 =	vadd.s32 s7, v0;
	s7 =	sor.u32 $0x6, s6;
	v54 =	vor.u32 v59, v41;
	v42 =	vshll.u32 v48, $0x7  }
0x71c: {  	v49 =	vand.u32 $0xF, v37;
	v38 =	vadd.s32 s7, v0;
	s7 =	sor.u32 $0x7, s6;
	v55 =	vor.u32 v59, v42  }
0x71d: {  	v50 =	vand.u32 $0xF, v38;
	v39 =	vadd.s32 s7, v0;
	[tilespmem:v43+s0+$0x0] =	vst.idx.msk $0xffff, v45;
	v43 =	vshll.u32 v49, $0x7  }
0x71e: {  	[tilespmem:v63+s0+$0x0] =	vst.idx.msk $0xffff, v51;
	v45 =	vshll.u32 v50, $0x7;
	v51 =	vand.u32 $0xF, v39;
	v11 =	vld.idx.msk [tilespmem:v11+s31+$0x0], $0xffff;
	v10 =	vor.u32 v59, v43  }
0x71f: {  	v56 =	vor.u32 v56, v44;
	v52 =	vld.idx.msk [tilespmem:v52+s31+$0x0], $0xffff;
	v57 =	vor.u32 v59, v45;
	v44 =	vshll.u32 v51, $0x7  }
0x720: {  	v58 =	vor.u32 v3, v46;
	v53 =	vld.idx.msk [tilespmem:v53+s31+$0x0], $0xffff;
	v59 =	vor.u32 v59, v44  }
0x721: {  	v60 =	vor.u32 v4, v40;
	v61 =	vor.u32 v3, v47;
	v54 =	vld.idx.msk [tilespmem:v54+s31+$0x0], $0xffff  }
0x722: {  	v62 =	vor.u32 v4, v41;
	v63 =	vor.u32 v3, v48;
	v55 =	vld.idx.msk [tilespmem:v55+s31+$0x0], $0xffff  }
0x723: {  	[tilespmem:v9+s0+$0x0] =	vst.idx.msk $0xffff, v11;
	v9 =	vor.u32 v4, v42;
	v10 =	vld.idx.msk [tilespmem:v10+s31+$0x0], $0xffff;
	v11 =	vor.u32 v3, v49  }
0x724: {  	[tilespmem:v56+s0+$0x0] =	vst.idx.msk $0xffff, v52;
	v52 =	vor.u32 v4, v43;
	v56 =	vld.idx.msk [tilespmem:v57+s31+$0x0], $0xffff;
	v57 =	vor.u32 v3, v50  }
0x725: {  	[tilespmem:v58+s0+$0x0] =	vst.idx.msk $0xffff, v53;
	v53 =	vor.u32 v4, v45;
	v58 =	vld.idx.msk [tilespmem:v59+s31+$0x0], $0xffff;
	v59 =	vor.u32 v3, v51  }
0x726: {  	v60 =	vld.idx.msk [tilespmem:v60+s31+$0x0], $0xffff;
	[tilespmem:v61+s0+$0x0] =	vst.idx.msk $0xffff, v54;
	v54 =	vor.u32 v5, v46;
	v61 =	vor.u32 v4, v44  }
0x727: {  	[tilespmem:v63+s0+$0x0] =	vst.idx.msk $0xffff, v55;
	v55 =	vor.u32 v6, v40;
	v62 =	vld.idx.msk [tilespmem:v62+s31+$0x0], $0xffff;
	v63 =	vor.u32 v5, v47  }
0x728: {  	[tilespmem:v11+s0+$0x0] =	vst.idx.msk $0xffff, v10;
	v10 =	vor.u32 v6, v41;
	v9 =	vld.idx.msk [tilespmem:v9+s31+$0x0], $0xffff;
	v11 =	vor.u32 v5, v48  }
0x729: {  	[tilespmem:v57+s0+$0x0] =	vst.idx.msk $0xffff, v56;
	v56 =	vor.u32 v6, v42;
	v57 =	vor.u32 v5, v49;
	v52 =	vld.idx.msk [tilespmem:v52+s31+$0x0], $0xffff  }
0x72a: {  	v4 =	vor.u32 v5, v50;
	[tilespmem:v59+s0+$0x0] =	vst.idx.msk $0xffff, v58;
	v58 =	vor.u32 v6, v43;
	v53 =	vld.idx.msk [tilespmem:v53+s31+$0x0], $0xffff  }
0x72b: {  	[tilespmem:v54+s0+$0x0] =	vst.idx.msk $0xffff, v60;
	v54 =	vor.u32 v6, v45;
	v60 =	vld.idx.msk [tilespmem:v61+s31+$0x0], $0xffff;
	v61 =	vor.u32 v5, v51  }
0x72c: {  	v55 =	vld.idx.msk [tilespmem:v55+s31+$0x0], $0xffff;
	[tilespmem:v63+s0+$0x0] =	vst.idx.msk $0xffff, v62;
	v62 =	vor.u32 v12, v34;
	v63 =	vor.u32 v6, v44  }
0x72d: {  	[tilespmem:v11+s0+$0x0] =	vst.idx.msk $0xffff, v9;
	v9 =	vor.u32 v13, v40;
	v10 =	vld.idx.msk [tilespmem:v10+s31+$0x0], $0xffff;
	v11 =	vor.u32 v12, v35  }
0x72e: {  	[tilespmem:v57+s0+$0x0] =	vst.idx.msk $0xffff, v52;
	v52 =	vor.u32 v13, v41;
	v56 =	vld.idx.msk [tilespmem:v56+s31+$0x0], $0xffff;
	v57 =	vor.u32 v12, v36  }
0x72f: {  	v5 =	vor.u32 v12, v37;
	[tilespmem:v4+s0+$0x0] =	vst.idx.msk $0xffff, v53;
	v4 =	vor.u32 v13, v42;
	v58 =	vld.idx.msk [tilespmem:v58+s31+$0x0], $0xffff  }
0x730: {  	v6 =	vor.u32 v12, v38;
	[tilespmem:v61+s0+$0x0] =	vst.idx.msk $0xffff, v60;
	v60 =	vor.u32 v13, v43;
	v54 =	vld.idx.msk [tilespmem:v54+s31+$0x0], $0xffff  }
0x731: {  	v12 =	vor.u32 v12, v39;
	[tilespmem:v62+s0+$0x0] =	vst.idx.msk $0xffff, v55;
	v55 =	vor.u32 v13, v45;
	v62 =	vld.idx.msk [tilespmem:v63+s31+$0x0], $0xffff  }
0x732: {  	v13 =	vor.u32 v13, v44;
	v9 =	vld.idx.msk [tilespmem:v9+s31+$0x0], $0xffff;
	[tilespmem:v11+s0+$0x0] =	vst.idx.msk $0xffff, v10;
	v10 =	vor.u32 v14, v34  }
0x733: {  	[tilespmem:v57+s0+$0x0] =	vst.idx.msk $0xffff, v56;
	v56 =	vor.u32 v16, v40;
	v52 =	vld.idx.msk [tilespmem:v52+s31+$0x0], $0xffff;
	v57 =	vor.u32 v14, v35  }
0x734: {  	[tilespmem:v5+s0+$0x0] =	vst.idx.msk $0xffff, v58;
	v58 =	vor.u32 v16, v41;
	v53 =	vld.idx.msk [tilespmem:v4+s31+$0x0], $0xffff;
	v4 =	vor.u32 v14, v36  }
0x735: {  	[tilespmem:v6+s0+$0x0] =	vst.idx.msk $0xffff, v54;
	v5 =	vor.u32 v16, v42;
	v6 =	vor.u32 v14, v37;
	v60 =	vld.idx.msk [tilespmem:v60+s31+$0x0], $0xffff  }
0x736: {  	[tilespmem:v12+s0+$0x0] =	vst.idx.msk $0xffff, v62;
	v62 =	vor.u32 v16, v43;
	v55 =	vld.idx.msk [tilespmem:v55+s31+$0x0], $0xffff;
	v12 =	vor.u32 v14, v38  }
0x737: {  	[tilespmem:v10+s0+$0x0] =	vst.idx.msk $0xffff, v9;
	v9 =	vor.u32 v16, v45;
	v10 =	vld.idx.msk [tilespmem:v13+s31+$0x0], $0xffff;
	v13 =	vor.u32 v14, v39  }
0x738: {  	v14 =	vor.u32 v17, v46;
	v16 =	vor.u32 v16, v44;
	v56 =	vld.idx.msk [tilespmem:v56+s31+$0x0], $0xffff;
	[tilespmem:v57+s0+$0x0] =	vst.idx.msk $0xffff, v52  }
0x739: {  	v59 =	vor.u32 v17, v47;
	[tilespmem:v4+s0+$0x0] =	vst.idx.msk $0xffff, v53;
	v53 =	vor.u32 v18, v40;
	v58 =	vld.idx.msk [tilespmem:v58+s31+$0x0], $0xffff  }
0x73a: {  	v4 =	vor.u32 v18, v41;
	[tilespmem:v6+s0+$0x0] =	vst.idx.msk $0xffff, v60;
	v54 =	vld.idx.msk [tilespmem:v5+s31+$0x0], $0xffff;
	v5 =	vor.u32 v17, v48  }
0x73b: {  	[tilespmem:v12+s0+$0x0] =	vst.idx.msk $0xffff, v55;
	v6 =	vor.u32 v18, v42;
	v12 =	vor.u32 v17, v49;
	v62 =	vld.idx.msk [tilespmem:v62+s31+$0x0], $0xffff  }
0x73c: {  	[tilespmem:v13+s0+$0x0] =	vst.idx.msk $0xffff, v10;
	v10 =	vor.u32 v18, v43;
	v9 =	vld.idx.msk [tilespmem:v9+s31+$0x0], $0xffff;
	v13 =	vor.u32 v17, v50  }
0x73d: {  	v52 =	vor.u32 v18, v45;
	[tilespmem:v14+s0+$0x0] =	vst.idx.msk $0xffff, v56;
	v14 =	vld.idx.msk [tilespmem:v16+s31+$0x0], $0xffff;
	v16 =	vor.u32 v17, v51  }
0x73e: {  	v18 =	vor.u32 v18, v44;
	v17 =	vor.u32 v19, v46;
	v53 =	vld.idx.msk [tilespmem:v53+s31+$0x0], $0xffff;
	[tilespmem:v59+s0+$0x0] =	vst.idx.msk $0xffff, v58  }
0x73f: {  	[tilespmem:v5+s0+$0x0] =	vst.idx.msk $0xffff, v54;
	v54 =	vor.u32 v20, v40;
	v60 =	vld.idx.msk [tilespmem:v4+s31+$0x0], $0xffff;
	v4 =	vor.u32 v19, v47  }
0x740: {  	v5 =	vor.u32 v20, v41;
	[tilespmem:v12+s0+$0x0] =	vst.idx.msk $0xffff, v62;
	v55 =	vld.idx.msk [tilespmem:v6+s31+$0x0], $0xffff;
	v6 =	vor.u32 v19, v48  }
0x741: {  	v12 =	vor.u32 v20, v42;
	[tilespmem:v13+s0+$0x0] =	vst.idx.msk $0xffff, v9;
	v10 =	vld.idx.msk [tilespmem:v10+s31+$0x0], $0xffff;
	v13 =	vor.u32 v19, v49  }
0x742: {  	[tilespmem:v16+s0+$0x0] =	vst.idx.msk $0xffff, v14;
	v14 =	vor.u32 v20, v43;
	v52 =	vld.idx.msk [tilespmem:v52+s31+$0x0], $0xffff;
	v16 =	vor.u32 v19, v50  }
0x743: {  	[tilespmem:v17+s0+$0x0] =	vst.idx.msk $0xffff, v53;
	v53 =	vor.u32 v20, v45;
	v17 =	vld.idx.msk [tilespmem:v18+s31+$0x0], $0xffff;
	v18 =	vor.u32 v19, v51  }
0x744: {  	v19 =	vor.u32 v21, v34;
	v20 =	vor.u32 v20, v44;
	v54 =	vld.idx.msk [tilespmem:v54+s31+$0x0], $0xffff;
	[tilespmem:v4+s0+$0x0] =	vst.idx.msk $0xffff, v60  }
0x745: {  	v4 =	vor.u32 v22, v40;
	[tilespmem:v6+s0+$0x0] =	vst.idx.msk $0xffff, v55;
	v62 =	vld.idx.msk [tilespmem:v5+s31+$0x0], $0xffff;
	v5 =	vor.u32 v21, v35  }
0x746: {  	v6 =	vor.u32 v22, v41;
	[tilespmem:v13+s0+$0x0] =	vst.idx.msk $0xffff, v10;
	v9 =	vld.idx.msk [tilespmem:v12+s31+$0x0], $0xffff;
	v12 =	vor.u32 v21, v36  }
0x747: {  	v13 =	vor.u32 v22, v42;
	[tilespmem:v16+s0+$0x0] =	vst.idx.msk $0xffff, v52;
	v56 =	vld.idx.msk [tilespmem:v14+s31+$0x0], $0xffff;
	v14 =	vor.u32 v21, v37  }
0x748: {  	v16 =	vor.u32 v22, v43;
	[tilespmem:v18+s0+$0x0] =	vst.idx.msk $0xffff, v17;
	v53 =	vld.idx.msk [tilespmem:v53+s31+$0x0], $0xffff;
	v17 =	vor.u32 v21, v38  }
0x749: {  	v18 =	vor.u32 v22, v45;
	[tilespmem:v19+s0+$0x0] =	vst.idx.msk $0xffff, v54;
	v19 =	vld.idx.msk [tilespmem:v20+s31+$0x0], $0xffff;
	v20 =	vor.u32 v21, v39  }
0x74a: {  	v21 =	vor.u32 v23, v34;
	v55 =	vld.idx.msk [tilespmem:v4+s31+$0x0], $0xffff;
	[tilespmem:v5+s0+$0x0] =	vst.idx.msk $0xffff, v62;
	v4 =	vor.u32 v22, v44  }
0x74b: {  	v5 =	vor.u32 v24, v40;
	v22 =	vor.u32 v25, v46;
	[tilespmem:v12+s0+$0x0] =	vst.idx.msk $0xffff, v9  }
0x74c: {  	v10 =	vld.idx.msk [tilespmem:v6+s31+$0x0], $0xffff;
	v6 =	vor.u32 v23, v35;
	v12 =	vor.u32 v24, v41;
	[tilespmem:v14+s0+$0x0] =	vst.idx.msk $0xffff, v56  }
0x74d: {  	v52 =	vld.idx.msk [tilespmem:v13+s31+$0x0], $0xffff;
	v13 =	vor.u32 v23, v36;
	v14 =	vor.u32 v24, v42;
	[tilespmem:v17+s0+$0x0] =	vst.idx.msk $0xffff, v53  }
0x74e: {  	v58 =	vld.idx.msk [tilespmem:v16+s31+$0x0], $0xffff;
	v16 =	vor.u32 v23, v37;
	v17 =	vor.u32 v24, v43;
	[tilespmem:v20+s0+$0x0] =	vst.idx.msk $0xffff, v19  }
0x74f: {  	v54 =	vld.idx.msk [tilespmem:v18+s31+$0x0], $0xffff;
	v18 =	vor.u32 v23, v38;
	v19 =	vor.u32 v24, v45;
	[tilespmem:v21+s0+$0x0] =	vst.idx.msk $0xffff, v55  }
0x750: {  	v20 =	vld.idx.msk [tilespmem:v4+s31+$0x0], $0xffff;
	v21 =	vor.u32 v23, v39;
	v23 =	vor.u32 v24, v44;
	v24 =	vor.u32 v26, v40  }
0x751: {  	v4 =	vor.u32 v25, v47;
	v9 =	vld.idx.msk [tilespmem:v5+s31+$0x0], $0xffff;
	[tilespmem:v6+s0+$0x0] =	vst.idx.msk $0xffff, v10;
	v5 =	vor.u32 v26, v41  }
0x752: {  	v6 =	vor.u32 v25, v48;
	[tilespmem:v13+s0+$0x0] =	vst.idx.msk $0xffff, v52;
	v56 =	vld.idx.msk [tilespmem:v12+s31+$0x0], $0xffff;
	v12 =	vor.u32 v26, v42  }
0x753: {  	v13 =	vor.u32 v25, v49;
	[tilespmem:v16+s0+$0x0] =	vst.idx.msk $0xffff, v58;
	v53 =	vld.idx.msk [tilespmem:v14+s31+$0x0], $0xffff;
	v14 =	vor.u32 v26, v43  }
0x754: {  	v16 =	vor.u32 v25, v50;
	[tilespmem:v18+s0+$0x0] =	vst.idx.msk $0xffff, v54;
	v60 =	vld.idx.msk [tilespmem:v17+s31+$0x0], $0xffff;
	v17 =	vor.u32 v26, v45  }
0x755: {  	[tilespmem:v21+s0+$0x0] =	vst.idx.msk $0xffff, v20;
	v55 =	vld.idx.msk [tilespmem:v19+s31+$0x0], $0xffff;
	v19 =	vor.u32 v25, v51;
	v20 =	vor.u32 v27, v46  }
0x756: {  	v21 =	vor.u32 v26, v44;
	v25 =	vor.u32 v27, v48;
	[tilespmem:v22+s0+$0x0] =	vst.idx.msk $0xffff, v9;
	v18 =	vld.idx.msk [tilespmem:v23+s31+$0x0], $0xffff  }
0x757: {  	v26 =	vor.u32 v28, v42;
	v22 =	vor.u32 v28, v40;
	v52 =	vld.idx.msk [tilespmem:v24+s31+$0x0], $0xffff;
	[tilespmem:v4+s0+$0x0] =	vst.idx.msk $0xffff, v56  }
0x758: {  	v23 =	vor.u32 v27, v47;
	v24 =	vor.u32 v28, v41;
	[tilespmem:v6+s0+$0x0] =	vst.idx.msk $0xffff, v53;
	v58 =	vld.idx.msk [tilespmem:v5+s31+$0x0], $0xffff  }
0x759: {  	v4 =	vor.u32 v27, v49;
	v5 =	vor.u32 v28, v43;
	[tilespmem:v13+s0+$0x0] =	vst.idx.msk $0xffff, v60;
	v54 =	vld.idx.msk [tilespmem:v12+s31+$0x0], $0xffff  }
0x75a: {  	v6 =	vor.u32 v27, v50;
	v12 =	vor.u32 v28, v45;
	[tilespmem:v16+s0+$0x0] =	vst.idx.msk $0xffff, v55;
	v62 =	vld.idx.msk [tilespmem:v14+s31+$0x0], $0xffff  }
0x75b: {  	v14 =	vor.u32 v27, v51;
	v16 =	vor.u32 v29, v34;
	[tilespmem:v19+s0+$0x0] =	vst.idx.msk $0xffff, v18;
	v9 =	vld.idx.msk [tilespmem:v17+s31+$0x0], $0xffff  }
0x75c: {  	v17 =	vor.u32 v28, v44;
	v18 =	vor.u32 v30, v40;
	[tilespmem:v20+s0+$0x0] =	vst.idx.msk $0xffff, v52;
	v13 =	vld.idx.msk [tilespmem:v21+s31+$0x0], $0xffff  }
0x75d: {  	v19 =	vor.u32 v29, v35;
	v28 =	vor.u32 v29, v39;
	v53 =	vld.idx.msk [tilespmem:v22+s31+$0x0], $0xffff;
	[tilespmem:v23+s0+$0x0] =	vst.idx.msk $0xffff, v58  }
0x75e: {  	v20 =	vor.u32 v30, v41;
	v21 =	vor.u32 v29, v36;
	[tilespmem:v25+s0+$0x0] =	vst.idx.msk $0xffff, v54;
	v60 =	vld.idx.msk [tilespmem:v24+s31+$0x0], $0xffff  }
0x75f: {  	v22 =	vor.u32 v30, v42;
	v23 =	vor.u32 v29, v37;
	[tilespmem:v4+s0+$0x0] =	vst.idx.msk $0xffff, v62;
	v55 =	vld.idx.msk [tilespmem:v26+s31+$0x0], $0xffff  }
0x760: {  	v24 =	vor.u32 v30, v43;
	v25 =	vor.u32 v29, v38;
	[tilespmem:v6+s0+$0x0] =	vst.idx.msk $0xffff, v9;
	v10 =	vld.idx.msk [tilespmem:v5+s31+$0x0], $0xffff  }
0x761: {  	v29 =	vor.u32 v32, v34;
	v26 =	vor.u32 v30, v45;
	[tilespmem:v14+s0+$0x0] =	vst.idx.msk $0xffff, v13;
	v52 =	vld.idx.msk [tilespmem:v12+s31+$0x0], $0xffff  }
0x762: {  	v4 =	vor.u32 v30, v44;
	v30 =	vor.u32 v8, v43;
	[tilespmem:v16+s0+$0x0] =	vst.idx.msk $0xffff, v53;
	v27 =	vld.idx.msk [tilespmem:v17+s31+$0x0], $0xffff  }
0x763: {  	v5 =	vor.u32 v33, v40;
	v6 =	vor.u32 v32, v35;
	v54 =	vld.idx.msk [tilespmem:v18+s31+$0x0], $0xffff;
	[tilespmem:v19+s0+$0x0] =	vst.idx.msk $0xffff, v60  }
0x764: {  	v12 =	vor.u32 v33, v41;
	v13 =	vor.u32 v32, v36;
	[tilespmem:v21+s0+$0x0] =	vst.idx.msk $0xffff, v55;
	v62 =	vld.idx.msk [tilespmem:v20+s31+$0x0], $0xffff  }
0x765: {  	v14 =	vor.u32 v33, v42;
	v16 =	vor.u32 v32, v37;
	[tilespmem:v23+s0+$0x0] =	vst.idx.msk $0xffff, v10;
	v9 =	vld.idx.msk [tilespmem:v22+s31+$0x0], $0xffff  }
0x766: {  	v17 =	vor.u32 v33, v43;
	v18 =	vor.u32 v32, v38;
	[tilespmem:v25+s0+$0x0] =	vst.idx.msk $0xffff, v52;
	v56 =	vld.idx.msk [tilespmem:v24+s31+$0x0], $0xffff  }
0x767: {  	v19 =	vor.u32 v33, v45;
	v21 =	vor.u32 v32, v39;
	[tilespmem:v28+s0+$0x0] =	vst.idx.msk $0xffff, v27;
	v53 =	vld.idx.msk [tilespmem:v26+s31+$0x0], $0xffff  }
0x768: {  	v32 =	vor.u32 v7, v50;
	v50 =	vor.u32 v1, v50;
	[tilespmem:v29+s0+$0x0] =	vst.idx.msk $0xffff, v54;
	v20 =	vld.idx.msk [tilespmem:v4+s31+$0x0], $0xffff  }
0x769: {  	v22 =	vor.u32 v7, v46;
	v23 =	vor.u32 v33, v44;
	v55 =	vld.idx.msk [tilespmem:v5+s31+$0x0], $0xffff;
	[tilespmem:v6+s0+$0x0] =	vst.idx.msk $0xffff, v62  }
0x76a: {  	v24 =	vor.u32 v8, v40;
	v25 =	vor.u32 v7, v47;
	[tilespmem:v13+s0+$0x0] =	vst.idx.msk $0xffff, v9;
	v10 =	vld.idx.msk [tilespmem:v12+s31+$0x0], $0xffff  }
0x76b: {  	v47 =	vor.u32 v1, v47;
	v26 =	vor.u32 v8, v41;
	[tilespmem:v16+s0+$0x0] =	vst.idx.msk $0xffff, v56;
	v52 =	vld.idx.msk [tilespmem:v14+s31+$0x0], $0xffff  }
0x76c: {  	v27 =	vor.u32 v7, v48;
	v28 =	vor.u32 v8, v42;
	[tilespmem:v18+s0+$0x0] =	vst.idx.msk $0xffff, v53;
	v58 =	vld.idx.msk [tilespmem:v17+s31+$0x0], $0xffff  }
0x76d: {  	v48 =	vor.u32 v1, v48;
	v29 =	vor.u32 v7, v49;
	v49 =	vor.u32 v1, v49;
	v54 =	vld.idx.msk [tilespmem:v19+s31+$0x0], $0xffff  }
0x76e: {  	v6 =	vor.u32 v1, v46;
	[tilespmem:v21+s0+$0x0] =	vst.idx.msk $0xffff, v20;
	v21 =	vor.u32 v1, v51;
	v1 =	vld [tilespmem:$0x1FA10]  }
0x76f: {  	v33 =	vor.u32 v8, v45;
	v5 =	vor.u32 v7, v51;
	[tilespmem:v22+s0+$0x0] =	vst.idx.msk $0xffff, v55;
	v4 =	vld.idx.msk [tilespmem:v23+s31+$0x0], $0xffff  }
0x770: {  	v7 =	vor.u32 v8, v44;
	[tilespmem:v25+s0+$0x0] =	vst.idx.msk $0xffff, v10;
	v9 =	vld.idx.msk [tilespmem:v24+s31+$0x0], $0xffff  }
0x771: {  	v12 =	vor.u32 v31, v40;
	[tilespmem:v27+s0+$0x0] =	vst.idx.msk $0xffff, v52;
	v13 =	vld.idx.msk [tilespmem:v26+s31+$0x0], $0xffff  }
0x772: {  	v14 =	vor.u32 v31, v41;
	[tilespmem:v29+s0+$0x0] =	vst.idx.msk $0xffff, v58;
	v53 =	vld.idx.msk [tilespmem:v28+s31+$0x0], $0xffff  }
0x773: {  	v16 =	vor.u32 v31, v42;
	[tilespmem:v32+s0+$0x0] =	vst.idx.msk $0xffff, v54;
	v17 =	vld.idx.msk [tilespmem:v30+s31+$0x0], $0xffff  }
0x774: {  	v18 =	vor.u32 v31, v43;
	[tilespmem:v5+s0+$0x0] =	vst.idx.msk $0xffff, v4;
	v55 =	vld.idx.msk [tilespmem:v33+s31+$0x0], $0xffff  }
0x775: {  	v19 =	vor.u32 v31, v45;
	[tilespmem:v6+s0+$0x0] =	vst.idx.msk $0xffff, v9;
	v20 =	vld.idx.msk [tilespmem:v7+s31+$0x0], $0xffff  }
0x776: {  	v22 =	vor.u32 v15, v34;
	v23 =	vor.u32 v31, v44;
	v46 =	vld.idx.msk [tilespmem:v12+s31+$0x0], $0xffff;
	[tilespmem:v47+s0+$0x0] =	vst.idx.msk $0xffff, v13  }
0x777: {  	v40 =	vor.u32 v2, v40;
	v25 =	vor.u32 v15, v35;
	[tilespmem:v48+s0+$0x0] =	vst.idx.msk $0xffff, v53;
	v24 =	vld.idx.msk [tilespmem:v14+s31+$0x0], $0xffff  }
0x778: {  	v41 =	vor.u32 v2, v41;
	v27 =	vor.u32 v15, v36;
	[tilespmem:v49+s0+$0x0] =	vst.idx.msk $0xffff, v17;
	v26 =	vld.idx.msk [tilespmem:v16+s31+$0x0], $0xffff  }
0x779: {  	v42 =	vor.u32 v2, v42;
	v29 =	vor.u32 v15, v37;
	[tilespmem:v50+s0+$0x0] =	vst.idx.msk $0xffff, v55;
	v28 =	vld.idx.msk [tilespmem:v18+s31+$0x0], $0xffff  }
0x77a: {  	v31 =	vor.u32 v15, v38;
	v30 =	vor.u32 v2, v43;
	[tilespmem:v21+s0+$0x0] =	vst.idx.msk $0xffff, v20;
	v9 =	vld.idx.msk [tilespmem:v19+s31+$0x0], $0xffff  }
0x77b: {  	v57 =	vor.u32 v15, v39;
	v55 =	vor.u32 v2, v45;
	[tilespmem:v22+s0+$0x0] =	vst.idx.msk $0xffff, v46;
	v56 =	vld.idx.msk [tilespmem:v23+s31+$0x0], $0xffff  }
0x77c: {  	v44 =	vor.u32 v2, v44;
	v34 =	vor.u32 v1, v34;
	[tilespmem:v25+s0+$0x0] =	vst.idx.msk $0xffff, v24;
	v40 =	vld.idx.msk [tilespmem:v40+s31+$0x0], $0xffff  }
0x77d: {  	v35 =	vor.u32 v1, v35;
	[tilespmem:v27+s0+$0x0] =	vst.idx.msk $0xffff, v26;
	v41 =	vld.idx.msk [tilespmem:v41+s31+$0x0], $0xffff  }
0x77e: {  	v36 =	vor.u32 v1, v36;
	[tilespmem:v29+s0+$0x0] =	vst.idx.msk $0xffff, v28;
	v42 =	vld.idx.msk [tilespmem:v42+s31+$0x0], $0xffff  }
0x77f: {  	v60 =	vor.u32 v1, v37;
	[tilespmem:v31+s0+$0x0] =	vst.idx.msk $0xffff, v9;
	v58 =	vld.idx.msk [tilespmem:v30+s31+$0x0], $0xffff  }
0x780: {  	v61 =	vor.u32 v1, v38;
	[tilespmem:v57+s0+$0x0] =	vst.idx.msk $0xffff, v56;
	v11 =	vld.idx.msk [tilespmem:v55+s31+$0x0], $0xffff  }
0x781: {  	p1 =	por p0, p0;
	v63 =	vor.u32 v1, v39;
	[tilespmem:v34+s0+$0x0] =	vst.idx.msk $0xffff, v40;
	v62 =	vld.idx.msk [tilespmem:v44+s31+$0x0], $0xffff  }
.Ltmp18:
0x782: {  	[tilespmem:v35+s0+$0x0] =	vst.idx.msk $0xffff, v41;
	(pc) =	sbr.rel @p1 .LBB2_29-.Ltmp18, $4  }
0x783: {  	[tilespmem:v36+s0+$0x0] =	vst.idx.msk $0xffff, v42  }
0x784: {  	[tilespmem:v60+s0+$0x0] =	vst.idx.msk $0xffff, v58  }
0x785: {  	[tilespmem:v61+s0+$0x0] =	vst.idx.msk $0xffff, v11  }
0x786: {  	p0 =	por $0x0, $0x0;
	s6 =	simm.s32 $0x8;
	v59 =	vld [tilespmem:$0x1FE00];
	[tilespmem:v63+s0+$0x0] =	vst.idx.msk $0xffff, v62  }
0x787: {  	p0 =	seq.s32 s24, $0x31  }
.Ltmp19:
0x788: {  	_ = 	snop;
	(pc) =	sbr.rel @p0 .LBB2_32-.Ltmp19, $4  }
0x789: {  	v57 =	vld [tilespmem:$0x1FF70]  }
0x78a: {  	v58 =	vld [tilespmem:$0x1FF80]  }
0x78b: {  	s6 =	sadd.s32 s19, s13;
	s7 =	simm.s32 $0x1D600;
	v59 =	vld [tilespmem:$0x1FF90]  }
0x78c: {  	v14 =	vld [tilespmem:$0x1FFE0];
	[hbm4b:s6+s15] =	stream.strided.scatter [tilespmem:s7], [sflag:$0x8], $0x1000, s17, s15, $0x38  }
0x78d: {  	v1 =	vld [tilespmem:$0x1FDE0];
	_ =	sdelay $0x3  }
0x78e: {  	s3 =	sadd.s32 $0x7, s3  }
0x78f: {  	v1 =	vadd.s32 s3, v1  }
0x790: {  	v2 =	vld [tilespmem:$0x1FC00];
	_ =	sdelay $0x3  }
0x791: {  	v1 =	vld.idx.msk [tilespmem:v1+s4+$0x0], $0xffff  }
0x792: {  	v2 =	vadd.s32 s3, v2;
	_ =	sdelay $0x3  }
0x793: {  	[tilespmem:$0x6580] =	vst v1  }
0x794: {  	v1 =	vld.idx.msk [tilespmem:v2+s4+$0x0], $0xffff  }
0x795: {  	v2 =	vld [tilespmem:$0x1FC10];
	_ =	sdelay $0x4  }
0x796: {  	v2 =	vadd.s32 s3, v2;
	_ =	sdelay $0x3  }
0x797: {  	[tilespmem:$0x6590] =	vst v1  }
0x798: {  	v1 =	vld.idx.msk [tilespmem:v2+s4+$0x0], $0xffff  }
0x799: {  	v2 =	vld [tilespmem:$0x1FC20];
	_ =	sdelay $0x4  }
0x79a: {  	v2 =	vadd.s32 s3, v2;
	_ =	sdelay $0x3  }
0x79b: {  	[tilespmem:$0x65A0] =	vst v1  }
0x79c: {  	v1 =	vld.idx.msk [tilespmem:v2+s4+$0x0], $0xffff  }
0x79d: {  	v2 =	vld [tilespmem:$0x1FC30];
	_ =	sdelay $0x4  }
0x79e: {  	v2 =	vadd.s32 s3, v2;
	_ =	sdelay $0x2  }
0x79f: {  	s6 =	simm.s32 $0x6580;
	[tilespmem:$0x65B0] =	vst v1  }
0x7a0: {  	[tilespmem:s31], [sflag:$0x4] =	stream.indirect.gather [hbm4b:s1+s16], $0x80, s6, s16, $0xb8;
	[tilespmem:$0x1E600] =	vst v63  }
0x7a1: {  	v1 =	vld.idx.msk [tilespmem:v2+s4+$0x0], $0xffff  }
0x7a2: {  	v2 =	vld [tilespmem:$0x1FC40];
	_ =	sdelay $0x4  }
0x7a3: {  	v2 =	vadd.s32 s3, v2;
	_ =	sdelay $0x3  }
0x7a4: {  	[tilespmem:$0x65C0] =	vst v1  }
0x7a5: {  	v1 =	vld.idx.msk [tilespmem:v2+s4+$0x0], $0xffff  }
0x7a6: {  	v2 =	vld [tilespmem:$0x1FC50];
	_ =	sdelay $0x4  }
0x7a7: {  	v2 =	vadd.s32 s3, v2;
	_ =	sdelay $0x3  }
0x7a8: {  	[tilespmem:$0x65D0] =	vst v1  }
0x7a9: {  	v1 =	vld.idx.msk [tilespmem:v2+s4+$0x0], $0xffff  }
0x7aa: {  	v2 =	vld [tilespmem:$0x1FC60]  }
0x7ab: {  	v9 =	vld [tilespmem:$0x1FE10]  }
0x7ac: {  	v36 =	vld [tilespmem:$0x1FE20]  }
0x7ad: {  	v37 =	vld [tilespmem:$0x1FE30]  }
0x7ae: {  	v38 =	vld [tilespmem:$0x1FE40]  }
0x7af: {  	v39 =	vld [tilespmem:$0x1FE50];
	v2 =	vadd.s32 s3, v2  }
0x7b0: {  	v40 =	vld [tilespmem:$0x1FE60]  }
0x7b1: {  	v41 =	vld [tilespmem:$0x1FE70]  }
0x7b2: {  	v42 =	vld [tilespmem:$0x1FE80]  }
0x7b3: {  	v43 =	vld [tilespmem:$0x1FE90];
	[tilespmem:$0x65E0] =	vst v1  }
0x7b4: {  	v1 =	vld.idx.msk [tilespmem:v2+s4+$0x0], $0xffff  }
0x7b5: {  	v44 =	vld [tilespmem:$0x1FEA0]  }
.Ltmp20:
0x7b6: {  	v60 =	vld [tilespmem:$0x1FFA0];
	(pc) =	sbr.rel .LBB2_2-.Ltmp20, $4  }
0x7b7: {  	v61 =	vld [tilespmem:$0x1FFB0]  }
0x7b8: {  	v62 =	vld [tilespmem:$0x1FFC0]  }
0x7b9: {  	s7 =	simm.s32 $0x65C0;
	s19 =	simm.s32 $0x14600;
	s24 =	sadd.s32 $0x1, s24;
	v63 =	vld [tilespmem:$0x1FFD0];
	[tilespmem:$0x65F0] =	vst v1  }
0x7ba: {  	v31 =	vld [tilespmem:$0x1FFF0];
	[tilespmem:s19], [sflag:$0x4] =	stream.indirect.gather [hbm4b:s1+s16], $0x80, s7, s16, $0xb8  }
.LBB2_33:
0x7bb: {  	_ =	sfence.sel $0x180000  }
0x7bc: {  	[bflag:$0x0] =	sbarrier.arrive $0xFFFF  }
0x7bd: {  	_ =	strace $0x90000047  }
0x7be: {  	s0 =	stileid.u32;
	[bflag:$0x2] =	sbarrier.arrive $0xFFFF  }
0x7bf: {  	p0 =	sne.s32 s0, $0x0;
	s0 =	rddreg [dreg:$0x3]  }
0x7c0: {  	s0 =	sadd.s32 @!p0 $0x100000, s0  }
0x7c1: {  	[sflag:s0] =	ssyncadd.tile.s32 @!p0 $0x1;
	_ =	shalt  }
.Lfunc_end2:
_tile_overlayer_lowered:
.L_overlay_start_2:
0x7c2: {  	(tag) =	ssettag $0x2  }
0x7c3: {  	s0 =	rddreg [dreg:$0x0];
	s2 =	stileid.u32  }
0x7c4: {  	s1 =	rddreg [dreg:$0x1];
	p0 =	sne.s32 s2, $0x0  }
0x7c5: {  	s3 =	rddreg [dreg:$0x2];
	[bflag:$0x3] =	sbarrier.arrive $0xFFFF;
	s2 =	simm.s32 @!p0 $0x1C09  }
0x7c6: {  	[timem:s3], [sflag:s2] =	dma.local @!p0 [hbm:s0], s1  }
0x7c7: {  	s0 =	simm.s32 @!p0 $0x9  }
0x7c8: {  	_ =	swait.ge @!p0 [sflag:s0], s1  }
0x7c9: {  	s1 =	ssub.s32 @!p0 $0x0, s1;
	[sflag:s0] =	ssyncset.done @!p0 $0x0  }
0x7ca: {  	[sflag:s0] =	ssyncadd.s32 @!p0 s1  }
0x7cb: {  	[bflag:$0x3] =	sbarrier.arrive $0xFFFF  }
0x7cc: {  	_ =	shalt  }

</sc_bundles>
